<compile_context>
chip_gen: v7x
topology: tpu7x:2x2x1
jax: 0.10.2.dev20260603
libtpu: 0.0.44.dev20260713+nightly
codegen_flags: <defaults>
</compile_context>

<pallas_src>
import jax
import jax.numpy as jnp
from jax import lax
from jax.experimental import pallas as pl
from jax.experimental.pallas import tpu as pltpu
from jax.experimental.pallas import tpu_sc as plsc

_T = 4096
_B = 32
_L = 128
_RBLK = 20
_RBLK_E = 40


def _ce(key, aux, d, s, p1):
    if d >= _B:
        ax, sh, size = 2, d // _B, _L
    else:
        ax, sh, size = 1, d, _B
    am_a = (p1 & d) == 0
    up = ((p1 >> (s + 1)) & 1) == 0
    fp = am_a == up
    ko = jnp.where(am_a, pltpu.roll(key, size - sh, ax), pltpu.roll(key, sh, ax))
    ao = jnp.where(am_a, pltpu.roll(aux, size - sh, ax), pltpu.roll(aux, sh, ax))
    take = ((ko > key) | ((ko == key) & (ao < aux))) == fp
    return jnp.where(take, ko, key), jnp.where(take, ao, aux)


def _sort_kernel(ss_ref, sm_ref, key_ref, aux_ref):
    b_io = lax.broadcasted_iota(jnp.int32, (1, _B, _L), 1)
    j_io = lax.broadcasted_iota(jnp.int32, (1, _B, _L), 2)
    p1 = b_io + j_io * _B
    t1 = b_io * _L + j_io
    bits = lax.bitcast_convert_type(ss_ref[...], jnp.int32)
    key = jnp.where(bits < 0, bits ^ jnp.int32(0x7FFFFFFF), bits)
    aux = t1 * 2 + sm_ref[...].astype(jnp.int32)
    for s in range(12):
        for j in range(s + 1):
            key, aux = _ce(key, aux, 1 << (s - j), s, p1)
    key_ref[...] = key
    aux_ref[...] = aux


def _sc_act_kernel(aux_hbm, cas_hbm, out_hbm, aux_v, cas_v, res_v):
    wid = lax.axis_index("s") * 2 + lax.axis_index("c")
    lane = lax.iota(jnp.int32, 16)
    zero = jnp.zeros((16,), jnp.float32)

    def row_body(i, _):
        r = wid * 20 + i
        pltpu.sync_copy(aux_hbm.at[r], aux_v)
        pltpu.sync_copy(cas_hbm.at[r], cas_v)

        def step(t, carry):
            an, ar = carry
            for u in range(4):
                tt = t * 4 + u
                av = aux_v[pl.ds(tt * 16, 16)]
                m = (av & 1).astype(jnp.float32)
                cg = plsc.load_gather(cas_v, [av >> 1])
                rank = (tt // 8) + ((tt % 8) * 16 + lane) * 32
                w = 1.0 / (rank.astype(jnp.float32) + 2.0)
                wm = w * m
                an = an + wm
                ar = ar + wm * cg
            return an, ar

        an, ar = lax.fori_loop(0, 64, step, (zero, zero))
        num = jnp.full((16,), jnp.sum(an), jnp.float32)
        raw = jnp.full((16,), jnp.sum(ar), jnp.float32)
        val = raw / jnp.maximum(num, 1.0)
        plsc.store_scatter(res_v, [jnp.full((16,), i, jnp.int32)], val,
                           mask=lane == 0)
        return 0

    lax.fori_loop(0, 20, row_body, 0)
    pltpu.sync_copy(res_v, out_hbm.at[wid])


def _epilogue_kernel(ss_ref, sm_ref, cs_ref, key_ref, act_ref,
                     ref_ref, act_sc_ref, bkg_sc_ref):
    R = ss_ref.shape[0]
    p1 = (lax.broadcasted_iota(jnp.int32, (1, _B, _L), 1)
          + lax.broadcasted_iota(jnp.int32, (1, _B, _L), 2) * _B)
    ss = ss_ref[...]
    sm = sm_ref[...]
    cs = cs_ref[...]
    act_raw = jnp.reshape(act_ref[...], (R, 1, 1))

    inv = 1.0 - sm
    bkg_num = jnp.sum(jnp.sum(inv, axis=2), axis=1, keepdims=True)
    bkg_raw = jnp.sum(jnp.sum(cs * inv, axis=2), axis=1, keepdims=True) / \
        jnp.maximum(bkg_num, 1.0)

    count = jnp.sum(jnp.sum((cs >= act_raw).astype(jnp.int32), axis=2),
                    axis=1, keepdims=True)
    t_m = jnp.reshape(jnp.clip(count - 1, 0, _T - 1), (R, 1, 1))
    mean_key = jnp.sum(jnp.sum(jnp.where(p1 == t_m, key_ref[...], 0), axis=2),
                       axis=1, keepdims=True)
    mbits = jnp.where(mean_key < 0, mean_key ^ jnp.int32(0x7FFFFFFF), mean_key)
    mean_score = jnp.reshape(lax.bitcast_convert_type(mbits, jnp.float32),
                             (R, 1, 1))
    ref_ref[...] = sm * (ss >= mean_score).astype(jnp.float32)

    for raw, dst in ((jnp.reshape(act_ref[...], (R // 20, 20)), act_sc_ref),
                     (jnp.reshape(bkg_raw, (R // 20, 20)), bkg_sc_ref)):
        z = jnp.exp(raw - jnp.max(raw, axis=1, keepdims=True))
        dst[...] = jnp.reshape(z / jnp.sum(z, axis=1, keepdims=True), (R, 1))


@jax.jit
def kernel(seg_score, seg_mask, cas):
    n, t, c = seg_score.shape
    rows = n * c
    ss3 = jnp.transpose(seg_score, (0, 2, 1)).reshape(rows, _B, _L)
    sm3 = jnp.transpose(seg_mask, (0, 2, 1)).reshape(rows, _B, _L)
    cs3 = jnp.transpose(cas, (0, 2, 1)).reshape(rows, _B, _L)

    mat_spec = pl.BlockSpec((_RBLK, _B, _L), lambda i: (i, 0, 0))
    key3, aux3 = pl.pallas_call(
        _sort_kernel,
        grid=(rows // _RBLK,),
        in_specs=[mat_spec, mat_spec],
        out_specs=[mat_spec, mat_spec],
        out_shape=[
            jax.ShapeDtypeStruct((rows, _B, _L), jnp.int32),
            jax.ShapeDtypeStruct((rows, _B, _L), jnp.int32),
        ],
    )(ss3, sm3)

    mesh = plsc.VectorSubcoreMesh(core_axis_name="c", subcore_axis_name="s")
    act_raw = pl.kernel(
        _sc_act_kernel,
        mesh=mesh,
        compiler_params=pltpu.CompilerParams(needs_layout_passes=False),
        out_type=jax.ShapeDtypeStruct((n, c), jnp.float32),
        scratch_types=[
            pltpu.VMEM((_T,), jnp.int32),
            pltpu.VMEM((_T,), jnp.float32),
            pltpu.VMEM((c,), jnp.float32),
        ],
    )(aux3.reshape(rows, t), cas.transpose(0, 2, 1).reshape(rows, t))

    emat_spec = pl.BlockSpec((_RBLK_E, _B, _L), lambda i: (i, 0, 0))
    ecol_spec = pl.BlockSpec((_RBLK_E, 1), lambda i: (i, 0))
    refined3, act_sc, bkg_sc = pl.pallas_call(
        _epilogue_kernel,
        grid=(rows // _RBLK_E,),
        in_specs=[emat_spec, emat_spec, emat_spec, emat_spec, ecol_spec],
        out_specs=[emat_spec, ecol_spec, ecol_spec],
        out_shape=[
            jax.ShapeDtypeStruct((rows, _B, _L), jnp.float32),
            jax.ShapeDtypeStruct((rows, 1), jnp.float32),
            jax.ShapeDtypeStruct((rows, 1), jnp.float32),
        ],
    )(ss3, sm3, cs3, key3, act_raw.reshape(rows, 1))

    act_score = act_sc.reshape(n, c)
    bkg_score = bkg_sc.reshape(n, c)
    refined = refined3.reshape(n, c, t).transpose(0, 2, 1)
    return act_score, bkg_score, refined

# --- scband reference (transcript-rebuilt; emitter-appended) ---
"""Pipeline reference for scband-model-89000312308280 (READ-ONLY COPY).

The authoritative reference and input builder live on the scoring server;
editing this copy changes nothing except your own understanding.
"""

import jax, jax.numpy as jnp
import numpy as np

N, T, C = 32, 4096, 20


def setup_inputs(seed: int = 0) -> dict:
    key = jax.random.key(seed)
    k1, k2, k3 = jax.random.split(key, 3)
    seg_score = jax.random.normal(k1, (N, T, C), dtype=jnp.float32)
    # binary segment mask (torch code treats seg_mask as 0/1 indicator)
    seg_mask = (jax.random.uniform(k2, (N, T, C)) > 0.5).astype(jnp.float32)
    cas = jax.random.normal(k3, (N, T, C), dtype=jnp.float32)
    return {"seg_score": seg_score, "seg_mask": seg_mask, "cas": cas}


def _core(seg_score, seg_mask, cas):
    n, t, c = seg_score.shape
    # [n, t, c] -> [n*c, t] (transpose(-1,-2).view(-1, t))
    ss = jnp.transpose(seg_score, (0, 2, 1)).reshape(-1, t)
    sm = jnp.transpose(seg_mask, (0, 2, 1)).reshape(-1, t)
    cs = jnp.transpose(cas, (0, 2, 1)).reshape(-1, t)
    # descending sort of scores along temporal axis
    sort_index = jnp.argsort(-ss, axis=-1)
    sort_value = jnp.take_along_axis(ss, sort_index, axis=1)
    sort_mask = jnp.take_along_axis(sm, sort_index, axis=1)
    sort_cas = jnp.take_along_axis(cs, sort_index, axis=1)
    # rank-weighted act / bkg scores (calculate_score)
    rank = (1.0 / jnp.arange(2, t + 2, dtype=jnp.float32))[None, :]
    act_num = (rank * sort_mask).sum(axis=-1)
    act_raw = (sort_cas * rank * sort_mask).sum(axis=-1) / jnp.maximum(act_num, 1.0)
    bkg_num = (1.0 - sort_mask).sum(axis=-1)
    bkg_raw = (sort_cas * (1.0 - sort_mask)).sum(axis=-1) / jnp.maximum(bkg_num, 1.0)
    act_score = jax.nn.softmax(act_raw.reshape(n, c), axis=-1)
    bkg_score = jax.nn.softmax(bkg_raw.reshape(n, c), axis=-1)
    # mask_refining: threshold at the rank where sorted CAS drops below act_raw
    thr = act_raw[:, None]
    tmp_mask = (sort_cas >= thr).astype(jnp.int32)
    t_m = jnp.clip(tmp_mask.sum(axis=-1) - 1, 0, t - 1)[:, None]
    # torch: mask scatter of ones at t_m then boolean-select -> one value per row
    mean_score = jnp.take_along_axis(sort_value, t_m, axis=1)  # [n*c, 1]
    max_mask = (ss >= mean_score).astype(jnp.float32)
    refined = (sm * max_mask).reshape(n, c, t).transpose(0, 2, 1)
    return act_score, bkg_score, refined


def reference(seg_score, seg_mask, cas):
    return _core(seg_score, seg_mask, cas)

if __name__ == "__main__":
    import jax
    _d = setup_inputs()
    print(jax.jit(kernel)(*tuple(_d.values())))

</pallas_src>

<mosaic_0001>
#map = affine_map<(d0, d1) -> (0, 0)>
module attributes {stable_mosaic.version = 14 : i64} {
  func.func @_sc_act_kernel(%arg0: i32, %arg1: i32, %arg2: memref<640x4096xi32, #tpu.memory_space<hbm>>, %arg3: memref<640x4096xf32, #tpu.memory_space<hbm>>, %arg4: memref<32x20xf32, #tpu.memory_space<hbm>>, %arg5: memref<4096xi32, #tpu.memory_space<vmem>>, %arg6: memref<4096xf32, #tpu.memory_space<vmem>>, %arg7: memref<20xf32, #tpu.memory_space<vmem>>) attributes {dimension_semantics = [#tpu.dimension_semantics<core_parallel>, #tpu.dimension_semantics<subcore_parallel>], iteration_bounds = array<i64: 2, 16>, scalar_prefetch = 0 : i64, scratch_operands = 3 : i64, tpu.core_type = #tpu.core_type<sc_vector_subcore>, window_params = [{transform_indices = #map}, {transform_indices = #map}, {transform_indices = #map}]} {
    %mul3A = arith.constant 2 : i32
    %mul3A_0 = arith.muli %arg1, %mul3A : i32
    %add3A = arith.addi %mul3A_0, %arg0 : i32
    %iota3A = tpu.iota {dimensions = array<i32: 0>} : vector<16xi32>
    %broadcast_in_dim3A = arith.constant 0.000000e+00 : f32
    %broadcast_in_dim3A_1 = vector.broadcast %broadcast_in_dim3A : f32 to vector<16xf32>
    %scan3A = arith.constant 0 : i32
    %scan3A_2 = arith.constant 0 : i32
    %scan3A_3 = arith.constant 20 : i32
    %scan3A_4 = arith.addi %scan3A_2, %scan3A_3 : i32
    %scan3A_5 = arith.constant 1 : i32
    %scan3A_6 = scf.for %scan3A_8 = %scan3A_2 to %scan3A_4 step %scan3A_5 iter_args(%scan3A_9 = %scan3A) -> (i32)  : i32 {
      %mul3A_10 = arith.constant 20 : i32
      %mul3A_11 = arith.muli %add3A, %mul3A_10 : i32
      %add3A_12 = arith.addi %mul3A_11, %scan3A_8 : i32
      "tpu.region"() ({
        %run_scoped3A = tpu.sem_alloc : memref<!tpu.dma_semaphore, #tpu.memory_space<semaphore_mem>>
        %dma_start3A = arith.constant 0 : i32
        %dma_start3A_34 = tpu.memref_slice %arg2[%add3A_12, %dma_start3A] : memref<640x4096xi32, #tpu.memory_space<hbm>> -> memref<1x4096xi32, #tpu.memory_space<hbm>>
        %dma_start3A_35 = tpu.memref_squeeze %dma_start3A_34 : memref<1x4096xi32, #tpu.memory_space<hbm>> -> memref<4096xi32, #tpu.memory_space<hbm>>
        %dma_start3A_36 = arith.constant 0 : i32
        %dma_start3A_37 = tpu.memref_slice %arg2[%add3A_12, %dma_start3A_36] : memref<640x4096xi32, #tpu.memory_space<hbm>> -> memref<1x4096xi32, #tpu.memory_space<hbm>>
        %dma_start3A_38 = tpu.memref_squeeze %dma_start3A_37 : memref<1x4096xi32, #tpu.memory_space<hbm>> -> memref<4096xi32, #tpu.memory_space<hbm>>
        tpu.enqueue_dma source(%dma_start3A_38 : memref<4096xi32, #tpu.memory_space<hbm>>) target(%arg5 : memref<4096xi32, #tpu.memory_space<vmem>>) target_semaphore(%run_scoped3A : memref<!tpu.dma_semaphore, #tpu.memory_space<semaphore_mem>>)
        %dma_wait3A = arith.constant 0 : i32
        %dma_wait3A_39 = tpu.memref_slice %arg2[%add3A_12, %dma_wait3A] : memref<640x4096xi32, #tpu.memory_space<hbm>> -> memref<1x4096xi32, #tpu.memory_space<hbm>>
        %dma_wait3A_40 = tpu.memref_squeeze %dma_wait3A_39 : memref<1x4096xi32, #tpu.memory_space<hbm>> -> memref<4096xi32, #tpu.memory_space<hbm>>
        %dma_wait3A_41 = arith.constant 0 : i32
        %dma_wait3A_42 = tpu.memref_slice %arg2[%add3A_12, %dma_wait3A_41] : memref<640x4096xi32, #tpu.memory_space<hbm>> -> memref<1x4096xi32, #tpu.memory_space<hbm>>
        %dma_wait3A_43 = tpu.memref_squeeze %dma_wait3A_42 : memref<1x4096xi32, #tpu.memory_space<hbm>> -> memref<4096xi32, #tpu.memory_space<hbm>>
        tpu.wait_dma2 semaphore(%run_scoped3A : memref<!tpu.dma_semaphore, #tpu.memory_space<semaphore_mem>>) src(%dma_wait3A_43 : memref<4096xi32, #tpu.memory_space<hbm>>) dst(%arg5 : memref<4096xi32, #tpu.memory_space<vmem>>)
        tpu.yield
      }) : () -> ()
      "tpu.region"() ({
        %run_scoped3A = tpu.sem_alloc : memref<!tpu.dma_semaphore, #tpu.memory_space<semaphore_mem>>
        %dma_start3A = arith.constant 0 : i32
        %dma_start3A_34 = tpu.memref_slice %arg3[%add3A_12, %dma_start3A] : memref<640x4096xf32, #tpu.memory_space<hbm>> -> memref<1x4096xf32, #tpu.memory_space<hbm>>
        %dma_start3A_35 = tpu.memref_squeeze %dma_start3A_34 : memref<1x4096xf32, #tpu.memory_space<hbm>> -> memref<4096xf32, #tpu.memory_space<hbm>>
        %dma_start3A_36 = arith.constant 0 : i32
        %dma_start3A_37 = tpu.memref_slice %arg3[%add3A_12, %dma_start3A_36] : memref<640x4096xf32, #tpu.memory_space<hbm>> -> memref<1x4096xf32, #tpu.memory_space<hbm>>
        %dma_start3A_38 = tpu.memref_squeeze %dma_start3A_37 : memref<1x4096xf32, #tpu.memory_space<hbm>> -> memref<4096xf32, #tpu.memory_space<hbm>>
        tpu.enqueue_dma source(%dma_start3A_38 : memref<4096xf32, #tpu.memory_space<hbm>>) target(%arg6 : memref<4096xf32, #tpu.memory_space<vmem>>) target_semaphore(%run_scoped3A : memref<!tpu.dma_semaphore, #tpu.memory_space<semaphore_mem>>)
        %dma_wait3A = arith.constant 0 : i32
        %dma_wait3A_39 = tpu.memref_slice %arg3[%add3A_12, %dma_wait3A] : memref<640x4096xf32, #tpu.memory_space<hbm>> -> memref<1x4096xf32, #tpu.memory_space<hbm>>
        %dma_wait3A_40 = tpu.memref_squeeze %dma_wait3A_39 : memref<1x4096xf32, #tpu.memory_space<hbm>> -> memref<4096xf32, #tpu.memory_space<hbm>>
        %dma_wait3A_41 = arith.constant 0 : i32
        %dma_wait3A_42 = tpu.memref_slice %arg3[%add3A_12, %dma_wait3A_41] : memref<640x4096xf32, #tpu.memory_space<hbm>> -> memref<1x4096xf32, #tpu.memory_space<hbm>>
        %dma_wait3A_43 = tpu.memref_squeeze %dma_wait3A_42 : memref<1x4096xf32, #tpu.memory_space<hbm>> -> memref<4096xf32, #tpu.memory_space<hbm>>
        tpu.wait_dma2 semaphore(%run_scoped3A : memref<!tpu.dma_semaphore, #tpu.memory_space<semaphore_mem>>) src(%dma_wait3A_43 : memref<4096xf32, #tpu.memory_space<hbm>>) dst(%arg6 : memref<4096xf32, #tpu.memory_space<vmem>>)
        tpu.yield
      }) : () -> ()
      %scan3A_13 = arith.constant 0 : i32
      %scan3A_14 = arith.constant 64 : i32
      %scan3A_15 = arith.addi %scan3A_13, %scan3A_14 : i32
      %scan3A_16 = arith.constant 1 : i32
      %scan3A_17:2 = scf.for %scan3A_34 = %scan3A_13 to %scan3A_15 step %scan3A_16 iter_args(%scan3A_35 = %broadcast_in_dim3A_1, %scan3A_36 = %broadcast_in_dim3A_1) -> (vector<16xf32>, vector<16xf32>)  : i32 {
        %mul3A_37 = arith.constant 4 : i32
        %mul3A_38 = arith.muli %scan3A_34, %mul3A_37 : i32
        %add3A_39 = arith.constant 0 : i32
        %add3A_40 = arith.addi %mul3A_38, %add3A_39 : i32
        %mul3A_41 = arith.constant 16 : i32
        %mul3A_42 = arith.muli %add3A_40, %mul3A_41 : i32
        %get3A = arith.index_cast %mul3A_42 : i32 to index
        %get3A_43 = tpu.vector_load %arg5[%get3A] {strides = array<i32>} : memref<4096xi32, #tpu.memory_space<vmem>>, vector<16xi32>,
        %and3A = arith.constant 1 : i32
        %and3A_44 = vector.broadcast %and3A : i32 to vector<16xi32>
        %and3A_45 = arith.andi %get3A_43, %and3A_44 : vector<16xi32>
        %convert_element_type3A = arith.sitofp %and3A_45 : vector<16xi32> to vector<16xf32>
        %shift_right_arithmetic3A = arith.constant 1 : i32
        %shift_right_arithmetic3A_46 = vector.broadcast %shift_right_arithmetic3A : i32 to vector<16xi32>
        %shift_right_arithmetic3A_47 = arith.shrsi %get3A_43, %shift_right_arithmetic3A_46 : vector<16xi32>
        %gather3A = tpu.vector_load_idx %arg6[%shift_right_arithmetic3A_47] : memref<4096xf32, #tpu.memory_space<vmem>>[vector<16xi32>], vector<16xf32>,
        %jit3A = arith.constant 8 : i32
        %div3A_48 = arith.divsi %add3A_40, %jit3A : i32
        %sign3A = arith.constant 0 : i32
        %sign3A_49 = arith.cmpi sgt, %add3A_40, %sign3A : i32
        %sign3A_50 = arith.extui %sign3A_49 : i1 to i32
        %sign3A_51 = arith.constant 0 : i32
        %sign3A_52 = arith.cmpi slt, %add3A_40, %sign3A_51 : i32
        %sign3A_53 = arith.extui %sign3A_52 : i1 to i32
        %sign3A_54 = arith.subi %sign3A_50, %sign3A_53 : i32
        %sign3A_55 = arith.constant 0 : i32
        %sign3A_56 = arith.cmpi sgt, %jit3A, %sign3A_55 : i32
        %sign3A_57 = arith.extui %sign3A_56 : i1 to i32
        %sign3A_58 = arith.constant 0 : i32
        %sign3A_59 = arith.cmpi slt, %jit3A, %sign3A_58 : i32
        %sign3A_60 = arith.extui %sign3A_59 : i1 to i32
        %sign3A_61 = arith.subi %sign3A_57, %sign3A_60 : i32
        %ne3A = arith.cmpi ne, %sign3A_54, %sign3A_61 : i32
        %rem3A = arith.remsi %add3A_40, %jit3A : i32
        %ne3A_62 = arith.constant 0 : i32
        %ne3A_63 = arith.cmpi ne, %rem3A, %ne3A_62 : i32
        %and3A_64 = arith.andi %ne3A, %ne3A_63 : i1
        %sub3A = arith.constant 1 : i32
        %sub3A_65 = arith.subi %div3A_48, %sub3A : i32
        %select_n3A = arith.select %and3A_64, %sub3A_65, %div3A_48 : i32
        %jit3A_66 = arith.constant 8 : i32
        %eq3A_67 = arith.constant 0 : i32
        %eq3A_68 = arith.cmpi eq, %jit3A_66, %eq3A_67 : i32
        %jit3A_69 = arith.constant 1 : i32
        %select_n3A_70 = arith.select %eq3A_68, %jit3A_69, %jit3A_66 : i32
        %rem3A_71 = arith.remsi %add3A_40, %select_n3A_70 : i32
        %ne3A_72 = arith.constant 0 : i32
        %ne3A_73 = arith.cmpi ne, %rem3A_71, %ne3A_72 : i32
        %lt3A = arith.constant 0 : i32
        %lt3A_74 = arith.cmpi slt, %rem3A_71, %lt3A : i32
        %lt3A_75 = arith.constant 0 : i32
        %lt3A_76 = arith.cmpi slt, %select_n3A_70, %lt3A_75 : i32
        %ne3A_77 = arith.xori %lt3A_74, %lt3A_76 : i1
        %and3A_78 = arith.andi %ne3A_77, %ne3A_73 : i1
        %add3A_79 = arith.addi %rem3A_71, %select_n3A_70 : i32
        %select_n3A_80 = arith.select %and3A_78, %add3A_79, %rem3A_71 : i32
        %mul3A_81 = arith.constant 16 : i32
        %mul3A_82 = arith.muli %select_n3A_80, %mul3A_81 : i32
        %add3A_83 = vector.broadcast %mul3A_82 : i32 to vector<16xi32>
        %add3A_84 = arith.addi %add3A_83, %iota3A : vector<16xi32>
        %mul3A_85 = arith.constant 32 : i32
        %mul3A_86 = vector.broadcast %mul3A_85 : i32 to vector<16xi32>
        %mul3A_87 = arith.muli %add3A_84, %mul3A_86 : vector<16xi32>
        %add3A_88 = vector.broadcast %select_n3A : i32 to vector<16xi32>
        %add3A_89 = arith.addi %add3A_88, %mul3A_87 : vector<16xi32>
        %convert_element_type3A_90 = arith.sitofp %add3A_89 : vector<16xi32> to vector<16xf32>
        %add3A_91 = arith.constant 2.000000e+00 : f32
        %add3A_92 = vector.broadcast %add3A_91 : f32 to vector<16xf32>
        %add3A_93 = arith.addf %convert_element_type3A_90, %add3A_92 : vector<16xf32>
        %div3A_94 = arith.constant 1.000000e+00 : f32
        %div3A_95 = vector.broadcast %div3A_94 : f32 to vector<16xf32>
        %div3A_96 = arith.divf %div3A_95, %add3A_93 : vector<16xf32>
        %mul3A_97 = arith.mulf %div3A_96, %convert_element_type3A : vector<16xf32>
        %add3A_98 = arith.addf %scan3A_35, %mul3A_97 : vector<16xf32>
        %mul3A_99 = arith.mulf %mul3A_97, %gather3A : vector<16xf32>
        %add3A_100 = arith.addf %scan3A_36, %mul3A_99 : vector<16xf32>
        %mul3A_101 = arith.constant 4 : i32
        %mul3A_102 = arith.muli %scan3A_34, %mul3A_101 : i32
        %add3A_103 = arith.constant 1 : i32
        %add3A_104 = arith.addi %mul3A_102, %add3A_103 : i32
        %mul3A_105 = arith.constant 16 : i32
        %mul3A_106 = arith.muli %add3A_104, %mul3A_105 : i32
        %get3A_107 = arith.index_cast %mul3A_106 : i32 to index
        %get3A_108 = tpu.vector_load %arg5[%get3A_107] {strides = array<i32>} : memref<4096xi32, #tpu.memory_space<vmem>>, vector<16xi32>,
        %and3A_109 = arith.constant 1 : i32
        %and3A_110 = vector.broadcast %and3A_109 : i32 to vector<16xi32>
        %and3A_111 = arith.andi %get3A_108, %and3A_110 : vector<16xi32>
        %convert_element_type3A_112 = arith.sitofp %and3A_111 : vector<16xi32> to vector<16xf32>
        %shift_right_arithmetic3A_113 = arith.constant 1 : i32
        %shift_right_arithmetic3A_114 = vector.broadcast %shift_right_arithmetic3A_113 : i32 to vector<16xi32>
        %shift_right_arithmetic3A_115 = arith.shrsi %get3A_108, %shift_right_arithmetic3A_114 : vector<16xi32>
        %gather3A_116 = tpu.vector_load_idx %arg6[%shift_right_arithmetic3A_115] : memref<4096xf32, #tpu.memory_space<vmem>>[vector<16xi32>], vector<16xf32>,
        %jit3A_117 = arith.constant 8 : i32
        %div3A_118 = arith.divsi %add3A_104, %jit3A_117 : i32
        %sign3A_119 = arith.constant 0 : i32
        %sign3A_120 = arith.cmpi sgt, %add3A_104, %sign3A_119 : i32
        %sign3A_121 = arith.extui %sign3A_120 : i1 to i32
        %sign3A_122 = arith.constant 0 : i32
        %sign3A_123 = arith.cmpi slt, %add3A_104, %sign3A_122 : i32
        %sign3A_124 = arith.extui %sign3A_123 : i1 to i32
        %sign3A_125 = arith.subi %sign3A_121, %sign3A_124 : i32
        %sign3A_126 = arith.constant 0 : i32
        %sign3A_127 = arith.cmpi sgt, %jit3A_117, %sign3A_126 : i32
        %sign3A_128 = arith.extui %sign3A_127 : i1 to i32
        %sign3A_129 = arith.constant 0 : i32
        %sign3A_130 = arith.cmpi slt, %jit3A_117, %sign3A_129 : i32
        %sign3A_131 = arith.extui %sign3A_130 : i1 to i32
        %sign3A_132 = arith.subi %sign3A_128, %sign3A_131 : i32
        %ne3A_133 = arith.cmpi ne, %sign3A_125, %sign3A_132 : i32
        %rem3A_134 = arith.remsi %add3A_104, %jit3A_117 : i32
        %ne3A_135 = arith.constant 0 : i32
        %ne3A_136 = arith.cmpi ne, %rem3A_134, %ne3A_135 : i32
        %and3A_137 = arith.andi %ne3A_133, %ne3A_136 : i1
        %sub3A_138 = arith.constant 1 : i32
        %sub3A_139 = arith.subi %div3A_118, %sub3A_138 : i32
        %select_n3A_140 = arith.select %and3A_137, %sub3A_139, %div3A_118 : i32
        %jit3A_141 = arith.constant 8 : i32
        %eq3A_142 = arith.constant 0 : i32
        %eq3A_143 = arith.cmpi eq, %jit3A_141, %eq3A_142 : i32
        %jit3A_144 = arith.constant 1 : i32
        %select_n3A_145 = arith.select %eq3A_143, %jit3A_144, %jit3A_141 : i32
        %rem3A_146 = arith.remsi %add3A_104, %select_n3A_145 : i32
        %ne3A_147 = arith.constant 0 : i32
        %ne3A_148 = arith.cmpi ne, %rem3A_146, %ne3A_147 : i32
        %lt3A_149 = arith.constant 0 : i32
        %lt3A_150 = arith.cmpi slt, %rem3A_146, %lt3A_149 : i32
        %lt3A_151 = arith.constant 0 : i32
        %lt3A_152 = arith.cmpi slt, %select_n3A_145, %lt3A_151 : i32
        %ne3A_153 = arith.xori %lt3A_150, %lt3A_152 : i1
        %and3A_154 = arith.andi %ne3A_153, %ne3A_148 : i1
        %add3A_155 = arith.addi %rem3A_146, %select_n3A_145 : i32
        %select_n3A_156 = arith.select %and3A_154, %add3A_155, %rem3A_146 : i32
        %mul3A_157 = arith.constant 16 : i32
        %mul3A_158 = arith.muli %select_n3A_156, %mul3A_157 : i32
        %add3A_159 = vector.broadcast %mul3A_158 : i32 to vector<16xi32>
        %add3A_160 = arith.addi %add3A_159, %iota3A : vector<16xi32>
        %mul3A_161 = arith.constant 32 : i32
        %mul3A_162 = vector.broadcast %mul3A_161 : i32 to vector<16xi32>
        %mul3A_163 = arith.muli %add3A_160, %mul3A_162 : vector<16xi32>
        %add3A_164 = vector.broadcast %select_n3A_140 : i32 to vector<16xi32>
        %add3A_165 = arith.addi %add3A_164, %mul3A_163 : vector<16xi32>
        %convert_element_type3A_166 = arith.sitofp %add3A_165 : vector<16xi32> to vector<16xf32>
        %add3A_167 = arith.constant 2.000000e+00 : f32
        %add3A_168 = vector.broadcast %add3A_167 : f32 to vector<16xf32>
        %add3A_169 = arith.addf %convert_element_type3A_166, %add3A_168 : vector<16xf32>
        %div3A_170 = arith.constant 1.000000e+00 : f32
        %div3A_171 = vector.broadcast %div3A_170 : f32 to vector<16xf32>
        %div3A_172 = arith.divf %div3A_171, %add3A_169 : vector<16xf32>
        %mul3A_173 = arith.mulf %div3A_172, %convert_element_type3A_112 : vector<16xf32>
        %add3A_174 = arith.addf %add3A_98, %mul3A_173 : vector<16xf32>
        %mul3A_175 = arith.mulf %mul3A_173, %gather3A_116 : vector<16xf32>
        %add3A_176 = arith.addf %add3A_100, %mul3A_175 : vector<16xf32>
        %mul3A_177 = arith.constant 4 : i32
        %mul3A_178 = arith.muli %scan3A_34, %mul3A_177 : i32
        %add3A_179 = arith.constant 2 : i32
        %add3A_180 = arith.addi %mul3A_178, %add3A_179 : i32
        %mul3A_181 = arith.constant 16 : i32
        %mul3A_182 = arith.muli %add3A_180, %mul3A_181 : i32
        %get3A_183 = arith.index_cast %mul3A_182 : i32 to index
        %get3A_184 = tpu.vector_load %arg5[%get3A_183] {strides = array<i32>} : memref<4096xi32, #tpu.memory_space<vmem>>, vector<16xi32>,
        %and3A_185 = arith.constant 1 : i32
        %and3A_186 = vector.broadcast %and3A_185 : i32 to vector<16xi32>
        %and3A_187 = arith.andi %get3A_184, %and3A_186 : vector<16xi32>
        %convert_element_type3A_188 = arith.sitofp %and3A_187 : vector<16xi32> to vector<16xf32>
        %shift_right_arithmetic3A_189 = arith.constant 1 : i32
        %shift_right_arithmetic3A_190 = vector.broadcast %shift_right_arithmetic3A_189 : i32 to vector<16xi32>
        %shift_right_arithmetic3A_191 = arith.shrsi %get3A_184, %shift_right_arithmetic3A_190 : vector<16xi32>
        %gather3A_192 = tpu.vector_load_idx %arg6[%shift_right_arithmetic3A_191] : memref<4096xf32, #tpu.memory_space<vmem>>[vector<16xi32>], vector<16xf32>,
        %jit3A_193 = arith.constant 8 : i32
        %div3A_194 = arith.divsi %add3A_180, %jit3A_193 : i32
        %sign3A_195 = arith.constant 0 : i32
        %sign3A_196 = arith.cmpi sgt, %add3A_180, %sign3A_195 : i32
        %sign3A_197 = arith.extui %sign3A_196 : i1 to i32
        %sign3A_198 = arith.constant 0 : i32
        %sign3A_199 = arith.cmpi slt, %add3A_180, %sign3A_198 : i32
        %sign3A_200 = arith.extui %sign3A_199 : i1 to i32
        %sign3A_201 = arith.subi %sign3A_197, %sign3A_200 : i32
        %sign3A_202 = arith.constant 0 : i32
        %sign3A_203 = arith.cmpi sgt, %jit3A_193, %sign3A_202 : i32
        %sign3A_204 = arith.extui %sign3A_203 : i1 to i32
        %sign3A_205 = arith.constant 0 : i32
        %sign3A_206 = arith.cmpi slt, %jit3A_193, %sign3A_205 : i32
        %sign3A_207 = arith.extui %sign3A_206 : i1 to i32
        %sign3A_208 = arith.subi %sign3A_204, %sign3A_207 : i32
        %ne3A_209 = arith.cmpi ne, %sign3A_201, %sign3A_208 : i32
        %rem3A_210 = arith.remsi %add3A_180, %jit3A_193 : i32
        %ne3A_211 = arith.constant 0 : i32
        %ne3A_212 = arith.cmpi ne, %rem3A_210, %ne3A_211 : i32
        %and3A_213 = arith.andi %ne3A_209, %ne3A_212 : i1
        %sub3A_214 = arith.constant 1 : i32
        %sub3A_215 = arith.subi %div3A_194, %sub3A_214 : i32
        %select_n3A_216 = arith.select %and3A_213, %sub3A_215, %div3A_194 : i32
        %jit3A_217 = arith.constant 8 : i32
        %eq3A_218 = arith.constant 0 : i32
        %eq3A_219 = arith.cmpi eq, %jit3A_217, %eq3A_218 : i32
        %jit3A_220 = arith.constant 1 : i32
        %select_n3A_221 = arith.select %eq3A_219, %jit3A_220, %jit3A_217 : i32
        %rem3A_222 = arith.remsi %add3A_180, %select_n3A_221 : i32
        %ne3A_223 = arith.constant 0 : i32
        %ne3A_224 = arith.cmpi ne, %rem3A_222, %ne3A_223 : i32
        %lt3A_225 = arith.constant 0 : i32
        %lt3A_226 = arith.cmpi slt, %rem3A_222, %lt3A_225 : i32
        %lt3A_227 = arith.constant 0 : i32
        %lt3A_228 = arith.cmpi slt, %select_n3A_221, %lt3A_227 : i32
        %ne3A_229 = arith.xori %lt3A_226, %lt3A_228 : i1
        %and3A_230 = arith.andi %ne3A_229, %ne3A_224 : i1
        %add3A_231 = arith.addi %rem3A_222, %select_n3A_221 : i32
        %select_n3A_232 = arith.select %and3A_230, %add3A_231, %rem3A_222 : i32
        %mul3A_233 = arith.constant 16 : i32
        %mul3A_234 = arith.muli %select_n3A_232, %mul3A_233 : i32
        %add3A_235 = vector.broadcast %mul3A_234 : i32 to vector<16xi32>
        %add3A_236 = arith.addi %add3A_235, %iota3A : vector<16xi32>
        %mul3A_237 = arith.constant 32 : i32
        %mul3A_238 = vector.broadcast %mul3A_237 : i32 to vector<16xi32>
        %mul3A_239 = arith.muli %add3A_236, %mul3A_238 : vector<16xi32>
        %add3A_240 = vector.broadcast %select_n3A_216 : i32 to vector<16xi32>
        %add3A_241 = arith.addi %add3A_240, %mul3A_239 : vector<16xi32>
        %convert_element_type3A_242 = arith.sitofp %add3A_241 : vector<16xi32> to vector<16xf32>
        %add3A_243 = arith.constant 2.000000e+00 : f32
        %add3A_244 = vector.broadcast %add3A_243 : f32 to vector<16xf32>
        %add3A_245 = arith.addf %convert_element_type3A_242, %add3A_244 : vector<16xf32>
        %div3A_246 = arith.constant 1.000000e+00 : f32
        %div3A_247 = vector.broadcast %div3A_246 : f32 to vector<16xf32>
        %div3A_248 = arith.divf %div3A_247, %add3A_245 : vector<16xf32>
        %mul3A_249 = arith.mulf %div3A_248, %convert_element_type3A_188 : vector<16xf32>
        %add3A_250 = arith.addf %add3A_174, %mul3A_249 : vector<16xf32>
        %mul3A_251 = arith.mulf %mul3A_249, %gather3A_192 : vector<16xf32>
        %add3A_252 = arith.addf %add3A_176, %mul3A_251 : vector<16xf32>
        %mul3A_253 = arith.constant 4 : i32
        %mul3A_254 = arith.muli %scan3A_34, %mul3A_253 : i32
        %add3A_255 = arith.constant 3 : i32
        %add3A_256 = arith.addi %mul3A_254, %add3A_255 : i32
        %mul3A_257 = arith.constant 16 : i32
        %mul3A_258 = arith.muli %add3A_256, %mul3A_257 : i32
        %get3A_259 = arith.index_cast %mul3A_258 : i32 to index
        %get3A_260 = tpu.vector_load %arg5[%get3A_259] {strides = array<i32>} : memref<4096xi32, #tpu.memory_space<vmem>>, vector<16xi32>,
        %and3A_261 = arith.constant 1 : i32
        %and3A_262 = vector.broadcast %and3A_261 : i32 to vector<16xi32>
        %and3A_263 = arith.andi %get3A_260, %and3A_262 : vector<16xi32>
        %convert_element_type3A_264 = arith.sitofp %and3A_263 : vector<16xi32> to vector<16xf32>
        %shift_right_arithmetic3A_265 = arith.constant 1 : i32
        %shift_right_arithmetic3A_266 = vector.broadcast %shift_right_arithmetic3A_265 : i32 to vector<16xi32>
        %shift_right_arithmetic3A_267 = arith.shrsi %get3A_260, %shift_right_arithmetic3A_266 : vector<16xi32>
        %gather3A_268 = tpu.vector_load_idx %arg6[%shift_right_arithmetic3A_267] : memref<4096xf32, #tpu.memory_space<vmem>>[vector<16xi32>], vector<16xf32>,
        %jit3A_269 = arith.constant 8 : i32
        %div3A_270 = arith.divsi %add3A_256, %jit3A_269 : i32
        %sign3A_271 = arith.constant 0 : i32
        %sign3A_272 = arith.cmpi sgt, %add3A_256, %sign3A_271 : i32
        %sign3A_273 = arith.extui %sign3A_272 : i1 to i32
        %sign3A_274 = arith.constant 0 : i32
        %sign3A_275 = arith.cmpi slt, %add3A_256, %sign3A_274 : i32
        %sign3A_276 = arith.extui %sign3A_275 : i1 to i32
        %sign3A_277 = arith.subi %sign3A_273, %sign3A_276 : i32
        %sign3A_278 = arith.constant 0 : i32
        %sign3A_279 = arith.cmpi sgt, %jit3A_269, %sign3A_278 : i32
        %sign3A_280 = arith.extui %sign3A_279 : i1 to i32
        %sign3A_281 = arith.constant 0 : i32
        %sign3A_282 = arith.cmpi slt, %jit3A_269, %sign3A_281 : i32
        %sign3A_283 = arith.extui %sign3A_282 : i1 to i32
        %sign3A_284 = arith.subi %sign3A_280, %sign3A_283 : i32
        %ne3A_285 = arith.cmpi ne, %sign3A_277, %sign3A_284 : i32
        %rem3A_286 = arith.remsi %add3A_256, %jit3A_269 : i32
        %ne3A_287 = arith.constant 0 : i32
        %ne3A_288 = arith.cmpi ne, %rem3A_286, %ne3A_287 : i32
        %and3A_289 = arith.andi %ne3A_285, %ne3A_288 : i1
        %sub3A_290 = arith.constant 1 : i32
        %sub3A_291 = arith.subi %div3A_270, %sub3A_290 : i32
        %select_n3A_292 = arith.select %and3A_289, %sub3A_291, %div3A_270 : i32
        %jit3A_293 = arith.constant 8 : i32
        %eq3A_294 = arith.constant 0 : i32
        %eq3A_295 = arith.cmpi eq, %jit3A_293, %eq3A_294 : i32
        %jit3A_296 = arith.constant 1 : i32
        %select_n3A_297 = arith.select %eq3A_295, %jit3A_296, %jit3A_293 : i32
        %rem3A_298 = arith.remsi %add3A_256, %select_n3A_297 : i32
        %ne3A_299 = arith.constant 0 : i32
        %ne3A_300 = arith.cmpi ne, %rem3A_298, %ne3A_299 : i32
        %lt3A_301 = arith.constant 0 : i32
        %lt3A_302 = arith.cmpi slt, %rem3A_298, %lt3A_301 : i32
        %lt3A_303 = arith.constant 0 : i32
        %lt3A_304 = arith.cmpi slt, %select_n3A_297, %lt3A_303 : i32
        %ne3A_305 = arith.xori %lt3A_302, %lt3A_304 : i1
        %and3A_306 = arith.andi %ne3A_305, %ne3A_300 : i1
        %add3A_307 = arith.addi %rem3A_298, %select_n3A_297 : i32
        %select_n3A_308 = arith.select %and3A_306, %add3A_307, %rem3A_298 : i32
        %mul3A_309 = arith.constant 16 : i32
        %mul3A_310 = arith.muli %select_n3A_308, %mul3A_309 : i32
        %add3A_311 = vector.broadcast %mul3A_310 : i32 to vector<16xi32>
        %add3A_312 = arith.addi %add3A_311, %iota3A : vector<16xi32>
        %mul3A_313 = arith.constant 32 : i32
        %mul3A_314 = vector.broadcast %mul3A_313 : i32 to vector<16xi32>
        %mul3A_315 = arith.muli %add3A_312, %mul3A_314 : vector<16xi32>
        %add3A_316 = vector.broadcast %select_n3A_292 : i32 to vector<16xi32>
        %add3A_317 = arith.addi %add3A_316, %mul3A_315 : vector<16xi32>
        %convert_element_type3A_318 = arith.sitofp %add3A_317 : vector<16xi32> to vector<16xf32>
        %add3A_319 = arith.constant 2.000000e+00 : f32
        %add3A_320 = vector.broadcast %add3A_319 : f32 to vector<16xf32>
        %add3A_321 = arith.addf %convert_element_type3A_318, %add3A_320 : vector<16xf32>
        %div3A_322 = arith.constant 1.000000e+00 : f32
        %div3A_323 = vector.broadcast %div3A_322 : f32 to vector<16xf32>
        %div3A_324 = arith.divf %div3A_323, %add3A_321 : vector<16xf32>
        %mul3A_325 = arith.mulf %div3A_324, %convert_element_type3A_264 : vector<16xf32>
        %add3A_326 = arith.addf %add3A_250, %mul3A_325 : vector<16xf32>
        %mul3A_327 = arith.mulf %mul3A_325, %gather3A_268 : vector<16xf32>
        %add3A_328 = arith.addf %add3A_252, %mul3A_327 : vector<16xf32>
        scf.yield %add3A_326, %add3A_328 : vector<16xf32>, vector<16xf32>
      }
      %scan3A_18 = arith.constant 64 : i32
      %reduce_sum3A = arith.constant true
      %reduce_sum3A_19 = vector.broadcast %reduce_sum3A : i1 to vector<16xi1>
      %reduce_sum3A_20 = tpu.scan <sum>, %scan3A_17#0 masked %reduce_sum3A_19 : vector<16xf32>, vector<16xi1> -> vector<16xf32>
      %reduce_sum3A_21 = vector.extract %reduce_sum3A_20[15] : f32 from vector<16xf32>
      %broadcast_in_dim3A_22 = vector.broadcast %reduce_sum3A_21 : f32 to vector<16xf32>
      %reduce_sum3A_23 = arith.constant true
      %reduce_sum3A_24 = vector.broadcast %reduce_sum3A_23 : i1 to vector<16xi1>
      %reduce_sum3A_25 = tpu.scan <sum>, %scan3A_17#1 masked %reduce_sum3A_24 : vector<16xf32>, vector<16xi1> -> vector<16xf32>
      %reduce_sum3A_26 = vector.extract %reduce_sum3A_25[15] : f32 from vector<16xf32>
      %broadcast_in_dim3A_27 = vector.broadcast %reduce_sum3A_26 : f32 to vector<16xf32>
      %max3A = arith.constant 1.000000e+00 : f32
      %max3A_28 = vector.broadcast %max3A : f32 to vector<16xf32>
      %max3A_29 = arith.maximumf %broadcast_in_dim3A_22, %max3A_28 : vector<16xf32>
      %div3A = arith.divf %broadcast_in_dim3A_27, %max3A_29 : vector<16xf32>
      %broadcast_in_dim3A_30 = vector.broadcast %scan3A_8 : i32 to vector<16xi32>
      %eq3A = arith.constant 0 : i32
      %eq3A_31 = vector.broadcast %eq3A : i32 to vector<16xi32>
      %eq3A_32 = arith.cmpi eq, %iota3A, %eq3A_31 : vector<16xi32>
      tpu.vector_store_idx %arg7[%broadcast_in_dim3A_30], %div3A masked %eq3A_32 : memref<20xf32, #tpu.memory_space<vmem>>[vector<16xi32>], vector<16xf32>, vector<16xi1>
      %scan3A_33 = arith.constant 0 : i32
      scf.yield %scan3A_33 : i32
    }
    %scan3A_7 = arith.constant 20 : i32
    "tpu.region"() ({
      %run_scoped3A = tpu.sem_alloc : memref<!tpu.dma_semaphore, #tpu.memory_space<semaphore_mem>>
      %dma_start3A = arith.constant 0 : i32
      %dma_start3A_8 = tpu.memref_slice %arg4[%add3A, %dma_start3A] : memref<32x20xf32, #tpu.memory_space<hbm>> -> memref<1x20xf32, #tpu.memory_space<hbm>>
      %dma_start3A_9 = tpu.memref_squeeze %dma_start3A_8 : memref<1x20xf32, #tpu.memory_space<hbm>> -> memref<20xf32, #tpu.memory_space<hbm>>
      %dma_start3A_10 = arith.constant 0 : i32
      %dma_start3A_11 = tpu.memref_slice %arg4[%add3A, %dma_start3A_10] : memref<32x20xf32, #tpu.memory_space<hbm>> -> memref<1x20xf32, #tpu.memory_space<hbm>>
      %dma_start3A_12 = tpu.memref_squeeze %dma_start3A_11 : memref<1x20xf32, #tpu.memory_space<hbm>> -> memref<20xf32, #tpu.memory_space<hbm>>
      tpu.enqueue_dma source(%arg7 : memref<20xf32, #tpu.memory_space<vmem>>) target(%dma_start3A_12 : memref<20xf32, #tpu.memory_space<hbm>>) target_semaphore(%run_scoped3A : memref<!tpu.dma_semaphore, #tpu.memory_space<semaphore_mem>>)
      %dma_wait3A = arith.constant 0 : i32
      %dma_wait3A_13 = tpu.memref_slice %arg4[%add3A, %dma_wait3A] : memref<32x20xf32, #tpu.memory_space<hbm>> -> memref<1x20xf32, #tpu.memory_space<hbm>>
      %dma_wait3A_14 = tpu.memref_squeeze %dma_wait3A_13 : memref<1x20xf32, #tpu.memory_space<hbm>> -> memref<20xf32, #tpu.memory_space<hbm>>
      %dma_wait3A_15 = arith.constant 0 : i32
      %dma_wait3A_16 = tpu.memref_slice %arg4[%add3A, %dma_wait3A_15] : memref<32x20xf32, #tpu.memory_space<hbm>> -> memref<1x20xf32, #tpu.memory_space<hbm>>
      %dma_wait3A_17 = tpu.memref_squeeze %dma_wait3A_16 : memref<1x20xf32, #tpu.memory_space<hbm>> -> memref<20xf32, #tpu.memory_space<hbm>>
      tpu.wait_dma2 semaphore(%run_scoped3A : memref<!tpu.dma_semaphore, #tpu.memory_space<semaphore_mem>>) src(%arg7 : memref<20xf32, #tpu.memory_space<vmem>>) dst(%dma_wait3A_17 : memref<20xf32, #tpu.memory_space<hbm>>)
      tpu.yield
    }) : () -> ()
    return
  }
}

module attributes {stable_mosaic.version = 14 : i64} {
  func.func @_sort_kernel(%arg0: i32, %arg1: memref<20x32x128xf32, #tpu.memory_space<vmem>>, %arg2: memref<20x32x128xf32, #tpu.memory_space<vmem>>, %arg3: memref<20x32x128xi32, #tpu.memory_space<vmem>>, %arg4: memref<20x32x128xi32, #tpu.memory_space<vmem>>) attributes {dimension_semantics = [#tpu.dimension_semantics<arbitrary>], iteration_bounds = array<i64: 32>, scalar_prefetch = 0 : i64, scratch_operands = 0 : i64, tpu.core_type = #tpu.core_type<tc>, window_params = [{transform_indices = @transform_0, window_bounds = array<i64: 20, 32, 128>}, {transform_indices = @transform_1, window_bounds = array<i64: 20, 32, 128>}, {transform_indices = @transform_2, window_bounds = array<i64: 20, 32, 128>}, {transform_indices = @transform_3, window_bounds = array<i64: 20, 32, 128>}]} {
    %iota3A = tpu.iota {dimensions = array<i32: 1>} : vector<1x32x128xi32>
    %iota3A_0 = tpu.iota {dimensions = array<i32: 2>} : vector<1x32x128xi32>
    %mul3A = arith.constant 32 : i32
    %mul3A_1 = vector.broadcast %mul3A : i32 to vector<1x32x128xi32>
    %mul3A_2 = arith.muli %iota3A_0, %mul3A_1 : vector<1x32x128xi32>
    %add3A = arith.addi %iota3A, %mul3A_2 : vector<1x32x128xi32>
    %mul3A_3 = arith.constant 128 : i32
    %mul3A_4 = vector.broadcast %mul3A_3 : i32 to vector<1x32x128xi32>
    %mul3A_5 = arith.muli %iota3A, %mul3A_4 : vector<1x32x128xi32>
    %add3A_6 = arith.addi %mul3A_5, %iota3A_0 : vector<1x32x128xi32>
    %get3A = arith.constant 0 : index
    %get3A_7 = arith.constant 0 : index
    %get3A_8 = arith.constant 0 : index
    %get3A_9 = vector.load %arg1[%get3A, %get3A_7, %get3A_8] : memref<20x32x128xf32, #tpu.memory_space<vmem>>, vector<20x32x128xf32>
    %bitcast_convert_type3A = tpu.bitcast %get3A_9 : vector<20x32x128xf32> -> vector<20x32x128xi32>
    %lt3A = arith.constant 0 : i32
    %lt3A_10 = vector.broadcast %lt3A : i32 to vector<20x32x128xi32>
    %lt3A_11 = arith.cmpi slt, %bitcast_convert_type3A, %lt3A_10 : vector<20x32x128xi32>
    %xor3A = arith.constant 2147483647 : i32
    %xor3A_12 = vector.broadcast %xor3A : i32 to vector<20x32x128xi32>
    %xor3A_13 = arith.xori %bitcast_convert_type3A, %xor3A_12 : vector<20x32x128xi32>
    %select_n3A = arith.select %lt3A_11, %xor3A_13, %bitcast_convert_type3A : vector<20x32x128xi1>, vector<20x32x128xi32>
    %mul3A_14 = arith.constant 2 : i32
    %mul3A_15 = vector.broadcast %mul3A_14 : i32 to vector<1x32x128xi32>
    %mul3A_16 = arith.muli %add3A_6, %mul3A_15 : vector<1x32x128xi32>
    %get3A_17 = arith.constant 0 : index
    %get3A_18 = arith.constant 0 : index
    %get3A_19 = arith.constant 0 : index
    %get3A_20 = vector.load %arg2[%get3A_17, %get3A_18, %get3A_19] : memref<20x32x128xf32, #tpu.memory_space<vmem>>, vector<20x32x128xf32>
    %convert_element_type3A = arith.fptosi %get3A_20 : vector<20x32x128xf32> to vector<20x32x128xi32>
    %add3A_21 = vector.broadcast %mul3A_16 : vector<1x32x128xi32> to vector<20x32x128xi32>
    %add3A_22 = arith.addi %add3A_21, %convert_element_type3A : vector<20x32x128xi32>
    %and3A = arith.constant 1 : i32
    %and3A_23 = vector.broadcast %and3A : i32 to vector<1x32x128xi32>
    %and3A_24 = arith.andi %add3A, %and3A_23 : vector<1x32x128xi32>
    %eq3A = arith.constant 0 : i32
    %eq3A_25 = vector.broadcast %eq3A : i32 to vector<1x32x128xi32>
    %eq3A_26 = arith.cmpi eq, %and3A_24, %eq3A_25 : vector<1x32x128xi32>
    %shift_right_arithmetic3A = arith.constant 1 : i32
    %shift_right_arithmetic3A_27 = vector.broadcast %shift_right_arithmetic3A : i32 to vector<1x32x128xi32>
    %shift_right_arithmetic3A_28 = arith.shrsi %add3A, %shift_right_arithmetic3A_27 : vector<1x32x128xi32>
    %and3A_29 = arith.constant 1 : i32
    %and3A_30 = vector.broadcast %and3A_29 : i32 to vector<1x32x128xi32>
    %and3A_31 = arith.andi %shift_right_arithmetic3A_28, %and3A_30 : vector<1x32x128xi32>
    %eq3A_32 = arith.constant 0 : i32
    %eq3A_33 = vector.broadcast %eq3A_32 : i32 to vector<1x32x128xi32>
    %eq3A_34 = arith.cmpi eq, %and3A_31, %eq3A_33 : vector<1x32x128xi32>
    %eq3A_35 = arith.xori %eq3A_26, %eq3A_34 : vector<1x32x128xi1>
    %eq3A_36 = arith.constant dense<true> : vector<1x32x128xi1>
    %eq3A_37 = arith.xori %eq3A_35, %eq3A_36 : vector<1x32x128xi1>
    %roll3A = arith.constant 31 : i32
    %roll3A_38 = tpu.dynamic_rotate %select_n3A by %roll3A dim 1 : vector<20x32x128xi32>, i32 -> vector<20x32x128xi32>
    %roll3A_39 = arith.constant 1 : i32
    %roll3A_40 = tpu.dynamic_rotate %select_n3A by %roll3A_39 dim 1 : vector<20x32x128xi32>, i32 -> vector<20x32x128xi32>
    %broadcast_in_dim3A = vector.shape_cast %eq3A_26 : vector<1x32x128xi1> to vector<1x32x128xi1>
    %broadcast_in_dim3A_41 = vector.broadcast %broadcast_in_dim3A : vector<1x32x128xi1> to vector<20x32x128xi1>
    %select_n3A_42 = arith.select %broadcast_in_dim3A_41, %roll3A_38, %roll3A_40 : vector<20x32x128xi1>, vector<20x32x128xi32>
    %roll3A_43 = arith.constant 31 : i32
    %roll3A_44 = tpu.dynamic_rotate %add3A_22 by %roll3A_43 dim 1 : vector<20x32x128xi32>, i32 -> vector<20x32x128xi32>
    %roll3A_45 = arith.constant 1 : i32
    %roll3A_46 = tpu.dynamic_rotate %add3A_22 by %roll3A_45 dim 1 : vector<20x32x128xi32>, i32 -> vector<20x32x128xi32>
    %broadcast_in_dim3A_47 = vector.shape_cast %eq3A_26 : vector<1x32x128xi1> to vector<1x32x128xi1>
    %broadcast_in_dim3A_48 = vector.broadcast %broadcast_in_dim3A_47 : vector<1x32x128xi1> to vector<20x32x128xi1>
    %select_n3A_49 = arith.select %broadcast_in_dim3A_48, %roll3A_44, %roll3A_46 : vector<20x32x128xi1>, vector<20x32x128xi32>
    %gt3A = arith.cmpi sgt, %select_n3A_42, %select_n3A : vector<20x32x128xi32>
    %eq3A_50 = arith.cmpi eq, %select_n3A_42, %select_n3A : vector<20x32x128xi32>
    %lt3A_51 = arith.cmpi slt, %select_n3A_49, %add3A_22 : vector<20x32x128xi32>
    %and3A_52 = arith.andi %eq3A_50, %lt3A_51 : vector<20x32x128xi1>
    %or3A = arith.ori %gt3A, %and3A_52 : vector<20x32x128xi1>
    %eq3A_53 = vector.broadcast %eq3A_37 : vector<1x32x128xi1> to vector<20x32x128xi1>
    %eq3A_54 = vector.broadcast %eq3A_53 : vector<20x32x128xi1> to vector<20x32x128xi1>
    %eq3A_55 = arith.xori %or3A, %eq3A_54 : vector<20x32x128xi1>
    %eq3A_56 = arith.constant dense<true> : vector<20x32x128xi1>
    %eq3A_57 = arith.xori %eq3A_55, %eq3A_56 : vector<20x32x128xi1>
    %select_n3A_58 = arith.select %eq3A_57, %select_n3A_42, %select_n3A : vector<20x32x128xi1>, vector<20x32x128xi32>
    %select_n3A_59 = arith.select %eq3A_57, %select_n3A_49, %add3A_22 : vector<20x32x128xi1>, vector<20x32x128xi32>
    %and3A_60 = arith.constant 2 : i32
    %and3A_61 = vector.broadcast %and3A_60 : i32 to vector<1x32x128xi32>
    %and3A_62 = arith.andi %add3A, %and3A_61 : vector<1x32x128xi32>
    %eq3A_63 = arith.constant 0 : i32
    %eq3A_64 = vector.broadcast %eq3A_63 : i32 to vector<1x32x128xi32>
    %eq3A_65 = arith.cmpi eq, %and3A_62, %eq3A_64 : vector<1x32x128xi32>
    %shift_right_arithmetic3A_66 = arith.constant 2 : i32
    %shift_right_arithmetic3A_67 = vector.broadcast %shift_right_arithmetic3A_66 : i32 to vector<1x32x128xi32>
    %shift_right_arithmetic3A_68 = arith.shrsi %add3A, %shift_right_arithmetic3A_67 : vector<1x32x128xi32>
    %and3A_69 = arith.constant 1 : i32
    %and3A_70 = vector.broadcast %and3A_69 : i32 to vector<1x32x128xi32>
    %and3A_71 = arith.andi %shift_right_arithmetic3A_68, %and3A_70 : vector<1x32x128xi32>
    %eq3A_72 = arith.constant 0 : i32
    %eq3A_73 = vector.broadcast %eq3A_72 : i32 to vector<1x32x128xi32>
    %eq3A_74 = arith.cmpi eq, %and3A_71, %eq3A_73 : vector<1x32x128xi32>
    %eq3A_75 = arith.xori %eq3A_65, %eq3A_74 : vector<1x32x128xi1>
    %eq3A_76 = arith.constant dense<true> : vector<1x32x128xi1>
    %eq3A_77 = arith.xori %eq3A_75, %eq3A_76 : vector<1x32x128xi1>
    %roll3A_78 = arith.constant 30 : i32
    %roll3A_79 = tpu.dynamic_rotate %select_n3A_58 by %roll3A_78 dim 1 : vector<20x32x128xi32>, i32 -> vector<20x32x128xi32>
    %roll3A_80 = arith.constant 2 : i32
    %roll3A_81 = tpu.dynamic_rotate %select_n3A_58 by %roll3A_80 dim 1 : vector<20x32x128xi32>, i32 -> vector<20x32x128xi32>
    %broadcast_in_dim3A_82 = vector.shape_cast %eq3A_65 : vector<1x32x128xi1> to vector<1x32x128xi1>
    %broadcast_in_dim3A_83 = vector.broadcast %broadcast_in_dim3A_82 : vector<1x32x128xi1> to vector<20x32x128xi1>
    %select_n3A_84 = arith.select %broadcast_in_dim3A_83, %roll3A_79, %roll3A_81 : vector<20x32x128xi1>, vector<20x32x128xi32>
    %roll3A_85 = arith.constant 30 : i32
    %roll3A_86 = tpu.dynamic_rotate %select_n3A_59 by %roll3A_85 dim 1 : vector<20x32x128xi32>, i32 -> vector<20x32x128xi32>
    %roll3A_87 = arith.constant 2 : i32
    %roll3A_88 = tpu.dynamic_rotate %select_n3A_59 by %roll3A_87 dim 1 : vector<20x32x128xi32>, i32 -> vector<20x32x128xi32>
    %broadcast_in_dim3A_89 = vector.shape_cast %eq3A_65 : vector<1x32x128xi1> to vector<1x32x128xi1>
    %broadcast_in_dim3A_90 = vector.broadcast %broadcast_in_dim3A_89 : vector<1x32x128xi1> to vector<20x32x128xi1>
    %select_n3A_91 = arith.select %broadcast_in_dim3A_90, %roll3A_86, %roll3A_88 : vector<20x32x128xi1>, vector<20x32x128xi32>
    %gt3A_92 = arith.cmpi sgt, %select_n3A_84, %select_n3A_58 : vector<20x32x128xi32>
    %eq3A_93 = arith.cmpi eq, %select_n3A_84, %select_n3A_58 : vector<20x32x128xi32>
    %lt3A_94 = arith.cmpi slt, %select_n3A_91, %select_n3A_59 : vector<20x32x128xi32>
    %and3A_95 = arith.andi %eq3A_93, %lt3A_94 : vector<20x32x128xi1>
    %or3A_96 = arith.ori %gt3A_92, %and3A_95 : vector<20x32x128xi1>
    %eq3A_97 = vector.broadcast %eq3A_77 : vector<1x32x128xi1> to vector<20x32x128xi1>
    %eq3A_98 = vector.broadcast %eq3A_97 : vector<20x32x128xi1> to vector<20x32x128xi1>
    %eq3A_99 = arith.xori %or3A_96, %eq3A_98 : vector<20x32x128xi1>
    %eq3A_100 = arith.constant dense<true> : vector<20x32x128xi1>
    %eq3A_101 = arith.xori %eq3A_99, %eq3A_100 : vector<20x32x128xi1>
    %select_n3A_102 = arith.select %eq3A_101, %select_n3A_84, %select_n3A_58 : vector<20x32x128xi1>, vector<20x32x128xi32>
    %select_n3A_103 = arith.select %eq3A_101, %select_n3A_91, %select_n3A_59 : vector<20x32x128xi1>, vector<20x32x128xi32>
    %and3A_104 = arith.constant 1 : i32
    %and3A_105 = vector.broadcast %and3A_104 : i32 to vector<1x32x128xi32>
    %and3A_106 = arith.andi %add3A, %and3A_105 : vector<1x32x128xi32>
    %eq3A_107 = arith.constant 0 : i32
    %eq3A_108 = vector.broadcast %eq3A_107 : i32 to vector<1x32x128xi32>
    %eq3A_109 = arith.cmpi eq, %and3A_106, %eq3A_108 : vector<1x32x128xi32>
    %shift_right_arithmetic3A_110 = arith.constant 2 : i32
    %shift_right_arithmetic3A_111 = vector.broadcast %shift_right_arithmetic3A_110 : i32 to vector<1x32x128xi32>
    %shift_right_arithmetic3A_112 = arith.shrsi %add3A, %shift_right_arithmetic3A_111 : vector<1x32x128xi32>
    %and3A_113 = arith.constant 1 : i32
    %and3A_114 = vector.broadcast %and3A_113 : i32 to vector<1x32x128xi32>
    %and3A_115 = arith.andi %shift_right_arithmetic3A_112, %and3A_114 : vector<1x32x128xi32>
    %eq3A_116 = arith.constant 0 : i32
    %eq3A_117 = vector.broadcast %eq3A_116 : i32 to vector<1x32x128xi32>
    %eq3A_118 = arith.cmpi eq, %and3A_115, %eq3A_117 : vector<1x32x128xi32>
    %eq3A_119 = arith.xori %eq3A_109, %eq3A_118 : vector<1x32x128xi1>
    %eq3A_120 = arith.constant dense<true> : vector<1x32x128xi1>
    %eq3A_121 = arith.xori %eq3A_119, %eq3A_120 : vector<1x32x128xi1>
    %roll3A_122 = arith.constant 31 : i32
    %roll3A_123 = tpu.dynamic_rotate %select_n3A_102 by %roll3A_122 dim 1 : vector<20x32x128xi32>, i32 -> vector<20x32x128xi32>
    %roll3A_124 = arith.constant 1 : i32
    %roll3A_125 = tpu.dynamic_rotate %select_n3A_102 by %roll3A_124 dim 1 : vector<20x32x128xi32>, i32 -> vector<20x32x128xi32>
    %broadcast_in_dim3A_126 = vector.shape_cast %eq3A_109 : vector<1x32x128xi1> to vector<1x32x128xi1>
    %broadcast_in_dim3A_127 = vector.broadcast %broadcast_in_dim3A_126 : vector<1x32x128xi1> to vector<20x32x128xi1>
    %select_n3A_128 = arith.select %broadcast_in_dim3A_127, %roll3A_123, %roll3A_125 : vector<20x32x128xi1>, vector<20x32x128xi32>
    %roll3A_129 = arith.constant 31 : i32
    %roll3A_130 = tpu.dynamic_rotate %select_n3A_103 by %roll3A_129 dim 1 : vector<20x32x128xi32>, i32 -> vector<20x32x128xi32>
    %roll3A_131 = arith.constant 1 : i32
    %roll3A_132 = tpu.dynamic_rotate %select_n3A_103 by %roll3A_131 dim 1 : vector<20x32x128xi32>, i32 -> vector<20x32x128xi32>
    %broadcast_in_dim3A_133 = vector.shape_cast %eq3A_109 : vector<1x32x128xi1> to vector<1x32x128xi1>
    %broadcast_in_dim3A_134 = vector.broadcast %broadcast_in_dim3A_133 : vector<1x32x128xi1> to vector<20x32x128xi1>
    %select_n3A_135 = arith.select %broadcast_in_dim3A_134, %roll3A_130, %roll3A_132 : vector<20x32x128xi1>, vector<20x32x128xi32>
    %gt3A_136 = arith.cmpi sgt, %select_n3A_128, %select_n3A_102 : vector<20x32x128xi32>
    %eq3A_137 = arith.cmpi eq, %select_n3A_128, %select_n3A_102 : vector<20x32x128xi32>
    %lt3A_138 = arith.cmpi slt, %select_n3A_135, %select_n3A_103 : vector<20x32x128xi32>
    %and3A_139 = arith.andi %eq3A_137, %lt3A_138 : vector<20x32x128xi1>
    %or3A_140 = arith.ori %gt3A_136, %and3A_139 : vector<20x32x128xi1>
    %eq3A_141 = vector.broadcast %eq3A_121 : vector<1x32x128xi1> to vector<20x32x128xi1>
    %eq3A_142 = vector.broadcast %eq3A_141 : vector<20x32x128xi1> to vector<20x32x128xi1>
    %eq3A_143 = arith.xori %or3A_140, %eq3A_142 : vector<20x32x128xi1>
    %eq3A_144 = arith.constant dense<true> : vector<20x32x128xi1>
    %eq3A_145 = arith.xori %eq3A_143, %eq3A_144 : vector<20x32x128xi1>
    %select_n3A_146 = arith.select %eq3A_145, %select_n3A_128, %select_n3A_102 : vector<20x32x128xi1>, vector<20x32x128xi32>
    %select_n3A_147 = arith.select %eq3A_145, %select_n3A_135, %select_n3A_103 : vector<20x32x128xi1>, vector<20x32x128xi32>
    %and3A_148 = arith.constant 4 : i32
    %and3A_149 = vector.broadcast %and3A_148 : i32 to vector<1x32x128xi32>
    %and3A_150 = arith.andi %add3A, %and3A_149 : vector<1x32x128xi32>
    %eq3A_151 = arith.constant 0 : i32
    %eq3A_152 = vector.broadcast %eq3A_151 : i32 to vector<1x32x128xi32>
    %eq3A_153 = arith.cmpi eq, %and3A_150, %eq3A_152 : vector<1x32x128xi32>
    %shift_right_arithmetic3A_154 = arith.constant 3 : i32
    %shift_right_arithmetic3A_155 = vector.broadcast %shift_right_arithmetic3A_154 : i32 to vector<1x32x128xi32>
    %shift_right_arithmetic3A_156 = arith.shrsi %add3A, %shift_right_arithmetic3A_155 : vector<1x32x128xi32>
    %and3A_157 = arith.constant 1 : i32
    %and3A_158 = vector.broadcast %and3A_157 : i32 to vector<1x32x128xi32>
    %and3A_159 = arith.andi %shift_right_arithmetic3A_156, %and3A_158 : vector<1x32x128xi32>
    %eq3A_160 = arith.constant 0 : i32
    %eq3A_161 = vector.broadcast %eq3A_160 : i32 to vector<1x32x128xi32>
    %eq3A_162 = arith.cmpi eq, %and3A_159, %eq3A_161 : vector<1x32x128xi32>
    %eq3A_163 = arith.xori %eq3A_153, %eq3A_162 : vector<1x32x128xi1>
    %eq3A_164 = arith.constant dense<true> : vector<1x32x128xi1>
    %eq3A_165 = arith.xori %eq3A_163, %eq3A_164 : vector<1x32x128xi1>
    %roll3A_166 = arith.constant 28 : i32
    %roll3A_167 = tpu.dynamic_rotate %select_n3A_146 by %roll3A_166 dim 1 : vector<20x32x128xi32>, i32 -> vector<20x32x128xi32>
    %roll3A_168 = arith.constant 4 : i32
    %roll3A_169 = tpu.dynamic_rotate %select_n3A_146 by %roll3A_168 dim 1 : vector<20x32x128xi32>, i32 -> vector<20x32x128xi32>
    %broadcast_in_dim3A_170 = vector.shape_cast %eq3A_153 : vector<1x32x128xi1> to vector<1x32x128xi1>
    %broadcast_in_dim3A_171 = vector.broadcast %broadcast_in_dim3A_170 : vector<1x32x128xi1> to vector<20x32x128xi1>
    %select_n3A_172 = arith.select %broadcast_in_dim3A_171, %roll3A_167, %roll3A_169 : vector<20x32x128xi1>, vector<20x32x128xi32>
    %roll3A_173 = arith.constant 28 : i32
    %roll3A_174 = tpu.dynamic_rotate %select_n3A_147 by %roll3A_173 dim 1 : vector<20x32x128xi32>, i32 -> vector<20x32x128xi32>
    %roll3A_175 = arith.constant 4 : i32
    %roll3A_176 = tpu.dynamic_rotate %select_n3A_147 by %roll3A_175 dim 1 : vector<20x32x128xi32>, i32 -> vector<20x32x128xi32>
    %broadcast_in_dim3A_177 = vector.shape_cast %eq3A_153 : vector<1x32x128xi1> to vector<1x32x128xi1>
    %broadcast_in_dim3A_178 = vector.broadcast %broadcast_in_dim3A_177 : vector<1x32x128xi1> to vector<20x32x128xi1>
    %select_n3A_179 = arith.select %broadcast_in_dim3A_178, %roll3A_174, %roll3A_176 : vector<20x32x128xi1>, vector<20x32x128xi32>
    %gt3A_180 = arith.cmpi sgt, %select_n3A_172, %select_n3A_146 : vector<20x32x128xi32>
    %eq3A_181 = arith.cmpi eq, %select_n3A_172, %select_n3A_146 : vector<20x32x128xi32>
    %lt3A_182 = arith.cmpi slt, %select_n3A_179, %select_n3A_147 : vector<20x32x128xi32>
    %and3A_183 = arith.andi %eq3A_181, %lt3A_182 : vector<20x32x128xi1>
    %or3A_184 = arith.ori %gt3A_180, %and3A_183 : vector<20x32x128xi1>
    %eq3A_185 = vector.broadcast %eq3A_165 : vector<1x32x128xi1> to vector<20x32x128xi1>
    %eq3A_186 = vector.broadcast %eq3A_185 : vector<20x32x128xi1> to vector<20x32x128xi1>
    %eq3A_187 = arith.xori %or3A_184, %eq3A_186 : vector<20x32x128xi1>
    %eq3A_188 = arith.constant dense<true> : vector<20x32x128xi1>
    %eq3A_189 = arith.xori %eq3A_187, %eq3A_188 : vector<20x32x128xi1>
    %select_n3A_190 = arith.select %eq3A_189, %select_n3A_172, %select_n3A_146 : vector<20x32x128xi1>, vector<20x32x128xi32>
    %select_n3A_191 = arith.select %eq3A_189, %select_n3A_179, %select_n3A_147 : vector<20x32x128xi1>, vector<20x32x128xi32>
    %and3A_192 = arith.constant 2 : i32
    %and3A_193 = vector.broadcast %and3A_192 : i32 to vector<1x32x128xi32>
    %and3A_194 = arith.andi %add3A, %and3A_193 : vector<1x32x128xi32>
    %eq3A_195 = arith.constant 0 : i32
    %eq3A_196 = vector.broadcast %eq3A_195 : i32 to vector<1x32x128xi32>
    %eq3A_197 = arith.cmpi eq, %and3A_194, %eq3A_196 : vector<1x32x128xi32>
    %shift_right_arithmetic3A_198 = arith.constant 3 : i32
    %shift_right_arithmetic3A_199 = vector.broadcast %shift_right_arithmetic3A_198 : i32 to vector<1x32x128xi32>
    %shift_right_arithmetic3A_200 = arith.shrsi %add3A, %shift_right_arithmetic3A_199 : vector<1x32x128xi32>
    %and3A_201 = arith.constant 1 : i32
    %and3A_202 = vector.broadcast %and3A_201 : i32 to vector<1x32x128xi32>
    %and3A_203 = arith.andi %shift_right_arithmetic3A_200, %and3A_202 : vector<1x32x128xi32>
    %eq3A_204 = arith.constant 0 : i32
    %eq3A_205 = vector.broadcast %eq3A_204 : i32 to vector<1x32x128xi32>
    %eq3A_206 = arith.cmpi eq, %and3A_203, %eq3A_205 : vector<1x32x128xi32>
    %eq3A_207 = arith.xori %eq3A_197, %eq3A_206 : vector<1x32x128xi1>
    %eq3A_208 = arith.constant dense<true> : vector<1x32x128xi1>
    %eq3A_209 = arith.xori %eq3A_207, %eq3A_208 : vector<1x32x128xi1>
    %roll3A_210 = arith.constant 30 : i32
    %roll3A_211 = tpu.dynamic_rotate %select_n3A_190 by %roll3A_210 dim 1 : vector<20x32x128xi32>, i32 -> vector<20x32x128xi32>
    %roll3A_212 = arith.constant 2 : i32
    %roll3A_213 = tpu.dynamic_rotate %select_n3A_190 by %roll3A_212 dim 1 : vector<20x32x128xi32>, i32 -> vector<20x32x128xi32>
    %broadcast_in_dim3A_214 = vector.shape_cast %eq3A_197 : vector<1x32x128xi1> to vector<1x32x128xi1>
    %broadcast_in_dim3A_215 = vector.broadcast %broadcast_in_dim3A_214 : vector<1x32x128xi1> to vector<20x32x128xi1>
    %select_n3A_216 = arith.select %broadcast_in_dim3A_215, %roll3A_211, %roll3A_213 : vector<20x32x128xi1>, vector<20x32x128xi32>
    %roll3A_217 = arith.constant 30 : i32
    %roll3A_218 = tpu.dynamic_rotate %select_n3A_191 by %roll3A_217 dim 1 : vector<20x32x128xi32>, i32 -> vector<20x32x128xi32>
    %roll3A_219 = arith.constant 2 : i32
    %roll3A_220 = tpu.dynamic_rotate %select_n3A_191 by %roll3A_219 dim 1 : vector<20x32x128xi32>, i32 -> vector<20x32x128xi32>
    %broadcast_in_dim3A_221 = vector.shape_cast %eq3A_197 : vector<1x32x128xi1> to vector<1x32x128xi1>
    %broadcast_in_dim3A_222 = vector.broadcast %broadcast_in_dim3A_221 : vector<1x32x128xi1> to vector<20x32x128xi1>
    %select_n3A_223 = arith.select %broadcast_in_dim3A_222, %roll3A_218, %roll3A_220 : vector<20x32x128xi1>, vector<20x32x128xi32>
    %gt3A_224 = arith.cmpi sgt, %select_n3A_216, %select_n3A_190 : vector<20x32x128xi32>
    %eq3A_225 = arith.cmpi eq, %select_n3A_216, %select_n3A_190 : vector<20x32x128xi32>
    %lt3A_226 = arith.cmpi slt, %select_n3A_223, %select_n3A_191 : vector<20x32x128xi32>
    %and3A_227 = arith.andi %eq3A_225, %lt3A_226 : vector<20x32x128xi1>
    %or3A_228 = arith.ori %gt3A_224, %and3A_227 : vector<20x32x128xi1>
    %eq3A_229 = vector.broadcast %eq3A_209 : vector<1x32x128xi1> to vector<20x32x128xi1>
    %eq3A_230 = vector.broadcast %eq3A_229 : vector<20x32x128xi1> to vector<20x32x128xi1>
    %eq3A_231 = arith.xori %or3A_228, %eq3A_230 : vector<20x32x128xi1>
    %eq3A_232 = arith.constant dense<true> : vector<20x32x128xi1>
    %eq3A_233 = arith.xori %eq3A_231, %eq3A_232 : vector<20x32x128xi1>
    %select_n3A_234 = arith.select %eq3A_233, %select_n3A_216, %select_n3A_190 : vector<20x32x128xi1>, vector<20x32x128xi32>
    %select_n3A_235 = arith.select %eq3A_233, %select_n3A_223, %select_n3A_191 : vector<20x32x128xi1>, vector<20x32x128xi32>
    %and3A_236 = arith.constant 1 : i32
    %and3A_237 = vector.broadcast %and3A_236 : i32 to vector<1x32x128xi32>
    %and3A_238 = arith.andi %add3A, %and3A_237 : vector<1x32x128xi32>
    %eq3A_239 = arith.constant 0 : i32
    %eq3A_240 = vector.broadcast %eq3A_239 : i32 to vector<1x32x128xi32>
    %eq3A_241 = arith.cmpi eq, %and3A_238, %eq3A_240 : vector<1x32x128xi32>
    %shift_right_arithmetic3A_242 = arith.constant 3 : i32
    %shift_right_arithmetic3A_243 = vector.broadcast %shift_right_arithmetic3A_242 : i32 to vector<1x32x128xi32>
    %shift_right_arithmetic3A_244 = arith.shrsi %add3A, %shift_right_arithmetic3A_243 : vector<1x32x128xi32>
    %and3A_245 = arith.constant 1 : i32
    %and3A_246 = vector.broadcast %and3A_245 : i32 to vector<1x32x128xi32>
    %and3A_247 = arith.andi %shift_right_arithmetic3A_244, %and3A_246 : vector<1x32x128xi32>
    %eq3A_248 = arith.constant 0 : i32
    %eq3A_249 = vector.broadcast %eq3A_248 : i32 to vector<1x32x128xi32>
    %eq3A_250 = arith.cmpi eq, %and3A_247, %eq3A_249 : vector<1x32x128xi32>
    %eq3A_251 = arith.xori %eq3A_241, %eq3A_250 : vector<1x32x128xi1>
    %eq3A_252 = arith.constant dense<true> : vector<1x32x128xi1>
    %eq3A_253 = arith.xori %eq3A_251, %eq3A_252 : vector<1x32x128xi1>
    %roll3A_254 = arith.constant 31 : i32
    %roll3A_255 = tpu.dynamic_rotate %select_n3A_234 by %roll3A_254 dim 1 : vector<20x32x128xi32>, i32 -> vector<20x32x128xi32>
    %roll3A_256 = arith.constant 1 : i32
    %roll3A_257 = tpu.dynamic_rotate %select_n3A_234 by %roll3A_256 dim 1 : vector<20x32x128xi32>, i32 -> vector<20x32x128xi32>
    %broadcast_in_dim3A_258 = vector.shape_cast %eq3A_241 : vector<1x32x128xi1> to vector<1x32x128xi1>
    %broadcast_in_dim3A_259 = vector.broadcast %broadcast_in_dim3A_258 : vector<1x32x128xi1> to vector<20x32x128xi1>
    %select_n3A_260 = arith.select %broadcast_in_dim3A_259, %roll3A_255, %roll3A_257 : vector<20x32x128xi1>, vector<20x32x128xi32>
    %roll3A_261 = arith.constant 31 : i32
    %roll3A_262 = tpu.dynamic_rotate %select_n3A_235 by %roll3A_261 dim 1 : vector<20x32x128xi32>, i32 -> vector<20x32x128xi32>
    %roll3A_263 = arith.constant 1 : i32
    %roll3A_264 = tpu.dynamic_rotate %select_n3A_235 by %roll3A_263 dim 1 : vector<20x32x128xi32>, i32 -> vector<20x32x128xi32>
    %broadcast_in_dim3A_265 = vector.shape_cast %eq3A_241 : vector<1x32x128xi1> to vector<1x32x128xi1>
    %broadcast_in_dim3A_266 = vector.broadcast %broadcast_in_dim3A_265 : vector<1x32x128xi1> to vector<20x32x128xi1>
    %select_n3A_267 = arith.select %broadcast_in_dim3A_266, %roll3A_262, %roll3A_264 : vector<20x32x128xi1>, vector<20x32x128xi32>
    %gt3A_268 = arith.cmpi sgt, %select_n3A_260, %select_n3A_234 : vector<20x32x128xi32>
    %eq3A_269 = arith.cmpi eq, %select_n3A_260, %select_n3A_234 : vector<20x32x128xi32>
    %lt3A_270 = arith.cmpi slt, %select_n3A_267, %select_n3A_235 : vector<20x32x128xi32>
    %and3A_271 = arith.andi %eq3A_269, %lt3A_270 : vector<20x32x128xi1>
    %or3A_272 = arith.ori %gt3A_268, %and3A_271 : vector<20x32x128xi1>
    %eq3A_273 = vector.broadcast %eq3A_253 : vector<1x32x128xi1> to vector<20x32x128xi1>
    %eq3A_274 = vector.broadcast %eq3A_273 : vector<20x32x128xi1> to vector<20x32x128xi1>
    %eq3A_275 = arith.xori %or3A_272, %eq3A_274 : vector<20x32x128xi1>
    %eq3A_276 = arith.constant dense<true> : vector<20x32x128xi1>
    %eq3A_277 = arith.xori %eq3A_275, %eq3A_276 : vector<20x32x128xi1>
    %select_n3A_278 = arith.select %eq3A_277, %select_n3A_260, %select_n3A_234 : vector<20x32x128xi1>, vector<20x32x128xi32>
    %select_n3A_279 = arith.select %eq3A_277, %select_n3A_267, %select_n3A_235 : vector<20x32x128xi1>, vector<20x32x128xi32>
    %and3A_280 = arith.constant 8 : i32
    %and3A_281 = vector.broadcast %and3A_280 : i32 to vector<1x32x128xi32>
    %and3A_282 = arith.andi %add3A, %and3A_281 : vector<1x32x128xi32>
    %eq3A_283 = arith.constant 0 : i32
    %eq3A_284 = vector.broadcast %eq3A_283 : i32 to vector<1x32x128xi32>
    %eq3A_285 = arith.cmpi eq, %and3A_282, %eq3A_284 : vector<1x32x128xi32>
    %shift_right_arithmetic3A_286 = arith.constant 4 : i32
    %shift_right_arithmetic3A_287 = vector.broadcast %shift_right_arithmetic3A_286 : i32 to vector<1x32x128xi32>
    %shift_right_arithmetic3A_288 = arith.shrsi %add3A, %shift_right_arithmetic3A_287 : vector<1x32x128xi32>
    %and3A_289 = arith.constant 1 : i32
    %and3A_290 = vector.broadcast %and3A_289 : i32 to vector<1x32x128xi32>
    %and3A_291 = arith.andi %shift_right_arithmetic3A_288, %and3A_290 : vector<1x32x128xi32>
    %eq3A_292 = arith.constant 0 : i32
    %eq3A_293 = vector.broadcast %eq3A_292 : i32 to vector<1x32x128xi32>
    %eq3A_294 = arith.cmpi eq, %and3A_291, %eq3A_293 : vector<1x32x128xi32>
    %eq3A_295 = arith.xori %eq3A_285, %eq3A_294 : vector<1x32x128xi1>
    %eq3A_296 = arith.constant dense<true> : vector<1x32x128xi1>
    %eq3A_297 = arith.xori %eq3A_295, %eq3A_296 : vector<1x32x128xi1>
    %roll3A_298 = arith.constant 24 : i32
    %roll3A_299 = tpu.dynamic_rotate %select_n3A_278 by %roll3A_298 dim 1 : vector<20x32x128xi32>, i32 -> vector<20x32x128xi32>
    %roll3A_300 = arith.constant 8 : i32
    %roll3A_301 = tpu.dynamic_rotate %select_n3A_278 by %roll3A_300 dim 1 : vector<20x32x128xi32>, i32 -> vector<20x32x128xi32>
    %broadcast_in_dim3A_302 = vector.shape_cast %eq3A_285 : vector<1x32x128xi1> to vector<1x32x128xi1>
    %broadcast_in_dim3A_303 = vector.broadcast %broadcast_in_dim3A_302 : vector<1x32x128xi1> to vector<20x32x128xi1>
    %select_n3A_304 = arith.select %broadcast_in_dim3A_303, %roll3A_299, %roll3A_301 : vector<20x32x128xi1>, vector<20x32x128xi32>
    %roll3A_305 = arith.constant 24 : i32
    %roll3A_306 = tpu.dynamic_rotate %select_n3A_279 by %roll3A_305 dim 1 : vector<20x32x128xi32>, i32 -> vector<20x32x128xi32>
    %roll3A_307 = arith.constant 8 : i32
    %roll3A_308 = tpu.dynamic_rotate %select_n3A_279 by %roll3A_307 dim 1 : vector<20x32x128xi32>, i32 -> vector<20x32x128xi32>
    %broadcast_in_dim3A_309 = vector.shape_cast %eq3A_285 : vector<1x32x128xi1> to vector<1x32x128xi1>
    %broadcast_in_dim3A_310 = vector.broadcast %broadcast_in_dim3A_309 : vector<1x32x128xi1> to vector<20x32x128xi1>
    %select_n3A_311 = arith.select %broadcast_in_dim3A_310, %roll3A_306, %roll3A_308 : vector<20x32x128xi1>, vector<20x32x128xi32>
    %gt3A_312 = arith.cmpi sgt, %select_n3A_304, %select_n3A_278 : vector<20x32x128xi32>
    %eq3A_313 = arith.cmpi eq, %select_n3A_304, %select_n3A_278 : vector<20x32x128xi32>
    %lt3A_314 = arith.cmpi slt, %select_n3A_311, %select_n3A_279 : vector<20x32x128xi32>
    %and3A_315 = arith.andi %eq3A_313, %lt3A_314 : vector<20x32x128xi1>
    %or3A_316 = arith.ori %gt3A_312, %and3A_315 : vector<20x32x128xi1>
    %eq3A_317 = vector.broadcast %eq3A_297 : vector<1x32x128xi1> to vector<20x32x128xi1>
    %eq3A_318 = vector.broadcast %eq3A_317 : vector<20x32x128xi1> to vector<20x32x128xi1>
    %eq3A_319 = arith.xori %or3A_316, %eq3A_318 : vector<20x32x128xi1>
    %eq3A_320 = arith.constant dense<true> : vector<20x32x128xi1>
    %eq3A_321 = arith.xori %eq3A_319, %eq3A_320 : vector<20x32x128xi1>
    %select_n3A_322 = arith.select %eq3A_321, %select_n3A_304, %select_n3A_278 : vector<20x32x128xi1>, vector<20x32x128xi32>
    %select_n3A_323 = arith.select %eq3A_321, %select_n3A_311, %select_n3A_279 : vector<20x32x128xi1>, vector<20x32x128xi32>
    %and3A_324 = arith.constant 4 : i32
    %and3A_325 = vector.broadcast %and3A_324 : i32 to vector<1x32x128xi32>
    %and3A_326 = arith.andi %add3A, %and3A_325 : vector<1x32x128xi32>
    %eq3A_327 = arith.constant 0 : i32
    %eq3A_328 = vector.broadcast %eq3A_327 : i32 to vector<1x32x128xi32>
    %eq3A_329 = arith.cmpi eq, %and3A_326, %eq3A_328 : vector<1x32x128xi32>
    %shift_right_arithmetic3A_330 = arith.constant 4 : i32
    %shift_right_arithmetic3A_331 = vector.broadcast %shift_right_arithmetic3A_330 : i32 to vector<1x32x128xi32>
    %shift_right_arithmetic3A_332 = arith.shrsi %add3A, %shift_right_arithmetic3A_331 : vector<1x32x128xi32>
    %and3A_333 = arith.constant 1 : i32
    %and3A_334 = vector.broadcast %and3A_333 : i32 to vector<1x32x128xi32>
    %and3A_335 = arith.andi %shift_right_arithmetic3A_332, %and3A_334 : vector<1x32x128xi32>
    %eq3A_336 = arith.constant 0 : i32
    %eq3A_337 = vector.broadcast %eq3A_336 : i32 to vector<1x32x128xi32>
    %eq3A_338 = arith.cmpi eq, %and3A_335, %eq3A_337 : vector<1x32x128xi32>
    %eq3A_339 = arith.xori %eq3A_329, %eq3A_338 : vector<1x32x128xi1>
    %eq3A_340 = arith.constant dense<true> : vector<1x32x128xi1>
    %eq3A_341 = arith.xori %eq3A_339, %eq3A_340 : vector<1x32x128xi1>
    %roll3A_342 = arith.constant 28 : i32
    %roll3A_343 = tpu.dynamic_rotate %select_n3A_322 by %roll3A_342 dim 1 : vector<20x32x128xi32>, i32 -> vector<20x32x128xi32>
    %roll3A_344 = arith.constant 4 : i32
    %roll3A_345 = tpu.dynamic_rotate %select_n3A_322 by %roll3A_344 dim 1 : vector<20x32x128xi32>, i32 -> vector<20x32x128xi32>
    %broadcast_in_dim3A_346 = vector.shape_cast %eq3A_329 : vector<1x32x128xi1> to vector<1x32x128xi1>
    %broadcast_in_dim3A_347 = vector.broadcast %broadcast_in_dim3A_346 : vector<1x32x128xi1> to vector<20x32x128xi1>
    %select_n3A_348 = arith.select %broadcast_in_dim3A_347, %roll3A_343, %roll3A_345 : vector<20x32x128xi1>, vector<20x32x128xi32>
    %roll3A_349 = arith.constant 28 : i32
    %roll3A_350 = tpu.dynamic_rotate %select_n3A_323 by %roll3A_349 dim 1 : vector<20x32x128xi32>, i32 -> vector<20x32x128xi32>
    %roll3A_351 = arith.constant 4 : i32
    %roll3A_352 = tpu.dynamic_rotate %select_n3A_323 by %roll3A_351 dim 1 : vector<20x32x128xi32>, i32 -> vector<20x32x128xi32>
    %broadcast_in_dim3A_353 = vector.shape_cast %eq3A_329 : vector<1x32x128xi1> to vector<1x32x128xi1>
    %broadcast_in_dim3A_354 = vector.broadcast %broadcast_in_dim3A_353 : vector<1x32x128xi1> to vector<20x32x128xi1>
    %select_n3A_355 = arith.select %broadcast_in_dim3A_354, %roll3A_350, %roll3A_352 : vector<20x32x128xi1>, vector<20x32x128xi32>
    %gt3A_356 = arith.cmpi sgt, %select_n3A_348, %select_n3A_322 : vector<20x32x128xi32>
    %eq3A_357 = arith.cmpi eq, %select_n3A_348, %select_n3A_322 : vector<20x32x128xi32>
    %lt3A_358 = arith.cmpi slt, %select_n3A_355, %select_n3A_323 : vector<20x32x128xi32>
    %and3A_359 = arith.andi %eq3A_357, %lt3A_358 : vector<20x32x128xi1>
    %or3A_360 = arith.ori %gt3A_356, %and3A_359 : vector<20x32x128xi1>
    %eq3A_361 = vector.broadcast %eq3A_341 : vector<1x32x128xi1> to vector<20x32x128xi1>
    %eq3A_362 = vector.broadcast %eq3A_361 : vector<20x32x128xi1> to vector<20x32x128xi1>
    %eq3A_363 = arith.xori %or3A_360, %eq3A_362 : vector<20x32x128xi1>
    %eq3A_364 = arith.constant dense<true> : vector<20x32x128xi1>
    %eq3A_365 = arith.xori %eq3A_363, %eq3A_364 : vector<20x32x128xi1>
    %select_n3A_366 = arith.select %eq3A_365, %select_n3A_348, %select_n3A_322 : vector<20x32x128xi1>, vector<20x32x128xi32>
    %select_n3A_367 = arith.select %eq3A_365, %select_n3A_355, %select_n3A_323 : vector<20x32x128xi1>, vector<20x32x128xi32>
    %and3A_368 = arith.constant 2 : i32
    %and3A_369 = vector.broadcast %and3A_368 : i32 to vector<1x32x128xi32>
    %and3A_370 = arith.andi %add3A, %and3A_369 : vector<1x32x128xi32>
    %eq3A_371 = arith.constant 0 : i32
    %eq3A_372 = vector.broadcast %eq3A_371 : i32 to vector<1x32x128xi32>
    %eq3A_373 = arith.cmpi eq, %and3A_370, %eq3A_372 : vector<1x32x128xi32>
    %shift_right_arithmetic3A_374 = arith.constant 4 : i32
    %shift_right_arithmetic3A_375 = vector.broadcast %shift_right_arithmetic3A_374 : i32 to vector<1x32x128xi32>
    %shift_right_arithmetic3A_376 = arith.shrsi %add3A, %shift_right_arithmetic3A_375 : vector<1x32x128xi32>
    %and3A_377 = arith.constant 1 : i32
    %and3A_378 = vector.broadcast %and3A_377 : i32 to vector<1x32x128xi32>
    %and3A_379 = arith.andi %shift_right_arithmetic3A_376, %and3A_378 : vector<1x32x128xi32>
    %eq3A_380 = arith.constant 0 : i32
    %eq3A_381 = vector.broadcast %eq3A_380 : i32 to vector<1x32x128xi32>
    %eq3A_382 = arith.cmpi eq, %and3A_379, %eq3A_381 : vector<1x32x128xi32>
    %eq3A_383 = arith.xori %eq3A_373, %eq3A_382 : vector<1x32x128xi1>
    %eq3A_384 = arith.constant dense<true> : vector<1x32x128xi1>
    %eq3A_385 = arith.xori %eq3A_383, %eq3A_384 : vector<1x32x128xi1>
    %roll3A_386 = arith.constant 30 : i32
    %roll3A_387 = tpu.dynamic_rotate %select_n3A_366 by %roll3A_386 dim 1 : vector<20x32x128xi32>, i32 -> vector<20x32x128xi32>
    %roll3A_388 = arith.constant 2 : i32
    %roll3A_389 = tpu.dynamic_rotate %select_n3A_366 by %roll3A_388 dim 1 : vector<20x32x128xi32>, i32 -> vector<20x32x128xi32>
    %broadcast_in_dim3A_390 = vector.shape_cast %eq3A_373 : vector<1x32x128xi1> to vector<1x32x128xi1>
    %broadcast_in_dim3A_391 = vector.broadcast %broadcast_in_dim3A_390 : vector<1x32x128xi1> to vector<20x32x128xi1>
    %select_n3A_392 = arith.select %broadcast_in_dim3A_391, %roll3A_387, %roll3A_389 : vector<20x32x128xi1>, vector<20x32x128xi32>
    %roll3A_393 = arith.constant 30 : i32
    %roll3A_394 = tpu.dynamic_rotate %select_n3A_367 by %roll3A_393 dim 1 : vector<20x32x128xi32>, i32 -> vector<20x32x128xi32>
    %roll3A_395 = arith.constant 2 : i32
    %roll3A_396 = tpu.dynamic_rotate %select_n3A_367 by %roll3A_395 dim 1 : vector<20x32x128xi32>, i32 -> vector<20x32x128xi32>
    %broadcast_in_dim3A_397 = vector.shape_cast %eq3A_373 : vector<1x32x128xi1> to vector<1x32x128xi1>
    %broadcast_in_dim3A_398 = vector.broadcast %broadcast_in_dim3A_397 : vector<1x32x128xi1> to vector<20x32x128xi1>
    %select_n3A_399 = arith.select %broadcast_in_dim3A_398, %roll3A_394, %roll3A_396 : vector<20x32x128xi1>, vector<20x32x128xi32>
    %gt3A_400 = arith.cmpi sgt, %select_n3A_392, %select_n3A_366 : vector<20x32x128xi32>
    %eq3A_401 = arith.cmpi eq, %select_n3A_392, %select_n3A_366 : vector<20x32x128xi32>
    %lt3A_402 = arith.cmpi slt, %select_n3A_399, %select_n3A_367 : vector<20x32x128xi32>
    %and3A_403 = arith.andi %eq3A_401, %lt3A_402 : vector<20x32x128xi1>
    %or3A_404 = arith.ori %gt3A_400, %and3A_403 : vector<20x32x128xi1>
    %eq3A_405 = vector.broadcast %eq3A_385 : vector<1x32x128xi1> to vector<20x32x128xi1>
    %eq3A_406 = vector.broadcast %eq3A_405 : vector<20x32x128xi1> to vector<20x32x128xi1>
    %eq3A_407 = arith.xori %or3A_404, %eq3A_406 : vector<20x32x128xi1>
    %eq3A_408 = arith.constant dense<true> : vector<20x32x128xi1>
    %eq3A_409 = arith.xori %eq3A_407, %eq3A_408 : vector<20x32x128xi1>
    %select_n3A_410 = arith.select %eq3A_409, %select_n3A_392, %select_n3A_366 : vector<20x32x128xi1>, vector<20x32x128xi32>
    %select_n3A_411 = arith.select %eq3A_409, %select_n3A_399, %select_n3A_367 : vector<20x32x128xi1>, vector<20x32x128xi32>
    %and3A_412 = arith.constant 1 : i32
    %and3A_413 = vector.broadcast %and3A_412 : i32 to vector<1x32x128xi32>
    %and3A_414 = arith.andi %add3A, %and3A_413 : vector<1x32x128xi32>
    %eq3A_415 = arith.constant 0 : i32
    %eq3A_416 = vector.broadcast %eq3A_415 : i32 to vector<1x32x128xi32>
    %eq3A_417 = arith.cmpi eq, %and3A_414, %eq3A_416 : vector<1x32x128xi32>
    %shift_right_arithmetic3A_418 = arith.constant 4 : i32
    %shift_right_arithmetic3A_419 = vector.broadcast %shift_right_arithmetic3A_418 : i32 to vector<1x32x128xi32>
    %shift_right_arithmetic3A_420 = arith.shrsi %add3A, %shift_right_arithmetic3A_419 : vector<1x32x128xi32>
    %and3A_421 = arith.constant 1 : i32
    %and3A_422 = vector.broadcast %and3A_421 : i32 to vector<1x32x128xi32>
    %and3A_423 = arith.andi %shift_right_arithmetic3A_420, %and3A_422 : vector<1x32x128xi32>
    %eq3A_424 = arith.constant 0 : i32
    %eq3A_425 = vector.broadcast %eq3A_424 : i32 to vector<1x32x128xi32>
    %eq3A_426 = arith.cmpi eq, %and3A_423, %eq3A_425 : vector<1x32x128xi32>
    %eq3A_427 = arith.xori %eq3A_417, %eq3A_426 : vector<1x32x128xi1>
    %eq3A_428 = arith.constant dense<true> : vector<1x32x128xi1>
    %eq3A_429 = arith.xori %eq3A_427, %eq3A_428 : vector<1x32x128xi1>
    %roll3A_430 = arith.constant 31 : i32
    %roll3A_431 = tpu.dynamic_rotate %select_n3A_410 by %roll3A_430 dim 1 : vector<20x32x128xi32>, i32 -> vector<20x32x128xi32>
    %roll3A_432 = arith.constant 1 : i32
    %roll3A_433 = tpu.dynamic_rotate %select_n3A_410 by %roll3A_432 dim 1 : vector<20x32x128xi32>, i32 -> vector<20x32x128xi32>
    %broadcast_in_dim3A_434 = vector.shape_cast %eq3A_417 : vector<1x32x128xi1> to vector<1x32x128xi1>
    %broadcast_in_dim3A_435 = vector.broadcast %broadcast_in_dim3A_434 : vector<1x32x128xi1> to vector<20x32x128xi1>
    %select_n3A_436 = arith.select %broadcast_in_dim3A_435, %roll3A_431, %roll3A_433 : vector<20x32x128xi1>, vector<20x32x128xi32>
    %roll3A_437 = arith.constant 31 : i32
    %roll3A_438 = tpu.dynamic_rotate %select_n3A_411 by %roll3A_437 dim 1 : vector<20x32x128xi32>, i32 -> vector<20x32x128xi32>
    %roll3A_439 = arith.constant 1 : i32
    %roll3A_440 = tpu.dynamic_rotate %select_n3A_411 by %roll3A_439 dim 1 : vector<20x32x128xi32>, i32 -> vector<20x32x128xi32>
    %broadcast_in_dim3A_441 = vector.shape_cast %eq3A_417 : vector<1x32x128xi1> to vector<1x32x128xi1>
    %broadcast_in_dim3A_442 = vector.broadcast %broadcast_in_dim3A_441 : vector<1x32x128xi1> to vector<20x32x128xi1>
    %select_n3A_443 = arith.select %broadcast_in_dim3A_442, %roll3A_438, %roll3A_440 : vector<20x32x128xi1>, vector<20x32x128xi32>
    %gt3A_444 = arith.cmpi sgt, %select_n3A_436, %select_n3A_410 : vector<20x32x128xi32>
    %eq3A_445 = arith.cmpi eq, %select_n3A_436, %select_n3A_410 : vector<20x32x128xi32>
    %lt3A_446 = arith.cmpi slt, %select_n3A_443, %select_n3A_411 : vector<20x32x128xi32>
    %and3A_447 = arith.andi %eq3A_445, %lt3A_446 : vector<20x32x128xi1>
    %or3A_448 = arith.ori %gt3A_444, %and3A_447 : vector<20x32x128xi1>
    %eq3A_449 = vector.broadcast %eq3A_429 : vector<1x32x128xi1> to vector<20x32x128xi1>
    %eq3A_450 = vector.broadcast %eq3A_449 : vector<20x32x128xi1> to vector<20x32x128xi1>
    %eq3A_451 = arith.xori %or3A_448, %eq3A_450 : vector<20x32x128xi1>
    %eq3A_452 = arith.constant dense<true> : vector<20x32x128xi1>
    %eq3A_453 = arith.xori %eq3A_451, %eq3A_452 : vector<20x32x128xi1>
    %select_n3A_454 = arith.select %eq3A_453, %select_n3A_436, %select_n3A_410 : vector<20x32x128xi1>, vector<20x32x128xi32>
    %select_n3A_455 = arith.select %eq3A_453, %select_n3A_443, %select_n3A_411 : vector<20x32x128xi1>, vector<20x32x128xi32>
    %and3A_456 = arith.constant 16 : i32
    %and3A_457 = vector.broadcast %and3A_456 : i32 to vector<1x32x128xi32>
    %and3A_458 = arith.andi %add3A, %and3A_457 : vector<1x32x128xi32>
    %eq3A_459 = arith.constant 0 : i32
    %eq3A_460 = vector.broadcast %eq3A_459 : i32 to vector<1x32x128xi32>
    %eq3A_461 = arith.cmpi eq, %and3A_458, %eq3A_460 : vector<1x32x128xi32>
    %shift_right_arithmetic3A_462 = arith.constant 5 : i32
    %shift_right_arithmetic3A_463 = vector.broadcast %shift_right_arithmetic3A_462 : i32 to vector<1x32x128xi32>
    %shift_right_arithmetic3A_464 = arith.shrsi %add3A, %shift_right_arithmetic3A_463 : vector<1x32x128xi32>
    %and3A_465 = arith.constant 1 : i32
    %and3A_466 = vector.broadcast %and3A_465 : i32 to vector<1x32x128xi32>
    %and3A_467 = arith.andi %shift_right_arithmetic3A_464, %and3A_466 : vector<1x32x128xi32>
    %eq3A_468 = arith.constant 0 : i32
    %eq3A_469 = vector.broadcast %eq3A_468 : i32 to vector<1x32x128xi32>
    %eq3A_470 = arith.cmpi eq, %and3A_467, %eq3A_469 : vector<1x32x128xi32>
    %eq3A_471 = arith.xori %eq3A_461, %eq3A_470 : vector<1x32x128xi1>
    %eq3A_472 = arith.constant dense<true> : vector<1x32x128xi1>
    %eq3A_473 = arith.xori %eq3A_471, %eq3A_472 : vector<1x32x128xi1>
    %roll3A_474 = arith.constant 16 : i32
    %roll3A_475 = tpu.dynamic_rotate %select_n3A_454 by %roll3A_474 dim 1 : vector<20x32x128xi32>, i32 -> vector<20x32x128xi32>
    %roll3A_476 = arith.constant 16 : i32
    %roll3A_477 = tpu.dynamic_rotate %select_n3A_454 by %roll3A_476 dim 1 : vector<20x32x128xi32>, i32 -> vector<20x32x128xi32>
    %broadcast_in_dim3A_478 = vector.shape_cast %eq3A_461 : vector<1x32x128xi1> to vector<1x32x128xi1>
    %broadcast_in_dim3A_479 = vector.broadcast %broadcast_in_dim3A_478 : vector<1x32x128xi1> to vector<20x32x128xi1>
    %select_n3A_480 = arith.select %broadcast_in_dim3A_479, %roll3A_475, %roll3A_477 : vector<20x32x128xi1>, vector<20x32x128xi32>
    %roll3A_481 = arith.constant 16 : i32
    %roll3A_482 = tpu.dynamic_rotate %select_n3A_455 by %roll3A_481 dim 1 : vector<20x32x128xi32>, i32 -> vector<20x32x128xi32>
    %roll3A_483 = arith.constant 16 : i32
    %roll3A_484 = tpu.dynamic_rotate %select_n3A_455 by %roll3A_483 dim 1 : vector<20x32x128xi32>, i32 -> vector<20x32x128xi32>
    %broadcast_in_dim3A_485 = vector.shape_cast %eq3A_461 : vector<1x32x128xi1> to vector<1x32x128xi1>
    %broadcast_in_dim3A_486 = vector.broadcast %broadcast_in_dim3A_485 : vector<1x32x128xi1> to vector<20x32x128xi1>
    %select_n3A_487 = arith.select %broadcast_in_dim3A_486, %roll3A_482, %roll3A_484 : vector<20x32x128xi1>, vector<20x32x128xi32>
    %gt3A_488 = arith.cmpi sgt, %select_n3A_480, %select_n3A_454 : vector<20x32x128xi32>
    %eq3A_489 = arith.cmpi eq, %select_n3A_480, %select_n3A_454 : vector<20x32x128xi32>
    %lt3A_490 = arith.cmpi slt, %select_n3A_487, %select_n3A_455 : vector<20x32x128xi32>
    %and3A_491 = arith.andi %eq3A_489, %lt3A_490 : vector<20x32x128xi1>
    %or3A_492 = arith.ori %gt3A_488, %and3A_491 : vector<20x32x128xi1>
    %eq3A_493 = vector.broadcast %eq3A_473 : vector<1x32x128xi1> to vector<20x32x128xi1>
    %eq3A_494 = vector.broadcast %eq3A_493 : vector<20x32x128xi1> to vector<20x32x128xi1>
    %eq3A_495 = arith.xori %or3A_492, %eq3A_494 : vector<20x32x128xi1>
    %eq3A_496 = arith.constant dense<true> : vector<20x32x128xi1>
    %eq3A_497 = arith.xori %eq3A_495, %eq3A_496 : vector<20x32x128xi1>
    %select_n3A_498 = arith.select %eq3A_497, %select_n3A_480, %select_n3A_454 : vector<20x32x128xi1>, vector<20x32x128xi32>
    %select_n3A_499 = arith.select %eq3A_497, %select_n3A_487, %select_n3A_455 : vector<20x32x128xi1>, vector<20x32x128xi32>
    %and3A_500 = arith.constant 8 : i32
    %and3A_501 = vector.broadcast %and3A_500 : i32 to vector<1x32x128xi32>
    %and3A_502 = arith.andi %add3A, %and3A_501 : vector<1x32x128xi32>
    %eq3A_503 = arith.constant 0 : i32
    %eq3A_504 = vector.broadcast %eq3A_503 : i32 to vector<1x32x128xi32>
    %eq3A_505 = arith.cmpi eq, %and3A_502, %eq3A_504 : vector<1x32x128xi32>
    %shift_right_arithmetic3A_506 = arith.constant 5 : i32
    %shift_right_arithmetic3A_507 = vector.broadcast %shift_right_arithmetic3A_506 : i32 to vector<1x32x128xi32>
    %shift_right_arithmetic3A_508 = arith.shrsi %add3A, %shift_right_arithmetic3A_507 : vector<1x32x128xi32>
    %and3A_509 = arith.constant 1 : i32
    %and3A_510 = vector.broadcast %and3A_509 : i32 to vector<1x32x128xi32>
    %and3A_511 = arith.andi %shift_right_arithmetic3A_508, %and3A_510 : vector<1x32x128xi32>
    %eq3A_512 = arith.constant 0 : i32
    %eq3A_513 = vector.broadcast %eq3A_512 : i32 to vector<1x32x128xi32>
    %eq3A_514 = arith.cmpi eq, %and3A_511, %eq3A_513 : vector<1x32x128xi32>
    %eq3A_515 = arith.xori %eq3A_505, %eq3A_514 : vector<1x32x128xi1>
    %eq3A_516 = arith.constant dense<true> : vector<1x32x128xi1>
    %eq3A_517 = arith.xori %eq3A_515, %eq3A_516 : vector<1x32x128xi1>
    %roll3A_518 = arith.constant 24 : i32
    %roll3A_519 = tpu.dynamic_rotate %select_n3A_498 by %roll3A_518 dim 1 : vector<20x32x128xi32>, i32 -> vector<20x32x128xi32>
    %roll3A_520 = arith.constant 8 : i32
    %roll3A_521 = tpu.dynamic_rotate %select_n3A_498 by %roll3A_520 dim 1 : vector<20x32x128xi32>, i32 -> vector<20x32x128xi32>
    %broadcast_in_dim3A_522 = vector.shape_cast %eq3A_505 : vector<1x32x128xi1> to vector<1x32x128xi1>
    %broadcast_in_dim3A_523 = vector.broadcast %broadcast_in_dim3A_522 : vector<1x32x128xi1> to vector<20x32x128xi1>
    %select_n3A_524 = arith.select %broadcast_in_dim3A_523, %roll3A_519, %roll3A_521 : vector<20x32x128xi1>, vector<20x32x128xi32>
    %roll3A_525 = arith.constant 24 : i32
    %roll3A_526 = tpu.dynamic_rotate %select_n3A_499 by %roll3A_525 dim 1 : vector<20x32x128xi32>, i32 -> vector<20x32x128xi32>
    %roll3A_527 = arith.constant 8 : i32
    %roll3A_528 = tpu.dynamic_rotate %select_n3A_499 by %roll3A_527 dim 1 : vector<20x32x128xi32>, i32 -> vector<20x32x128xi32>
    %broadcast_in_dim3A_529 = vector.shape_cast %eq3A_505 : vector<1x32x128xi1> to vector<1x32x128xi1>
    %broadcast_in_dim3A_530 = vector.broadcast %broadcast_in_dim3A_529 : vector<1x32x128xi1> to vector<20x32x128xi1>
    %select_n3A_531 = arith.select %broadcast_in_dim3A_530, %roll3A_526, %roll3A_528 : vector<20x32x128xi1>, vector<20x32x128xi32>
    %gt3A_532 = arith.cmpi sgt, %select_n3A_524, %select_n3A_498 : vector<20x32x128xi32>
    %eq3A_533 = arith.cmpi eq, %select_n3A_524, %select_n3A_498 : vector<20x32x128xi32>
    %lt3A_534 = arith.cmpi slt, %select_n3A_531, %select_n3A_499 : vector<20x32x128xi32>
    %and3A_535 = arith.andi %eq3A_533, %lt3A_534 : vector<20x32x128xi1>
    %or3A_536 = arith.ori %gt3A_532, %and3A_535 : vector<20x32x128xi1>
    %eq3A_537 = vector.broadcast %eq3A_517 : vector<1x32x128xi1> to vector<20x32x128xi1>
    %eq3A_538 = vector.broadcast %eq3A_537 : vector<20x32x128xi1> to vector<20x32x128xi1>
    %eq3A_539 = arith.xori %or3A_536, %eq3A_538 : vector<20x32x128xi1>
    %eq3A_540 = arith.constant dense<true> : vector<20x32x128xi1>
    %eq3A_541 = arith.xori %eq3A_539, %eq3A_540 : vector<20x32x128xi1>
    %select_n3A_542 = arith.select %eq3A_541, %select_n3A_524, %select_n3A_498 : vector<20x32x128xi1>, vector<20x32x128xi32>
    %select_n3A_543 = arith.select %eq3A_541, %select_n3A_531, %select_n3A_499 : vector<20x32x128xi1>, vector<20x32x128xi32>
    %and3A_544 = arith.constant 4 : i32
    %and3A_545 = vector.broadcast %and3A_544 : i32 to vector<1x32x128xi32>
    %and3A_546 = arith.andi %add3A, %and3A_545 : vector<1x32x128xi32>
    %eq3A_547 = arith.constant 0 : i32
    %eq3A_548 = vector.broadcast %eq3A_547 : i32 to vector<1x32x128xi32>
    %eq3A_549 = arith.cmpi eq, %and3A_546, %eq3A_548 : vector<1x32x128xi32>
    %shift_right_arithmetic3A_550 = arith.constant 5 : i32
    %shift_right_arithmetic3A_551 = vector.broadcast %shift_right_arithmetic3A_550 : i32 to vector<1x32x128xi32>
    %shift_right_arithmetic3A_552 = arith.shrsi %add3A, %shift_right_arithmetic3A_551 : vector<1x32x128xi32>
    %and3A_553 = arith.constant 1 : i32
    %and3A_554 = vector.broadcast %and3A_553 : i32 to vector<1x32x128xi32>
    %and3A_555 = arith.andi %shift_right_arithmetic3A_552, %and3A_554 : vector<1x32x128xi32>
    %eq3A_556 = arith.constant 0 : i32
    %eq3A_557 = vector.broadcast %eq3A_556 : i32 to vector<1x32x128xi32>
    %eq3A_558 = arith.cmpi eq, %and3A_555, %eq3A_557 : vector<1x32x128xi32>
    %eq3A_559 = arith.xori %eq3A_549, %eq3A_558 : vector<1x32x128xi1>
    %eq3A_560 = arith.constant dense<true> : vector<1x32x128xi1>
    %eq3A_561 = arith.xori %eq3A_559, %eq3A_560 : vector<1x32x128xi1>
    %roll3A_562 = arith.constant 28 : i32
    %roll3A_563 = tpu.dynamic_rotate %select_n3A_542 by %roll3A_562 dim 1 : vector<20x32x128xi32>, i32 -> vector<20x32x128xi32>
    %roll3A_564 = arith.constant 4 : i32
    %roll3A_565 = tpu.dynamic_rotate %select_n3A_542 by %roll3A_564 dim 1 : vector<20x32x128xi32>, i32 -> vector<20x32x128xi32>
    %broadcast_in_dim3A_566 = vector.shape_cast %eq3A_549 : vector<1x32x128xi1> to vector<1x32x128xi1>
    %broadcast_in_dim3A_567 = vector.broadcast %broadcast_in_dim3A_566 : vector<1x32x128xi1> to vector<20x32x128xi1>
    %select_n3A_568 = arith.select %broadcast_in_dim3A_567, %roll3A_563, %roll3A_565 : vector<20x32x128xi1>, vector<20x32x128xi32>
    %roll3A_569 = arith.constant 28 : i32
    %roll3A_570 = tpu.dynamic_rotate %select_n3A_543 by %roll3A_569 dim 1 : vector<20x32x128xi32>, i32 -> vector<20x32x128xi32>
    %roll3A_571 = arith.constant 4 : i32
    %roll3A_572 = tpu.dynamic_rotate %select_n3A_543 by %roll3A_571 dim 1 : vector<20x32x128xi32>, i32 -> vector<20x32x128xi32>
    %broadcast_in_dim3A_573 = vector.shape_cast %eq3A_549 : vector<1x32x128xi1> to vector<1x32x128xi1>
    %broadcast_in_dim3A_574 = vector.broadcast %broadcast_in_dim3A_573 : vector<1x32x128xi1> to vector<20x32x128xi1>
    %select_n3A_575 = arith.select %broadcast_in_dim3A_574, %roll3A_570, %roll3A_572 : vector<20x32x128xi1>, vector<20x32x128xi32>
    %gt3A_576 = arith.cmpi sgt, %select_n3A_568, %select_n3A_542 : vector<20x32x128xi32>
    %eq3A_577 = arith.cmpi eq, %select_n3A_568, %select_n3A_542 : vector<20x32x128xi32>
    %lt3A_578 = arith.cmpi slt, %select_n3A_575, %select_n3A_543 : vector<20x32x128xi32>
    %and3A_579 = arith.andi %eq3A_577, %lt3A_578 : vector<20x32x128xi1>
    %or3A_580 = arith.ori %gt3A_576, %and3A_579 : vector<20x32x128xi1>
    %eq3A_581 = vector.broadcast %eq3A_561 : vector<1x32x128xi1> to vector<20x32x128xi1>
    %eq3A_582 = vector.broadcast %eq3A_581 : vector<20x32x128xi1> to vector<20x32x128xi1>
    %eq3A_583 = arith.xori %or3A_580, %eq3A_582 : vector<20x32x128xi1>
    %eq3A_584 = arith.constant dense<true> : vector<20x32x128xi1>
    %eq3A_585 = arith.xori %eq3A_583, %eq3A_584 : vector<20x32x128xi1>
    %select_n3A_586 = arith.select %eq3A_585, %select_n3A_568, %select_n3A_542 : vector<20x32x128xi1>, vector<20x32x128xi32>
    %select_n3A_587 = arith.select %eq3A_585, %select_n3A_575, %select_n3A_543 : vector<20x32x128xi1>, vector<20x32x128xi32>
    %and3A_588 = arith.constant 2 : i32
    %and3A_589 = vector.broadcast %and3A_588 : i32 to vector<1x32x128xi32>
    %and3A_590 = arith.andi %add3A, %and3A_589 : vector<1x32x128xi32>
    %eq3A_591 = arith.constant 0 : i32
    %eq3A_592 = vector.broadcast %eq3A_591 : i32 to vector<1x32x128xi32>
    %eq3A_593 = arith.cmpi eq, %and3A_590, %eq3A_592 : vector<1x32x128xi32>
    %shift_right_arithmetic3A_594 = arith.constant 5 : i32
    %shift_right_arithmetic3A_595 = vector.broadcast %shift_right_arithmetic3A_594 : i32 to vector<1x32x128xi32>
    %shift_right_arithmetic3A_596 = arith.shrsi %add3A, %shift_right_arithmetic3A_595 : vector<1x32x128xi32>
    %and3A_597 = arith.constant 1 : i32
    %and3A_598 = vector.broadcast %and3A_597 : i32 to vector<1x32x128xi32>
    %and3A_599 = arith.andi %shift_right_arithmetic3A_596, %and3A_598 : vector<1x32x128xi32>
    %eq3A_600 = arith.constant 0 : i32
    %eq3A_601 = vector.broadcast %eq3A_600 : i32 to vector<1x32x128xi32>
    %eq3A_602 = arith.cmpi eq, %and3A_599, %eq3A_601 : vector<1x32x128xi32>
    %eq3A_603 = arith.xori %eq3A_593, %eq3A_602 : vector<1x32x128xi1>
    %eq3A_604 = arith.constant dense<true> : vector<1x32x128xi1>
    %eq3A_605 = arith.xori %eq3A_603, %eq3A_604 : vector<1x32x128xi1>
    %roll3A_606 = arith.constant 30 : i32
    %roll3A_607 = tpu.dynamic_rotate %select_n3A_586 by %roll3A_606 dim 1 : vector<20x32x128xi32>, i32 -> vector<20x32x128xi32>
    %roll3A_608 = arith.constant 2 : i32
    %roll3A_609 = tpu.dynamic_rotate %select_n3A_586 by %roll3A_608 dim 1 : vector<20x32x128xi32>, i32 -> vector<20x32x128xi32>
    %broadcast_in_dim3A_610 = vector.shape_cast %eq3A_593 : vector<1x32x128xi1> to vector<1x32x128xi1>
    %broadcast_in_dim3A_611 = vector.broadcast %broadcast_in_dim3A_610 : vector<1x32x128xi1> to vector<20x32x128xi1>
    %select_n3A_612 = arith.select %broadcast_in_dim3A_611, %roll3A_607, %roll3A_609 : vector<20x32x128xi1>, vector<20x32x128xi32>
    %roll3A_613 = arith.constant 30 : i32
    %roll3A_614 = tpu.dynamic_rotate %select_n3A_587 by %roll3A_613 dim 1 : vector<20x32x128xi32>, i32 -> vector<20x32x128xi32>
    %roll3A_615 = arith.constant 2 : i32
    %roll3A_616 = tpu.dynamic_rotate %select_n3A_587 by %roll3A_615 dim 1 : vector<20x32x128xi32>, i32 -> vector<20x32x128xi32>
    %broadcast_in_dim3A_617 = vector.shape_cast %eq3A_593 : vector<1x32x128xi1> to vector<1x32x128xi1>
    %broadcast_in_dim3A_618 = vector.broadcast %broadcast_in_dim3A_617 : vector<1x32x128xi1> to vector<20x32x128xi1>
    %select_n3A_619 = arith.select %broadcast_in_dim3A_618, %roll3A_614, %roll3A_616 : vector<20x32x128xi1>, vector<20x32x128xi32>
    %gt3A_620 = arith.cmpi sgt, %select_n3A_612, %select_n3A_586 : vector<20x32x128xi32>
    %eq3A_621 = arith.cmpi eq, %select_n3A_612, %select_n3A_586 : vector<20x32x128xi32>
    %lt3A_622 = arith.cmpi slt, %select_n3A_619, %select_n3A_587 : vector<20x32x128xi32>
    %and3A_623 = arith.andi %eq3A_621, %lt3A_622 : vector<20x32x128xi1>
    %or3A_624 = arith.ori %gt3A_620, %and3A_623 : vector<20x32x128xi1>
    %eq3A_625 = vector.broadcast %eq3A_605 : vector<1x32x128xi1> to vector<20x32x128xi1>
    %eq3A_626 = vector.broadcast %eq3A_625 : vector<20x32x128xi1> to vector<20x32x128xi1>
    %eq3A_627 = arith.xori %or3A_624, %eq3A_626 : vector<20x32x128xi1>
    %eq3A_628 = arith.constant dense<true> : vector<20x32x128xi1>
    %eq3A_629 = arith.xori %eq3A_627, %eq3A_628 : vector<20x32x128xi1>
    %select_n3A_630 = arith.select %eq3A_629, %select_n3A_612, %select_n3A_586 : vector<20x32x128xi1>, vector<20x32x128xi32>
    %select_n3A_631 = arith.select %eq3A_629, %select_n3A_619, %select_n3A_587 : vector<20x32x128xi1>, vector<20x32x128xi32>
    %and3A_632 = arith.constant 1 : i32
    %and3A_633 = vector.broadcast %and3A_632 : i32 to vector<1x32x128xi32>
    %and3A_634 = arith.andi %add3A, %and3A_633 : vector<1x32x128xi32>
    %eq3A_635 = arith.constant 0 : i32
    %eq3A_636 = vector.broadcast %eq3A_635 : i32 to vector<1x32x128xi32>
    %eq3A_637 = arith.cmpi eq, %and3A_634, %eq3A_636 : vector<1x32x128xi32>
    %shift_right_arithmetic3A_638 = arith.constant 5 : i32
    %shift_right_arithmetic3A_639 = vector.broadcast %shift_right_arithmetic3A_638 : i32 to vector<1x32x128xi32>
    %shift_right_arithmetic3A_640 = arith.shrsi %add3A, %shift_right_arithmetic3A_639 : vector<1x32x128xi32>
    %and3A_641 = arith.constant 1 : i32
    %and3A_642 = vector.broadcast %and3A_641 : i32 to vector<1x32x128xi32>
    %and3A_643 = arith.andi %shift_right_arithmetic3A_640, %and3A_642 : vector<1x32x128xi32>
    %eq3A_644 = arith.constant 0 : i32
    %eq3A_645 = vector.broadcast %eq3A_644 : i32 to vector<1x32x128xi32>
    %eq3A_646 = arith.cmpi eq, %and3A_643, %eq3A_645 : vector<1x32x128xi32>
    %eq3A_647 = arith.xori %eq3A_637, %eq3A_646 : vector<1x32x128xi1>
    %eq3A_648 = arith.constant dense<true> : vector<1x32x128xi1>
    %eq3A_649 = arith.xori %eq3A_647, %eq3A_648 : vector<1x32x128xi1>
    %roll3A_650 = arith.constant 31 : i32
    %roll3A_651 = tpu.dynamic_rotate %select_n3A_630 by %roll3A_650 dim 1 : vector<20x32x128xi32>, i32 -> vector<20x32x128xi32>
    %roll3A_652 = arith.constant 1 : i32
    %roll3A_653 = tpu.dynamic_rotate %select_n3A_630 by %roll3A_652 dim 1 : vector<20x32x128xi32>, i32 -> vector<20x32x128xi32>
    %broadcast_in_dim3A_654 = vector.shape_cast %eq3A_637 : vector<1x32x128xi1> to vector<1x32x128xi1>
    %broadcast_in_dim3A_655 = vector.broadcast %broadcast_in_dim3A_654 : vector<1x32x128xi1> to vector<20x32x128xi1>
    %select_n3A_656 = arith.select %broadcast_in_dim3A_655, %roll3A_651, %roll3A_653 : vector<20x32x128xi1>, vector<20x32x128xi32>
    %roll3A_657 = arith.constant 31 : i32
    %roll3A_658 = tpu.dynamic_rotate %select_n3A_631 by %roll3A_657 dim 1 : vector<20x32x128xi32>, i32 -> vector<20x32x128xi32>
    %roll3A_659 = arith.constant 1 : i32
    %roll3A_660 = tpu.dynamic_rotate %select_n3A_631 by %roll3A_659 dim 1 : vector<20x32x128xi32>, i32 -> vector<20x32x128xi32>
    %broadcast_in_dim3A_661 = vector.shape_cast %eq3A_637 : vector<1x32x128xi1> to vector<1x32x128xi1>
    %broadcast_in_dim3A_662 = vector.broadcast %broadcast_in_dim3A_661 : vector<1x32x128xi1> to vector<20x32x128xi1>
    %select_n3A_663 = arith.select %broadcast_in_dim3A_662, %roll3A_658, %roll3A_660 : vector<20x32x128xi1>, vector<20x32x128xi32>
    %gt3A_664 = arith.cmpi sgt, %select_n3A_656, %select_n3A_630 : vector<20x32x128xi32>
    %eq3A_665 = arith.cmpi eq, %select_n3A_656, %select_n3A_630 : vector<20x32x128xi32>
    %lt3A_666 = arith.cmpi slt, %select_n3A_663, %select_n3A_631 : vector<20x32x128xi32>
    %and3A_667 = arith.andi %eq3A_665, %lt3A_666 : vector<20x32x128xi1>
    %or3A_668 = arith.ori %gt3A_664, %and3A_667 : vector<20x32x128xi1>
    %eq3A_669 = vector.broadcast %eq3A_649 : vector<1x32x128xi1> to vector<20x32x128xi1>
    %eq3A_670 = vector.broadcast %eq3A_669 : vector<20x32x128xi1> to vector<20x32x128xi1>
    %eq3A_671 = arith.xori %or3A_668, %eq3A_670 : vector<20x32x128xi1>
    %eq3A_672 = arith.constant dense<true> : vector<20x32x128xi1>
    %eq3A_673 = arith.xori %eq3A_671, %eq3A_672 : vector<20x32x128xi1>
    %select_n3A_674 = arith.select %eq3A_673, %select_n3A_656, %select_n3A_630 : vector<20x32x128xi1>, vector<20x32x128xi32>
    %select_n3A_675 = arith.select %eq3A_673, %select_n3A_663, %select_n3A_631 : vector<20x32x128xi1>, vector<20x32x128xi32>
    %and3A_676 = arith.constant 32 : i32
    %and3A_677 = vector.broadcast %and3A_676 : i32 to vector<1x32x128xi32>
    %and3A_678 = arith.andi %add3A, %and3A_677 : vector<1x32x128xi32>
    %eq3A_679 = arith.constant 0 : i32
    %eq3A_680 = vector.broadcast %eq3A_679 : i32 to vector<1x32x128xi32>
    %eq3A_681 = arith.cmpi eq, %and3A_678, %eq3A_680 : vector<1x32x128xi32>
    %shift_right_arithmetic3A_682 = arith.constant 6 : i32
    %shift_right_arithmetic3A_683 = vector.broadcast %shift_right_arithmetic3A_682 : i32 to vector<1x32x128xi32>
    %shift_right_arithmetic3A_684 = arith.shrsi %add3A, %shift_right_arithmetic3A_683 : vector<1x32x128xi32>
    %and3A_685 = arith.constant 1 : i32
    %and3A_686 = vector.broadcast %and3A_685 : i32 to vector<1x32x128xi32>
    %and3A_687 = arith.andi %shift_right_arithmetic3A_684, %and3A_686 : vector<1x32x128xi32>
    %eq3A_688 = arith.constant 0 : i32
    %eq3A_689 = vector.broadcast %eq3A_688 : i32 to vector<1x32x128xi32>
    %eq3A_690 = arith.cmpi eq, %and3A_687, %eq3A_689 : vector<1x32x128xi32>
    %eq3A_691 = arith.xori %eq3A_681, %eq3A_690 : vector<1x32x128xi1>
    %eq3A_692 = arith.constant dense<true> : vector<1x32x128xi1>
    %eq3A_693 = arith.xori %eq3A_691, %eq3A_692 : vector<1x32x128xi1>
    %roll3A_694 = arith.constant 127 : i32
    %roll3A_695 = tpu.dynamic_rotate %select_n3A_674 by %roll3A_694 dim 2 : vector<20x32x128xi32>, i32 -> vector<20x32x128xi32>
    %roll3A_696 = arith.constant 1 : i32
    %roll3A_697 = tpu.dynamic_rotate %select_n3A_674 by %roll3A_696 dim 2 : vector<20x32x128xi32>, i32 -> vector<20x32x128xi32>
    %broadcast_in_dim3A_698 = vector.shape_cast %eq3A_681 : vector<1x32x128xi1> to vector<1x32x128xi1>
    %broadcast_in_dim3A_699 = vector.broadcast %broadcast_in_dim3A_698 : vector<1x32x128xi1> to vector<20x32x128xi1>
    %select_n3A_700 = arith.select %broadcast_in_dim3A_699, %roll3A_695, %roll3A_697 : vector<20x32x128xi1>, vector<20x32x128xi32>
    %roll3A_701 = arith.constant 127 : i32
    %roll3A_702 = tpu.dynamic_rotate %select_n3A_675 by %roll3A_701 dim 2 : vector<20x32x128xi32>, i32 -> vector<20x32x128xi32>
    %roll3A_703 = arith.constant 1 : i32
    %roll3A_704 = tpu.dynamic_rotate %select_n3A_675 by %roll3A_703 dim 2 : vector<20x32x128xi32>, i32 -> vector<20x32x128xi32>
    %broadcast_in_dim3A_705 = vector.shape_cast %eq3A_681 : vector<1x32x128xi1> to vector<1x32x128xi1>
    %broadcast_in_dim3A_706 = vector.broadcast %broadcast_in_dim3A_705 : vector<1x32x128xi1> to vector<20x32x128xi1>
    %select_n3A_707 = arith.select %broadcast_in_dim3A_706, %roll3A_702, %roll3A_704 : vector<20x32x128xi1>, vector<20x32x128xi32>
    %gt3A_708 = arith.cmpi sgt, %select_n3A_700, %select_n3A_674 : vector<20x32x128xi32>
    %eq3A_709 = arith.cmpi eq, %select_n3A_700, %select_n3A_674 : vector<20x32x128xi32>
    %lt3A_710 = arith.cmpi slt, %select_n3A_707, %select_n3A_675 : vector<20x32x128xi32>
    %and3A_711 = arith.andi %eq3A_709, %lt3A_710 : vector<20x32x128xi1>
    %or3A_712 = arith.ori %gt3A_708, %and3A_711 : vector<20x32x128xi1>
    %eq3A_713 = vector.broadcast %eq3A_693 : vector<1x32x128xi1> to vector<20x32x128xi1>
    %eq3A_714 = vector.broadcast %eq3A_713 : vector<20x32x128xi1> to vector<20x32x128xi1>
    %eq3A_715 = arith.xori %or3A_712, %eq3A_714 : vector<20x32x128xi1>
    %eq3A_716 = arith.constant dense<true> : vector<20x32x128xi1>
    %eq3A_717 = arith.xori %eq3A_715, %eq3A_716 : vector<20x32x128xi1>
    %select_n3A_718 = arith.select %eq3A_717, %select_n3A_700, %select_n3A_674 : vector<20x32x128xi1>, vector<20x32x128xi32>
    %select_n3A_719 = arith.select %eq3A_717, %select_n3A_707, %select_n3A_675 : vector<20x32x128xi1>, vector<20x32x128xi32>
    %and3A_720 = arith.constant 16 : i32
    %and3A_721 = vector.broadcast %and3A_720 : i32 to vector<1x32x128xi32>
    %and3A_722 = arith.andi %add3A, %and3A_721 : vector<1x32x128xi32>
    %eq3A_723 = arith.constant 0 : i32
    %eq3A_724 = vector.broadcast %eq3A_723 : i32 to vector<1x32x128xi32>
    %eq3A_725 = arith.cmpi eq, %and3A_722, %eq3A_724 : vector<1x32x128xi32>
    %shift_right_arithmetic3A_726 = arith.constant 6 : i32
    %shift_right_arithmetic3A_727 = vector.broadcast %shift_right_arithmetic3A_726 : i32 to vector<1x32x128xi32>
    %shift_right_arithmetic3A_728 = arith.shrsi %add3A, %shift_right_arithmetic3A_727 : vector<1x32x128xi32>
    %and3A_729 = arith.constant 1 : i32
    %and3A_730 = vector.broadcast %and3A_729 : i32 to vector<1x32x128xi32>
    %and3A_731 = arith.andi %shift_right_arithmetic3A_728, %and3A_730 : vector<1x32x128xi32>
    %eq3A_732 = arith.constant 0 : i32
    %eq3A_733 = vector.broadcast %eq3A_732 : i32 to vector<1x32x128xi32>
    %eq3A_734 = arith.cmpi eq, %and3A_731, %eq3A_733 : vector<1x32x128xi32>
    %eq3A_735 = arith.xori %eq3A_725, %eq3A_734 : vector<1x32x128xi1>
    %eq3A_736 = arith.constant dense<true> : vector<1x32x128xi1>
    %eq3A_737 = arith.xori %eq3A_735, %eq3A_736 : vector<1x32x128xi1>
    %roll3A_738 = arith.constant 16 : i32
    %roll3A_739 = tpu.dynamic_rotate %select_n3A_718 by %roll3A_738 dim 1 : vector<20x32x128xi32>, i32 -> vector<20x32x128xi32>
    %roll3A_740 = arith.constant 16 : i32
    %roll3A_741 = tpu.dynamic_rotate %select_n3A_718 by %roll3A_740 dim 1 : vector<20x32x128xi32>, i32 -> vector<20x32x128xi32>
    %broadcast_in_dim3A_742 = vector.shape_cast %eq3A_725 : vector<1x32x128xi1> to vector<1x32x128xi1>
    %broadcast_in_dim3A_743 = vector.broadcast %broadcast_in_dim3A_742 : vector<1x32x128xi1> to vector<20x32x128xi1>
    %select_n3A_744 = arith.select %broadcast_in_dim3A_743, %roll3A_739, %roll3A_741 : vector<20x32x128xi1>, vector<20x32x128xi32>
    %roll3A_745 = arith.constant 16 : i32
    %roll3A_746 = tpu.dynamic_rotate %select_n3A_719 by %roll3A_745 dim 1 : vector<20x32x128xi32>, i32 -> vector<20x32x128xi32>
    %roll3A_747 = arith.constant 16 : i32
    %roll3A_748 = tpu.dynamic_rotate %select_n3A_719 by %roll3A_747 dim 1 : vector<20x32x128xi32>, i32 -> vector<20x32x128xi32>
    %broadcast_in_dim3A_749 = vector.shape_cast %eq3A_725 : vector<1x32x128xi1> to vector<1x32x128xi1>
    %broadcast_in_dim3A_750 = vector.broadcast %broadcast_in_dim3A_749 : vector<1x32x128xi1> to vector<20x32x128xi1>
    %select_n3A_751 = arith.select %broadcast_in_dim3A_750, %roll3A_746, %roll3A_748 : vector<20x32x128xi1>, vector<20x32x128xi32>
    %gt3A_752 = arith.cmpi sgt, %select_n3A_744, %select_n3A_718 : vector<20x32x128xi32>
    %eq3A_753 = arith.cmpi eq, %select_n3A_744, %select_n3A_718 : vector<20x32x128xi32>
    %lt3A_754 = arith.cmpi slt, %select_n3A_751, %select_n3A_719 : vector<20x32x128xi32>
    %and3A_755 = arith.andi %eq3A_753, %lt3A_754 : vector<20x32x128xi1>
    %or3A_756 = arith.ori %gt3A_752, %and3A_755 : vector<20x32x128xi1>
    %eq3A_757 = vector.broadcast %eq3A_737 : vector<1x32x128xi1> to vector<20x32x128xi1>
    %eq3A_758 = vector.broadcast %eq3A_757 : vector<20x32x128xi1> to vector<20x32x128xi1>
    %eq3A_759 = arith.xori %or3A_756, %eq3A_758 : vector<20x32x128xi1>
    %eq3A_760 = arith.constant dense<true> : vector<20x32x128xi1>
    %eq3A_761 = arith.xori %eq3A_759, %eq3A_760 : vector<20x32x128xi1>
    %select_n3A_762 = arith.select %eq3A_761, %select_n3A_744, %select_n3A_718 : vector<20x32x128xi1>, vector<20x32x128xi32>
    %select_n3A_763 = arith.select %eq3A_761, %select_n3A_751, %select_n3A_719 : vector<20x32x128xi1>, vector<20x32x128xi32>
    %and3A_764 = arith.constant 8 : i32
    %and3A_765 = vector.broadcast %and3A_764 : i32 to vector<1x32x128xi32>
    %and3A_766 = arith.andi %add3A, %and3A_765 : vector<1x32x128xi32>
    %eq3A_767 = arith.constant 0 : i32
    %eq3A_768 = vector.broadcast %eq3A_767 : i32 to vector<1x32x128xi32>
    %eq3A_769 = arith.cmpi eq, %and3A_766, %eq3A_768 : vector<1x32x128xi32>
    %shift_right_arithmetic3A_770 = arith.constant 6 : i32
    %shift_right_arithmetic3A_771 = vector.broadcast %shift_right_arithmetic3A_770 : i32 to vector<1x32x128xi32>
    %shift_right_arithmetic3A_772 = arith.shrsi %add3A, %shift_right_arithmetic3A_771 : vector<1x32x128xi32>
    %and3A_773 = arith.constant 1 : i32
    %and3A_774 = vector.broadcast %and3A_773 : i32 to vector<1x32x128xi32>
    %and3A_775 = arith.andi %shift_right_arithmetic3A_772, %and3A_774 : vector<1x32x128xi32>
    %eq3A_776 = arith.constant 0 : i32
    %eq3A_777 = vector.broadcast %eq3A_776 : i32 to vector<1x32x128xi32>
    %eq3A_778 = arith.cmpi eq, %and3A_775, %eq3A_777 : vector<1x32x128xi32>
    %eq3A_779 = arith.xori %eq3A_769, %eq3A_778 : vector<1x32x128xi1>
    %eq3A_780 = arith.constant dense<true> : vector<1x32x128xi1>
    %eq3A_781 = arith.xori %eq3A_779, %eq3A_780 : vector<1x32x128xi1>
    %roll3A_782 = arith.constant 24 : i32
    %roll3A_783 = tpu.dynamic_rotate %select_n3A_762 by %roll3A_782 dim 1 : vector<20x32x128xi32>, i32 -> vector<20x32x128xi32>
    %roll3A_784 = arith.constant 8 : i32
    %roll3A_785 = tpu.dynamic_rotate %select_n3A_762 by %roll3A_784 dim 1 : vector<20x32x128xi32>, i32 -> vector<20x32x128xi32>
    %broadcast_in_dim3A_786 = vector.shape_cast %eq3A_769 : vector<1x32x128xi1> to vector<1x32x128xi1>
    %broadcast_in_dim3A_787 = vector.broadcast %broadcast_in_dim3A_786 : vector<1x32x128xi1> to vector<20x32x128xi1>
    %select_n3A_788 = arith.select %broadcast_in_dim3A_787, %roll3A_783, %roll3A_785 : vector<20x32x128xi1>, vector<20x32x128xi32>
    %roll3A_789 = arith.constant 24 : i32
    %roll3A_790 = tpu.dynamic_rotate %select_n3A_763 by %roll3A_789 dim 1 : vector<20x32x128xi32>, i32 -> vector<20x32x128xi32>
    %roll3A_791 = arith.constant 8 : i32
    %roll3A_792 = tpu.dynamic_rotate %select_n3A_763 by %roll3A_791 dim 1 : vector<20x32x128xi32>, i32 -> vector<20x32x128xi32>
    %broadcast_in_dim3A_793 = vector.shape_cast %eq3A_769 : vector<1x32x128xi1> to vector<1x32x128xi1>
    %broadcast_in_dim3A_794 = vector.broadcast %broadcast_in_dim3A_793 : vector<1x32x128xi1> to vector<20x32x128xi1>
    %select_n3A_795 = arith.select %broadcast_in_dim3A_794, %roll3A_790, %roll3A_792 : vector<20x32x128xi1>, vector<20x32x128xi32>
    %gt3A_796 = arith.cmpi sgt, %select_n3A_788, %select_n3A_762 : vector<20x32x128xi32>
    %eq3A_797 = arith.cmpi eq, %select_n3A_788, %select_n3A_762 : vector<20x32x128xi32>
    %lt3A_798 = arith.cmpi slt, %select_n3A_795, %select_n3A_763 : vector<20x32x128xi32>
    %and3A_799 = arith.andi %eq3A_797, %lt3A_798 : vector<20x32x128xi1>
    %or3A_800 = arith.ori %gt3A_796, %and3A_799 : vector<20x32x128xi1>
    %eq3A_801 = vector.broadcast %eq3A_781 : vector<1x32x128xi1> to vector<20x32x128xi1>
    %eq3A_802 = vector.broadcast %eq3A_801 : vector<20x32x128xi1> to vector<20x32x128xi1>
    %eq3A_803 = arith.xori %or3A_800, %eq3A_802 : vector<20x32x128xi1>
    %eq3A_804 = arith.constant dense<true> : vector<20x32x128xi1>
    %eq3A_805 = arith.xori %eq3A_803, %eq3A_804 : vector<20x32x128xi1>
    %select_n3A_806 = arith.select %eq3A_805, %select_n3A_788, %select_n3A_762 : vector<20x32x128xi1>, vector<20x32x128xi32>
    %select_n3A_807 = arith.select %eq3A_805, %select_n3A_795, %select_n3A_763 : vector<20x32x128xi1>, vector<20x32x128xi32>
    %and3A_808 = arith.constant 4 : i32
    %and3A_809 = vector.broadcast %and3A_808 : i32 to vector<1x32x128xi32>
    %and3A_810 = arith.andi %add3A, %and3A_809 : vector<1x32x128xi32>
    %eq3A_811 = arith.constant 0 : i32
    %eq3A_812 = vector.broadcast %eq3A_811 : i32 to vector<1x32x128xi32>
    %eq3A_813 = arith.cmpi eq, %and3A_810, %eq3A_812 : vector<1x32x128xi32>
    %shift_right_arithmetic3A_814 = arith.constant 6 : i32
    %shift_right_arithmetic3A_815 = vector.broadcast %shift_right_arithmetic3A_814 : i32 to vector<1x32x128xi32>
    %shift_right_arithmetic3A_816 = arith.shrsi %add3A, %shift_right_arithmetic3A_815 : vector<1x32x128xi32>
    %and3A_817 = arith.constant 1 : i32
    %and3A_818 = vector.broadcast %and3A_817 : i32 to vector<1x32x128xi32>
    %and3A_819 = arith.andi %shift_right_arithmetic3A_816, %and3A_818 : vector<1x32x128xi32>
    %eq3A_820 = arith.constant 0 : i32
    %eq3A_821 = vector.broadcast %eq3A_820 : i32 to vector<1x32x128xi32>
    %eq3A_822 = arith.cmpi eq, %and3A_819, %eq3A_821 : vector<1x32x128xi32>
    %eq3A_823 = arith.xori %eq3A_813, %eq3A_822 : vector<1x32x128xi1>
    %eq3A_824 = arith.constant dense<true> : vector<1x32x128xi1>
    %eq3A_825 = arith.xori %eq3A_823, %eq3A_824 : vector<1x32x128xi1>
    %roll3A_826 = arith.constant 28 : i32
    %roll3A_827 = tpu.dynamic_rotate %select_n3A_806 by %roll3A_826 dim 1 : vector<20x32x128xi32>, i32 -> vector<20x32x128xi32>
    %roll3A_828 = arith.constant 4 : i32
    %roll3A_829 = tpu.dynamic_rotate %select_n3A_806 by %roll3A_828 dim 1 : vector<20x32x128xi32>, i32 -> vector<20x32x128xi32>
    %broadcast_in_dim3A_830 = vector.shape_cast %eq3A_813 : vector<1x32x128xi1> to vector<1x32x128xi1>
    %broadcast_in_dim3A_831 = vector.broadcast %broadcast_in_dim3A_830 : vector<1x32x128xi1> to vector<20x32x128xi1>
    %select_n3A_832 = arith.select %broadcast_in_dim3A_831, %roll3A_827, %roll3A_829 : vector<20x32x128xi1>, vector<20x32x128xi32>
    %roll3A_833 = arith.constant 28 : i32
    %roll3A_834 = tpu.dynamic_rotate %select_n3A_807 by %roll3A_833 dim 1 : vector<20x32x128xi32>, i32 -> vector<20x32x128xi32>
    %roll3A_835 = arith.constant 4 : i32
    %roll3A_836 = tpu.dynamic_rotate %select_n3A_807 by %roll3A_835 dim 1 : vector<20x32x128xi32>, i32 -> vector<20x32x128xi32>
    %broadcast_in_dim3A_837 = vector.shape_cast %eq3A_813 : vector<1x32x128xi1> to vector<1x32x128xi1>
    %broadcast_in_dim3A_838 = vector.broadcast %broadcast_in_dim3A_837 : vector<1x32x128xi1> to vector<20x32x128xi1>
    %select_n3A_839 = arith.select %broadcast_in_dim3A_838, %roll3A_834, %roll3A_836 : vector<20x32x128xi1>, vector<20x32x128xi32>
    %gt3A_840 = arith.cmpi sgt, %select_n3A_832, %select_n3A_806 : vector<20x32x128xi32>
    %eq3A_841 = arith.cmpi eq, %select_n3A_832, %select_n3A_806 : vector<20x32x128xi32>
    %lt3A_842 = arith.cmpi slt, %select_n3A_839, %select_n3A_807 : vector<20x32x128xi32>
    %and3A_843 = arith.andi %eq3A_841, %lt3A_842 : vector<20x32x128xi1>
    %or3A_844 = arith.ori %gt3A_840, %and3A_843 : vector<20x32x128xi1>
    %eq3A_845 = vector.broadcast %eq3A_825 : vector<1x32x128xi1> to vector<20x32x128xi1>
    %eq3A_846 = vector.broadcast %eq3A_845 : vector<20x32x128xi1> to vector<20x32x128xi1>
    %eq3A_847 = arith.xori %or3A_844, %eq3A_846 : vector<20x32x128xi1>
    %eq3A_848 = arith.constant dense<true> : vector<20x32x128xi1>
    %eq3A_849 = arith.xori %eq3A_847, %eq3A_848 : vector<20x32x128xi1>
    %select_n3A_850 = arith.select %eq3A_849, %select_n3A_832, %select_n3A_806 : vector<20x32x128xi1>, vector<20x32x128xi32>
    %select_n3A_851 = arith.select %eq3A_849, %select_n3A_839, %select_n3A_807 : vector<20x32x128xi1>, vector<20x32x128xi32>
    %and3A_852 = arith.constant 2 : i32
    %and3A_853 = vector.broadcast %and3A_852 : i32 to vector<1x32x128xi32>
    %and3A_854 = arith.andi %add3A, %and3A_853 : vector<1x32x128xi32>
    %eq3A_855 = arith.constant 0 : i32
    %eq3A_856 = vector.broadcast %eq3A_855 : i32 to vector<1x32x128xi32>
    %eq3A_857 = arith.cmpi eq, %and3A_854, %eq3A_856 : vector<1x32x128xi32>
    %shift_right_arithmetic3A_858 = arith.constant 6 : i32
    %shift_right_arithmetic3A_859 = vector.broadcast %shift_right_arithmetic3A_858 : i32 to vector<1x32x128xi32>
    %shift_right_arithmetic3A_860 = arith.shrsi %add3A, %shift_right_arithmetic3A_859 : vector<1x32x128xi32>
    %and3A_861 = arith.constant 1 : i32
    %and3A_862 = vector.broadcast %and3A_861 : i32 to vector<1x32x128xi32>
    %and3A_863 = arith.andi %shift_right_arithmetic3A_860, %and3A_862 : vector<1x32x128xi32>
    %eq3A_864 = arith.constant 0 : i32
    %eq3A_865 = vector.broadcast %eq3A_864 : i32 to vector<1x32x128xi32>
    %eq3A_866 = arith.cmpi eq, %and3A_863, %eq3A_865 : vector<1x32x128xi32>
    %eq3A_867 = arith.xori %eq3A_857, %eq3A_866 : vector<1x32x128xi1>
    %eq3A_868 = arith.constant dense<true> : vector<1x32x128xi1>
    %eq3A_869 = arith.xori %eq3A_867, %eq3A_868 : vector<1x32x128xi1>
    %roll3A_870 = arith.constant 30 : i32
    %roll3A_871 = tpu.dynamic_rotate %select_n3A_850 by %roll3A_870 dim 1 : vector<20x32x128xi32>, i32 -> vector<20x32x128xi32>
    %roll3A_872 = arith.constant 2 : i32
    %roll3A_873 = tpu.dynamic_rotate %select_n3A_850 by %roll3A_872 dim 1 : vector<20x32x128xi32>, i32 -> vector<20x32x128xi32>
    %broadcast_in_dim3A_874 = vector.shape_cast %eq3A_857 : vector<1x32x128xi1> to vector<1x32x128xi1>
    %broadcast_in_dim3A_875 = vector.broadcast %broadcast_in_dim3A_874 : vector<1x32x128xi1> to vector<20x32x128xi1>
    %select_n3A_876 = arith.select %broadcast_in_dim3A_875, %roll3A_871, %roll3A_873 : vector<20x32x128xi1>, vector<20x32x128xi32>
    %roll3A_877 = arith.constant 30 : i32
    %roll3A_878 = tpu.dynamic_rotate %select_n3A_851 by %roll3A_877 dim 1 : vector<20x32x128xi32>, i32 -> vector<20x32x128xi32>
    %roll3A_879 = arith.constant 2 : i32
    %roll3A_880 = tpu.dynamic_rotate %select_n3A_851 by %roll3A_879 dim 1 : vector<20x32x128xi32>, i32 -> vector<20x32x128xi32>
    %broadcast_in_dim3A_881 = vector.shape_cast %eq3A_857 : vector<1x32x128xi1> to vector<1x32x128xi1>
    %broadcast_in_dim3A_882 = vector.broadcast %broadcast_in_dim3A_881 : vector<1x32x128xi1> to vector<20x32x128xi1>
    %select_n3A_883 = arith.select %broadcast_in_dim3A_882, %roll3A_878, %roll3A_880 : vector<20x32x128xi1>, vector<20x32x128xi32>
    %gt3A_884 = arith.cmpi sgt, %select_n3A_876, %select_n3A_850 : vector<20x32x128xi32>
    %eq3A_885 = arith.cmpi eq, %select_n3A_876, %select_n3A_850 : vector<20x32x128xi32>
    %lt3A_886 = arith.cmpi slt, %select_n3A_883, %select_n3A_851 : vector<20x32x128xi32>
    %and3A_887 = arith.andi %eq3A_885, %lt3A_886 : vector<20x32x128xi1>
    %or3A_888 = arith.ori %gt3A_884, %and3A_887 : vector<20x32x128xi1>
    %eq3A_889 = vector.broadcast %eq3A_869 : vector<1x32x128xi1> to vector<20x32x128xi1>
    %eq3A_890 = vector.broadcast %eq3A_889 : vector<20x32x128xi1> to vector<20x32x128xi1>
    %eq3A_891 = arith.xori %or3A_888, %eq3A_890 : vector<20x32x128xi1>
    %eq3A_892 = arith.constant dense<true> : vector<20x32x128xi1>
    %eq3A_893 = arith.xori %eq3A_891, %eq3A_892 : vector<20x32x128xi1>
    %select_n3A_894 = arith.select %eq3A_893, %select_n3A_876, %select_n3A_850 : vector<20x32x128xi1>, vector<20x32x128xi32>
    %select_n3A_895 = arith.select %eq3A_893, %select_n3A_883, %select_n3A_851 : vector<20x32x128xi1>, vector<20x32x128xi32>
    %and3A_896 = arith.constant 1 : i32
    %and3A_897 = vector.broadcast %and3A_896 : i32 to vector<1x32x128xi32>
    %and3A_898 = arith.andi %add3A, %and3A_897 : vector<1x32x128xi32>
    %eq3A_899 = arith.constant 0 : i32
    %eq3A_900 = vector.broadcast %eq3A_899 : i32 to vector<1x32x128xi32>
    %eq3A_901 = arith.cmpi eq, %and3A_898, %eq3A_900 : vector<1x32x128xi32>
    %shift_right_arithmetic3A_902 = arith.constant 6 : i32
    %shift_right_arithmetic3A_903 = vector.broadcast %shift_right_arithmetic3A_902 : i32 to vector<1x32x128xi32>
    %shift_right_arithmetic3A_904 = arith.shrsi %add3A, %shift_right_arithmetic3A_903 : vector<1x32x128xi32>
    %and3A_905 = arith.constant 1 : i32
    %and3A_906 = vector.broadcast %and3A_905 : i32 to vector<1x32x128xi32>
    %and3A_907 = arith.andi %shift_right_arithmetic3A_904, %and3A_906 : vector<1x32x128xi32>
    %eq3A_908 = arith.constant 0 : i32
    %eq3A_909 = vector.broadcast %eq3A_908 : i32 to vector<1x32x128xi32>
    %eq3A_910 = arith.cmpi eq, %and3A_907, %eq3A_909 : vector<1x32x128xi32>
    %eq3A_911 = arith.xori %eq3A_901, %eq3A_910 : vector<1x32x128xi1>
    %eq3A_912 = arith.constant dense<true> : vector<1x32x128xi1>
    %eq3A_913 = arith.xori %eq3A_911, %eq3A_912 : vector<1x32x128xi1>
    %roll3A_914 = arith.constant 31 : i32
    %roll3A_915 = tpu.dynamic_rotate %select_n3A_894 by %roll3A_914 dim 1 : vector<20x32x128xi32>, i32 -> vector<20x32x128xi32>
    %roll3A_916 = arith.constant 1 : i32
    %roll3A_917 = tpu.dynamic_rotate %select_n3A_894 by %roll3A_916 dim 1 : vector<20x32x128xi32>, i32 -> vector<20x32x128xi32>
    %broadcast_in_dim3A_918 = vector.shape_cast %eq3A_901 : vector<1x32x128xi1> to vector<1x32x128xi1>
    %broadcast_in_dim3A_919 = vector.broadcast %broadcast_in_dim3A_918 : vector<1x32x128xi1> to vector<20x32x128xi1>
    %select_n3A_920 = arith.select %broadcast_in_dim3A_919, %roll3A_915, %roll3A_917 : vector<20x32x128xi1>, vector<20x32x128xi32>
    %roll3A_921 = arith.constant 31 : i32
    %roll3A_922 = tpu.dynamic_rotate %select_n3A_895 by %roll3A_921 dim 1 : vector<20x32x128xi32>, i32 -> vector<20x32x128xi32>
    %roll3A_923 = arith.constant 1 : i32
    %roll3A_924 = tpu.dynamic_rotate %select_n3A_895 by %roll3A_923 dim 1 : vector<20x32x128xi32>, i32 -> vector<20x32x128xi32>
    %broadcast_in_dim3A_925 = vector.shape_cast %eq3A_901 : vector<1x32x128xi1> to vector<1x32x128xi1>
    %broadcast_in_dim3A_926 = vector.broadcast %broadcast_in_dim3A_925 : vector<1x32x128xi1> to vector<20x32x128xi1>
    %select_n3A_927 = arith.select %broadcast_in_dim3A_926, %roll3A_922, %roll3A_924 : vector<20x32x128xi1>, vector<20x32x128xi32>
    %gt3A_928 = arith.cmpi sgt, %select_n3A_920, %select_n3A_894 : vector<20x32x128xi32>
    %eq3A_929 = arith.cmpi eq, %select_n3A_920, %select_n3A_894 : vector<20x32x128xi32>
    %lt3A_930 = arith.cmpi slt, %select_n3A_927, %select_n3A_895 : vector<20x32x128xi32>
    %and3A_931 = arith.andi %eq3A_929, %lt3A_930 : vector<20x32x128xi1>
    %or3A_932 = arith.ori %gt3A_928, %and3A_931 : vector<20x32x128xi1>
    %eq3A_933 = vector.broadcast %eq3A_913 : vector<1x32x128xi1> to vector<20x32x128xi1>
    %eq3A_934 = vector.broadcast %eq3A_933 : vector<20x32x128xi1> to vector<20x32x128xi1>
    %eq3A_935 = arith.xori %or3A_932, %eq3A_934 : vector<20x32x128xi1>
    %eq3A_936 = arith.constant dense<true> : vector<20x32x128xi1>
    %eq3A_937 = arith.xori %eq3A_935, %eq3A_936 : vector<20x32x128xi1>
    %select_n3A_938 = arith.select %eq3A_937, %select_n3A_920, %select_n3A_894 : vector<20x32x128xi1>, vector<20x32x128xi32>
    %select_n3A_939 = arith.select %eq3A_937, %select_n3A_927, %select_n3A_895 : vector<20x32x128xi1>, vector<20x32x128xi32>
    %and3A_940 = arith.constant 64 : i32
    %and3A_941 = vector.broadcast %and3A_940 : i32 to vector<1x32x128xi32>
    %and3A_942 = arith.andi %add3A, %and3A_941 : vector<1x32x128xi32>
    %eq3A_943 = arith.constant 0 : i32
    %eq3A_944 = vector.broadcast %eq3A_943 : i32 to vector<1x32x128xi32>
    %eq3A_945 = arith.cmpi eq, %and3A_942, %eq3A_944 : vector<1x32x128xi32>
    %shift_right_arithmetic3A_946 = arith.constant 7 : i32
    %shift_right_arithmetic3A_947 = vector.broadcast %shift_right_arithmetic3A_946 : i32 to vector<1x32x128xi32>
    %shift_right_arithmetic3A_948 = arith.shrsi %add3A, %shift_right_arithmetic3A_947 : vector<1x32x128xi32>
    %and3A_949 = arith.constant 1 : i32
    %and3A_950 = vector.broadcast %and3A_949 : i32 to vector<1x32x128xi32>
    %and3A_951 = arith.andi %shift_right_arithmetic3A_948, %and3A_950 : vector<1x32x128xi32>
    %eq3A_952 = arith.constant 0 : i32
    %eq3A_953 = vector.broadcast %eq3A_952 : i32 to vector<1x32x128xi32>
    %eq3A_954 = arith.cmpi eq, %and3A_951, %eq3A_953 : vector<1x32x128xi32>
    %eq3A_955 = arith.xori %eq3A_945, %eq3A_954 : vector<1x32x128xi1>
    %eq3A_956 = arith.constant dense<true> : vector<1x32x128xi1>
    %eq3A_957 = arith.xori %eq3A_955, %eq3A_956 : vector<1x32x128xi1>
    %roll3A_958 = arith.constant 126 : i32
    %roll3A_959 = tpu.dynamic_rotate %select_n3A_938 by %roll3A_958 dim 2 : vector<20x32x128xi32>, i32 -> vector<20x32x128xi32>
    %roll3A_960 = arith.constant 2 : i32
    %roll3A_961 = tpu.dynamic_rotate %select_n3A_938 by %roll3A_960 dim 2 : vector<20x32x128xi32>, i32 -> vector<20x32x128xi32>
    %broadcast_in_dim3A_962 = vector.shape_cast %eq3A_945 : vector<1x32x128xi1> to vector<1x32x128xi1>
    %broadcast_in_dim3A_963 = vector.broadcast %broadcast_in_dim3A_962 : vector<1x32x128xi1> to vector<20x32x128xi1>
    %select_n3A_964 = arith.select %broadcast_in_dim3A_963, %roll3A_959, %roll3A_961 : vector<20x32x128xi1>, vector<20x32x128xi32>
    %roll3A_965 = arith.constant 126 : i32
    %roll3A_966 = tpu.dynamic_rotate %select_n3A_939 by %roll3A_965 dim 2 : vector<20x32x128xi32>, i32 -> vector<20x32x128xi32>
    %roll3A_967 = arith.constant 2 : i32
    %roll3A_968 = tpu.dynamic_rotate %select_n3A_939 by %roll3A_967 dim 2 : vector<20x32x128xi32>, i32 -> vector<20x32x128xi32>
    %broadcast_in_dim3A_969 = vector.shape_cast %eq3A_945 : vector<1x32x128xi1> to vector<1x32x128xi1>
    %broadcast_in_dim3A_970 = vector.broadcast %broadcast_in_dim3A_969 : vector<1x32x128xi1> to vector<20x32x128xi1>
    %select_n3A_971 = arith.select %broadcast_in_dim3A_970, %roll3A_966, %roll3A_968 : vector<20x32x128xi1>, vector<20x32x128xi32>
    %gt3A_972 = arith.cmpi sgt, %select_n3A_964, %select_n3A_938 : vector<20x32x128xi32>
    %eq3A_973 = arith.cmpi eq, %select_n3A_964, %select_n3A_938 : vector<20x32x128xi32>
    %lt3A_974 = arith.cmpi slt, %select_n3A_971, %select_n3A_939 : vector<20x32x128xi32>
    %and3A_975 = arith.andi %eq3A_973, %lt3A_974 : vector<20x32x128xi1>
    %or3A_976 = arith.ori %gt3A_972, %and3A_975 : vector<20x32x128xi1>
    %eq3A_977 = vector.broadcast %eq3A_957 : vector<1x32x128xi1> to vector<20x32x128xi1>
    %eq3A_978 = vector.broadcast %eq3A_977 : vector<20x32x128xi1> to vector<20x32x128xi1>
    %eq3A_979 = arith.xori %or3A_976, %eq3A_978 : vector<20x32x128xi1>
    %eq3A_980 = arith.constant dense<true> : vector<20x32x128xi1>
    %eq3A_981 = arith.xori %eq3A_979, %eq3A_980 : vector<20x32x128xi1>
    %select_n3A_982 = arith.select %eq3A_981, %select_n3A_964, %select_n3A_938 : vector<20x32x128xi1>, vector<20x32x128xi32>
    %select_n3A_983 = arith.select %eq3A_981, %select_n3A_971, %select_n3A_939 : vector<20x32x128xi1>, vector<20x32x128xi32>
    %and3A_984 = arith.constant 32 : i32
    %and3A_985 = vector.broadcast %and3A_984 : i32 to vector<1x32x128xi32>
    %and3A_986 = arith.andi %add3A, %and3A_985 : vector<1x32x128xi32>
    %eq3A_987 = arith.constant 0 : i32
    %eq3A_988 = vector.broadcast %eq3A_987 : i32 to vector<1x32x128xi32>
    %eq3A_989 = arith.cmpi eq, %and3A_986, %eq3A_988 : vector<1x32x128xi32>
    %shift_right_arithmetic3A_990 = arith.constant 7 : i32
    %shift_right_arithmetic3A_991 = vector.broadcast %shift_right_arithmetic3A_990 : i32 to vector<1x32x128xi32>
    %shift_right_arithmetic3A_992 = arith.shrsi %add3A, %shift_right_arithmetic3A_991 : vector<1x32x128xi32>
    %and3A_993 = arith.constant 1 : i32
    %and3A_994 = vector.broadcast %and3A_993 : i32 to vector<1x32x128xi32>
    %and3A_995 = arith.andi %shift_right_arithmetic3A_992, %and3A_994 : vector<1x32x128xi32>
    %eq3A_996 = arith.constant 0 : i32
    %eq3A_997 = vector.broadcast %eq3A_996 : i32 to vector<1x32x128xi32>
    %eq3A_998 = arith.cmpi eq, %and3A_995, %eq3A_997 : vector<1x32x128xi32>
    %eq3A_999 = arith.xori %eq3A_989, %eq3A_998 : vector<1x32x128xi1>
    %eq3A_1000 = arith.constant dense<true> : vector<1x32x128xi1>
    %eq3A_1001 = arith.xori %eq3A_999, %eq3A_1000 : vector<1x32x128xi1>
    %roll3A_1002 = arith.constant 127 : i32
    %roll3A_1003 = tpu.dynamic_rotate %select_n3A_982 by %roll3A_1002 dim 2 : vector<20x32x128xi32>, i32 -> vector<20x32x128xi32>
    %roll3A_1004 = arith.constant 1 : i32
    %roll3A_1005 = tpu.dynamic_rotate %select_n3A_982 by %roll3A_1004 dim 2 : vector<20x32x128xi32>, i32 -> vector<20x32x128xi32>
    %broadcast_in_dim3A_1006 = vector.shape_cast %eq3A_989 : vector<1x32x128xi1> to vector<1x32x128xi1>
    %broadcast_in_dim3A_1007 = vector.broadcast %broadcast_in_dim3A_1006 : vector<1x32x128xi1> to vector<20x32x128xi1>
    %select_n3A_1008 = arith.select %broadcast_in_dim3A_1007, %roll3A_1003, %roll3A_1005 : vector<20x32x128xi1>, vector<20x32x128xi32>
    %roll3A_1009 = arith.constant 127 : i32
    %roll3A_1010 = tpu.dynamic_rotate %select_n3A_983 by %roll3A_1009 dim 2 : vector<20x32x128xi32>, i32 -> vector<20x32x128xi32>
    %roll3A_1011 = arith.constant 1 : i32
    %roll3A_1012 = tpu.dynamic_rotate %select_n3A_983 by %roll3A_1011 dim 2 : vector<20x32x128xi32>, i32 -> vector<20x32x128xi32>
    %broadcast_in_dim3A_1013 = vector.shape_cast %eq3A_989 : vector<1x32x128xi1> to vector<1x32x128xi1>
    %broadcast_in_dim3A_1014 = vector.broadcast %broadcast_in_dim3A_1013 : vector<1x32x128xi1> to vector<20x32x128xi1>
    %select_n3A_1015 = arith.select %broadcast_in_dim3A_1014, %roll3A_1010, %roll3A_1012 : vector<20x32x128xi1>, vector<20x32x128xi32>
    %gt3A_1016 = arith.cmpi sgt, %select_n3A_1008, %select_n3A_982 : vector<20x32x128xi32>
    %eq3A_1017 = arith.cmpi eq, %select_n3A_1008, %select_n3A_982 : vector<20x32x128xi32>
    %lt3A_1018 = arith.cmpi slt, %select_n3A_1015, %select_n3A_983 : vector<20x32x128xi32>
    %and3A_1019 = arith.andi %eq3A_1017, %lt3A_1018 : vector<20x32x128xi1>
    %or3A_1020 = arith.ori %gt3A_1016, %and3A_1019 : vector<20x32x128xi1>
    %eq3A_1021 = vector.broadcast %eq3A_1001 : vector<1x32x128xi1> to vector<20x32x128xi1>
    %eq3A_1022 = vector.broadcast %eq3A_1021 : vector<20x32x128xi1> to vector<20x32x128xi1>
    %eq3A_1023 = arith.xori %or3A_1020, %eq3A_1022 : vector<20x32x128xi1>
    %eq3A_1024 = arith.constant dense<true> : vector<20x32x128xi1>
    %eq3A_1025 = arith.xori %eq3A_1023, %eq3A_1024 : vector<20x32x128xi1>
    %select_n3A_1026 = arith.select %eq3A_1025, %select_n3A_1008, %select_n3A_982 : vector<20x32x128xi1>, vector<20x32x128xi32>
    %select_n3A_1027 = arith.select %eq3A_1025, %select_n3A_1015, %select_n3A_983 : vector<20x32x128xi1>, vector<20x32x128xi32>
    %and3A_1028 = arith.constant 16 : i32
    %and3A_1029 = vector.broadcast %and3A_1028 : i32 to vector<1x32x128xi32>
    %and3A_1030 = arith.andi %add3A, %and3A_1029 : vector<1x32x128xi32>
    %eq3A_1031 = arith.constant 0 : i32
    %eq3A_1032 = vector.broadcast %eq3A_1031 : i32 to vector<1x32x128xi32>
    %eq3A_1033 = arith.cmpi eq, %and3A_1030, %eq3A_1032 : vector<1x32x128xi32>
    %shift_right_arithmetic3A_1034 = arith.constant 7 : i32
    %shift_right_arithmetic3A_1035 = vector.broadcast %shift_right_arithmetic3A_1034 : i32 to vector<1x32x128xi32>
    %shift_right_arithmetic3A_1036 = arith.shrsi %add3A, %shift_right_arithmetic3A_1035 : vector<1x32x128xi32>
    %and3A_1037 = arith.constant 1 : i32
    %and3A_1038 = vector.broadcast %and3A_1037 : i32 to vector<1x32x128xi32>
    %and3A_1039 = arith.andi %shift_right_arithmetic3A_1036, %and3A_1038 : vector<1x32x128xi32>
    %eq3A_1040 = arith.constant 0 : i32
    %eq3A_1041 = vector.broadcast %eq3A_1040 : i32 to vector<1x32x128xi32>
    %eq3A_1042 = arith.cmpi eq, %and3A_1039, %eq3A_1041 : vector<1x32x128xi32>
    %eq3A_1043 = arith.xori %eq3A_1033, %eq3A_1042 : vector<1x32x128xi1>
    %eq3A_1044 = arith.constant dense<true> : vector<1x32x128xi1>
    %eq3A_1045 = arith.xori %eq3A_1043, %eq3A_1044 : vector<1x32x128xi1>
    %roll3A_1046 = arith.constant 16 : i32
    %roll3A_1047 = tpu.dynamic_rotate %select_n3A_1026 by %roll3A_1046 dim 1 : vector<20x32x128xi32>, i32 -> vector<20x32x128xi32>
    %roll3A_1048 = arith.constant 16 : i32
    %roll3A_1049 = tpu.dynamic_rotate %select_n3A_1026 by %roll3A_1048 dim 1 : vector<20x32x128xi32>, i32 -> vector<20x32x128xi32>
    %broadcast_in_dim3A_1050 = vector.shape_cast %eq3A_1033 : vector<1x32x128xi1> to vector<1x32x128xi1>
    %broadcast_in_dim3A_1051 = vector.broadcast %broadcast_in_dim3A_1050 : vector<1x32x128xi1> to vector<20x32x128xi1>
    %select_n3A_1052 = arith.select %broadcast_in_dim3A_1051, %roll3A_1047, %roll3A_1049 : vector<20x32x128xi1>, vector<20x32x128xi32>
    %roll3A_1053 = arith.constant 16 : i32
    %roll3A_1054 = tpu.dynamic_rotate %select_n3A_1027 by %roll3A_1053 dim 1 : vector<20x32x128xi32>, i32 -> vector<20x32x128xi32>
    %roll3A_1055 = arith.constant 16 : i32
    %roll3A_1056 = tpu.dynamic_rotate %select_n3A_1027 by %roll3A_1055 dim 1 : vector<20x32x128xi32>, i32 -> vector<20x32x128xi32>
    %broadcast_in_dim3A_1057 = vector.shape_cast %eq3A_1033 : vector<1x32x128xi1> to vector<1x32x128xi1>
    %broadcast_in_dim3A_1058 = vector.broadcast %broadcast_in_dim3A_1057 : vector<1x32x128xi1> to vector<20x32x128xi1>
    %select_n3A_1059 = arith.select %broadcast_in_dim3A_1058, %roll3A_1054, %roll3A_1056 : vector<20x32x128xi1>, vector<20x32x128xi32>
    %gt3A_1060 = arith.cmpi sgt, %select_n3A_1052, %select_n3A_1026 : vector<20x32x128xi32>
    %eq3A_1061 = arith.cmpi eq, %select_n3A_1052, %select_n3A_1026 : vector<20x32x128xi32>
    %lt3A_1062 = arith.cmpi slt, %select_n3A_1059, %select_n3A_1027 : vector<20x32x128xi32>
    %and3A_1063 = arith.andi %eq3A_1061, %lt3A_1062 : vector<20x32x128xi1>
    %or3A_1064 = arith.ori %gt3A_1060, %and3A_1063 : vector<20x32x128xi1>
    %eq3A_1065 = vector.broadcast %eq3A_1045 : vector<1x32x128xi1> to vector<20x32x128xi1>
    %eq3A_1066 = vector.broadcast %eq3A_1065 : vector<20x32x128xi1> to vector<20x32x128xi1>
    %eq3A_1067 = arith.xori %or3A_1064, %eq3A_1066 : vector<20x32x128xi1>
    %eq3A_1068 = arith.constant dense<true> : vector<20x32x128xi1>
    %eq3A_1069 = arith.xori %eq3A_1067, %eq3A_1068 : vector<20x32x128xi1>
    %select_n3A_1070 = arith.select %eq3A_1069, %select_n3A_1052, %select_n3A_1026 : vector<20x32x128xi1>, vector<20x32x128xi32>
    %select_n3A_1071 = arith.select %eq3A_1069, %select_n3A_1059, %select_n3A_1027 : vector<20x32x128xi1>, vector<20x32x128xi32>
    %and3A_1072 = arith.constant 8 : i32
    %and3A_1073 = vector.broadcast %and3A_1072 : i32 to vector<1x32x128xi32>
    %and3A_1074 = arith.andi %add3A, %and3A_1073 : vector<1x32x128xi32>
    %eq3A_1075 = arith.constant 0 : i32
    %eq3A_1076 = vector.broadcast %eq3A_1075 : i32 to vector<1x32x128xi32>
    %eq3A_1077 = arith.cmpi eq, %and3A_1074, %eq3A_1076 : vector<1x32x128xi32>
    %shift_right_arithmetic3A_1078 = arith.constant 7 : i32
    %shift_right_arithmetic3A_1079 = vector.broadcast %shift_right_arithmetic3A_1078 : i32 to vector<1x32x128xi32>
    %shift_right_arithmetic3A_1080 = arith.shrsi %add3A, %shift_right_arithmetic3A_1079 : vector<1x32x128xi32>
    %and3A_1081 = arith.constant 1 : i32
    %and3A_1082 = vector.broadcast %and3A_1081 : i32 to vector<1x32x128xi32>
    %and3A_1083 = arith.andi %shift_right_arithmetic3A_1080, %and3A_1082 : vector<1x32x128xi32>
    %eq3A_1084 = arith.constant 0 : i32
    %eq3A_1085 = vector.broadcast %eq3A_1084 : i32 to vector<1x32x128xi32>
    %eq3A_1086 = arith.cmpi eq, %and3A_1083, %eq3A_1085 : vector<1x32x128xi32>
    %eq3A_1087 = arith.xori %eq3A_1077, %eq3A_1086 : vector<1x32x128xi1>
    %eq3A_1088 = arith.constant dense<true> : vector<1x32x128xi1>
    %eq3A_1089 = arith.xori %eq3A_1087, %eq3A_1088 : vector<1x32x128xi1>
    %roll3A_1090 = arith.constant 24 : i32
    %roll3A_1091 = tpu.dynamic_rotate %select_n3A_1070 by %roll3A_1090 dim 1 : vector<20x32x128xi32>, i32 -> vector<20x32x128xi32>
    %roll3A_1092 = arith.constant 8 : i32
    %roll3A_1093 = tpu.dynamic_rotate %select_n3A_1070 by %roll3A_1092 dim 1 : vector<20x32x128xi32>, i32 -> vector<20x32x128xi32>
    %broadcast_in_dim3A_1094 = vector.shape_cast %eq3A_1077 : vector<1x32x128xi1> to vector<1x32x128xi1>
    %broadcast_in_dim3A_1095 = vector.broadcast %broadcast_in_dim3A_1094 : vector<1x32x128xi1> to vector<20x32x128xi1>
    %select_n3A_1096 = arith.select %broadcast_in_dim3A_1095, %roll3A_1091, %roll3A_1093 : vector<20x32x128xi1>, vector<20x32x128xi32>
    %roll3A_1097 = arith.constant 24 : i32
    %roll3A_1098 = tpu.dynamic_rotate %select_n3A_1071 by %roll3A_1097 dim 1 : vector<20x32x128xi32>, i32 -> vector<20x32x128xi32>
    %roll3A_1099 = arith.constant 8 : i32
    %roll3A_1100 = tpu.dynamic_rotate %select_n3A_1071 by %roll3A_1099 dim 1 : vector<20x32x128xi32>, i32 -> vector<20x32x128xi32>
    %broadcast_in_dim3A_1101 = vector.shape_cast %eq3A_1077 : vector<1x32x128xi1> to vector<1x32x128xi1>
    %broadcast_in_dim3A_1102 = vector.broadcast %broadcast_in_dim3A_1101 : vector<1x32x128xi1> to vector<20x32x128xi1>
    %select_n3A_1103 = arith.select %broadcast_in_dim3A_1102, %roll3A_1098, %roll3A_1100 : vector<20x32x128xi1>, vector<20x32x128xi32>
    %gt3A_1104 = arith.cmpi sgt, %select_n3A_1096, %select_n3A_1070 : vector<20x32x128xi32>
    %eq3A_1105 = arith.cmpi eq, %select_n3A_1096, %select_n3A_1070 : vector<20x32x128xi32>
    %lt3A_1106 = arith.cmpi slt, %select_n3A_1103, %select_n3A_1071 : vector<20x32x128xi32>
    %and3A_1107 = arith.andi %eq3A_1105, %lt3A_1106 : vector<20x32x128xi1>
    %or3A_1108 = arith.ori %gt3A_1104, %and3A_1107 : vector<20x32x128xi1>
    %eq3A_1109 = vector.broadcast %eq3A_1089 : vector<1x32x128xi1> to vector<20x32x128xi1>
    %eq3A_1110 = vector.broadcast %eq3A_1109 : vector<20x32x128xi1> to vector<20x32x128xi1>
    %eq3A_1111 = arith.xori %or3A_1108, %eq3A_1110 : vector<20x32x128xi1>
    %eq3A_1112 = arith.constant dense<true> : vector<20x32x128xi1>
    %eq3A_1113 = arith.xori %eq3A_1111, %eq3A_1112 : vector<20x32x128xi1>
    %select_n3A_1114 = arith.select %eq3A_1113, %select_n3A_1096, %select_n3A_1070 : vector<20x32x128xi1>, vector<20x32x128xi32>
    %select_n3A_1115 = arith.select %eq3A_1113, %select_n3A_1103, %select_n3A_1071 : vector<20x32x128xi1>, vector<20x32x128xi32>
    %and3A_1116 = arith.constant 4 : i32
    %and3A_1117 = vector.broadcast %and3A_1116 : i32 to vector<1x32x128xi32>
    %and3A_1118 = arith.andi %add3A, %and3A_1117 : vector<1x32x128xi32>
    %eq3A_1119 = arith.constant 0 : i32
    %eq3A_1120 = vector.broadcast %eq3A_1119 : i32 to vector<1x32x128xi32>
    %eq3A_1121 = arith.cmpi eq, %and3A_1118, %eq3A_1120 : vector<1x32x128xi32>
    %shift_right_arithmetic3A_1122 = arith.constant 7 : i32
    %shift_right_arithmetic3A_1123 = vector.broadcast %shift_right_arithmetic3A_1122 : i32 to vector<1x32x128xi32>
    %shift_right_arithmetic3A_1124 = arith.shrsi %add3A, %shift_right_arithmetic3A_1123 : vector<1x32x128xi32>
    %and3A_1125 = arith.constant 1 : i32
    %and3A_1126 = vector.broadcast %and3A_1125 : i32 to vector<1x32x128xi32>
    %and3A_1127 = arith.andi %shift_right_arithmetic3A_1124, %and3A_1126 : vector<1x32x128xi32>
    %eq3A_1128 = arith.constant 0 : i32
    %eq3A_1129 = vector.broadcast %eq3A_1128 : i32 to vector<1x32x128xi32>
    %eq3A_1130 = arith.cmpi eq, %and3A_1127, %eq3A_1129 : vector<1x32x128xi32>
    %eq3A_1131 = arith.xori %eq3A_1121, %eq3A_1130 : vector<1x32x128xi1>
    %eq3A_1132 = arith.constant dense<true> : vector<1x32x128xi1>
    %eq3A_1133 = arith.xori %eq3A_1131, %eq3A_1132 : vector<1x32x128xi1>
    %roll3A_1134 = arith.constant 28 : i32
    %roll3A_1135 = tpu.dynamic_rotate %select_n3A_1114 by %roll3A_1134 dim 1 : vector<20x32x128xi32>, i32 -> vector<20x32x128xi32>
    %roll3A_1136 = arith.constant 4 : i32
    %roll3A_1137 = tpu.dynamic_rotate %select_n3A_1114 by %roll3A_1136 dim 1 : vector<20x32x128xi32>, i32 -> vector<20x32x128xi32>
    %broadcast_in_dim3A_1138 = vector.shape_cast %eq3A_1121 : vector<1x32x128xi1> to vector<1x32x128xi1>
    %broadcast_in_dim3A_1139 = vector.broadcast %broadcast_in_dim3A_1138 : vector<1x32x128xi1> to vector<20x32x128xi1>
    %select_n3A_1140 = arith.select %broadcast_in_dim3A_1139, %roll3A_1135, %roll3A_1137 : vector<20x32x128xi1>, vector<20x32x128xi32>
    %roll3A_1141 = arith.constant 28 : i32
    %roll3A_1142 = tpu.dynamic_rotate %select_n3A_1115 by %roll3A_1141 dim 1 : vector<20x32x128xi32>, i32 -> vector<20x32x128xi32>
    %roll3A_1143 = arith.constant 4 : i32
    %roll3A_1144 = tpu.dynamic_rotate %select_n3A_1115 by %roll3A_1143 dim 1 : vector<20x32x128xi32>, i32 -> vector<20x32x128xi32>
    %broadcast_in_dim3A_1145 = vector.shape_cast %eq3A_1121 : vector<1x32x128xi1> to vector<1x32x128xi1>
    %broadcast_in_dim3A_1146 = vector.broadcast %broadcast_in_dim3A_1145 : vector<1x32x128xi1> to vector<20x32x128xi1>
    %select_n3A_1147 = arith.select %broadcast_in_dim3A_1146, %roll3A_1142, %roll3A_1144 : vector<20x32x128xi1>, vector<20x32x128xi32>
    %gt3A_1148 = arith.cmpi sgt, %select_n3A_1140, %select_n3A_1114 : vector<20x32x128xi32>
    %eq3A_1149 = arith.cmpi eq, %select_n3A_1140, %select_n3A_1114 : vector<20x32x128xi32>
    %lt3A_1150 = arith.cmpi slt, %select_n3A_1147, %select_n3A_1115 : vector<20x32x128xi32>
    %and3A_1151 = arith.andi %eq3A_1149, %lt3A_1150 : vector<20x32x128xi1>
    %or3A_1152 = arith.ori %gt3A_1148, %and3A_1151 : vector<20x32x128xi1>
    %eq3A_1153 = vector.broadcast %eq3A_1133 : vector<1x32x128xi1> to vector<20x32x128xi1>
    %eq3A_1154 = vector.broadcast %eq3A_1153 : vector<20x32x128xi1> to vector<20x32x128xi1>
    %eq3A_1155 = arith.xori %or3A_1152, %eq3A_1154 : vector<20x32x128xi1>
    %eq3A_1156 = arith.constant dense<true> : vector<20x32x128xi1>
    %eq3A_1157 = arith.xori %eq3A_1155, %eq3A_1156 : vector<20x32x128xi1>
    %select_n3A_1158 = arith.select %eq3A_1157, %select_n3A_1140, %select_n3A_1114 : vector<20x32x128xi1>, vector<20x32x128xi32>
    %select_n3A_1159 = arith.select %eq3A_1157, %select_n3A_1147, %select_n3A_1115 : vector<20x32x128xi1>, vector<20x32x128xi32>
    %and3A_1160 = arith.constant 2 : i32
    %and3A_1161 = vector.broadcast %and3A_1160 : i32 to vector<1x32x128xi32>
    %and3A_1162 = arith.andi %add3A, %and3A_1161 : vector<1x32x128xi32>
    %eq3A_1163 = arith.constant 0 : i32
    %eq3A_1164 = vector.broadcast %eq3A_1163 : i32 to vector<1x32x128xi32>
    %eq3A_1165 = arith.cmpi eq, %and3A_1162, %eq3A_1164 : vector<1x32x128xi32>
    %shift_right_arithmetic3A_1166 = arith.constant 7 : i32
    %shift_right_arithmetic3A_1167 = vector.broadcast %shift_right_arithmetic3A_1166 : i32 to vector<1x32x128xi32>
    %shift_right_arithmetic3A_1168 = arith.shrsi %add3A, %shift_right_arithmetic3A_1167 : vector<1x32x128xi32>
    %and3A_1169 = arith.constant 1 : i32
    %and3A_1170 = vector.broadcast %and3A_1169 : i32 to vector<1x32x128xi32>
    %and3A_1171 = arith.andi %shift_right_arithmetic3A_1168, %and3A_1170 : vector<1x32x128xi32>
    %eq3A_1172 = arith.constant 0 : i32
    %eq3A_1173 = vector.broadcast %eq3A_1172 : i32 to vector<1x32x128xi32>
    %eq3A_1174 = arith.cmpi eq, %and3A_1171, %eq3A_1173 : vector<1x32x128xi32>
    %eq3A_1175 = arith.xori %eq3A_1165, %eq3A_1174 : vector<1x32x128xi1>
    %eq3A_1176 = arith.constant dense<true> : vector<1x32x128xi1>
    %eq3A_1177 = arith.xori %eq3A_1175, %eq3A_1176 : vector<1x32x128xi1>
    %roll3A_1178 = arith.constant 30 : i32
    %roll3A_1179 = tpu.dynamic_rotate %select_n3A_1158 by %roll3A_1178 dim 1 : vector<20x32x128xi32>, i32 -> vector<20x32x128xi32>
    %roll3A_1180 = arith.constant 2 : i32
    %roll3A_1181 = tpu.dynamic_rotate %select_n3A_1158 by %roll3A_1180 dim 1 : vector<20x32x128xi32>, i32 -> vector<20x32x128xi32>
    %broadcast_in_dim3A_1182 = vector.shape_cast %eq3A_1165 : vector<1x32x128xi1> to vector<1x32x128xi1>
    %broadcast_in_dim3A_1183 = vector.broadcast %broadcast_in_dim3A_1182 : vector<1x32x128xi1> to vector<20x32x128xi1>
    %select_n3A_1184 = arith.select %broadcast_in_dim3A_1183, %roll3A_1179, %roll3A_1181 : vector<20x32x128xi1>, vector<20x32x128xi32>
    %roll3A_1185 = arith.constant 30 : i32
    %roll3A_1186 = tpu.dynamic_rotate %select_n3A_1159 by %roll3A_1185 dim 1 : vector<20x32x128xi32>, i32 -> vector<20x32x128xi32>
    %roll3A_1187 = arith.constant 2 : i32
    %roll3A_1188 = tpu.dynamic_rotate %select_n3A_1159 by %roll3A_1187 dim 1 : vector<20x32x128xi32>, i32 -> vector<20x32x128xi32>
    %broadcast_in_dim3A_1189 = vector.shape_cast %eq3A_1165 : vector<1x32x128xi1> to vector<1x32x128xi1>
    %broadcast_in_dim3A_1190 = vector.broadcast %broadcast_in_dim3A_1189 : vector<1x32x128xi1> to vector<20x32x128xi1>
    %select_n3A_1191 = arith.select %broadcast_in_dim3A_1190, %roll3A_1186, %roll3A_1188 : vector<20x32x128xi1>, vector<20x32x128xi32>
    %gt3A_1192 = arith.cmpi sgt, %select_n3A_1184, %select_n3A_1158 : vector<20x32x128xi32>
    %eq3A_1193 = arith.cmpi eq, %select_n3A_1184, %select_n3A_1158 : vector<20x32x128xi32>
    %lt3A_1194 = arith.cmpi slt, %select_n3A_1191, %select_n3A_1159 : vector<20x32x128xi32>
    %and3A_1195 = arith.andi %eq3A_1193, %lt3A_1194 : vector<20x32x128xi1>
    %or3A_1196 = arith.ori %gt3A_1192, %and3A_1195 : vector<20x32x128xi1>
    %eq3A_1197 = vector.broadcast %eq3A_1177 : vector<1x32x128xi1> to vector<20x32x128xi1>
    %eq3A_1198 = vector.broadcast %eq3A_1197 : vector<20x32x128xi1> to vector<20x32x128xi1>
    %eq3A_1199 = arith.xori %or3A_1196, %eq3A_1198 : vector<20x32x128xi1>
    %eq3A_1200 = arith.constant dense<true> : vector<20x32x128xi1>
    %eq3A_1201 = arith.xori %eq3A_1199, %eq3A_1200 : vector<20x32x128xi1>
    %select_n3A_1202 = arith.select %eq3A_1201, %select_n3A_1184, %select_n3A_1158 : vector<20x32x128xi1>, vector<20x32x128xi32>
    %select_n3A_1203 = arith.select %eq3A_1201, %select_n3A_1191, %select_n3A_1159 : vector<20x32x128xi1>, vector<20x32x128xi32>
    %and3A_1204 = arith.constant 1 : i32
    %and3A_1205 = vector.broadcast %and3A_1204 : i32 to vector<1x32x128xi32>
    %and3A_1206 = arith.andi %add3A, %and3A_1205 : vector<1x32x128xi32>
    %eq3A_1207 = arith.constant 0 : i32
    %eq3A_1208 = vector.broadcast %eq3A_1207 : i32 to vector<1x32x128xi32>
    %eq3A_1209 = arith.cmpi eq, %and3A_1206, %eq3A_1208 : vector<1x32x128xi32>
    %shift_right_arithmetic3A_1210 = arith.constant 7 : i32
    %shift_right_arithmetic3A_1211 = vector.broadcast %shift_right_arithmetic3A_1210 : i32 to vector<1x32x128xi32>
    %shift_right_arithmetic3A_1212 = arith.shrsi %add3A, %shift_right_arithmetic3A_1211 : vector<1x32x128xi32>
    %and3A_1213 = arith.constant 1 : i32
    %and3A_1214 = vector.broadcast %and3A_1213 : i32 to vector<1x32x128xi32>
    %and3A_1215 = arith.andi %shift_right_arithmetic3A_1212, %and3A_1214 : vector<1x32x128xi32>
    %eq3A_1216 = arith.constant 0 : i32
    %eq3A_1217 = vector.broadcast %eq3A_1216 : i32 to vector<1x32x128xi32>
    %eq3A_1218 = arith.cmpi eq, %and3A_1215, %eq3A_1217 : vector<1x32x128xi32>
    %eq3A_1219 = arith.xori %eq3A_1209, %eq3A_1218 : vector<1x32x128xi1>
    %eq3A_1220 = arith.constant dense<true> : vector<1x32x128xi1>
    %eq3A_1221 = arith.xori %eq3A_1219, %eq3A_1220 : vector<1x32x128xi1>
    %roll3A_1222 = arith.constant 31 : i32
    %roll3A_1223 = tpu.dynamic_rotate %select_n3A_1202 by %roll3A_1222 dim 1 : vector<20x32x128xi32>, i32 -> vector<20x32x128xi32>
    %roll3A_1224 = arith.constant 1 : i32
    %roll3A_1225 = tpu.dynamic_rotate %select_n3A_1202 by %roll3A_1224 dim 1 : vector<20x32x128xi32>, i32 -> vector<20x32x128xi32>
    %broadcast_in_dim3A_1226 = vector.shape_cast %eq3A_1209 : vector<1x32x128xi1> to vector<1x32x128xi1>
    %broadcast_in_dim3A_1227 = vector.broadcast %broadcast_in_dim3A_1226 : vector<1x32x128xi1> to vector<20x32x128xi1>
    %select_n3A_1228 = arith.select %broadcast_in_dim3A_1227, %roll3A_1223, %roll3A_1225 : vector<20x32x128xi1>, vector<20x32x128xi32>
    %roll3A_1229 = arith.constant 31 : i32
    %roll3A_1230 = tpu.dynamic_rotate %select_n3A_1203 by %roll3A_1229 dim 1 : vector<20x32x128xi32>, i32 -> vector<20x32x128xi32>
    %roll3A_1231 = arith.constant 1 : i32
    %roll3A_1232 = tpu.dynamic_rotate %select_n3A_1203 by %roll3A_1231 dim 1 : vector<20x32x128xi32>, i32 -> vector<20x32x128xi32>
    %broadcast_in_dim3A_1233 = vector.shape_cast %eq3A_1209 : vector<1x32x128xi1> to vector<1x32x128xi1>
    %broadcast_in_dim3A_1234 = vector.broadcast %broadcast_in_dim3A_1233 : vector<1x32x128xi1> to vector<20x32x128xi1>
    %select_n3A_1235 = arith.select %broadcast_in_dim3A_1234, %roll3A_1230, %roll3A_1232 : vector<20x32x128xi1>, vector<20x32x128xi32>
    %gt3A_1236 = arith.cmpi sgt, %select_n3A_1228, %select_n3A_1202 : vector<20x32x128xi32>
    %eq3A_1237 = arith.cmpi eq, %select_n3A_1228, %select_n3A_1202 : vector<20x32x128xi32>
    %lt3A_1238 = arith.cmpi slt, %select_n3A_1235, %select_n3A_1203 : vector<20x32x128xi32>
    %and3A_1239 = arith.andi %eq3A_1237, %lt3A_1238 : vector<20x32x128xi1>
    %or3A_1240 = arith.ori %gt3A_1236, %and3A_1239 : vector<20x32x128xi1>
    %eq3A_1241 = vector.broadcast %eq3A_1221 : vector<1x32x128xi1> to vector<20x32x128xi1>
    %eq3A_1242 = vector.broadcast %eq3A_1241 : vector<20x32x128xi1> to vector<20x32x128xi1>
    %eq3A_1243 = arith.xori %or3A_1240, %eq3A_1242 : vector<20x32x128xi1>
    %eq3A_1244 = arith.constant dense<true> : vector<20x32x128xi1>
    %eq3A_1245 = arith.xori %eq3A_1243, %eq3A_1244 : vector<20x32x128xi1>
    %select_n3A_1246 = arith.select %eq3A_1245, %select_n3A_1228, %select_n3A_1202 : vector<20x32x128xi1>, vector<20x32x128xi32>
    %select_n3A_1247 = arith.select %eq3A_1245, %select_n3A_1235, %select_n3A_1203 : vector<20x32x128xi1>, vector<20x32x128xi32>
    %and3A_1248 = arith.constant 128 : i32
    %and3A_1249 = vector.broadcast %and3A_1248 : i32 to vector<1x32x128xi32>
    %and3A_1250 = arith.andi %add3A, %and3A_1249 : vector<1x32x128xi32>
    %eq3A_1251 = arith.constant 0 : i32
    %eq3A_1252 = vector.broadcast %eq3A_1251 : i32 to vector<1x32x128xi32>
    %eq3A_1253 = arith.cmpi eq, %and3A_1250, %eq3A_1252 : vector<1x32x128xi32>
    %shift_right_arithmetic3A_1254 = arith.constant 8 : i32
    %shift_right_arithmetic3A_1255 = vector.broadcast %shift_right_arithmetic3A_1254 : i32 to vector<1x32x128xi32>
    %shift_right_arithmetic3A_1256 = arith.shrsi %add3A, %shift_right_arithmetic3A_1255 : vector<1x32x128xi32>
    %and3A_1257 = arith.constant 1 : i32
    %and3A_1258 = vector.broadcast %and3A_1257 : i32 to vector<1x32x128xi32>
    %and3A_1259 = arith.andi %shift_right_arithmetic3A_1256, %and3A_1258 : vector<1x32x128xi32>
    %eq3A_1260 = arith.constant 0 : i32
    %eq3A_1261 = vector.broadcast %eq3A_1260 : i32 to vector<1x32x128xi32>
    %eq3A_1262 = arith.cmpi eq, %and3A_1259, %eq3A_1261 : vector<1x32x128xi32>
    %eq3A_1263 = arith.xori %eq3A_1253, %eq3A_1262 : vector<1x32x128xi1>
    %eq3A_1264 = arith.constant dense<true> : vector<1x32x128xi1>
    %eq3A_1265 = arith.xori %eq3A_1263, %eq3A_1264 : vector<1x32x128xi1>
    %roll3A_1266 = arith.constant 124 : i32
    %roll3A_1267 = tpu.dynamic_rotate %select_n3A_1246 by %roll3A_1266 dim 2 : vector<20x32x128xi32>, i32 -> vector<20x32x128xi32>
    %roll3A_1268 = arith.constant 4 : i32
    %roll3A_1269 = tpu.dynamic_rotate %select_n3A_1246 by %roll3A_1268 dim 2 : vector<20x32x128xi32>, i32 -> vector<20x32x128xi32>
    %broadcast_in_dim3A_1270 = vector.shape_cast %eq3A_1253 : vector<1x32x128xi1> to vector<1x32x128xi1>
    %broadcast_in_dim3A_1271 = vector.broadcast %broadcast_in_dim3A_1270 : vector<1x32x128xi1> to vector<20x32x128xi1>
    %select_n3A_1272 = arith.select %broadcast_in_dim3A_1271, %roll3A_1267, %roll3A_1269 : vector<20x32x128xi1>, vector<20x32x128xi32>
    %roll3A_1273 = arith.constant 124 : i32
    %roll3A_1274 = tpu.dynamic_rotate %select_n3A_1247 by %roll3A_1273 dim 2 : vector<20x32x128xi32>, i32 -> vector<20x32x128xi32>
    %roll3A_1275 = arith.constant 4 : i32
    %roll3A_1276 = tpu.dynamic_rotate %select_n3A_1247 by %roll3A_1275 dim 2 : vector<20x32x128xi32>, i32 -> vector<20x32x128xi32>
    %broadcast_in_dim3A_1277 = vector.shape_cast %eq3A_1253 : vector<1x32x128xi1> to vector<1x32x128xi1>
    %broadcast_in_dim3A_1278 = vector.broadcast %broadcast_in_dim3A_1277 : vector<1x32x128xi1> to vector<20x32x128xi1>
    %select_n3A_1279 = arith.select %broadcast_in_dim3A_1278, %roll3A_1274, %roll3A_1276 : vector<20x32x128xi1>, vector<20x32x128xi32>
    %gt3A_1280 = arith.cmpi sgt, %select_n3A_1272, %select_n3A_1246 : vector<20x32x128xi32>
    %eq3A_1281 = arith.cmpi eq, %select_n3A_1272, %select_n3A_1246 : vector<20x32x128xi32>
    %lt3A_1282 = arith.cmpi slt, %select_n3A_1279, %select_n3A_1247 : vector<20x32x128xi32>
    %and3A_1283 = arith.andi %eq3A_1281, %lt3A_1282 : vector<20x32x128xi1>
    %or3A_1284 = arith.ori %gt3A_1280, %and3A_1283 : vector<20x32x128xi1>
    %eq3A_1285 = vector.broadcast %eq3A_1265 : vector<1x32x128xi1> to vector<20x32x128xi1>
    %eq3A_1286 = vector.broadcast %eq3A_1285 : vector<20x32x128xi1> to vector<20x32x128xi1>
    %eq3A_1287 = arith.xori %or3A_1284, %eq3A_1286 : vector<20x32x128xi1>
    %eq3A_1288 = arith.constant dense<true> : vector<20x32x128xi1>
    %eq3A_1289 = arith.xori %eq3A_1287, %eq3A_1288 : vector<20x32x128xi1>
    %select_n3A_1290 = arith.select %eq3A_1289, %select_n3A_1272, %select_n3A_1246 : vector<20x32x128xi1>, vector<20x32x128xi32>
    %select_n3A_1291 = arith.select %eq3A_1289, %select_n3A_1279, %select_n3A_1247 : vector<20x32x128xi1>, vector<20x32x128xi32>
    %and3A_1292 = arith.constant 64 : i32
    %and3A_1293 = vector.broadcast %and3A_1292 : i32 to vector<1x32x128xi32>
    %and3A_1294 = arith.andi %add3A, %and3A_1293 : vector<1x32x128xi32>
    %eq3A_1295 = arith.constant 0 : i32
    %eq3A_1296 = vector.broadcast %eq3A_1295 : i32 to vector<1x32x128xi32>
    %eq3A_1297 = arith.cmpi eq, %and3A_1294, %eq3A_1296 : vector<1x32x128xi32>
    %shift_right_arithmetic3A_1298 = arith.constant 8 : i32
    %shift_right_arithmetic3A_1299 = vector.broadcast %shift_right_arithmetic3A_1298 : i32 to vector<1x32x128xi32>
    %shift_right_arithmetic3A_1300 = arith.shrsi %add3A, %shift_right_arithmetic3A_1299 : vector<1x32x128xi32>
    %and3A_1301 = arith.constant 1 : i32
    %and3A_1302 = vector.broadcast %and3A_1301 : i32 to vector<1x32x128xi32>
    %and3A_1303 = arith.andi %shift_right_arithmetic3A_1300, %and3A_1302 : vector<1x32x128xi32>
    %eq3A_1304 = arith.constant 0 : i32
    %eq3A_1305 = vector.broadcast %eq3A_1304 : i32 to vector<1x32x128xi32>
    %eq3A_1306 = arith.cmpi eq, %and3A_1303, %eq3A_1305 : vector<1x32x128xi32>
    %eq3A_1307 = arith.xori %eq3A_1297, %eq3A_1306 : vector<1x32x128xi1>
    %eq3A_1308 = arith.constant dense<true> : vector<1x32x128xi1>
    %eq3A_1309 = arith.xori %eq3A_1307, %eq3A_1308 : vector<1x32x128xi1>
    %roll3A_1310 = arith.constant 126 : i32
    %roll3A_1311 = tpu.dynamic_rotate %select_n3A_1290 by %roll3A_1310 dim 2 : vector<20x32x128xi32>, i32 -> vector<20x32x128xi32>
    %roll3A_1312 = arith.constant 2 : i32
    %roll3A_1313 = tpu.dynamic_rotate %select_n3A_1290 by %roll3A_1312 dim 2 : vector<20x32x128xi32>, i32 -> vector<20x32x128xi32>
    %broadcast_in_dim3A_1314 = vector.shape_cast %eq3A_1297 : vector<1x32x128xi1> to vector<1x32x128xi1>
    %broadcast_in_dim3A_1315 = vector.broadcast %broadcast_in_dim3A_1314 : vector<1x32x128xi1> to vector<20x32x128xi1>
    %select_n3A_1316 = arith.select %broadcast_in_dim3A_1315, %roll3A_1311, %roll3A_1313 : vector<20x32x128xi1>, vector<20x32x128xi32>
    %roll3A_1317 = arith.constant 126 : i32
    %roll3A_1318 = tpu.dynamic_rotate %select_n3A_1291 by %roll3A_1317 dim 2 : vector<20x32x128xi32>, i32 -> vector<20x32x128xi32>
    %roll3A_1319 = arith.constant 2 : i32
    %roll3A_1320 = tpu.dynamic_rotate %select_n3A_1291 by %roll3A_1319 dim 2 : vector<20x32x128xi32>, i32 -> vector<20x32x128xi32>
    %broadcast_in_dim3A_1321 = vector.shape_cast %eq3A_1297 : vector<1x32x128xi1> to vector<1x32x128xi1>
    %broadcast_in_dim3A_1322 = vector.broadcast %broadcast_in_dim3A_1321 : vector<1x32x128xi1> to vector<20x32x128xi1>
    %select_n3A_1323 = arith.select %broadcast_in_dim3A_1322, %roll3A_1318, %roll3A_1320 : vector<20x32x128xi1>, vector<20x32x128xi32>
    %gt3A_1324 = arith.cmpi sgt, %select_n3A_1316, %select_n3A_1290 : vector<20x32x128xi32>
    %eq3A_1325 = arith.cmpi eq, %select_n3A_1316, %select_n3A_1290 : vector<20x32x128xi32>
    %lt3A_1326 = arith.cmpi slt, %select_n3A_1323, %select_n3A_1291 : vector<20x32x128xi32>
    %and3A_1327 = arith.andi %eq3A_1325, %lt3A_1326 : vector<20x32x128xi1>
    %or3A_1328 = arith.ori %gt3A_1324, %and3A_1327 : vector<20x32x128xi1>
    %eq3A_1329 = vector.broadcast %eq3A_1309 : vector<1x32x128xi1> to vector<20x32x128xi1>
    %eq3A_1330 = vector.broadcast %eq3A_1329 : vector<20x32x128xi1> to vector<20x32x128xi1>
    %eq3A_1331 = arith.xori %or3A_1328, %eq3A_1330 : vector<20x32x128xi1>
    %eq3A_1332 = arith.constant dense<true> : vector<20x32x128xi1>
    %eq3A_1333 = arith.xori %eq3A_1331, %eq3A_1332 : vector<20x32x128xi1>
    %select_n3A_1334 = arith.select %eq3A_1333, %select_n3A_1316, %select_n3A_1290 : vector<20x32x128xi1>, vector<20x32x128xi32>
    %select_n3A_1335 = arith.select %eq3A_1333, %select_n3A_1323, %select_n3A_1291 : vector<20x32x128xi1>, vector<20x32x128xi32>
    %and3A_1336 = arith.constant 32 : i32
    %and3A_1337 = vector.broadcast %and3A_1336 : i32 to vector<1x32x128xi32>
    %and3A_1338 = arith.andi %add3A, %and3A_1337 : vector<1x32x128xi32>
    %eq3A_1339 = arith.constant 0 : i32
    %eq3A_1340 = vector.broadcast %eq3A_1339 : i32 to vector<1x32x128xi32>
    %eq3A_1341 = arith.cmpi eq, %and3A_1338, %eq3A_1340 : vector<1x32x128xi32>
    %shift_right_arithmetic3A_1342 = arith.constant 8 : i32
    %shift_right_arithmetic3A_1343 = vector.broadcast %shift_right_arithmetic3A_1342 : i32 to vector<1x32x128xi32>
    %shift_right_arithmetic3A_1344 = arith.shrsi %add3A, %shift_right_arithmetic3A_1343 : vector<1x32x128xi32>
    %and3A_1345 = arith.constant 1 : i32
    %and3A_1346 = vector.broadcast %and3A_1345 : i32 to vector<1x32x128xi32>
    %and3A_1347 = arith.andi %shift_right_arithmetic3A_1344, %and3A_1346 : vector<1x32x128xi32>
    %eq3A_1348 = arith.constant 0 : i32
    %eq3A_1349 = vector.broadcast %eq3A_1348 : i32 to vector<1x32x128xi32>
    %eq3A_1350 = arith.cmpi eq, %and3A_1347, %eq3A_1349 : vector<1x32x128xi32>
    %eq3A_1351 = arith.xori %eq3A_1341, %eq3A_1350 : vector<1x32x128xi1>
    %eq3A_1352 = arith.constant dense<true> : vector<1x32x128xi1>
    %eq3A_1353 = arith.xori %eq3A_1351, %eq3A_1352 : vector<1x32x128xi1>
    %roll3A_1354 = arith.constant 127 : i32
    %roll3A_1355 = tpu.dynamic_rotate %select_n3A_1334 by %roll3A_1354 dim 2 : vector<20x32x128xi32>, i32 -> vector<20x32x128xi32>
    %roll3A_1356 = arith.constant 1 : i32
    %roll3A_1357 = tpu.dynamic_rotate %select_n3A_1334 by %roll3A_1356 dim 2 : vector<20x32x128xi32>, i32 -> vector<20x32x128xi32>
    %broadcast_in_dim3A_1358 = vector.shape_cast %eq3A_1341 : vector<1x32x128xi1> to vector<1x32x128xi1>
    %broadcast_in_dim3A_1359 = vector.broadcast %broadcast_in_dim3A_1358 : vector<1x32x128xi1> to vector<20x32x128xi1>
    %select_n3A_1360 = arith.select %broadcast_in_dim3A_1359, %roll3A_1355, %roll3A_1357 : vector<20x32x128xi1>, vector<20x32x128xi32>
    %roll3A_1361 = arith.constant 127 : i32
    %roll3A_1362 = tpu.dynamic_rotate %select_n3A_1335 by %roll3A_1361 dim 2 : vector<20x32x128xi32>, i32 -> vector<20x32x128xi32>
    %roll3A_1363 = arith.constant 1 : i32
    %roll3A_1364 = tpu.dynamic_rotate %select_n3A_1335 by %roll3A_1363 dim 2 : vector<20x32x128xi32>, i32 -> vector<20x32x128xi32>
    %broadcast_in_dim3A_1365 = vector.shape_cast %eq3A_1341 : vector<1x32x128xi1> to vector<1x32x128xi1>
    %broadcast_in_dim3A_1366 = vector.broadcast %broadcast_in_dim3A_1365 : vector<1x32x128xi1> to vector<20x32x128xi1>
    %select_n3A_1367 = arith.select %broadcast_in_dim3A_1366, %roll3A_1362, %roll3A_1364 : vector<20x32x128xi1>, vector<20x32x128xi32>
    %gt3A_1368 = arith.cmpi sgt, %select_n3A_1360, %select_n3A_1334 : vector<20x32x128xi32>
    %eq3A_1369 = arith.cmpi eq, %select_n3A_1360, %select_n3A_1334 : vector<20x32x128xi32>
    %lt3A_1370 = arith.cmpi slt, %select_n3A_1367, %select_n3A_1335 : vector<20x32x128xi32>
    %and3A_1371 = arith.andi %eq3A_1369, %lt3A_1370 : vector<20x32x128xi1>
    %or3A_1372 = arith.ori %gt3A_1368, %and3A_1371 : vector<20x32x128xi1>
    %eq3A_1373 = vector.broadcast %eq3A_1353 : vector<1x32x128xi1> to vector<20x32x128xi1>
    %eq3A_1374 = vector.broadcast %eq3A_1373 : vector<20x32x128xi1> to vector<20x32x128xi1>
    %eq3A_1375 = arith.xori %or3A_1372, %eq3A_1374 : vector<20x32x128xi1>
    %eq3A_1376 = arith.constant dense<true> : vector<20x32x128xi1>
    %eq3A_1377 = arith.xori %eq3A_1375, %eq3A_1376 : vector<20x32x128xi1>
    %select_n3A_1378 = arith.select %eq3A_1377, %select_n3A_1360, %select_n3A_1334 : vector<20x32x128xi1>, vector<20x32x128xi32>
    %select_n3A_1379 = arith.select %eq3A_1377, %select_n3A_1367, %select_n3A_1335 : vector<20x32x128xi1>, vector<20x32x128xi32>
    %and3A_1380 = arith.constant 16 : i32
    %and3A_1381 = vector.broadcast %and3A_1380 : i32 to vector<1x32x128xi32>
    %and3A_1382 = arith.andi %add3A, %and3A_1381 : vector<1x32x128xi32>
    %eq3A_1383 = arith.constant 0 : i32
    %eq3A_1384 = vector.broadcast %eq3A_1383 : i32 to vector<1x32x128xi32>
    %eq3A_1385 = arith.cmpi eq, %and3A_1382, %eq3A_1384 : vector<1x32x128xi32>
    %shift_right_arithmetic3A_1386 = arith.constant 8 : i32
    %shift_right_arithmetic3A_1387 = vector.broadcast %shift_right_arithmetic3A_1386 : i32 to vector<1x32x128xi32>
    %shift_right_arithmetic3A_1388 = arith.shrsi %add3A, %shift_right_arithmetic3A_1387 : vector<1x32x128xi32>
    %and3A_1389 = arith.constant 1 : i32
    %and3A_1390 = vector.broadcast %and3A_1389 : i32 to vector<1x32x128xi32>
    %and3A_1391 = arith.andi %shift_right_arithmetic3A_1388, %and3A_1390 : vector<1x32x128xi32>
    %eq3A_1392 = arith.constant 0 : i32
    %eq3A_1393 = vector.broadcast %eq3A_1392 : i32 to vector<1x32x128xi32>
    %eq3A_1394 = arith.cmpi eq, %and3A_1391, %eq3A_1393 : vector<1x32x128xi32>
    %eq3A_1395 = arith.xori %eq3A_1385, %eq3A_1394 : vector<1x32x128xi1>
    %eq3A_1396 = arith.constant dense<true> : vector<1x32x128xi1>
    %eq3A_1397 = arith.xori %eq3A_1395, %eq3A_1396 : vector<1x32x128xi1>
    %roll3A_1398 = arith.constant 16 : i32
    %roll3A_1399 = tpu.dynamic_rotate %select_n3A_1378 by %roll3A_1398 dim 1 : vector<20x32x128xi32>, i32 -> vector<20x32x128xi32>
    %roll3A_1400 = arith.constant 16 : i32
    %roll3A_1401 = tpu.dynamic_rotate %select_n3A_1378 by %roll3A_1400 dim 1 : vector<20x32x128xi32>, i32 -> vector<20x32x128xi32>
    %broadcast_in_dim3A_1402 = vector.shape_cast %eq3A_1385 : vector<1x32x128xi1> to vector<1x32x128xi1>
    %broadcast_in_dim3A_1403 = vector.broadcast %broadcast_in_dim3A_1402 : vector<1x32x128xi1> to vector<20x32x128xi1>
    %select_n3A_1404 = arith.select %broadcast_in_dim3A_1403, %roll3A_1399, %roll3A_1401 : vector<20x32x128xi1>, vector<20x32x128xi32>
    %roll3A_1405 = arith.constant 16 : i32
    %roll3A_1406 = tpu.dynamic_rotate %select_n3A_1379 by %roll3A_1405 dim 1 : vector<20x32x128xi32>, i32 -> vector<20x32x128xi32>
    %roll3A_1407 = arith.constant 16 : i32
    %roll3A_1408 = tpu.dynamic_rotate %select_n3A_1379 by %roll3A_1407 dim 1 : vector<20x32x128xi32>, i32 -> vector<20x32x128xi32>
    %broadcast_in_dim3A_1409 = vector.shape_cast %eq3A_1385 : vector<1x32x128xi1> to vector<1x32x128xi1>
    %broadcast_in_dim3A_1410 = vector.broadcast %broadcast_in_dim3A_1409 : vector<1x32x128xi1> to vector<20x32x128xi1>
    %select_n3A_1411 = arith.select %broadcast_in_dim3A_1410, %roll3A_1406, %roll3A_1408 : vector<20x32x128xi1>, vector<20x32x128xi32>
    %gt3A_1412 = arith.cmpi sgt, %select_n3A_1404, %select_n3A_1378 : vector<20x32x128xi32>
    %eq3A_1413 = arith.cmpi eq, %select_n3A_1404, %select_n3A_1378 : vector<20x32x128xi32>
    %lt3A_1414 = arith.cmpi slt, %select_n3A_1411, %select_n3A_1379 : vector<20x32x128xi32>
    %and3A_1415 = arith.andi %eq3A_1413, %lt3A_1414 : vector<20x32x128xi1>
    %or3A_1416 = arith.ori %gt3A_1412, %and3A_1415 : vector<20x32x128xi1>
    %eq3A_1417 = vector.broadcast %eq3A_1397 : vector<1x32x128xi1> to vector<20x32x128xi1>
    %eq3A_1418 = vector.broadcast %eq3A_1417 : vector<20x32x128xi1> to vector<20x32x128xi1>
    %eq3A_1419 = arith.xori %or3A_1416, %eq3A_1418 : vector<20x32x128xi1>
    %eq3A_1420 = arith.constant dense<true> : vector<20x32x128xi1>
    %eq3A_1421 = arith.xori %eq3A_1419, %eq3A_1420 : vector<20x32x128xi1>
    %select_n3A_1422 = arith.select %eq3A_1421, %select_n3A_1404, %select_n3A_1378 : vector<20x32x128xi1>, vector<20x32x128xi32>
    %select_n3A_1423 = arith.select %eq3A_1421, %select_n3A_1411, %select_n3A_1379 : vector<20x32x128xi1>, vector<20x32x128xi32>
    %and3A_1424 = arith.constant 8 : i32
    %and3A_1425 = vector.broadcast %and3A_1424 : i32 to vector<1x32x128xi32>
    %and3A_1426 = arith.andi %add3A, %and3A_1425 : vector<1x32x128xi32>
    %eq3A_1427 = arith.constant 0 : i32
    %eq3A_1428 = vector.broadcast %eq3A_1427 : i32 to vector<1x32x128xi32>
    %eq3A_1429 = arith.cmpi eq, %and3A_1426, %eq3A_1428 : vector<1x32x128xi32>
    %shift_right_arithmetic3A_1430 = arith.constant 8 : i32
    %shift_right_arithmetic3A_1431 = vector.broadcast %shift_right_arithmetic3A_1430 : i32 to vector<1x32x128xi32>
    %shift_right_arithmetic3A_1432 = arith.shrsi %add3A, %shift_right_arithmetic3A_1431 : vector<1x32x128xi32>
    %and3A_1433 = arith.constant 1 : i32
    %and3A_1434 = vector.broadcast %and3A_1433 : i32 to vector<1x32x128xi32>
    %and3A_1435 = arith.andi %shift_right_arithmetic3A_1432, %and3A_1434 : vector<1x32x128xi32>
    %eq3A_1436 = arith.constant 0 : i32
    %eq3A_1437 = vector.broadcast %eq3A_1436 : i32 to vector<1x32x128xi32>
    %eq3A_1438 = arith.cmpi eq, %and3A_1435, %eq3A_1437 : vector<1x32x128xi32>
    %eq3A_1439 = arith.xori %eq3A_1429, %eq3A_1438 : vector<1x32x128xi1>
    %eq3A_1440 = arith.constant dense<true> : vector<1x32x128xi1>
    %eq3A_1441 = arith.xori %eq3A_1439, %eq3A_1440 : vector<1x32x128xi1>
    %roll3A_1442 = arith.constant 24 : i32
    %roll3A_1443 = tpu.dynamic_rotate %select_n3A_1422 by %roll3A_1442 dim 1 : vector<20x32x128xi32>, i32 -> vector<20x32x128xi32>
    %roll3A_1444 = arith.constant 8 : i32
    %roll3A_1445 = tpu.dynamic_rotate %select_n3A_1422 by %roll3A_1444 dim 1 : vector<20x32x128xi32>, i32 -> vector<20x32x128xi32>
    %broadcast_in_dim3A_1446 = vector.shape_cast %eq3A_1429 : vector<1x32x128xi1> to vector<1x32x128xi1>
    %broadcast_in_dim3A_1447 = vector.broadcast %broadcast_in_dim3A_1446 : vector<1x32x128xi1> to vector<20x32x128xi1>
    %select_n3A_1448 = arith.select %broadcast_in_dim3A_1447, %roll3A_1443, %roll3A_1445 : vector<20x32x128xi1>, vector<20x32x128xi32>
    %roll3A_1449 = arith.constant 24 : i32
    %roll3A_1450 = tpu.dynamic_rotate %select_n3A_1423 by %roll3A_1449 dim 1 : vector<20x32x128xi32>, i32 -> vector<20x32x128xi32>
    %roll3A_1451 = arith.constant 8 : i32
    %roll3A_1452 = tpu.dynamic_rotate %select_n3A_1423 by %roll3A_1451 dim 1 : vector<20x32x128xi32>, i32 -> vector<20x32x128xi32>
    %broadcast_in_dim3A_1453 = vector.shape_cast %eq3A_1429 : vector<1x32x128xi1> to vector<1x32x128xi1>
    %broadcast_in_dim3A_1454 = vector.broadcast %broadcast_in_dim3A_1453 : vector<1x32x128xi1> to vector<20x32x128xi1>
    %select_n3A_1455 = arith.select %broadcast_in_dim3A_1454, %roll3A_1450, %roll3A_1452 : vector<20x32x128xi1>, vector<20x32x128xi32>
    %gt3A_1456 = arith.cmpi sgt, %select_n3A_1448, %select_n3A_1422 : vector<20x32x128xi32>
    %eq3A_1457 = arith.cmpi eq, %select_n3A_1448, %select_n3A_1422 : vector<20x32x128xi32>
    %lt3A_1458 = arith.cmpi slt, %select_n3A_1455, %select_n3A_1423 : vector<20x32x128xi32>
    %and3A_1459 = arith.andi %eq3A_1457, %lt3A_1458 : vector<20x32x128xi1>
    %or3A_1460 = arith.ori %gt3A_1456, %and3A_1459 : vector<20x32x128xi1>
    %eq3A_1461 = vector.broadcast %eq3A_1441 : vector<1x32x128xi1> to vector<20x32x128xi1>
    %eq3A_1462 = vector.broadcast %eq3A_1461 : vector<20x32x128xi1> to vector<20x32x128xi1>
    %eq3A_1463 = arith.xori %or3A_1460, %eq3A_1462 : vector<20x32x128xi1>
    %eq3A_1464 = arith.constant dense<true> : vector<20x32x128xi1>
    %eq3A_1465 = arith.xori %eq3A_1463, %eq3A_1464 : vector<20x32x128xi1>
    %select_n3A_1466 = arith.select %eq3A_1465, %select_n3A_1448, %select_n3A_1422 : vector<20x32x128xi1>, vector<20x32x128xi32>
    %select_n3A_1467 = arith.select %eq3A_1465, %select_n3A_1455, %select_n3A_1423 : vector<20x32x128xi1>, vector<20x32x128xi32>
    %and3A_1468 = arith.constant 4 : i32
    %and3A_1469 = vector.broadcast %and3A_1468 : i32 to vector<1x32x128xi32>
    %and3A_1470 = arith.andi %add3A, %and3A_1469 : vector<1x32x128xi32>
    %eq3A_1471 = arith.constant 0 : i32
    %eq3A_1472 = vector.broadcast %eq3A_1471 : i32 to vector<1x32x128xi32>
    %eq3A_1473 = arith.cmpi eq, %and3A_1470, %eq3A_1472 : vector<1x32x128xi32>
    %shift_right_arithmetic3A_1474 = arith.constant 8 : i32
    %shift_right_arithmetic3A_1475 = vector.broadcast %shift_right_arithmetic3A_1474 : i32 to vector<1x32x128xi32>
    %shift_right_arithmetic3A_1476 = arith.shrsi %add3A, %shift_right_arithmetic3A_1475 : vector<1x32x128xi32>
    %and3A_1477 = arith.constant 1 : i32
    %and3A_1478 = vector.broadcast %and3A_1477 : i32 to vector<1x32x128xi32>
    %and3A_1479 = arith.andi %shift_right_arithmetic3A_1476, %and3A_1478 : vector<1x32x128xi32>
    %eq3A_1480 = arith.constant 0 : i32
    %eq3A_1481 = vector.broadcast %eq3A_1480 : i32 to vector<1x32x128xi32>
    %eq3A_1482 = arith.cmpi eq, %and3A_1479, %eq3A_1481 : vector<1x32x128xi32>
    %eq3A_1483 = arith.xori %eq3A_1473, %eq3A_1482 : vector<1x32x128xi1>
    %eq3A_1484 = arith.constant dense<true> : vector<1x32x128xi1>
    %eq3A_1485 = arith.xori %eq3A_1483, %eq3A_1484 : vector<1x32x128xi1>
    %roll3A_1486 = arith.constant 28 : i32
    %roll3A_1487 = tpu.dynamic_rotate %select_n3A_1466 by %roll3A_1486 dim 1 : vector<20x32x128xi32>, i32 -> vector<20x32x128xi32>
    %roll3A_1488 = arith.constant 4 : i32
    %roll3A_1489 = tpu.dynamic_rotate %select_n3A_1466 by %roll3A_1488 dim 1 : vector<20x32x128xi32>, i32 -> vector<20x32x128xi32>
    %broadcast_in_dim3A_1490 = vector.shape_cast %eq3A_1473 : vector<1x32x128xi1> to vector<1x32x128xi1>
    %broadcast_in_dim3A_1491 = vector.broadcast %broadcast_in_dim3A_1490 : vector<1x32x128xi1> to vector<20x32x128xi1>
    %select_n3A_1492 = arith.select %broadcast_in_dim3A_1491, %roll3A_1487, %roll3A_1489 : vector<20x32x128xi1>, vector<20x32x128xi32>
    %roll3A_1493 = arith.constant 28 : i32
    %roll3A_1494 = tpu.dynamic_rotate %select_n3A_1467 by %roll3A_1493 dim 1 : vector<20x32x128xi32>, i32 -> vector<20x32x128xi32>
    %roll3A_1495 = arith.constant 4 : i32
    %roll3A_1496 = tpu.dynamic_rotate %select_n3A_1467 by %roll3A_1495 dim 1 : vector<20x32x128xi32>, i32 -> vector<20x32x128xi32>
    %broadcast_in_dim3A_1497 = vector.shape_cast %eq3A_1473 : vector<1x32x128xi1> to vector<1x32x128xi1>
    %broadcast_in_dim3A_1498 = vector.broadcast %broadcast_in_dim3A_1497 : vector<1x32x128xi1> to vector<20x32x128xi1>
    %select_n3A_1499 = arith.select %broadcast_in_dim3A_1498, %roll3A_1494, %roll3A_1496 : vector<20x32x128xi1>, vector<20x32x128xi32>
    %gt3A_1500 = arith.cmpi sgt, %select_n3A_1492, %select_n3A_1466 : vector<20x32x128xi32>
    %eq3A_1501 = arith.cmpi eq, %select_n3A_1492, %select_n3A_1466 : vector<20x32x128xi32>
    %lt3A_1502 = arith.cmpi slt, %select_n3A_1499, %select_n3A_1467 : vector<20x32x128xi32>
    %and3A_1503 = arith.andi %eq3A_1501, %lt3A_1502 : vector<20x32x128xi1>
    %or3A_1504 = arith.ori %gt3A_1500, %and3A_1503 : vector<20x32x128xi1>
    %eq3A_1505 = vector.broadcast %eq3A_1485 : vector<1x32x128xi1> to vector<20x32x128xi1>
    %eq3A_1506 = vector.broadcast %eq3A_1505 : vector<20x32x128xi1> to vector<20x32x128xi1>
    %eq3A_1507 = arith.xori %or3A_1504, %eq3A_1506 : vector<20x32x128xi1>
    %eq3A_1508 = arith.constant dense<true> : vector<20x32x128xi1>
    %eq3A_1509 = arith.xori %eq3A_1507, %eq3A_1508 : vector<20x32x128xi1>
    %select_n3A_1510 = arith.select %eq3A_1509, %select_n3A_1492, %select_n3A_1466 : vector<20x32x128xi1>, vector<20x32x128xi32>
    %select_n3A_1511 = arith.select %eq3A_1509, %select_n3A_1499, %select_n3A_1467 : vector<20x32x128xi1>, vector<20x32x128xi32>
    %and3A_1512 = arith.constant 2 : i32
    %and3A_1513 = vector.broadcast %and3A_1512 : i32 to vector<1x32x128xi32>
    %and3A_1514 = arith.andi %add3A, %and3A_1513 : vector<1x32x128xi32>
    %eq3A_1515 = arith.constant 0 : i32
    %eq3A_1516 = vector.broadcast %eq3A_1515 : i32 to vector<1x32x128xi32>
    %eq3A_1517 = arith.cmpi eq, %and3A_1514, %eq3A_1516 : vector<1x32x128xi32>
    %shift_right_arithmetic3A_1518 = arith.constant 8 : i32
    %shift_right_arithmetic3A_1519 = vector.broadcast %shift_right_arithmetic3A_1518 : i32 to vector<1x32x128xi32>
    %shift_right_arithmetic3A_1520 = arith.shrsi %add3A, %shift_right_arithmetic3A_1519 : vector<1x32x128xi32>
    %and3A_1521 = arith.constant 1 : i32
    %and3A_1522 = vector.broadcast %and3A_1521 : i32 to vector<1x32x128xi32>
    %and3A_1523 = arith.andi %shift_right_arithmetic3A_1520, %and3A_1522 : vector<1x32x128xi32>
    %eq3A_1524 = arith.constant 0 : i32
    %eq3A_1525 = vector.broadcast %eq3A_1524 : i32 to vector<1x32x128xi32>
    %eq3A_1526 = arith.cmpi eq, %and3A_1523, %eq3A_1525 : vector<1x32x128xi32>
    %eq3A_1527 = arith.xori %eq3A_1517, %eq3A_1526 : vector<1x32x128xi1>
    %eq3A_1528 = arith.constant dense<true> : vector<1x32x128xi1>
    %eq3A_1529 = arith.xori %eq3A_1527, %eq3A_1528 : vector<1x32x128xi1>
    %roll3A_1530 = arith.constant 30 : i32
    %roll3A_1531 = tpu.dynamic_rotate %select_n3A_1510 by %roll3A_1530 dim 1 : vector<20x32x128xi32>, i32 -> vector<20x32x128xi32>
    %roll3A_1532 = arith.constant 2 : i32
    %roll3A_1533 = tpu.dynamic_rotate %select_n3A_1510 by %roll3A_1532 dim 1 : vector<20x32x128xi32>, i32 -> vector<20x32x128xi32>
    %broadcast_in_dim3A_1534 = vector.shape_cast %eq3A_1517 : vector<1x32x128xi1> to vector<1x32x128xi1>
    %broadcast_in_dim3A_1535 = vector.broadcast %broadcast_in_dim3A_1534 : vector<1x32x128xi1> to vector<20x32x128xi1>
    %select_n3A_1536 = arith.select %broadcast_in_dim3A_1535, %roll3A_1531, %roll3A_1533 : vector<20x32x128xi1>, vector<20x32x128xi32>
    %roll3A_1537 = arith.constant 30 : i32
    %roll3A_1538 = tpu.dynamic_rotate %select_n3A_1511 by %roll3A_1537 dim 1 : vector<20x32x128xi32>, i32 -> vector<20x32x128xi32>
    %roll3A_1539 = arith.constant 2 : i32
    %roll3A_1540 = tpu.dynamic_rotate %select_n3A_1511 by %roll3A_1539 dim 1 : vector<20x32x128xi32>, i32 -> vector<20x32x128xi32>
    %broadcast_in_dim3A_1541 = vector.shape_cast %eq3A_1517 : vector<1x32x128xi1> to vector<1x32x128xi1>
    %broadcast_in_dim3A_1542 = vector.broadcast %broadcast_in_dim3A_1541 : vector<1x32x128xi1> to vector<20x32x128xi1>
    %select_n3A_1543 = arith.select %broadcast_in_dim3A_1542, %roll3A_1538, %roll3A_1540 : vector<20x32x128xi1>, vector<20x32x128xi32>
    %gt3A_1544 = arith.cmpi sgt, %select_n3A_1536, %select_n3A_1510 : vector<20x32x128xi32>
    %eq3A_1545 = arith.cmpi eq, %select_n3A_1536, %select_n3A_1510 : vector<20x32x128xi32>
    %lt3A_1546 = arith.cmpi slt, %select_n3A_1543, %select_n3A_1511 : vector<20x32x128xi32>
    %and3A_1547 = arith.andi %eq3A_1545, %lt3A_1546 : vector<20x32x128xi1>
    %or3A_1548 = arith.ori %gt3A_1544, %and3A_1547 : vector<20x32x128xi1>
    %eq3A_1549 = vector.broadcast %eq3A_1529 : vector<1x32x128xi1> to vector<20x32x128xi1>
    %eq3A_1550 = vector.broadcast %eq3A_1549 : vector<20x32x128xi1> to vector<20x32x128xi1>
    %eq3A_1551 = arith.xori %or3A_1548, %eq3A_1550 : vector<20x32x128xi1>
    %eq3A_1552 = arith.constant dense<true> : vector<20x32x128xi1>
    %eq3A_1553 = arith.xori %eq3A_1551, %eq3A_1552 : vector<20x32x128xi1>
    %select_n3A_1554 = arith.select %eq3A_1553, %select_n3A_1536, %select_n3A_1510 : vector<20x32x128xi1>, vector<20x32x128xi32>
    %select_n3A_1555 = arith.select %eq3A_1553, %select_n3A_1543, %select_n3A_1511 : vector<20x32x128xi1>, vector<20x32x128xi32>
    %and3A_1556 = arith.constant 1 : i32
    %and3A_1557 = vector.broadcast %and3A_1556 : i32 to vector<1x32x128xi32>
    %and3A_1558 = arith.andi %add3A, %and3A_1557 : vector<1x32x128xi32>
    %eq3A_1559 = arith.constant 0 : i32
    %eq3A_1560 = vector.broadcast %eq3A_1559 : i32 to vector<1x32x128xi32>
    %eq3A_1561 = arith.cmpi eq, %and3A_1558, %eq3A_1560 : vector<1x32x128xi32>
    %shift_right_arithmetic3A_1562 = arith.constant 8 : i32
    %shift_right_arithmetic3A_1563 = vector.broadcast %shift_right_arithmetic3A_1562 : i32 to vector<1x32x128xi32>
    %shift_right_arithmetic3A_1564 = arith.shrsi %add3A, %shift_right_arithmetic3A_1563 : vector<1x32x128xi32>
    %and3A_1565 = arith.constant 1 : i32
    %and3A_1566 = vector.broadcast %and3A_1565 : i32 to vector<1x32x128xi32>
    %and3A_1567 = arith.andi %shift_right_arithmetic3A_1564, %and3A_1566 : vector<1x32x128xi32>
    %eq3A_1568 = arith.constant 0 : i32
    %eq3A_1569 = vector.broadcast %eq3A_1568 : i32 to vector<1x32x128xi32>
    %eq3A_1570 = arith.cmpi eq, %and3A_1567, %eq3A_1569 : vector<1x32x128xi32>
    %eq3A_1571 = arith.xori %eq3A_1561, %eq3A_1570 : vector<1x32x128xi1>
    %eq3A_1572 = arith.constant dense<true> : vector<1x32x128xi1>
    %eq3A_1573 = arith.xori %eq3A_1571, %eq3A_1572 : vector<1x32x128xi1>
    %roll3A_1574 = arith.constant 31 : i32
    %roll3A_1575 = tpu.dynamic_rotate %select_n3A_1554 by %roll3A_1574 dim 1 : vector<20x32x128xi32>, i32 -> vector<20x32x128xi32>
    %roll3A_1576 = arith.constant 1 : i32
    %roll3A_1577 = tpu.dynamic_rotate %select_n3A_1554 by %roll3A_1576 dim 1 : vector<20x32x128xi32>, i32 -> vector<20x32x128xi32>
    %broadcast_in_dim3A_1578 = vector.shape_cast %eq3A_1561 : vector<1x32x128xi1> to vector<1x32x128xi1>
    %broadcast_in_dim3A_1579 = vector.broadcast %broadcast_in_dim3A_1578 : vector<1x32x128xi1> to vector<20x32x128xi1>
    %select_n3A_1580 = arith.select %broadcast_in_dim3A_1579, %roll3A_1575, %roll3A_1577 : vector<20x32x128xi1>, vector<20x32x128xi32>
    %roll3A_1581 = arith.constant 31 : i32
    %roll3A_1582 = tpu.dynamic_rotate %select_n3A_1555 by %roll3A_1581 dim 1 : vector<20x32x128xi32>, i32 -> vector<20x32x128xi32>
    %roll3A_1583 = arith.constant 1 : i32
    %roll3A_1584 = tpu.dynamic_rotate %select_n3A_1555 by %roll3A_1583 dim 1 : vector<20x32x128xi32>, i32 -> vector<20x32x128xi32>
    %broadcast_in_dim3A_1585 = vector.shape_cast %eq3A_1561 : vector<1x32x128xi1> to vector<1x32x128xi1>
    %broadcast_in_dim3A_1586 = vector.broadcast %broadcast_in_dim3A_1585 : vector<1x32x128xi1> to vector<20x32x128xi1>
    %select_n3A_1587 = arith.select %broadcast_in_dim3A_1586, %roll3A_1582, %roll3A_1584 : vector<20x32x128xi1>, vector<20x32x128xi32>
    %gt3A_1588 = arith.cmpi sgt, %select_n3A_1580, %select_n3A_1554 : vector<20x32x128xi32>
    %eq3A_1589 = arith.cmpi eq, %select_n3A_1580, %select_n3A_1554 : vector<20x32x128xi32>
    %lt3A_1590 = arith.cmpi slt, %select_n3A_1587, %select_n3A_1555 : vector<20x32x128xi32>
    %and3A_1591 = arith.andi %eq3A_1589, %lt3A_1590 : vector<20x32x128xi1>
    %or3A_1592 = arith.ori %gt3A_1588, %and3A_1591 : vector<20x32x128xi1>
    %eq3A_1593 = vector.broadcast %eq3A_1573 : vector<1x32x128xi1> to vector<20x32x128xi1>
    %eq3A_1594 = vector.broadcast %eq3A_1593 : vector<20x32x128xi1> to vector<20x32x128xi1>
    %eq3A_1595 = arith.xori %or3A_1592, %eq3A_1594 : vector<20x32x128xi1>
    %eq3A_1596 = arith.constant dense<true> : vector<20x32x128xi1>
    %eq3A_1597 = arith.xori %eq3A_1595, %eq3A_1596 : vector<20x32x128xi1>
    %select_n3A_1598 = arith.select %eq3A_1597, %select_n3A_1580, %select_n3A_1554 : vector<20x32x128xi1>, vector<20x32x128xi32>
    %select_n3A_1599 = arith.select %eq3A_1597, %select_n3A_1587, %select_n3A_1555 : vector<20x32x128xi1>, vector<20x32x128xi32>
    %and3A_1600 = arith.constant 256 : i32
    %and3A_1601 = vector.broadcast %and3A_1600 : i32 to vector<1x32x128xi32>
    %and3A_1602 = arith.andi %add3A, %and3A_1601 : vector<1x32x128xi32>
    %eq3A_1603 = arith.constant 0 : i32
    %eq3A_1604 = vector.broadcast %eq3A_1603 : i32 to vector<1x32x128xi32>
    %eq3A_1605 = arith.cmpi eq, %and3A_1602, %eq3A_1604 : vector<1x32x128xi32>
    %shift_right_arithmetic3A_1606 = arith.constant 9 : i32
    %shift_right_arithmetic3A_1607 = vector.broadcast %shift_right_arithmetic3A_1606 : i32 to vector<1x32x128xi32>
    %shift_right_arithmetic3A_1608 = arith.shrsi %add3A, %shift_right_arithmetic3A_1607 : vector<1x32x128xi32>
    %and3A_1609 = arith.constant 1 : i32
    %and3A_1610 = vector.broadcast %and3A_1609 : i32 to vector<1x32x128xi32>
    %and3A_1611 = arith.andi %shift_right_arithmetic3A_1608, %and3A_1610 : vector<1x32x128xi32>
    %eq3A_1612 = arith.constant 0 : i32
    %eq3A_1613 = vector.broadcast %eq3A_1612 : i32 to vector<1x32x128xi32>
    %eq3A_1614 = arith.cmpi eq, %and3A_1611, %eq3A_1613 : vector<1x32x128xi32>
    %eq3A_1615 = arith.xori %eq3A_1605, %eq3A_1614 : vector<1x32x128xi1>
    %eq3A_1616 = arith.constant dense<true> : vector<1x32x128xi1>
    %eq3A_1617 = arith.xori %eq3A_1615, %eq3A_1616 : vector<1x32x128xi1>
    %roll3A_1618 = arith.constant 120 : i32
    %roll3A_1619 = tpu.dynamic_rotate %select_n3A_1598 by %roll3A_1618 dim 2 : vector<20x32x128xi32>, i32 -> vector<20x32x128xi32>
    %roll3A_1620 = arith.constant 8 : i32
    %roll3A_1621 = tpu.dynamic_rotate %select_n3A_1598 by %roll3A_1620 dim 2 : vector<20x32x128xi32>, i32 -> vector<20x32x128xi32>
    %broadcast_in_dim3A_1622 = vector.shape_cast %eq3A_1605 : vector<1x32x128xi1> to vector<1x32x128xi1>
    %broadcast_in_dim3A_1623 = vector.broadcast %broadcast_in_dim3A_1622 : vector<1x32x128xi1> to vector<20x32x128xi1>
    %select_n3A_1624 = arith.select %broadcast_in_dim3A_1623, %roll3A_1619, %roll3A_1621 : vector<20x32x128xi1>, vector<20x32x128xi32>
    %roll3A_1625 = arith.constant 120 : i32
    %roll3A_1626 = tpu.dynamic_rotate %select_n3A_1599 by %roll3A_1625 dim 2 : vector<20x32x128xi32>, i32 -> vector<20x32x128xi32>
    %roll3A_1627 = arith.constant 8 : i32
    %roll3A_1628 = tpu.dynamic_rotate %select_n3A_1599 by %roll3A_1627 dim 2 : vector<20x32x128xi32>, i32 -> vector<20x32x128xi32>
    %broadcast_in_dim3A_1629 = vector.shape_cast %eq3A_1605 : vector<1x32x128xi1> to vector<1x32x128xi1>
    %broadcast_in_dim3A_1630 = vector.broadcast %broadcast_in_dim3A_1629 : vector<1x32x128xi1> to vector<20x32x128xi1>
    %select_n3A_1631 = arith.select %broadcast_in_dim3A_1630, %roll3A_1626, %roll3A_1628 : vector<20x32x128xi1>, vector<20x32x128xi32>
    %gt3A_1632 = arith.cmpi sgt, %select_n3A_1624, %select_n3A_1598 : vector<20x32x128xi32>
    %eq3A_1633 = arith.cmpi eq, %select_n3A_1624, %select_n3A_1598 : vector<20x32x128xi32>
    %lt3A_1634 = arith.cmpi slt, %select_n3A_1631, %select_n3A_1599 : vector<20x32x128xi32>
    %and3A_1635 = arith.andi %eq3A_1633, %lt3A_1634 : vector<20x32x128xi1>
    %or3A_1636 = arith.ori %gt3A_1632, %and3A_1635 : vector<20x32x128xi1>
    %eq3A_1637 = vector.broadcast %eq3A_1617 : vector<1x32x128xi1> to vector<20x32x128xi1>
    %eq3A_1638 = vector.broadcast %eq3A_1637 : vector<20x32x128xi1> to vector<20x32x128xi1>
    %eq3A_1639 = arith.xori %or3A_1636, %eq3A_1638 : vector<20x32x128xi1>
    %eq3A_1640 = arith.constant dense<true> : vector<20x32x128xi1>
    %eq3A_1641 = arith.xori %eq3A_1639, %eq3A_1640 : vector<20x32x128xi1>
    %select_n3A_1642 = arith.select %eq3A_1641, %select_n3A_1624, %select_n3A_1598 : vector<20x32x128xi1>, vector<20x32x128xi32>
    %select_n3A_1643 = arith.select %eq3A_1641, %select_n3A_1631, %select_n3A_1599 : vector<20x32x128xi1>, vector<20x32x128xi32>
    %and3A_1644 = arith.constant 128 : i32
    %and3A_1645 = vector.broadcast %and3A_1644 : i32 to vector<1x32x128xi32>
    %and3A_1646 = arith.andi %add3A, %and3A_1645 : vector<1x32x128xi32>
    %eq3A_1647 = arith.constant 0 : i32
    %eq3A_1648 = vector.broadcast %eq3A_1647 : i32 to vector<1x32x128xi32>
    %eq3A_1649 = arith.cmpi eq, %and3A_1646, %eq3A_1648 : vector<1x32x128xi32>
    %shift_right_arithmetic3A_1650 = arith.constant 9 : i32
    %shift_right_arithmetic3A_1651 = vector.broadcast %shift_right_arithmetic3A_1650 : i32 to vector<1x32x128xi32>
    %shift_right_arithmetic3A_1652 = arith.shrsi %add3A, %shift_right_arithmetic3A_1651 : vector<1x32x128xi32>
    %and3A_1653 = arith.constant 1 : i32
    %and3A_1654 = vector.broadcast %and3A_1653 : i32 to vector<1x32x128xi32>
    %and3A_1655 = arith.andi %shift_right_arithmetic3A_1652, %and3A_1654 : vector<1x32x128xi32>
    %eq3A_1656 = arith.constant 0 : i32
    %eq3A_1657 = vector.broadcast %eq3A_1656 : i32 to vector<1x32x128xi32>
    %eq3A_1658 = arith.cmpi eq, %and3A_1655, %eq3A_1657 : vector<1x32x128xi32>
    %eq3A_1659 = arith.xori %eq3A_1649, %eq3A_1658 : vector<1x32x128xi1>
    %eq3A_1660 = arith.constant dense<true> : vector<1x32x128xi1>
    %eq3A_1661 = arith.xori %eq3A_1659, %eq3A_1660 : vector<1x32x128xi1>
    %roll3A_1662 = arith.constant 124 : i32
    %roll3A_1663 = tpu.dynamic_rotate %select_n3A_1642 by %roll3A_1662 dim 2 : vector<20x32x128xi32>, i32 -> vector<20x32x128xi32>
    %roll3A_1664 = arith.constant 4 : i32
    %roll3A_1665 = tpu.dynamic_rotate %select_n3A_1642 by %roll3A_1664 dim 2 : vector<20x32x128xi32>, i32 -> vector<20x32x128xi32>
    %broadcast_in_dim3A_1666 = vector.shape_cast %eq3A_1649 : vector<1x32x128xi1> to vector<1x32x128xi1>
    %broadcast_in_dim3A_1667 = vector.broadcast %broadcast_in_dim3A_1666 : vector<1x32x128xi1> to vector<20x32x128xi1>
    %select_n3A_1668 = arith.select %broadcast_in_dim3A_1667, %roll3A_1663, %roll3A_1665 : vector<20x32x128xi1>, vector<20x32x128xi32>
    %roll3A_1669 = arith.constant 124 : i32
    %roll3A_1670 = tpu.dynamic_rotate %select_n3A_1643 by %roll3A_1669 dim 2 : vector<20x32x128xi32>, i32 -> vector<20x32x128xi32>
    %roll3A_1671 = arith.constant 4 : i32
    %roll3A_1672 = tpu.dynamic_rotate %select_n3A_1643 by %roll3A_1671 dim 2 : vector<20x32x128xi32>, i32 -> vector<20x32x128xi32>
    %broadcast_in_dim3A_1673 = vector.shape_cast %eq3A_1649 : vector<1x32x128xi1> to vector<1x32x128xi1>
    %broadcast_in_dim3A_1674 = vector.broadcast %broadcast_in_dim3A_1673 : vector<1x32x128xi1> to vector<20x32x128xi1>
    %select_n3A_1675 = arith.select %broadcast_in_dim3A_1674, %roll3A_1670, %roll3A_1672 : vector<20x32x128xi1>, vector<20x32x128xi32>
    %gt3A_1676 = arith.cmpi sgt, %select_n3A_1668, %select_n3A_1642 : vector<20x32x128xi32>
    %eq3A_1677 = arith.cmpi eq, %select_n3A_1668, %select_n3A_1642 : vector<20x32x128xi32>
    %lt3A_1678 = arith.cmpi slt, %select_n3A_1675, %select_n3A_1643 : vector<20x32x128xi32>
    %and3A_1679 = arith.andi %eq3A_1677, %lt3A_1678 : vector<20x32x128xi1>
    %or3A_1680 = arith.ori %gt3A_1676, %and3A_1679 : vector<20x32x128xi1>
    %eq3A_1681 = vector.broadcast %eq3A_1661 : vector<1x32x128xi1> to vector<20x32x128xi1>
    %eq3A_1682 = vector.broadcast %eq3A_1681 : vector<20x32x128xi1> to vector<20x32x128xi1>
    %eq3A_1683 = arith.xori %or3A_1680, %eq3A_1682 : vector<20x32x128xi1>
    %eq3A_1684 = arith.constant dense<true> : vector<20x32x128xi1>
    %eq3A_1685 = arith.xori %eq3A_1683, %eq3A_1684 : vector<20x32x128xi1>
    %select_n3A_1686 = arith.select %eq3A_1685, %select_n3A_1668, %select_n3A_1642 : vector<20x32x128xi1>, vector<20x32x128xi32>
    %select_n3A_1687 = arith.select %eq3A_1685, %select_n3A_1675, %select_n3A_1643 : vector<20x32x128xi1>, vector<20x32x128xi32>
    %and3A_1688 = arith.constant 64 : i32
    %and3A_1689 = vector.broadcast %and3A_1688 : i32 to vector<1x32x128xi32>
    %and3A_1690 = arith.andi %add3A, %and3A_1689 : vector<1x32x128xi32>
    %eq3A_1691 = arith.constant 0 : i32
    %eq3A_1692 = vector.broadcast %eq3A_1691 : i32 to vector<1x32x128xi32>
    %eq3A_1693 = arith.cmpi eq, %and3A_1690, %eq3A_1692 : vector<1x32x128xi32>
    %shift_right_arithmetic3A_1694 = arith.constant 9 : i32
    %shift_right_arithmetic3A_1695 = vector.broadcast %shift_right_arithmetic3A_1694 : i32 to vector<1x32x128xi32>
    %shift_right_arithmetic3A_1696 = arith.shrsi %add3A, %shift_right_arithmetic3A_1695 : vector<1x32x128xi32>
    %and3A_1697 = arith.constant 1 : i32
    %and3A_1698 = vector.broadcast %and3A_1697 : i32 to vector<1x32x128xi32>
    %and3A_1699 = arith.andi %shift_right_arithmetic3A_1696, %and3A_1698 : vector<1x32x128xi32>
    %eq3A_1700 = arith.constant 0 : i32
    %eq3A_1701 = vector.broadcast %eq3A_1700 : i32 to vector<1x32x128xi32>
    %eq3A_1702 = arith.cmpi eq, %and3A_1699, %eq3A_1701 : vector<1x32x128xi32>
    %eq3A_1703 = arith.xori %eq3A_1693, %eq3A_1702 : vector<1x32x128xi1>
    %eq3A_1704 = arith.constant dense<true> : vector<1x32x128xi1>
    %eq3A_1705 = arith.xori %eq3A_1703, %eq3A_1704 : vector<1x32x128xi1>
    %roll3A_1706 = arith.constant 126 : i32
    %roll3A_1707 = tpu.dynamic_rotate %select_n3A_1686 by %roll3A_1706 dim 2 : vector<20x32x128xi32>, i32 -> vector<20x32x128xi32>
    %roll3A_1708 = arith.constant 2 : i32
    %roll3A_1709 = tpu.dynamic_rotate %select_n3A_1686 by %roll3A_1708 dim 2 : vector<20x32x128xi32>, i32 -> vector<20x32x128xi32>
    %broadcast_in_dim3A_1710 = vector.shape_cast %eq3A_1693 : vector<1x32x128xi1> to vector<1x32x128xi1>
    %broadcast_in_dim3A_1711 = vector.broadcast %broadcast_in_dim3A_1710 : vector<1x32x128xi1> to vector<20x32x128xi1>
    %select_n3A_1712 = arith.select %broadcast_in_dim3A_1711, %roll3A_1707, %roll3A_1709 : vector<20x32x128xi1>, vector<20x32x128xi32>
    %roll3A_1713 = arith.constant 126 : i32
    %roll3A_1714 = tpu.dynamic_rotate %select_n3A_1687 by %roll3A_1713 dim 2 : vector<20x32x128xi32>, i32 -> vector<20x32x128xi32>
    %roll3A_1715 = arith.constant 2 : i32
    %roll3A_1716 = tpu.dynamic_rotate %select_n3A_1687 by %roll3A_1715 dim 2 : vector<20x32x128xi32>, i32 -> vector<20x32x128xi32>
    %broadcast_in_dim3A_1717 = vector.shape_cast %eq3A_1693 : vector<1x32x128xi1> to vector<1x32x128xi1>
    %broadcast_in_dim3A_1718 = vector.broadcast %broadcast_in_dim3A_1717 : vector<1x32x128xi1> to vector<20x32x128xi1>
    %select_n3A_1719 = arith.select %broadcast_in_dim3A_1718, %roll3A_1714, %roll3A_1716 : vector<20x32x128xi1>, vector<20x32x128xi32>
    %gt3A_1720 = arith.cmpi sgt, %select_n3A_1712, %select_n3A_1686 : vector<20x32x128xi32>
    %eq3A_1721 = arith.cmpi eq, %select_n3A_1712, %select_n3A_1686 : vector<20x32x128xi32>
    %lt3A_1722 = arith.cmpi slt, %select_n3A_1719, %select_n3A_1687 : vector<20x32x128xi32>
    %and3A_1723 = arith.andi %eq3A_1721, %lt3A_1722 : vector<20x32x128xi1>
    %or3A_1724 = arith.ori %gt3A_1720, %and3A_1723 : vector<20x32x128xi1>
    %eq3A_1725 = vector.broadcast %eq3A_1705 : vector<1x32x128xi1> to vector<20x32x128xi1>
    %eq3A_1726 = vector.broadcast %eq3A_1725 : vector<20x32x128xi1> to vector<20x32x128xi1>
    %eq3A_1727 = arith.xori %or3A_1724, %eq3A_1726 : vector<20x32x128xi1>
    %eq3A_1728 = arith.constant dense<true> : vector<20x32x128xi1>
    %eq3A_1729 = arith.xori %eq3A_1727, %eq3A_1728 : vector<20x32x128xi1>
    %select_n3A_1730 = arith.select %eq3A_1729, %select_n3A_1712, %select_n3A_1686 : vector<20x32x128xi1>, vector<20x32x128xi32>
    %select_n3A_1731 = arith.select %eq3A_1729, %select_n3A_1719, %select_n3A_1687 : vector<20x32x128xi1>, vector<20x32x128xi32>
    %and3A_1732 = arith.constant 32 : i32
    %and3A_1733 = vector.broadcast %and3A_1732 : i32 to vector<1x32x128xi32>
    %and3A_1734 = arith.andi %add3A, %and3A_1733 : vector<1x32x128xi32>
    %eq3A_1735 = arith.constant 0 : i32
    %eq3A_1736 = vector.broadcast %eq3A_1735 : i32 to vector<1x32x128xi32>
    %eq3A_1737 = arith.cmpi eq, %and3A_1734, %eq3A_1736 : vector<1x32x128xi32>
    %shift_right_arithmetic3A_1738 = arith.constant 9 : i32
    %shift_right_arithmetic3A_1739 = vector.broadcast %shift_right_arithmetic3A_1738 : i32 to vector<1x32x128xi32>
    %shift_right_arithmetic3A_1740 = arith.shrsi %add3A, %shift_right_arithmetic3A_1739 : vector<1x32x128xi32>
    %and3A_1741 = arith.constant 1 : i32
    %and3A_1742 = vector.broadcast %and3A_1741 : i32 to vector<1x32x128xi32>
    %and3A_1743 = arith.andi %shift_right_arithmetic3A_1740, %and3A_1742 : vector<1x32x128xi32>
    %eq3A_1744 = arith.constant 0 : i32
    %eq3A_1745 = vector.broadcast %eq3A_1744 : i32 to vector<1x32x128xi32>
    %eq3A_1746 = arith.cmpi eq, %and3A_1743, %eq3A_1745 : vector<1x32x128xi32>
    %eq3A_1747 = arith.xori %eq3A_1737, %eq3A_1746 : vector<1x32x128xi1>
    %eq3A_1748 = arith.constant dense<true> : vector<1x32x128xi1>
    %eq3A_1749 = arith.xori %eq3A_1747, %eq3A_1748 : vector<1x32x128xi1>
    %roll3A_1750 = arith.constant 127 : i32
    %roll3A_1751 = tpu.dynamic_rotate %select_n3A_1730 by %roll3A_1750 dim 2 : vector<20x32x128xi32>, i32 -> vector<20x32x128xi32>
    %roll3A_1752 = arith.constant 1 : i32
    %roll3A_1753 = tpu.dynamic_rotate %select_n3A_1730 by %roll3A_1752 dim 2 : vector<20x32x128xi32>, i32 -> vector<20x32x128xi32>
    %broadcast_in_dim3A_1754 = vector.shape_cast %eq3A_1737 : vector<1x32x128xi1> to vector<1x32x128xi1>
    %broadcast_in_dim3A_1755 = vector.broadcast %broadcast_in_dim3A_1754 : vector<1x32x128xi1> to vector<20x32x128xi1>
    %select_n3A_1756 = arith.select %broadcast_in_dim3A_1755, %roll3A_1751, %roll3A_1753 : vector<20x32x128xi1>, vector<20x32x128xi32>
    %roll3A_1757 = arith.constant 127 : i32
    %roll3A_1758 = tpu.dynamic_rotate %select_n3A_1731 by %roll3A_1757 dim 2 : vector<20x32x128xi32>, i32 -> vector<20x32x128xi32>
    %roll3A_1759 = arith.constant 1 : i32
    %roll3A_1760 = tpu.dynamic_rotate %select_n3A_1731 by %roll3A_1759 dim 2 : vector<20x32x128xi32>, i32 -> vector<20x32x128xi32>
    %broadcast_in_dim3A_1761 = vector.shape_cast %eq3A_1737 : vector<1x32x128xi1> to vector<1x32x128xi1>
    %broadcast_in_dim3A_1762 = vector.broadcast %broadcast_in_dim3A_1761 : vector<1x32x128xi1> to vector<20x32x128xi1>
    %select_n3A_1763 = arith.select %broadcast_in_dim3A_1762, %roll3A_1758, %roll3A_1760 : vector<20x32x128xi1>, vector<20x32x128xi32>
    %gt3A_1764 = arith.cmpi sgt, %select_n3A_1756, %select_n3A_1730 : vector<20x32x128xi32>
    %eq3A_1765 = arith.cmpi eq, %select_n3A_1756, %select_n3A_1730 : vector<20x32x128xi32>
    %lt3A_1766 = arith.cmpi slt, %select_n3A_1763, %select_n3A_1731 : vector<20x32x128xi32>
    %and3A_1767 = arith.andi %eq3A_1765, %lt3A_1766 : vector<20x32x128xi1>
    %or3A_1768 = arith.ori %gt3A_1764, %and3A_1767 : vector<20x32x128xi1>
    %eq3A_1769 = vector.broadcast %eq3A_1749 : vector<1x32x128xi1> to vector<20x32x128xi1>
    %eq3A_1770 = vector.broadcast %eq3A_1769 : vector<20x32x128xi1> to vector<20x32x128xi1>
    %eq3A_1771 = arith.xori %or3A_1768, %eq3A_1770 : vector<20x32x128xi1>
    %eq3A_1772 = arith.constant dense<true> : vector<20x32x128xi1>
    %eq3A_1773 = arith.xori %eq3A_1771, %eq3A_1772 : vector<20x32x128xi1>
    %select_n3A_1774 = arith.select %eq3A_1773, %select_n3A_1756, %select_n3A_1730 : vector<20x32x128xi1>, vector<20x32x128xi32>
    %select_n3A_1775 = arith.select %eq3A_1773, %select_n3A_1763, %select_n3A_1731 : vector<20x32x128xi1>, vector<20x32x128xi32>
    %and3A_1776 = arith.constant 16 : i32
    %and3A_1777 = vector.broadcast %and3A_1776 : i32 to vector<1x32x128xi32>
    %and3A_1778 = arith.andi %add3A, %and3A_1777 : vector<1x32x128xi32>
    %eq3A_1779 = arith.constant 0 : i32
    %eq3A_1780 = vector.broadcast %eq3A_1779 : i32 to vector<1x32x128xi32>
    %eq3A_1781 = arith.cmpi eq, %and3A_1778, %eq3A_1780 : vector<1x32x128xi32>
    %shift_right_arithmetic3A_1782 = arith.constant 9 : i32
    %shift_right_arithmetic3A_1783 = vector.broadcast %shift_right_arithmetic3A_1782 : i32 to vector<1x32x128xi32>
    %shift_right_arithmetic3A_1784 = arith.shrsi %add3A, %shift_right_arithmetic3A_1783 : vector<1x32x128xi32>
    %and3A_1785 = arith.constant 1 : i32
    %and3A_1786 = vector.broadcast %and3A_1785 : i32 to vector<1x32x128xi32>
    %and3A_1787 = arith.andi %shift_right_arithmetic3A_1784, %and3A_1786 : vector<1x32x128xi32>
    %eq3A_1788 = arith.constant 0 : i32
    %eq3A_1789 = vector.broadcast %eq3A_1788 : i32 to vector<1x32x128xi32>
    %eq3A_1790 = arith.cmpi eq, %and3A_1787, %eq3A_1789 : vector<1x32x128xi32>
    %eq3A_1791 = arith.xori %eq3A_1781, %eq3A_1790 : vector<1x32x128xi1>
    %eq3A_1792 = arith.constant dense<true> : vector<1x32x128xi1>
    %eq3A_1793 = arith.xori %eq3A_1791, %eq3A_1792 : vector<1x32x128xi1>
    %roll3A_1794 = arith.constant 16 : i32
    %roll3A_1795 = tpu.dynamic_rotate %select_n3A_1774 by %roll3A_1794 dim 1 : vector<20x32x128xi32>, i32 -> vector<20x32x128xi32>
    %roll3A_1796 = arith.constant 16 : i32
    %roll3A_1797 = tpu.dynamic_rotate %select_n3A_1774 by %roll3A_1796 dim 1 : vector<20x32x128xi32>, i32 -> vector<20x32x128xi32>
    %broadcast_in_dim3A_1798 = vector.shape_cast %eq3A_1781 : vector<1x32x128xi1> to vector<1x32x128xi1>
    %broadcast_in_dim3A_1799 = vector.broadcast %broadcast_in_dim3A_1798 : vector<1x32x128xi1> to vector<20x32x128xi1>
    %select_n3A_1800 = arith.select %broadcast_in_dim3A_1799, %roll3A_1795, %roll3A_1797 : vector<20x32x128xi1>, vector<20x32x128xi32>
    %roll3A_1801 = arith.constant 16 : i32
    %roll3A_1802 = tpu.dynamic_rotate %select_n3A_1775 by %roll3A_1801 dim 1 : vector<20x32x128xi32>, i32 -> vector<20x32x128xi32>
    %roll3A_1803 = arith.constant 16 : i32
    %roll3A_1804 = tpu.dynamic_rotate %select_n3A_1775 by %roll3A_1803 dim 1 : vector<20x32x128xi32>, i32 -> vector<20x32x128xi32>
    %broadcast_in_dim3A_1805 = vector.shape_cast %eq3A_1781 : vector<1x32x128xi1> to vector<1x32x128xi1>
    %broadcast_in_dim3A_1806 = vector.broadcast %broadcast_in_dim3A_1805 : vector<1x32x128xi1> to vector<20x32x128xi1>
    %select_n3A_1807 = arith.select %broadcast_in_dim3A_1806, %roll3A_1802, %roll3A_1804 : vector<20x32x128xi1>, vector<20x32x128xi32>
    %gt3A_1808 = arith.cmpi sgt, %select_n3A_1800, %select_n3A_1774 : vector<20x32x128xi32>
    %eq3A_1809 = arith.cmpi eq, %select_n3A_1800, %select_n3A_1774 : vector<20x32x128xi32>
    %lt3A_1810 = arith.cmpi slt, %select_n3A_1807, %select_n3A_1775 : vector<20x32x128xi32>
    %and3A_1811 = arith.andi %eq3A_1809, %lt3A_1810 : vector<20x32x128xi1>
    %or3A_1812 = arith.ori %gt3A_1808, %and3A_1811 : vector<20x32x128xi1>
    %eq3A_1813 = vector.broadcast %eq3A_1793 : vector<1x32x128xi1> to vector<20x32x128xi1>
    %eq3A_1814 = vector.broadcast %eq3A_1813 : vector<20x32x128xi1> to vector<20x32x128xi1>
    %eq3A_1815 = arith.xori %or3A_1812, %eq3A_1814 : vector<20x32x128xi1>
    %eq3A_1816 = arith.constant dense<true> : vector<20x32x128xi1>
    %eq3A_1817 = arith.xori %eq3A_1815, %eq3A_1816 : vector<20x32x128xi1>
    %select_n3A_1818 = arith.select %eq3A_1817, %select_n3A_1800, %select_n3A_1774 : vector<20x32x128xi1>, vector<20x32x128xi32>
    %select_n3A_1819 = arith.select %eq3A_1817, %select_n3A_1807, %select_n3A_1775 : vector<20x32x128xi1>, vector<20x32x128xi32>
    %and3A_1820 = arith.constant 8 : i32
    %and3A_1821 = vector.broadcast %and3A_1820 : i32 to vector<1x32x128xi32>
    %and3A_1822 = arith.andi %add3A, %and3A_1821 : vector<1x32x128xi32>
    %eq3A_1823 = arith.constant 0 : i32
    %eq3A_1824 = vector.broadcast %eq3A_1823 : i32 to vector<1x32x128xi32>
    %eq3A_1825 = arith.cmpi eq, %and3A_1822, %eq3A_1824 : vector<1x32x128xi32>
    %shift_right_arithmetic3A_1826 = arith.constant 9 : i32
    %shift_right_arithmetic3A_1827 = vector.broadcast %shift_right_arithmetic3A_1826 : i32 to vector<1x32x128xi32>
    %shift_right_arithmetic3A_1828 = arith.shrsi %add3A, %shift_right_arithmetic3A_1827 : vector<1x32x128xi32>
    %and3A_1829 = arith.constant 1 : i32
    %and3A_1830 = vector.broadcast %and3A_1829 : i32 to vector<1x32x128xi32>
    %and3A_1831 = arith.andi %shift_right_arithmetic3A_1828, %and3A_1830 : vector<1x32x128xi32>
    %eq3A_1832 = arith.constant 0 : i32
    %eq3A_1833 = vector.broadcast %eq3A_1832 : i32 to vector<1x32x128xi32>
    %eq3A_1834 = arith.cmpi eq, %and3A_1831, %eq3A_1833 : vector<1x32x128xi32>
    %eq3A_1835 = arith.xori %eq3A_1825, %eq3A_1834 : vector<1x32x128xi1>
    %eq3A_1836 = arith.constant dense<true> : vector<1x32x128xi1>
    %eq3A_1837 = arith.xori %eq3A_1835, %eq3A_1836 : vector<1x32x128xi1>
    %roll3A_1838 = arith.constant 24 : i32
    %roll3A_1839 = tpu.dynamic_rotate %select_n3A_1818 by %roll3A_1838 dim 1 : vector<20x32x128xi32>, i32 -> vector<20x32x128xi32>
    %roll3A_1840 = arith.constant 8 : i32
    %roll3A_1841 = tpu.dynamic_rotate %select_n3A_1818 by %roll3A_1840 dim 1 : vector<20x32x128xi32>, i32 -> vector<20x32x128xi32>
    %broadcast_in_dim3A_1842 = vector.shape_cast %eq3A_1825 : vector<1x32x128xi1> to vector<1x32x128xi1>
    %broadcast_in_dim3A_1843 = vector.broadcast %broadcast_in_dim3A_1842 : vector<1x32x128xi1> to vector<20x32x128xi1>
    %select_n3A_1844 = arith.select %broadcast_in_dim3A_1843, %roll3A_1839, %roll3A_1841 : vector<20x32x128xi1>, vector<20x32x128xi32>
    %roll3A_1845 = arith.constant 24 : i32
    %roll3A_1846 = tpu.dynamic_rotate %select_n3A_1819 by %roll3A_1845 dim 1 : vector<20x32x128xi32>, i32 -> vector<20x32x128xi32>
    %roll3A_1847 = arith.constant 8 : i32
    %roll3A_1848 = tpu.dynamic_rotate %select_n3A_1819 by %roll3A_1847 dim 1 : vector<20x32x128xi32>, i32 -> vector<20x32x128xi32>
    %broadcast_in_dim3A_1849 = vector.shape_cast %eq3A_1825 : vector<1x32x128xi1> to vector<1x32x128xi1>
    %broadcast_in_dim3A_1850 = vector.broadcast %broadcast_in_dim3A_1849 : vector<1x32x128xi1> to vector<20x32x128xi1>
    %select_n3A_1851 = arith.select %broadcast_in_dim3A_1850, %roll3A_1846, %roll3A_1848 : vector<20x32x128xi1>, vector<20x32x128xi32>
    %gt3A_1852 = arith.cmpi sgt, %select_n3A_1844, %select_n3A_1818 : vector<20x32x128xi32>
    %eq3A_1853 = arith.cmpi eq, %select_n3A_1844, %select_n3A_1818 : vector<20x32x128xi32>
    %lt3A_1854 = arith.cmpi slt, %select_n3A_1851, %select_n3A_1819 : vector<20x32x128xi32>
    %and3A_1855 = arith.andi %eq3A_1853, %lt3A_1854 : vector<20x32x128xi1>
    %or3A_1856 = arith.ori %gt3A_1852, %and3A_1855 : vector<20x32x128xi1>
    %eq3A_1857 = vector.broadcast %eq3A_1837 : vector<1x32x128xi1> to vector<20x32x128xi1>
    %eq3A_1858 = vector.broadcast %eq3A_1857 : vector<20x32x128xi1> to vector<20x32x128xi1>
    %eq3A_1859 = arith.xori %or3A_1856, %eq3A_1858 : vector<20x32x128xi1>
    %eq3A_1860 = arith.constant dense<true> : vector<20x32x128xi1>
    %eq3A_1861 = arith.xori %eq3A_1859, %eq3A_1860 : vector<20x32x128xi1>
    %select_n3A_1862 = arith.select %eq3A_1861, %select_n3A_1844, %select_n3A_1818 : vector<20x32x128xi1>, vector<20x32x128xi32>
    %select_n3A_1863 = arith.select %eq3A_1861, %select_n3A_1851, %select_n3A_1819 : vector<20x32x128xi1>, vector<20x32x128xi32>
    %and3A_1864 = arith.constant 4 : i32
    %and3A_1865 = vector.broadcast %and3A_1864 : i32 to vector<1x32x128xi32>
    %and3A_1866 = arith.andi %add3A, %and3A_1865 : vector<1x32x128xi32>
    %eq3A_1867 = arith.constant 0 : i32
    %eq3A_1868 = vector.broadcast %eq3A_1867 : i32 to vector<1x32x128xi32>
    %eq3A_1869 = arith.cmpi eq, %and3A_1866, %eq3A_1868 : vector<1x32x128xi32>
    %shift_right_arithmetic3A_1870 = arith.constant 9 : i32
    %shift_right_arithmetic3A_1871 = vector.broadcast %shift_right_arithmetic3A_1870 : i32 to vector<1x32x128xi32>
    %shift_right_arithmetic3A_1872 = arith.shrsi %add3A, %shift_right_arithmetic3A_1871 : vector<1x32x128xi32>
    %and3A_1873 = arith.constant 1 : i32
    %and3A_1874 = vector.broadcast %and3A_1873 : i32 to vector<1x32x128xi32>
    %and3A_1875 = arith.andi %shift_right_arithmetic3A_1872, %and3A_1874 : vector<1x32x128xi32>
    %eq3A_1876 = arith.constant 0 : i32
    %eq3A_1877 = vector.broadcast %eq3A_1876 : i32 to vector<1x32x128xi32>
    %eq3A_1878 = arith.cmpi eq, %and3A_1875, %eq3A_1877 : vector<1x32x128xi32>
    %eq3A_1879 = arith.xori %eq3A_1869, %eq3A_1878 : vector<1x32x128xi1>
    %eq3A_1880 = arith.constant dense<true> : vector<1x32x128xi1>
    %eq3A_1881 = arith.xori %eq3A_1879, %eq3A_1880 : vector<1x32x128xi1>
    %roll3A_1882 = arith.constant 28 : i32
    %roll3A_1883 = tpu.dynamic_rotate %select_n3A_1862 by %roll3A_1882 dim 1 : vector<20x32x128xi32>, i32 -> vector<20x32x128xi32>
    %roll3A_1884 = arith.constant 4 : i32
    %roll3A_1885 = tpu.dynamic_rotate %select_n3A_1862 by %roll3A_1884 dim 1 : vector<20x32x128xi32>, i32 -> vector<20x32x128xi32>
    %broadcast_in_dim3A_1886 = vector.shape_cast %eq3A_1869 : vector<1x32x128xi1> to vector<1x32x128xi1>
    %broadcast_in_dim3A_1887 = vector.broadcast %broadcast_in_dim3A_1886 : vector<1x32x128xi1> to vector<20x32x128xi1>
    %select_n3A_1888 = arith.select %broadcast_in_dim3A_1887, %roll3A_1883, %roll3A_1885 : vector<20x32x128xi1>, vector<20x32x128xi32>
    %roll3A_1889 = arith.constant 28 : i32
    %roll3A_1890 = tpu.dynamic_rotate %select_n3A_1863 by %roll3A_1889 dim 1 : vector<20x32x128xi32>, i32 -> vector<20x32x128xi32>
    %roll3A_1891 = arith.constant 4 : i32
    %roll3A_1892 = tpu.dynamic_rotate %select_n3A_1863 by %roll3A_1891 dim 1 : vector<20x32x128xi32>, i32 -> vector<20x32x128xi32>
    %broadcast_in_dim3A_1893 = vector.shape_cast %eq3A_1869 : vector<1x32x128xi1> to vector<1x32x128xi1>
    %broadcast_in_dim3A_1894 = vector.broadcast %broadcast_in_dim3A_1893 : vector<1x32x128xi1> to vector<20x32x128xi1>
    %select_n3A_1895 = arith.select %broadcast_in_dim3A_1894, %roll3A_1890, %roll3A_1892 : vector<20x32x128xi1>, vector<20x32x128xi32>
    %gt3A_1896 = arith.cmpi sgt, %select_n3A_1888, %select_n3A_1862 : vector<20x32x128xi32>
    %eq3A_1897 = arith.cmpi eq, %select_n3A_1888, %select_n3A_1862 : vector<20x32x128xi32>
    %lt3A_1898 = arith.cmpi slt, %select_n3A_1895, %select_n3A_1863 : vector<20x32x128xi32>
    %and3A_1899 = arith.andi %eq3A_1897, %lt3A_1898 : vector<20x32x128xi1>
    %or3A_1900 = arith.ori %gt3A_1896, %and3A_1899 : vector<20x32x128xi1>
    %eq3A_1901 = vector.broadcast %eq3A_1881 : vector<1x32x128xi1> to vector<20x32x128xi1>
    %eq3A_1902 = vector.broadcast %eq3A_1901 : vector<20x32x128xi1> to vector<20x32x128xi1>
    %eq3A_1903 = arith.xori %or3A_1900, %eq3A_1902 : vector<20x32x128xi1>
    %eq3A_1904 = arith.constant dense<true> : vector<20x32x128xi1>
    %eq3A_1905 = arith.xori %eq3A_1903, %eq3A_1904 : vector<20x32x128xi1>
    %select_n3A_1906 = arith.select %eq3A_1905, %select_n3A_1888, %select_n3A_1862 : vector<20x32x128xi1>, vector<20x32x128xi32>
    %select_n3A_1907 = arith.select %eq3A_1905, %select_n3A_1895, %select_n3A_1863 : vector<20x32x128xi1>, vector<20x32x128xi32>
    %and3A_1908 = arith.constant 2 : i32
    %and3A_1909 = vector.broadcast %and3A_1908 : i32 to vector<1x32x128xi32>
    %and3A_1910 = arith.andi %add3A, %and3A_1909 : vector<1x32x128xi32>
    %eq3A_1911 = arith.constant 0 : i32
    %eq3A_1912 = vector.broadcast %eq3A_1911 : i32 to vector<1x32x128xi32>
    %eq3A_1913 = arith.cmpi eq, %and3A_1910, %eq3A_1912 : vector<1x32x128xi32>
    %shift_right_arithmetic3A_1914 = arith.constant 9 : i32
    %shift_right_arithmetic3A_1915 = vector.broadcast %shift_right_arithmetic3A_1914 : i32 to vector<1x32x128xi32>
    %shift_right_arithmetic3A_1916 = arith.shrsi %add3A, %shift_right_arithmetic3A_1915 : vector<1x32x128xi32>
    %and3A_1917 = arith.constant 1 : i32
    %and3A_1918 = vector.broadcast %and3A_1917 : i32 to vector<1x32x128xi32>
    %and3A_1919 = arith.andi %shift_right_arithmetic3A_1916, %and3A_1918 : vector<1x32x128xi32>
    %eq3A_1920 = arith.constant 0 : i32
    %eq3A_1921 = vector.broadcast %eq3A_1920 : i32 to vector<1x32x128xi32>
    %eq3A_1922 = arith.cmpi eq, %and3A_1919, %eq3A_1921 : vector<1x32x128xi32>
    %eq3A_1923 = arith.xori %eq3A_1913, %eq3A_1922 : vector<1x32x128xi1>
    %eq3A_1924 = arith.constant dense<true> : vector<1x32x128xi1>
    %eq3A_1925 = arith.xori %eq3A_1923, %eq3A_1924 : vector<1x32x128xi1>
    %roll3A_1926 = arith.constant 30 : i32
    %roll3A_1927 = tpu.dynamic_rotate %select_n3A_1906 by %roll3A_1926 dim 1 : vector<20x32x128xi32>, i32 -> vector<20x32x128xi32>
    %roll3A_1928 = arith.constant 2 : i32
    %roll3A_1929 = tpu.dynamic_rotate %select_n3A_1906 by %roll3A_1928 dim 1 : vector<20x32x128xi32>, i32 -> vector<20x32x128xi32>
    %broadcast_in_dim3A_1930 = vector.shape_cast %eq3A_1913 : vector<1x32x128xi1> to vector<1x32x128xi1>
    %broadcast_in_dim3A_1931 = vector.broadcast %broadcast_in_dim3A_1930 : vector<1x32x128xi1> to vector<20x32x128xi1>
    %select_n3A_1932 = arith.select %broadcast_in_dim3A_1931, %roll3A_1927, %roll3A_1929 : vector<20x32x128xi1>, vector<20x32x128xi32>
    %roll3A_1933 = arith.constant 30 : i32
    %roll3A_1934 = tpu.dynamic_rotate %select_n3A_1907 by %roll3A_1933 dim 1 : vector<20x32x128xi32>, i32 -> vector<20x32x128xi32>
    %roll3A_1935 = arith.constant 2 : i32
    %roll3A_1936 = tpu.dynamic_rotate %select_n3A_1907 by %roll3A_1935 dim 1 : vector<20x32x128xi32>, i32 -> vector<20x32x128xi32>
    %broadcast_in_dim3A_1937 = vector.shape_cast %eq3A_1913 : vector<1x32x128xi1> to vector<1x32x128xi1>
    %broadcast_in_dim3A_1938 = vector.broadcast %broadcast_in_dim3A_1937 : vector<1x32x128xi1> to vector<20x32x128xi1>
    %select_n3A_1939 = arith.select %broadcast_in_dim3A_1938, %roll3A_1934, %roll3A_1936 : vector<20x32x128xi1>, vector<20x32x128xi32>
    %gt3A_1940 = arith.cmpi sgt, %select_n3A_1932, %select_n3A_1906 : vector<20x32x128xi32>
    %eq3A_1941 = arith.cmpi eq, %select_n3A_1932, %select_n3A_1906 : vector<20x32x128xi32>
    %lt3A_1942 = arith.cmpi slt, %select_n3A_1939, %select_n3A_1907 : vector<20x32x128xi32>
    %and3A_1943 = arith.andi %eq3A_1941, %lt3A_1942 : vector<20x32x128xi1>
    %or3A_1944 = arith.ori %gt3A_1940, %and3A_1943 : vector<20x32x128xi1>
    %eq3A_1945 = vector.broadcast %eq3A_1925 : vector<1x32x128xi1> to vector<20x32x128xi1>
    %eq3A_1946 = vector.broadcast %eq3A_1945 : vector<20x32x128xi1> to vector<20x32x128xi1>
    %eq3A_1947 = arith.xori %or3A_1944, %eq3A_1946 : vector<20x32x128xi1>
    %eq3A_1948 = arith.constant dense<true> : vector<20x32x128xi1>
    %eq3A_1949 = arith.xori %eq3A_1947, %eq3A_1948 : vector<20x32x128xi1>
    %select_n3A_1950 = arith.select %eq3A_1949, %select_n3A_1932, %select_n3A_1906 : vector<20x32x128xi1>, vector<20x32x128xi32>
    %select_n3A_1951 = arith.select %eq3A_1949, %select_n3A_1939, %select_n3A_1907 : vector<20x32x128xi1>, vector<20x32x128xi32>
    %and3A_1952 = arith.constant 1 : i32
    %and3A_1953 = vector.broadcast %and3A_1952 : i32 to vector<1x32x128xi32>
    %and3A_1954 = arith.andi %add3A, %and3A_1953 : vector<1x32x128xi32>
    %eq3A_1955 = arith.constant 0 : i32
    %eq3A_1956 = vector.broadcast %eq3A_1955 : i32 to vector<1x32x128xi32>
    %eq3A_1957 = arith.cmpi eq, %and3A_1954, %eq3A_1956 : vector<1x32x128xi32>
    %shift_right_arithmetic3A_1958 = arith.constant 9 : i32
    %shift_right_arithmetic3A_1959 = vector.broadcast %shift_right_arithmetic3A_1958 : i32 to vector<1x32x128xi32>
    %shift_right_arithmetic3A_1960 = arith.shrsi %add3A, %shift_right_arithmetic3A_1959 : vector<1x32x128xi32>
    %and3A_1961 = arith.constant 1 : i32
    %and3A_1962 = vector.broadcast %and3A_1961 : i32 to vector<1x32x128xi32>
    %and3A_1963 = arith.andi %shift_right_arithmetic3A_1960, %and3A_1962 : vector<1x32x128xi32>
    %eq3A_1964 = arith.constant 0 : i32
    %eq3A_1965 = vector.broadcast %eq3A_1964 : i32 to vector<1x32x128xi32>
    %eq3A_1966 = arith.cmpi eq, %and3A_1963, %eq3A_1965 : vector<1x32x128xi32>
    %eq3A_1967 = arith.xori %eq3A_1957, %eq3A_1966 : vector<1x32x128xi1>
    %eq3A_1968 = arith.constant dense<true> : vector<1x32x128xi1>
    %eq3A_1969 = arith.xori %eq3A_1967, %eq3A_1968 : vector<1x32x128xi1>
    %roll3A_1970 = arith.constant 31 : i32
    %roll3A_1971 = tpu.dynamic_rotate %select_n3A_1950 by %roll3A_1970 dim 1 : vector<20x32x128xi32>, i32 -> vector<20x32x128xi32>
    %roll3A_1972 = arith.constant 1 : i32
    %roll3A_1973 = tpu.dynamic_rotate %select_n3A_1950 by %roll3A_1972 dim 1 : vector<20x32x128xi32>, i32 -> vector<20x32x128xi32>
    %broadcast_in_dim3A_1974 = vector.shape_cast %eq3A_1957 : vector<1x32x128xi1> to vector<1x32x128xi1>
    %broadcast_in_dim3A_1975 = vector.broadcast %broadcast_in_dim3A_1974 : vector<1x32x128xi1> to vector<20x32x128xi1>
    %select_n3A_1976 = arith.select %broadcast_in_dim3A_1975, %roll3A_1971, %roll3A_1973 : vector<20x32x128xi1>, vector<20x32x128xi32>
    %roll3A_1977 = arith.constant 31 : i32
    %roll3A_1978 = tpu.dynamic_rotate %select_n3A_1951 by %roll3A_1977 dim 1 : vector<20x32x128xi32>, i32 -> vector<20x32x128xi32>
    %roll3A_1979 = arith.constant 1 : i32
    %roll3A_1980 = tpu.dynamic_rotate %select_n3A_1951 by %roll3A_1979 dim 1 : vector<20x32x128xi32>, i32 -> vector<20x32x128xi32>
    %broadcast_in_dim3A_1981 = vector.shape_cast %eq3A_1957 : vector<1x32x128xi1> to vector<1x32x128xi1>
    %broadcast_in_dim3A_1982 = vector.broadcast %broadcast_in_dim3A_1981 : vector<1x32x128xi1> to vector<20x32x128xi1>
    %select_n3A_1983 = arith.select %broadcast_in_dim3A_1982, %roll3A_1978, %roll3A_1980 : vector<20x32x128xi1>, vector<20x32x128xi32>
    %gt3A_1984 = arith.cmpi sgt, %select_n3A_1976, %select_n3A_1950 : vector<20x32x128xi32>
    %eq3A_1985 = arith.cmpi eq, %select_n3A_1976, %select_n3A_1950 : vector<20x32x128xi32>
    %lt3A_1986 = arith.cmpi slt, %select_n3A_1983, %select_n3A_1951 : vector<20x32x128xi32>
    %and3A_1987 = arith.andi %eq3A_1985, %lt3A_1986 : vector<20x32x128xi1>
    %or3A_1988 = arith.ori %gt3A_1984, %and3A_1987 : vector<20x32x128xi1>
    %eq3A_1989 = vector.broadcast %eq3A_1969 : vector<1x32x128xi1> to vector<20x32x128xi1>
    %eq3A_1990 = vector.broadcast %eq3A_1989 : vector<20x32x128xi1> to vector<20x32x128xi1>
    %eq3A_1991 = arith.xori %or3A_1988, %eq3A_1990 : vector<20x32x128xi1>
    %eq3A_1992 = arith.constant dense<true> : vector<20x32x128xi1>
    %eq3A_1993 = arith.xori %eq3A_1991, %eq3A_1992 : vector<20x32x128xi1>
    %select_n3A_1994 = arith.select %eq3A_1993, %select_n3A_1976, %select_n3A_1950 : vector<20x32x128xi1>, vector<20x32x128xi32>
    %select_n3A_1995 = arith.select %eq3A_1993, %select_n3A_1983, %select_n3A_1951 : vector<20x32x128xi1>, vector<20x32x128xi32>
    %and3A_1996 = arith.constant 512 : i32
    %and3A_1997 = vector.broadcast %and3A_1996 : i32 to vector<1x32x128xi32>
    %and3A_1998 = arith.andi %add3A, %and3A_1997 : vector<1x32x128xi32>
    %eq3A_1999 = arith.constant 0 : i32
    %eq3A_2000 = vector.broadcast %eq3A_1999 : i32 to vector<1x32x128xi32>
    %eq3A_2001 = arith.cmpi eq, %and3A_1998, %eq3A_2000 : vector<1x32x128xi32>
    %shift_right_arithmetic3A_2002 = arith.constant 10 : i32
    %shift_right_arithmetic3A_2003 = vector.broadcast %shift_right_arithmetic3A_2002 : i32 to vector<1x32x128xi32>
    %shift_right_arithmetic3A_2004 = arith.shrsi %add3A, %shift_right_arithmetic3A_2003 : vector<1x32x128xi32>
    %and3A_2005 = arith.constant 1 : i32
    %and3A_2006 = vector.broadcast %and3A_2005 : i32 to vector<1x32x128xi32>
    %and3A_2007 = arith.andi %shift_right_arithmetic3A_2004, %and3A_2006 : vector<1x32x128xi32>
    %eq3A_2008 = arith.constant 0 : i32
    %eq3A_2009 = vector.broadcast %eq3A_2008 : i32 to vector<1x32x128xi32>
    %eq3A_2010 = arith.cmpi eq, %and3A_2007, %eq3A_2009 : vector<1x32x128xi32>
    %eq3A_2011 = arith.xori %eq3A_2001, %eq3A_2010 : vector<1x32x128xi1>
    %eq3A_2012 = arith.constant dense<true> : vector<1x32x128xi1>
    %eq3A_2013 = arith.xori %eq3A_2011, %eq3A_2012 : vector<1x32x128xi1>
    %roll3A_2014 = arith.constant 112 : i32
    %roll3A_2015 = tpu.dynamic_rotate %select_n3A_1994 by %roll3A_2014 dim 2 : vector<20x32x128xi32>, i32 -> vector<20x32x128xi32>
    %roll3A_2016 = arith.constant 16 : i32
    %roll3A_2017 = tpu.dynamic_rotate %select_n3A_1994 by %roll3A_2016 dim 2 : vector<20x32x128xi32>, i32 -> vector<20x32x128xi32>
    %broadcast_in_dim3A_2018 = vector.shape_cast %eq3A_2001 : vector<1x32x128xi1> to vector<1x32x128xi1>
    %broadcast_in_dim3A_2019 = vector.broadcast %broadcast_in_dim3A_2018 : vector<1x32x128xi1> to vector<20x32x128xi1>
    %select_n3A_2020 = arith.select %broadcast_in_dim3A_2019, %roll3A_2015, %roll3A_2017 : vector<20x32x128xi1>, vector<20x32x128xi32>
    %roll3A_2021 = arith.constant 112 : i32
    %roll3A_2022 = tpu.dynamic_rotate %select_n3A_1995 by %roll3A_2021 dim 2 : vector<20x32x128xi32>, i32 -> vector<20x32x128xi32>
    %roll3A_2023 = arith.constant 16 : i32
    %roll3A_2024 = tpu.dynamic_rotate %select_n3A_1995 by %roll3A_2023 dim 2 : vector<20x32x128xi32>, i32 -> vector<20x32x128xi32>
    %broadcast_in_dim3A_2025 = vector.shape_cast %eq3A_2001 : vector<1x32x128xi1> to vector<1x32x128xi1>
    %broadcast_in_dim3A_2026 = vector.broadcast %broadcast_in_dim3A_2025 : vector<1x32x128xi1> to vector<20x32x128xi1>
    %select_n3A_2027 = arith.select %broadcast_in_dim3A_2026, %roll3A_2022, %roll3A_2024 : vector<20x32x128xi1>, vector<20x32x128xi32>
    %gt3A_2028 = arith.cmpi sgt, %select_n3A_2020, %select_n3A_1994 : vector<20x32x128xi32>
    %eq3A_2029 = arith.cmpi eq, %select_n3A_2020, %select_n3A_1994 : vector<20x32x128xi32>
    %lt3A_2030 = arith.cmpi slt, %select_n3A_2027, %select_n3A_1995 : vector<20x32x128xi32>
    %and3A_2031 = arith.andi %eq3A_2029, %lt3A_2030 : vector<20x32x128xi1>
    %or3A_2032 = arith.ori %gt3A_2028, %and3A_2031 : vector<20x32x128xi1>
    %eq3A_2033 = vector.broadcast %eq3A_2013 : vector<1x32x128xi1> to vector<20x32x128xi1>
    %eq3A_2034 = vector.broadcast %eq3A_2033 : vector<20x32x128xi1> to vector<20x32x128xi1>
    %eq3A_2035 = arith.xori %or3A_2032, %eq3A_2034 : vector<20x32x128xi1>
    %eq3A_2036 = arith.constant dense<true> : vector<20x32x128xi1>
    %eq3A_2037 = arith.xori %eq3A_2035, %eq3A_2036 : vector<20x32x128xi1>
    %select_n3A_2038 = arith.select %eq3A_2037, %select_n3A_2020, %select_n3A_1994 : vector<20x32x128xi1>, vector<20x32x128xi32>
    %select_n3A_2039 = arith.select %eq3A_2037, %select_n3A_2027, %select_n3A_1995 : vector<20x32x128xi1>, vector<20x32x128xi32>
    %and3A_2040 = arith.constant 256 : i32
    %and3A_2041 = vector.broadcast %and3A_2040 : i32 to vector<1x32x128xi32>
    %and3A_2042 = arith.andi %add3A, %and3A_2041 : vector<1x32x128xi32>
    %eq3A_2043 = arith.constant 0 : i32
    %eq3A_2044 = vector.broadcast %eq3A_2043 : i32 to vector<1x32x128xi32>
    %eq3A_2045 = arith.cmpi eq, %and3A_2042, %eq3A_2044 : vector<1x32x128xi32>
    %shift_right_arithmetic3A_2046 = arith.constant 10 : i32
    %shift_right_arithmetic3A_2047 = vector.broadcast %shift_right_arithmetic3A_2046 : i32 to vector<1x32x128xi32>
    %shift_right_arithmetic3A_2048 = arith.shrsi %add3A, %shift_right_arithmetic3A_2047 : vector<1x32x128xi32>
    %and3A_2049 = arith.constant 1 : i32
    %and3A_2050 = vector.broadcast %and3A_2049 : i32 to vector<1x32x128xi32>
    %and3A_2051 = arith.andi %shift_right_arithmetic3A_2048, %and3A_2050 : vector<1x32x128xi32>
    %eq3A_2052 = arith.constant 0 : i32
    %eq3A_2053 = vector.broadcast %eq3A_2052 : i32 to vector<1x32x128xi32>
    %eq3A_2054 = arith.cmpi eq, %and3A_2051, %eq3A_2053 : vector<1x32x128xi32>
    %eq3A_2055 = arith.xori %eq3A_2045, %eq3A_2054 : vector<1x32x128xi1>
    %eq3A_2056 = arith.constant dense<true> : vector<1x32x128xi1>
    %eq3A_2057 = arith.xori %eq3A_2055, %eq3A_2056 : vector<1x32x128xi1>
    %roll3A_2058 = arith.constant 120 : i32
    %roll3A_2059 = tpu.dynamic_rotate %select_n3A_2038 by %roll3A_2058 dim 2 : vector<20x32x128xi32>, i32 -> vector<20x32x128xi32>
    %roll3A_2060 = arith.constant 8 : i32
    %roll3A_2061 = tpu.dynamic_rotate %select_n3A_2038 by %roll3A_2060 dim 2 : vector<20x32x128xi32>, i32 -> vector<20x32x128xi32>
    %broadcast_in_dim3A_2062 = vector.shape_cast %eq3A_2045 : vector<1x32x128xi1> to vector<1x32x128xi1>
    %broadcast_in_dim3A_2063 = vector.broadcast %broadcast_in_dim3A_2062 : vector<1x32x128xi1> to vector<20x32x128xi1>
    %select_n3A_2064 = arith.select %broadcast_in_dim3A_2063, %roll3A_2059, %roll3A_2061 : vector<20x32x128xi1>, vector<20x32x128xi32>
    %roll3A_2065 = arith.constant 120 : i32
    %roll3A_2066 = tpu.dynamic_rotate %select_n3A_2039 by %roll3A_2065 dim 2 : vector<20x32x128xi32>, i32 -> vector<20x32x128xi32>
    %roll3A_2067 = arith.constant 8 : i32
    %roll3A_2068 = tpu.dynamic_rotate %select_n3A_2039 by %roll3A_2067 dim 2 : vector<20x32x128xi32>, i32 -> vector<20x32x128xi32>
    %broadcast_in_dim3A_2069 = vector.shape_cast %eq3A_2045 : vector<1x32x128xi1> to vector<1x32x128xi1>
    %broadcast_in_dim3A_2070 = vector.broadcast %broadcast_in_dim3A_2069 : vector<1x32x128xi1> to vector<20x32x128xi1>
    %select_n3A_2071 = arith.select %broadcast_in_dim3A_2070, %roll3A_2066, %roll3A_2068 : vector<20x32x128xi1>, vector<20x32x128xi32>
    %gt3A_2072 = arith.cmpi sgt, %select_n3A_2064, %select_n3A_2038 : vector<20x32x128xi32>
    %eq3A_2073 = arith.cmpi eq, %select_n3A_2064, %select_n3A_2038 : vector<20x32x128xi32>
    %lt3A_2074 = arith.cmpi slt, %select_n3A_2071, %select_n3A_2039 : vector<20x32x128xi32>
    %and3A_2075 = arith.andi %eq3A_2073, %lt3A_2074 : vector<20x32x128xi1>
    %or3A_2076 = arith.ori %gt3A_2072, %and3A_2075 : vector<20x32x128xi1>
    %eq3A_2077 = vector.broadcast %eq3A_2057 : vector<1x32x128xi1> to vector<20x32x128xi1>
    %eq3A_2078 = vector.broadcast %eq3A_2077 : vector<20x32x128xi1> to vector<20x32x128xi1>
    %eq3A_2079 = arith.xori %or3A_2076, %eq3A_2078 : vector<20x32x128xi1>
    %eq3A_2080 = arith.constant dense<true> : vector<20x32x128xi1>
    %eq3A_2081 = arith.xori %eq3A_2079, %eq3A_2080 : vector<20x32x128xi1>
    %select_n3A_2082 = arith.select %eq3A_2081, %select_n3A_2064, %select_n3A_2038 : vector<20x32x128xi1>, vector<20x32x128xi32>
    %select_n3A_2083 = arith.select %eq3A_2081, %select_n3A_2071, %select_n3A_2039 : vector<20x32x128xi1>, vector<20x32x128xi32>
    %and3A_2084 = arith.constant 128 : i32
    %and3A_2085 = vector.broadcast %and3A_2084 : i32 to vector<1x32x128xi32>
    %and3A_2086 = arith.andi %add3A, %and3A_2085 : vector<1x32x128xi32>
    %eq3A_2087 = arith.constant 0 : i32
    %eq3A_2088 = vector.broadcast %eq3A_2087 : i32 to vector<1x32x128xi32>
    %eq3A_2089 = arith.cmpi eq, %and3A_2086, %eq3A_2088 : vector<1x32x128xi32>
    %shift_right_arithmetic3A_2090 = arith.constant 10 : i32
    %shift_right_arithmetic3A_2091 = vector.broadcast %shift_right_arithmetic3A_2090 : i32 to vector<1x32x128xi32>
    %shift_right_arithmetic3A_2092 = arith.shrsi %add3A, %shift_right_arithmetic3A_2091 : vector<1x32x128xi32>
    %and3A_2093 = arith.constant 1 : i32
    %and3A_2094 = vector.broadcast %and3A_2093 : i32 to vector<1x32x128xi32>
    %and3A_2095 = arith.andi %shift_right_arithmetic3A_2092, %and3A_2094 : vector<1x32x128xi32>
    %eq3A_2096 = arith.constant 0 : i32
    %eq3A_2097 = vector.broadcast %eq3A_2096 : i32 to vector<1x32x128xi32>
    %eq3A_2098 = arith.cmpi eq, %and3A_2095, %eq3A_2097 : vector<1x32x128xi32>
    %eq3A_2099 = arith.xori %eq3A_2089, %eq3A_2098 : vector<1x32x128xi1>
    %eq3A_2100 = arith.constant dense<true> : vector<1x32x128xi1>
    %eq3A_2101 = arith.xori %eq3A_2099, %eq3A_2100 : vector<1x32x128xi1>
    %roll3A_2102 = arith.constant 124 : i32
    %roll3A_2103 = tpu.dynamic_rotate %select_n3A_2082 by %roll3A_2102 dim 2 : vector<20x32x128xi32>, i32 -> vector<20x32x128xi32>
    %roll3A_2104 = arith.constant 4 : i32
    %roll3A_2105 = tpu.dynamic_rotate %select_n3A_2082 by %roll3A_2104 dim 2 : vector<20x32x128xi32>, i32 -> vector<20x32x128xi32>
    %broadcast_in_dim3A_2106 = vector.shape_cast %eq3A_2089 : vector<1x32x128xi1> to vector<1x32x128xi1>
    %broadcast_in_dim3A_2107 = vector.broadcast %broadcast_in_dim3A_2106 : vector<1x32x128xi1> to vector<20x32x128xi1>
    %select_n3A_2108 = arith.select %broadcast_in_dim3A_2107, %roll3A_2103, %roll3A_2105 : vector<20x32x128xi1>, vector<20x32x128xi32>
    %roll3A_2109 = arith.constant 124 : i32
    %roll3A_2110 = tpu.dynamic_rotate %select_n3A_2083 by %roll3A_2109 dim 2 : vector<20x32x128xi32>, i32 -> vector<20x32x128xi32>
    %roll3A_2111 = arith.constant 4 : i32
    %roll3A_2112 = tpu.dynamic_rotate %select_n3A_2083 by %roll3A_2111 dim 2 : vector<20x32x128xi32>, i32 -> vector<20x32x128xi32>
    %broadcast_in_dim3A_2113 = vector.shape_cast %eq3A_2089 : vector<1x32x128xi1> to vector<1x32x128xi1>
    %broadcast_in_dim3A_2114 = vector.broadcast %broadcast_in_dim3A_2113 : vector<1x32x128xi1> to vector<20x32x128xi1>
    %select_n3A_2115 = arith.select %broadcast_in_dim3A_2114, %roll3A_2110, %roll3A_2112 : vector<20x32x128xi1>, vector<20x32x128xi32>
    %gt3A_2116 = arith.cmpi sgt, %select_n3A_2108, %select_n3A_2082 : vector<20x32x128xi32>
    %eq3A_2117 = arith.cmpi eq, %select_n3A_2108, %select_n3A_2082 : vector<20x32x128xi32>
    %lt3A_2118 = arith.cmpi slt, %select_n3A_2115, %select_n3A_2083 : vector<20x32x128xi32>
    %and3A_2119 = arith.andi %eq3A_2117, %lt3A_2118 : vector<20x32x128xi1>
    %or3A_2120 = arith.ori %gt3A_2116, %and3A_2119 : vector<20x32x128xi1>
    %eq3A_2121 = vector.broadcast %eq3A_2101 : vector<1x32x128xi1> to vector<20x32x128xi1>
    %eq3A_2122 = vector.broadcast %eq3A_2121 : vector<20x32x128xi1> to vector<20x32x128xi1>
    %eq3A_2123 = arith.xori %or3A_2120, %eq3A_2122 : vector<20x32x128xi1>
    %eq3A_2124 = arith.constant dense<true> : vector<20x32x128xi1>
    %eq3A_2125 = arith.xori %eq3A_2123, %eq3A_2124 : vector<20x32x128xi1>
    %select_n3A_2126 = arith.select %eq3A_2125, %select_n3A_2108, %select_n3A_2082 : vector<20x32x128xi1>, vector<20x32x128xi32>
    %select_n3A_2127 = arith.select %eq3A_2125, %select_n3A_2115, %select_n3A_2083 : vector<20x32x128xi1>, vector<20x32x128xi32>
    %and3A_2128 = arith.constant 64 : i32
    %and3A_2129 = vector.broadcast %and3A_2128 : i32 to vector<1x32x128xi32>
    %and3A_2130 = arith.andi %add3A, %and3A_2129 : vector<1x32x128xi32>
    %eq3A_2131 = arith.constant 0 : i32
    %eq3A_2132 = vector.broadcast %eq3A_2131 : i32 to vector<1x32x128xi32>
    %eq3A_2133 = arith.cmpi eq, %and3A_2130, %eq3A_2132 : vector<1x32x128xi32>
    %shift_right_arithmetic3A_2134 = arith.constant 10 : i32
    %shift_right_arithmetic3A_2135 = vector.broadcast %shift_right_arithmetic3A_2134 : i32 to vector<1x32x128xi32>
    %shift_right_arithmetic3A_2136 = arith.shrsi %add3A, %shift_right_arithmetic3A_2135 : vector<1x32x128xi32>
    %and3A_2137 = arith.constant 1 : i32
    %and3A_2138 = vector.broadcast %and3A_2137 : i32 to vector<1x32x128xi32>
    %and3A_2139 = arith.andi %shift_right_arithmetic3A_2136, %and3A_2138 : vector<1x32x128xi32>
    %eq3A_2140 = arith.constant 0 : i32
    %eq3A_2141 = vector.broadcast %eq3A_2140 : i32 to vector<1x32x128xi32>
    %eq3A_2142 = arith.cmpi eq, %and3A_2139, %eq3A_2141 : vector<1x32x128xi32>
    %eq3A_2143 = arith.xori %eq3A_2133, %eq3A_2142 : vector<1x32x128xi1>
    %eq3A_2144 = arith.constant dense<true> : vector<1x32x128xi1>
    %eq3A_2145 = arith.xori %eq3A_2143, %eq3A_2144 : vector<1x32x128xi1>
    %roll3A_2146 = arith.constant 126 : i32
    %roll3A_2147 = tpu.dynamic_rotate %select_n3A_2126 by %roll3A_2146 dim 2 : vector<20x32x128xi32>, i32 -> vector<20x32x128xi32>
    %roll3A_2148 = arith.constant 2 : i32
    %roll3A_2149 = tpu.dynamic_rotate %select_n3A_2126 by %roll3A_2148 dim 2 : vector<20x32x128xi32>, i32 -> vector<20x32x128xi32>
    %broadcast_in_dim3A_2150 = vector.shape_cast %eq3A_2133 : vector<1x32x128xi1> to vector<1x32x128xi1>
    %broadcast_in_dim3A_2151 = vector.broadcast %broadcast_in_dim3A_2150 : vector<1x32x128xi1> to vector<20x32x128xi1>
    %select_n3A_2152 = arith.select %broadcast_in_dim3A_2151, %roll3A_2147, %roll3A_2149 : vector<20x32x128xi1>, vector<20x32x128xi32>
    %roll3A_2153 = arith.constant 126 : i32
    %roll3A_2154 = tpu.dynamic_rotate %select_n3A_2127 by %roll3A_2153 dim 2 : vector<20x32x128xi32>, i32 -> vector<20x32x128xi32>
    %roll3A_2155 = arith.constant 2 : i32
    %roll3A_2156 = tpu.dynamic_rotate %select_n3A_2127 by %roll3A_2155 dim 2 : vector<20x32x128xi32>, i32 -> vector<20x32x128xi32>
    %broadcast_in_dim3A_2157 = vector.shape_cast %eq3A_2133 : vector<1x32x128xi1> to vector<1x32x128xi1>
    %broadcast_in_dim3A_2158 = vector.broadcast %broadcast_in_dim3A_2157 : vector<1x32x128xi1> to vector<20x32x128xi1>
    %select_n3A_2159 = arith.select %broadcast_in_dim3A_2158, %roll3A_2154, %roll3A_2156 : vector<20x32x128xi1>, vector<20x32x128xi32>
    %gt3A_2160 = arith.cmpi sgt, %select_n3A_2152, %select_n3A_2126 : vector<20x32x128xi32>
    %eq3A_2161 = arith.cmpi eq, %select_n3A_2152, %select_n3A_2126 : vector<20x32x128xi32>
    %lt3A_2162 = arith.cmpi slt, %select_n3A_2159, %select_n3A_2127 : vector<20x32x128xi32>
    %and3A_2163 = arith.andi %eq3A_2161, %lt3A_2162 : vector<20x32x128xi1>
    %or3A_2164 = arith.ori %gt3A_2160, %and3A_2163 : vector<20x32x128xi1>
    %eq3A_2165 = vector.broadcast %eq3A_2145 : vector<1x32x128xi1> to vector<20x32x128xi1>
    %eq3A_2166 = vector.broadcast %eq3A_2165 : vector<20x32x128xi1> to vector<20x32x128xi1>
    %eq3A_2167 = arith.xori %or3A_2164, %eq3A_2166 : vector<20x32x128xi1>
    %eq3A_2168 = arith.constant dense<true> : vector<20x32x128xi1>
    %eq3A_2169 = arith.xori %eq3A_2167, %eq3A_2168 : vector<20x32x128xi1>
    %select_n3A_2170 = arith.select %eq3A_2169, %select_n3A_2152, %select_n3A_2126 : vector<20x32x128xi1>, vector<20x32x128xi32>
    %select_n3A_2171 = arith.select %eq3A_2169, %select_n3A_2159, %select_n3A_2127 : vector<20x32x128xi1>, vector<20x32x128xi32>
    %and3A_2172 = arith.constant 32 : i32
    %and3A_2173 = vector.broadcast %and3A_2172 : i32 to vector<1x32x128xi32>
    %and3A_2174 = arith.andi %add3A, %and3A_2173 : vector<1x32x128xi32>
    %eq3A_2175 = arith.constant 0 : i32
    %eq3A_2176 = vector.broadcast %eq3A_2175 : i32 to vector<1x32x128xi32>
    %eq3A_2177 = arith.cmpi eq, %and3A_2174, %eq3A_2176 : vector<1x32x128xi32>
    %shift_right_arithmetic3A_2178 = arith.constant 10 : i32
    %shift_right_arithmetic3A_2179 = vector.broadcast %shift_right_arithmetic3A_2178 : i32 to vector<1x32x128xi32>
    %shift_right_arithmetic3A_2180 = arith.shrsi %add3A, %shift_right_arithmetic3A_2179 : vector<1x32x128xi32>
    %and3A_2181 = arith.constant 1 : i32
    %and3A_2182 = vector.broadcast %and3A_2181 : i32 to vector<1x32x128xi32>
    %and3A_2183 = arith.andi %shift_right_arithmetic3A_2180, %and3A_2182 : vector<1x32x128xi32>
    %eq3A_2184 = arith.constant 0 : i32
    %eq3A_2185 = vector.broadcast %eq3A_2184 : i32 to vector<1x32x128xi32>
    %eq3A_2186 = arith.cmpi eq, %and3A_2183, %eq3A_2185 : vector<1x32x128xi32>
    %eq3A_2187 = arith.xori %eq3A_2177, %eq3A_2186 : vector<1x32x128xi1>
    %eq3A_2188 = arith.constant dense<true> : vector<1x32x128xi1>
    %eq3A_2189 = arith.xori %eq3A_2187, %eq3A_2188 : vector<1x32x128xi1>
    %roll3A_2190 = arith.constant 127 : i32
    %roll3A_2191 = tpu.dynamic_rotate %select_n3A_2170 by %roll3A_2190 dim 2 : vector<20x32x128xi32>, i32 -> vector<20x32x128xi32>
    %roll3A_2192 = arith.constant 1 : i32
    %roll3A_2193 = tpu.dynamic_rotate %select_n3A_2170 by %roll3A_2192 dim 2 : vector<20x32x128xi32>, i32 -> vector<20x32x128xi32>
    %broadcast_in_dim3A_2194 = vector.shape_cast %eq3A_2177 : vector<1x32x128xi1> to vector<1x32x128xi1>
    %broadcast_in_dim3A_2195 = vector.broadcast %broadcast_in_dim3A_2194 : vector<1x32x128xi1> to vector<20x32x128xi1>
    %select_n3A_2196 = arith.select %broadcast_in_dim3A_2195, %roll3A_2191, %roll3A_2193 : vector<20x32x128xi1>, vector<20x32x128xi32>
    %roll3A_2197 = arith.constant 127 : i32
    %roll3A_2198 = tpu.dynamic_rotate %select_n3A_2171 by %roll3A_2197 dim 2 : vector<20x32x128xi32>, i32 -> vector<20x32x128xi32>
    %roll3A_2199 = arith.constant 1 : i32
    %roll3A_2200 = tpu.dynamic_rotate %select_n3A_2171 by %roll3A_2199 dim 2 : vector<20x32x128xi32>, i32 -> vector<20x32x128xi32>
    %broadcast_in_dim3A_2201 = vector.shape_cast %eq3A_2177 : vector<1x32x128xi1> to vector<1x32x128xi1>
    %broadcast_in_dim3A_2202 = vector.broadcast %broadcast_in_dim3A_2201 : vector<1x32x128xi1> to vector<20x32x128xi1>
    %select_n3A_2203 = arith.select %broadcast_in_dim3A_2202, %roll3A_2198, %roll3A_2200 : vector<20x32x128xi1>, vector<20x32x128xi32>
    %gt3A_2204 = arith.cmpi sgt, %select_n3A_2196, %select_n3A_2170 : vector<20x32x128xi32>
    %eq3A_2205 = arith.cmpi eq, %select_n3A_2196, %select_n3A_2170 : vector<20x32x128xi32>
    %lt3A_2206 = arith.cmpi slt, %select_n3A_2203, %select_n3A_2171 : vector<20x32x128xi32>
    %and3A_2207 = arith.andi %eq3A_2205, %lt3A_2206 : vector<20x32x128xi1>
    %or3A_2208 = arith.ori %gt3A_2204, %and3A_2207 : vector<20x32x128xi1>
    %eq3A_2209 = vector.broadcast %eq3A_2189 : vector<1x32x128xi1> to vector<20x32x128xi1>
    %eq3A_2210 = vector.broadcast %eq3A_2209 : vector<20x32x128xi1> to vector<20x32x128xi1>
    %eq3A_2211 = arith.xori %or3A_2208, %eq3A_2210 : vector<20x32x128xi1>
    %eq3A_2212 = arith.constant dense<true> : vector<20x32x128xi1>
    %eq3A_2213 = arith.xori %eq3A_2211, %eq3A_2212 : vector<20x32x128xi1>
    %select_n3A_2214 = arith.select %eq3A_2213, %select_n3A_2196, %select_n3A_2170 : vector<20x32x128xi1>, vector<20x32x128xi32>
    %select_n3A_2215 = arith.select %eq3A_2213, %select_n3A_2203, %select_n3A_2171 : vector<20x32x128xi1>, vector<20x32x128xi32>
    %and3A_2216 = arith.constant 16 : i32
    %and3A_2217 = vector.broadcast %and3A_2216 : i32 to vector<1x32x128xi32>
    %and3A_2218 = arith.andi %add3A, %and3A_2217 : vector<1x32x128xi32>
    %eq3A_2219 = arith.constant 0 : i32
    %eq3A_2220 = vector.broadcast %eq3A_2219 : i32 to vector<1x32x128xi32>
    %eq3A_2221 = arith.cmpi eq, %and3A_2218, %eq3A_2220 : vector<1x32x128xi32>
    %shift_right_arithmetic3A_2222 = arith.constant 10 : i32
    %shift_right_arithmetic3A_2223 = vector.broadcast %shift_right_arithmetic3A_2222 : i32 to vector<1x32x128xi32>
    %shift_right_arithmetic3A_2224 = arith.shrsi %add3A, %shift_right_arithmetic3A_2223 : vector<1x32x128xi32>
    %and3A_2225 = arith.constant 1 : i32
    %and3A_2226 = vector.broadcast %and3A_2225 : i32 to vector<1x32x128xi32>
    %and3A_2227 = arith.andi %shift_right_arithmetic3A_2224, %and3A_2226 : vector<1x32x128xi32>
    %eq3A_2228 = arith.constant 0 : i32
    %eq3A_2229 = vector.broadcast %eq3A_2228 : i32 to vector<1x32x128xi32>
    %eq3A_2230 = arith.cmpi eq, %and3A_2227, %eq3A_2229 : vector<1x32x128xi32>
    %eq3A_2231 = arith.xori %eq3A_2221, %eq3A_2230 : vector<1x32x128xi1>
    %eq3A_2232 = arith.constant dense<true> : vector<1x32x128xi1>
    %eq3A_2233 = arith.xori %eq3A_2231, %eq3A_2232 : vector<1x32x128xi1>
    %roll3A_2234 = arith.constant 16 : i32
    %roll3A_2235 = tpu.dynamic_rotate %select_n3A_2214 by %roll3A_2234 dim 1 : vector<20x32x128xi32>, i32 -> vector<20x32x128xi32>
    %roll3A_2236 = arith.constant 16 : i32
    %roll3A_2237 = tpu.dynamic_rotate %select_n3A_2214 by %roll3A_2236 dim 1 : vector<20x32x128xi32>, i32 -> vector<20x32x128xi32>
    %broadcast_in_dim3A_2238 = vector.shape_cast %eq3A_2221 : vector<1x32x128xi1> to vector<1x32x128xi1>
    %broadcast_in_dim3A_2239 = vector.broadcast %broadcast_in_dim3A_2238 : vector<1x32x128xi1> to vector<20x32x128xi1>
    %select_n3A_2240 = arith.select %broadcast_in_dim3A_2239, %roll3A_2235, %roll3A_2237 : vector<20x32x128xi1>, vector<20x32x128xi32>
    %roll3A_2241 = arith.constant 16 : i32
    %roll3A_2242 = tpu.dynamic_rotate %select_n3A_2215 by %roll3A_2241 dim 1 : vector<20x32x128xi32>, i32 -> vector<20x32x128xi32>
    %roll3A_2243 = arith.constant 16 : i32
    %roll3A_2244 = tpu.dynamic_rotate %select_n3A_2215 by %roll3A_2243 dim 1 : vector<20x32x128xi32>, i32 -> vector<20x32x128xi32>
    %broadcast_in_dim3A_2245 = vector.shape_cast %eq3A_2221 : vector<1x32x128xi1> to vector<1x32x128xi1>
    %broadcast_in_dim3A_2246 = vector.broadcast %broadcast_in_dim3A_2245 : vector<1x32x128xi1> to vector<20x32x128xi1>
    %select_n3A_2247 = arith.select %broadcast_in_dim3A_2246, %roll3A_2242, %roll3A_2244 : vector<20x32x128xi1>, vector<20x32x128xi32>
    %gt3A_2248 = arith.cmpi sgt, %select_n3A_2240, %select_n3A_2214 : vector<20x32x128xi32>
    %eq3A_2249 = arith.cmpi eq, %select_n3A_2240, %select_n3A_2214 : vector<20x32x128xi32>
    %lt3A_2250 = arith.cmpi slt, %select_n3A_2247, %select_n3A_2215 : vector<20x32x128xi32>
    %and3A_2251 = arith.andi %eq3A_2249, %lt3A_2250 : vector<20x32x128xi1>
    %or3A_2252 = arith.ori %gt3A_2248, %and3A_2251 : vector<20x32x128xi1>
    %eq3A_2253 = vector.broadcast %eq3A_2233 : vector<1x32x128xi1> to vector<20x32x128xi1>
    %eq3A_2254 = vector.broadcast %eq3A_2253 : vector<20x32x128xi1> to vector<20x32x128xi1>
    %eq3A_2255 = arith.xori %or3A_2252, %eq3A_2254 : vector<20x32x128xi1>
    %eq3A_2256 = arith.constant dense<true> : vector<20x32x128xi1>
    %eq3A_2257 = arith.xori %eq3A_2255, %eq3A_2256 : vector<20x32x128xi1>
    %select_n3A_2258 = arith.select %eq3A_2257, %select_n3A_2240, %select_n3A_2214 : vector<20x32x128xi1>, vector<20x32x128xi32>
    %select_n3A_2259 = arith.select %eq3A_2257, %select_n3A_2247, %select_n3A_2215 : vector<20x32x128xi1>, vector<20x32x128xi32>
    %and3A_2260 = arith.constant 8 : i32
    %and3A_2261 = vector.broadcast %and3A_2260 : i32 to vector<1x32x128xi32>
    %and3A_2262 = arith.andi %add3A, %and3A_2261 : vector<1x32x128xi32>
    %eq3A_2263 = arith.constant 0 : i32
    %eq3A_2264 = vector.broadcast %eq3A_2263 : i32 to vector<1x32x128xi32>
    %eq3A_2265 = arith.cmpi eq, %and3A_2262, %eq3A_2264 : vector<1x32x128xi32>
    %shift_right_arithmetic3A_2266 = arith.constant 10 : i32
    %shift_right_arithmetic3A_2267 = vector.broadcast %shift_right_arithmetic3A_2266 : i32 to vector<1x32x128xi32>
    %shift_right_arithmetic3A_2268 = arith.shrsi %add3A, %shift_right_arithmetic3A_2267 : vector<1x32x128xi32>
    %and3A_2269 = arith.constant 1 : i32
    %and3A_2270 = vector.broadcast %and3A_2269 : i32 to vector<1x32x128xi32>
    %and3A_2271 = arith.andi %shift_right_arithmetic3A_2268, %and3A_2270 : vector<1x32x128xi32>
    %eq3A_2272 = arith.constant 0 : i32
    %eq3A_2273 = vector.broadcast %eq3A_2272 : i32 to vector<1x32x128xi32>
    %eq3A_2274 = arith.cmpi eq, %and3A_2271, %eq3A_2273 : vector<1x32x128xi32>
    %eq3A_2275 = arith.xori %eq3A_2265, %eq3A_2274 : vector<1x32x128xi1>
    %eq3A_2276 = arith.constant dense<true> : vector<1x32x128xi1>
    %eq3A_2277 = arith.xori %eq3A_2275, %eq3A_2276 : vector<1x32x128xi1>
    %roll3A_2278 = arith.constant 24 : i32
    %roll3A_2279 = tpu.dynamic_rotate %select_n3A_2258 by %roll3A_2278 dim 1 : vector<20x32x128xi32>, i32 -> vector<20x32x128xi32>
    %roll3A_2280 = arith.constant 8 : i32
    %roll3A_2281 = tpu.dynamic_rotate %select_n3A_2258 by %roll3A_2280 dim 1 : vector<20x32x128xi32>, i32 -> vector<20x32x128xi32>
    %broadcast_in_dim3A_2282 = vector.shape_cast %eq3A_2265 : vector<1x32x128xi1> to vector<1x32x128xi1>
    %broadcast_in_dim3A_2283 = vector.broadcast %broadcast_in_dim3A_2282 : vector<1x32x128xi1> to vector<20x32x128xi1>
    %select_n3A_2284 = arith.select %broadcast_in_dim3A_2283, %roll3A_2279, %roll3A_2281 : vector<20x32x128xi1>, vector<20x32x128xi32>
    %roll3A_2285 = arith.constant 24 : i32
    %roll3A_2286 = tpu.dynamic_rotate %select_n3A_2259 by %roll3A_2285 dim 1 : vector<20x32x128xi32>, i32 -> vector<20x32x128xi32>
    %roll3A_2287 = arith.constant 8 : i32
    %roll3A_2288 = tpu.dynamic_rotate %select_n3A_2259 by %roll3A_2287 dim 1 : vector<20x32x128xi32>, i32 -> vector<20x32x128xi32>
    %broadcast_in_dim3A_2289 = vector.shape_cast %eq3A_2265 : vector<1x32x128xi1> to vector<1x32x128xi1>
    %broadcast_in_dim3A_2290 = vector.broadcast %broadcast_in_dim3A_2289 : vector<1x32x128xi1> to vector<20x32x128xi1>
    %select_n3A_2291 = arith.select %broadcast_in_dim3A_2290, %roll3A_2286, %roll3A_2288 : vector<20x32x128xi1>, vector<20x32x128xi32>
    %gt3A_2292 = arith.cmpi sgt, %select_n3A_2284, %select_n3A_2258 : vector<20x32x128xi32>
    %eq3A_2293 = arith.cmpi eq, %select_n3A_2284, %select_n3A_2258 : vector<20x32x128xi32>
    %lt3A_2294 = arith.cmpi slt, %select_n3A_2291, %select_n3A_2259 : vector<20x32x128xi32>
    %and3A_2295 = arith.andi %eq3A_2293, %lt3A_2294 : vector<20x32x128xi1>
    %or3A_2296 = arith.ori %gt3A_2292, %and3A_2295 : vector<20x32x128xi1>
    %eq3A_2297 = vector.broadcast %eq3A_2277 : vector<1x32x128xi1> to vector<20x32x128xi1>
    %eq3A_2298 = vector.broadcast %eq3A_2297 : vector<20x32x128xi1> to vector<20x32x128xi1>
    %eq3A_2299 = arith.xori %or3A_2296, %eq3A_2298 : vector<20x32x128xi1>
    %eq3A_2300 = arith.constant dense<true> : vector<20x32x128xi1>
    %eq3A_2301 = arith.xori %eq3A_2299, %eq3A_2300 : vector<20x32x128xi1>
    %select_n3A_2302 = arith.select %eq3A_2301, %select_n3A_2284, %select_n3A_2258 : vector<20x32x128xi1>, vector<20x32x128xi32>
    %select_n3A_2303 = arith.select %eq3A_2301, %select_n3A_2291, %select_n3A_2259 : vector<20x32x128xi1>, vector<20x32x128xi32>
    %and3A_2304 = arith.constant 4 : i32
    %and3A_2305 = vector.broadcast %and3A_2304 : i32 to vector<1x32x128xi32>
    %and3A_2306 = arith.andi %add3A, %and3A_2305 : vector<1x32x128xi32>
    %eq3A_2307 = arith.constant 0 : i32
    %eq3A_2308 = vector.broadcast %eq3A_2307 : i32 to vector<1x32x128xi32>
    %eq3A_2309 = arith.cmpi eq, %and3A_2306, %eq3A_2308 : vector<1x32x128xi32>
    %shift_right_arithmetic3A_2310 = arith.constant 10 : i32
    %shift_right_arithmetic3A_2311 = vector.broadcast %shift_right_arithmetic3A_2310 : i32 to vector<1x32x128xi32>
    %shift_right_arithmetic3A_2312 = arith.shrsi %add3A, %shift_right_arithmetic3A_2311 : vector<1x32x128xi32>
    %and3A_2313 = arith.constant 1 : i32
    %and3A_2314 = vector.broadcast %and3A_2313 : i32 to vector<1x32x128xi32>
    %and3A_2315 = arith.andi %shift_right_arithmetic3A_2312, %and3A_2314 : vector<1x32x128xi32>
    %eq3A_2316 = arith.constant 0 : i32
    %eq3A_2317 = vector.broadcast %eq3A_2316 : i32 to vector<1x32x128xi32>
    %eq3A_2318 = arith.cmpi eq, %and3A_2315, %eq3A_2317 : vector<1x32x128xi32>
    %eq3A_2319 = arith.xori %eq3A_2309, %eq3A_2318 : vector<1x32x128xi1>
    %eq3A_2320 = arith.constant dense<true> : vector<1x32x128xi1>
    %eq3A_2321 = arith.xori %eq3A_2319, %eq3A_2320 : vector<1x32x128xi1>
    %roll3A_2322 = arith.constant 28 : i32
    %roll3A_2323 = tpu.dynamic_rotate %select_n3A_2302 by %roll3A_2322 dim 1 : vector<20x32x128xi32>, i32 -> vector<20x32x128xi32>
    %roll3A_2324 = arith.constant 4 : i32
    %roll3A_2325 = tpu.dynamic_rotate %select_n3A_2302 by %roll3A_2324 dim 1 : vector<20x32x128xi32>, i32 -> vector<20x32x128xi32>
    %broadcast_in_dim3A_2326 = vector.shape_cast %eq3A_2309 : vector<1x32x128xi1> to vector<1x32x128xi1>
    %broadcast_in_dim3A_2327 = vector.broadcast %broadcast_in_dim3A_2326 : vector<1x32x128xi1> to vector<20x32x128xi1>
    %select_n3A_2328 = arith.select %broadcast_in_dim3A_2327, %roll3A_2323, %roll3A_2325 : vector<20x32x128xi1>, vector<20x32x128xi32>
    %roll3A_2329 = arith.constant 28 : i32
    %roll3A_2330 = tpu.dynamic_rotate %select_n3A_2303 by %roll3A_2329 dim 1 : vector<20x32x128xi32>, i32 -> vector<20x32x128xi32>
    %roll3A_2331 = arith.constant 4 : i32
    %roll3A_2332 = tpu.dynamic_rotate %select_n3A_2303 by %roll3A_2331 dim 1 : vector<20x32x128xi32>, i32 -> vector<20x32x128xi32>
    %broadcast_in_dim3A_2333 = vector.shape_cast %eq3A_2309 : vector<1x32x128xi1> to vector<1x32x128xi1>
    %broadcast_in_dim3A_2334 = vector.broadcast %broadcast_in_dim3A_2333 : vector<1x32x128xi1> to vector<20x32x128xi1>
    %select_n3A_2335 = arith.select %broadcast_in_dim3A_2334, %roll3A_2330, %roll3A_2332 : vector<20x32x128xi1>, vector<20x32x128xi32>
    %gt3A_2336 = arith.cmpi sgt, %select_n3A_2328, %select_n3A_2302 : vector<20x32x128xi32>
    %eq3A_2337 = arith.cmpi eq, %select_n3A_2328, %select_n3A_2302 : vector<20x32x128xi32>
    %lt3A_2338 = arith.cmpi slt, %select_n3A_2335, %select_n3A_2303 : vector<20x32x128xi32>
    %and3A_2339 = arith.andi %eq3A_2337, %lt3A_2338 : vector<20x32x128xi1>
    %or3A_2340 = arith.ori %gt3A_2336, %and3A_2339 : vector<20x32x128xi1>
    %eq3A_2341 = vector.broadcast %eq3A_2321 : vector<1x32x128xi1> to vector<20x32x128xi1>
    %eq3A_2342 = vector.broadcast %eq3A_2341 : vector<20x32x128xi1> to vector<20x32x128xi1>
    %eq3A_2343 = arith.xori %or3A_2340, %eq3A_2342 : vector<20x32x128xi1>
    %eq3A_2344 = arith.constant dense<true> : vector<20x32x128xi1>
    %eq3A_2345 = arith.xori %eq3A_2343, %eq3A_2344 : vector<20x32x128xi1>
    %select_n3A_2346 = arith.select %eq3A_2345, %select_n3A_2328, %select_n3A_2302 : vector<20x32x128xi1>, vector<20x32x128xi32>
    %select_n3A_2347 = arith.select %eq3A_2345, %select_n3A_2335, %select_n3A_2303 : vector<20x32x128xi1>, vector<20x32x128xi32>
    %and3A_2348 = arith.constant 2 : i32
    %and3A_2349 = vector.broadcast %and3A_2348 : i32 to vector<1x32x128xi32>
    %and3A_2350 = arith.andi %add3A, %and3A_2349 : vector<1x32x128xi32>
    %eq3A_2351 = arith.constant 0 : i32
    %eq3A_2352 = vector.broadcast %eq3A_2351 : i32 to vector<1x32x128xi32>
    %eq3A_2353 = arith.cmpi eq, %and3A_2350, %eq3A_2352 : vector<1x32x128xi32>
    %shift_right_arithmetic3A_2354 = arith.constant 10 : i32
    %shift_right_arithmetic3A_2355 = vector.broadcast %shift_right_arithmetic3A_2354 : i32 to vector<1x32x128xi32>
    %shift_right_arithmetic3A_2356 = arith.shrsi %add3A, %shift_right_arithmetic3A_2355 : vector<1x32x128xi32>
    %and3A_2357 = arith.constant 1 : i32
    %and3A_2358 = vector.broadcast %and3A_2357 : i32 to vector<1x32x128xi32>
    %and3A_2359 = arith.andi %shift_right_arithmetic3A_2356, %and3A_2358 : vector<1x32x128xi32>
    %eq3A_2360 = arith.constant 0 : i32
    %eq3A_2361 = vector.broadcast %eq3A_2360 : i32 to vector<1x32x128xi32>
    %eq3A_2362 = arith.cmpi eq, %and3A_2359, %eq3A_2361 : vector<1x32x128xi32>
    %eq3A_2363 = arith.xori %eq3A_2353, %eq3A_2362 : vector<1x32x128xi1>
    %eq3A_2364 = arith.constant dense<true> : vector<1x32x128xi1>
    %eq3A_2365 = arith.xori %eq3A_2363, %eq3A_2364 : vector<1x32x128xi1>
    %roll3A_2366 = arith.constant 30 : i32
    %roll3A_2367 = tpu.dynamic_rotate %select_n3A_2346 by %roll3A_2366 dim 1 : vector<20x32x128xi32>, i32 -> vector<20x32x128xi32>
    %roll3A_2368 = arith.constant 2 : i32
    %roll3A_2369 = tpu.dynamic_rotate %select_n3A_2346 by %roll3A_2368 dim 1 : vector<20x32x128xi32>, i32 -> vector<20x32x128xi32>
    %broadcast_in_dim3A_2370 = vector.shape_cast %eq3A_2353 : vector<1x32x128xi1> to vector<1x32x128xi1>
    %broadcast_in_dim3A_2371 = vector.broadcast %broadcast_in_dim3A_2370 : vector<1x32x128xi1> to vector<20x32x128xi1>
    %select_n3A_2372 = arith.select %broadcast_in_dim3A_2371, %roll3A_2367, %roll3A_2369 : vector<20x32x128xi1>, vector<20x32x128xi32>
    %roll3A_2373 = arith.constant 30 : i32
    %roll3A_2374 = tpu.dynamic_rotate %select_n3A_2347 by %roll3A_2373 dim 1 : vector<20x32x128xi32>, i32 -> vector<20x32x128xi32>
    %roll3A_2375 = arith.constant 2 : i32
    %roll3A_2376 = tpu.dynamic_rotate %select_n3A_2347 by %roll3A_2375 dim 1 : vector<20x32x128xi32>, i32 -> vector<20x32x128xi32>
    %broadcast_in_dim3A_2377 = vector.shape_cast %eq3A_2353 : vector<1x32x128xi1> to vector<1x32x128xi1>
    %broadcast_in_dim3A_2378 = vector.broadcast %broadcast_in_dim3A_2377 : vector<1x32x128xi1> to vector<20x32x128xi1>
    %select_n3A_2379 = arith.select %broadcast_in_dim3A_2378, %roll3A_2374, %roll3A_2376 : vector<20x32x128xi1>, vector<20x32x128xi32>
    %gt3A_2380 = arith.cmpi sgt, %select_n3A_2372, %select_n3A_2346 : vector<20x32x128xi32>
    %eq3A_2381 = arith.cmpi eq, %select_n3A_2372, %select_n3A_2346 : vector<20x32x128xi32>
    %lt3A_2382 = arith.cmpi slt, %select_n3A_2379, %select_n3A_2347 : vector<20x32x128xi32>
    %and3A_2383 = arith.andi %eq3A_2381, %lt3A_2382 : vector<20x32x128xi1>
    %or3A_2384 = arith.ori %gt3A_2380, %and3A_2383 : vector<20x32x128xi1>
    %eq3A_2385 = vector.broadcast %eq3A_2365 : vector<1x32x128xi1> to vector<20x32x128xi1>
    %eq3A_2386 = vector.broadcast %eq3A_2385 : vector<20x32x128xi1> to vector<20x32x128xi1>
    %eq3A_2387 = arith.xori %or3A_2384, %eq3A_2386 : vector<20x32x128xi1>
    %eq3A_2388 = arith.constant dense<true> : vector<20x32x128xi1>
    %eq3A_2389 = arith.xori %eq3A_2387, %eq3A_2388 : vector<20x32x128xi1>
    %select_n3A_2390 = arith.select %eq3A_2389, %select_n3A_2372, %select_n3A_2346 : vector<20x32x128xi1>, vector<20x32x128xi32>
    %select_n3A_2391 = arith.select %eq3A_2389, %select_n3A_2379, %select_n3A_2347 : vector<20x32x128xi1>, vector<20x32x128xi32>
    %and3A_2392 = arith.constant 1 : i32
    %and3A_2393 = vector.broadcast %and3A_2392 : i32 to vector<1x32x128xi32>
    %and3A_2394 = arith.andi %add3A, %and3A_2393 : vector<1x32x128xi32>
    %eq3A_2395 = arith.constant 0 : i32
    %eq3A_2396 = vector.broadcast %eq3A_2395 : i32 to vector<1x32x128xi32>
    %eq3A_2397 = arith.cmpi eq, %and3A_2394, %eq3A_2396 : vector<1x32x128xi32>
    %shift_right_arithmetic3A_2398 = arith.constant 10 : i32
    %shift_right_arithmetic3A_2399 = vector.broadcast %shift_right_arithmetic3A_2398 : i32 to vector<1x32x128xi32>
    %shift_right_arithmetic3A_2400 = arith.shrsi %add3A, %shift_right_arithmetic3A_2399 : vector<1x32x128xi32>
    %and3A_2401 = arith.constant 1 : i32
    %and3A_2402 = vector.broadcast %and3A_2401 : i32 to vector<1x32x128xi32>
    %and3A_2403 = arith.andi %shift_right_arithmetic3A_2400, %and3A_2402 : vector<1x32x128xi32>
    %eq3A_2404 = arith.constant 0 : i32
    %eq3A_2405 = vector.broadcast %eq3A_2404 : i32 to vector<1x32x128xi32>
    %eq3A_2406 = arith.cmpi eq, %and3A_2403, %eq3A_2405 : vector<1x32x128xi32>
    %eq3A_2407 = arith.xori %eq3A_2397, %eq3A_2406 : vector<1x32x128xi1>
    %eq3A_2408 = arith.constant dense<true> : vector<1x32x128xi1>
    %eq3A_2409 = arith.xori %eq3A_2407, %eq3A_2408 : vector<1x32x128xi1>
    %roll3A_2410 = arith.constant 31 : i32
    %roll3A_2411 = tpu.dynamic_rotate %select_n3A_2390 by %roll3A_2410 dim 1 : vector<20x32x128xi32>, i32 -> vector<20x32x128xi32>
    %roll3A_2412 = arith.constant 1 : i32
    %roll3A_2413 = tpu.dynamic_rotate %select_n3A_2390 by %roll3A_2412 dim 1 : vector<20x32x128xi32>, i32 -> vector<20x32x128xi32>
    %broadcast_in_dim3A_2414 = vector.shape_cast %eq3A_2397 : vector<1x32x128xi1> to vector<1x32x128xi1>
    %broadcast_in_dim3A_2415 = vector.broadcast %broadcast_in_dim3A_2414 : vector<1x32x128xi1> to vector<20x32x128xi1>
    %select_n3A_2416 = arith.select %broadcast_in_dim3A_2415, %roll3A_2411, %roll3A_2413 : vector<20x32x128xi1>, vector<20x32x128xi32>
    %roll3A_2417 = arith.constant 31 : i32
    %roll3A_2418 = tpu.dynamic_rotate %select_n3A_2391 by %roll3A_2417 dim 1 : vector<20x32x128xi32>, i32 -> vector<20x32x128xi32>
    %roll3A_2419 = arith.constant 1 : i32
    %roll3A_2420 = tpu.dynamic_rotate %select_n3A_2391 by %roll3A_2419 dim 1 : vector<20x32x128xi32>, i32 -> vector<20x32x128xi32>
    %broadcast_in_dim3A_2421 = vector.shape_cast %eq3A_2397 : vector<1x32x128xi1> to vector<1x32x128xi1>
    %broadcast_in_dim3A_2422 = vector.broadcast %broadcast_in_dim3A_2421 : vector<1x32x128xi1> to vector<20x32x128xi1>
    %select_n3A_2423 = arith.select %broadcast_in_dim3A_2422, %roll3A_2418, %roll3A_2420 : vector<20x32x128xi1>, vector<20x32x128xi32>
    %gt3A_2424 = arith.cmpi sgt, %select_n3A_2416, %select_n3A_2390 : vector<20x32x128xi32>
    %eq3A_2425 = arith.cmpi eq, %select_n3A_2416, %select_n3A_2390 : vector<20x32x128xi32>
    %lt3A_2426 = arith.cmpi slt, %select_n3A_2423, %select_n3A_2391 : vector<20x32x128xi32>
    %and3A_2427 = arith.andi %eq3A_2425, %lt3A_2426 : vector<20x32x128xi1>
    %or3A_2428 = arith.ori %gt3A_2424, %and3A_2427 : vector<20x32x128xi1>
    %eq3A_2429 = vector.broadcast %eq3A_2409 : vector<1x32x128xi1> to vector<20x32x128xi1>
    %eq3A_2430 = vector.broadcast %eq3A_2429 : vector<20x32x128xi1> to vector<20x32x128xi1>
    %eq3A_2431 = arith.xori %or3A_2428, %eq3A_2430 : vector<20x32x128xi1>
    %eq3A_2432 = arith.constant dense<true> : vector<20x32x128xi1>
    %eq3A_2433 = arith.xori %eq3A_2431, %eq3A_2432 : vector<20x32x128xi1>
    %select_n3A_2434 = arith.select %eq3A_2433, %select_n3A_2416, %select_n3A_2390 : vector<20x32x128xi1>, vector<20x32x128xi32>
    %select_n3A_2435 = arith.select %eq3A_2433, %select_n3A_2423, %select_n3A_2391 : vector<20x32x128xi1>, vector<20x32x128xi32>
    %and3A_2436 = arith.constant 1024 : i32
    %and3A_2437 = vector.broadcast %and3A_2436 : i32 to vector<1x32x128xi32>
    %and3A_2438 = arith.andi %add3A, %and3A_2437 : vector<1x32x128xi32>
    %eq3A_2439 = arith.constant 0 : i32
    %eq3A_2440 = vector.broadcast %eq3A_2439 : i32 to vector<1x32x128xi32>
    %eq3A_2441 = arith.cmpi eq, %and3A_2438, %eq3A_2440 : vector<1x32x128xi32>
    %shift_right_arithmetic3A_2442 = arith.constant 11 : i32
    %shift_right_arithmetic3A_2443 = vector.broadcast %shift_right_arithmetic3A_2442 : i32 to vector<1x32x128xi32>
    %shift_right_arithmetic3A_2444 = arith.shrsi %add3A, %shift_right_arithmetic3A_2443 : vector<1x32x128xi32>
    %and3A_2445 = arith.constant 1 : i32
    %and3A_2446 = vector.broadcast %and3A_2445 : i32 to vector<1x32x128xi32>
    %and3A_2447 = arith.andi %shift_right_arithmetic3A_2444, %and3A_2446 : vector<1x32x128xi32>
    %eq3A_2448 = arith.constant 0 : i32
    %eq3A_2449 = vector.broadcast %eq3A_2448 : i32 to vector<1x32x128xi32>
    %eq3A_2450 = arith.cmpi eq, %and3A_2447, %eq3A_2449 : vector<1x32x128xi32>
    %eq3A_2451 = arith.xori %eq3A_2441, %eq3A_2450 : vector<1x32x128xi1>
    %eq3A_2452 = arith.constant dense<true> : vector<1x32x128xi1>
    %eq3A_2453 = arith.xori %eq3A_2451, %eq3A_2452 : vector<1x32x128xi1>
    %roll3A_2454 = arith.constant 96 : i32
    %roll3A_2455 = tpu.dynamic_rotate %select_n3A_2434 by %roll3A_2454 dim 2 : vector<20x32x128xi32>, i32 -> vector<20x32x128xi32>
    %roll3A_2456 = arith.constant 32 : i32
    %roll3A_2457 = tpu.dynamic_rotate %select_n3A_2434 by %roll3A_2456 dim 2 : vector<20x32x128xi32>, i32 -> vector<20x32x128xi32>
    %broadcast_in_dim3A_2458 = vector.shape_cast %eq3A_2441 : vector<1x32x128xi1> to vector<1x32x128xi1>
    %broadcast_in_dim3A_2459 = vector.broadcast %broadcast_in_dim3A_2458 : vector<1x32x128xi1> to vector<20x32x128xi1>
    %select_n3A_2460 = arith.select %broadcast_in_dim3A_2459, %roll3A_2455, %roll3A_2457 : vector<20x32x128xi1>, vector<20x32x128xi32>
    %roll3A_2461 = arith.constant 96 : i32
    %roll3A_2462 = tpu.dynamic_rotate %select_n3A_2435 by %roll3A_2461 dim 2 : vector<20x32x128xi32>, i32 -> vector<20x32x128xi32>
    %roll3A_2463 = arith.constant 32 : i32
    %roll3A_2464 = tpu.dynamic_rotate %select_n3A_2435 by %roll3A_2463 dim 2 : vector<20x32x128xi32>, i32 -> vector<20x32x128xi32>
    %broadcast_in_dim3A_2465 = vector.shape_cast %eq3A_2441 : vector<1x32x128xi1> to vector<1x32x128xi1>
    %broadcast_in_dim3A_2466 = vector.broadcast %broadcast_in_dim3A_2465 : vector<1x32x128xi1> to vector<20x32x128xi1>
    %select_n3A_2467 = arith.select %broadcast_in_dim3A_2466, %roll3A_2462, %roll3A_2464 : vector<20x32x128xi1>, vector<20x32x128xi32>
    %gt3A_2468 = arith.cmpi sgt, %select_n3A_2460, %select_n3A_2434 : vector<20x32x128xi32>
    %eq3A_2469 = arith.cmpi eq, %select_n3A_2460, %select_n3A_2434 : vector<20x32x128xi32>
    %lt3A_2470 = arith.cmpi slt, %select_n3A_2467, %select_n3A_2435 : vector<20x32x128xi32>
    %and3A_2471 = arith.andi %eq3A_2469, %lt3A_2470 : vector<20x32x128xi1>
    %or3A_2472 = arith.ori %gt3A_2468, %and3A_2471 : vector<20x32x128xi1>
    %eq3A_2473 = vector.broadcast %eq3A_2453 : vector<1x32x128xi1> to vector<20x32x128xi1>
    %eq3A_2474 = vector.broadcast %eq3A_2473 : vector<20x32x128xi1> to vector<20x32x128xi1>
    %eq3A_2475 = arith.xori %or3A_2472, %eq3A_2474 : vector<20x32x128xi1>
    %eq3A_2476 = arith.constant dense<true> : vector<20x32x128xi1>
    %eq3A_2477 = arith.xori %eq3A_2475, %eq3A_2476 : vector<20x32x128xi1>
    %select_n3A_2478 = arith.select %eq3A_2477, %select_n3A_2460, %select_n3A_2434 : vector<20x32x128xi1>, vector<20x32x128xi32>
    %select_n3A_2479 = arith.select %eq3A_2477, %select_n3A_2467, %select_n3A_2435 : vector<20x32x128xi1>, vector<20x32x128xi32>
    %and3A_2480 = arith.constant 512 : i32
    %and3A_2481 = vector.broadcast %and3A_2480 : i32 to vector<1x32x128xi32>
    %and3A_2482 = arith.andi %add3A, %and3A_2481 : vector<1x32x128xi32>
    %eq3A_2483 = arith.constant 0 : i32
    %eq3A_2484 = vector.broadcast %eq3A_2483 : i32 to vector<1x32x128xi32>
    %eq3A_2485 = arith.cmpi eq, %and3A_2482, %eq3A_2484 : vector<1x32x128xi32>
    %shift_right_arithmetic3A_2486 = arith.constant 11 : i32
    %shift_right_arithmetic3A_2487 = vector.broadcast %shift_right_arithmetic3A_2486 : i32 to vector<1x32x128xi32>
    %shift_right_arithmetic3A_2488 = arith.shrsi %add3A, %shift_right_arithmetic3A_2487 : vector<1x32x128xi32>
    %and3A_2489 = arith.constant 1 : i32
    %and3A_2490 = vector.broadcast %and3A_2489 : i32 to vector<1x32x128xi32>
    %and3A_2491 = arith.andi %shift_right_arithmetic3A_2488, %and3A_2490 : vector<1x32x128xi32>
    %eq3A_2492 = arith.constant 0 : i32
    %eq3A_2493 = vector.broadcast %eq3A_2492 : i32 to vector<1x32x128xi32>
    %eq3A_2494 = arith.cmpi eq, %and3A_2491, %eq3A_2493 : vector<1x32x128xi32>
    %eq3A_2495 = arith.xori %eq3A_2485, %eq3A_2494 : vector<1x32x128xi1>
    %eq3A_2496 = arith.constant dense<true> : vector<1x32x128xi1>
    %eq3A_2497 = arith.xori %eq3A_2495, %eq3A_2496 : vector<1x32x128xi1>
    %roll3A_2498 = arith.constant 112 : i32
    %roll3A_2499 = tpu.dynamic_rotate %select_n3A_2478 by %roll3A_2498 dim 2 : vector<20x32x128xi32>, i32 -> vector<20x32x128xi32>
    %roll3A_2500 = arith.constant 16 : i32
    %roll3A_2501 = tpu.dynamic_rotate %select_n3A_2478 by %roll3A_2500 dim 2 : vector<20x32x128xi32>, i32 -> vector<20x32x128xi32>
    %broadcast_in_dim3A_2502 = vector.shape_cast %eq3A_2485 : vector<1x32x128xi1> to vector<1x32x128xi1>
    %broadcast_in_dim3A_2503 = vector.broadcast %broadcast_in_dim3A_2502 : vector<1x32x128xi1> to vector<20x32x128xi1>
    %select_n3A_2504 = arith.select %broadcast_in_dim3A_2503, %roll3A_2499, %roll3A_2501 : vector<20x32x128xi1>, vector<20x32x128xi32>
    %roll3A_2505 = arith.constant 112 : i32
    %roll3A_2506 = tpu.dynamic_rotate %select_n3A_2479 by %roll3A_2505 dim 2 : vector<20x32x128xi32>, i32 -> vector<20x32x128xi32>
    %roll3A_2507 = arith.constant 16 : i32
    %roll3A_2508 = tpu.dynamic_rotate %select_n3A_2479 by %roll3A_2507 dim 2 : vector<20x32x128xi32>, i32 -> vector<20x32x128xi32>
    %broadcast_in_dim3A_2509 = vector.shape_cast %eq3A_2485 : vector<1x32x128xi1> to vector<1x32x128xi1>
    %broadcast_in_dim3A_2510 = vector.broadcast %broadcast_in_dim3A_2509 : vector<1x32x128xi1> to vector<20x32x128xi1>
    %select_n3A_2511 = arith.select %broadcast_in_dim3A_2510, %roll3A_2506, %roll3A_2508 : vector<20x32x128xi1>, vector<20x32x128xi32>
    %gt3A_2512 = arith.cmpi sgt, %select_n3A_2504, %select_n3A_2478 : vector<20x32x128xi32>
    %eq3A_2513 = arith.cmpi eq, %select_n3A_2504, %select_n3A_2478 : vector<20x32x128xi32>
    %lt3A_2514 = arith.cmpi slt, %select_n3A_2511, %select_n3A_2479 : vector<20x32x128xi32>
    %and3A_2515 = arith.andi %eq3A_2513, %lt3A_2514 : vector<20x32x128xi1>
    %or3A_2516 = arith.ori %gt3A_2512, %and3A_2515 : vector<20x32x128xi1>
    %eq3A_2517 = vector.broadcast %eq3A_2497 : vector<1x32x128xi1> to vector<20x32x128xi1>
    %eq3A_2518 = vector.broadcast %eq3A_2517 : vector<20x32x128xi1> to vector<20x32x128xi1>
    %eq3A_2519 = arith.xori %or3A_2516, %eq3A_2518 : vector<20x32x128xi1>
    %eq3A_2520 = arith.constant dense<true> : vector<20x32x128xi1>
    %eq3A_2521 = arith.xori %eq3A_2519, %eq3A_2520 : vector<20x32x128xi1>
    %select_n3A_2522 = arith.select %eq3A_2521, %select_n3A_2504, %select_n3A_2478 : vector<20x32x128xi1>, vector<20x32x128xi32>
    %select_n3A_2523 = arith.select %eq3A_2521, %select_n3A_2511, %select_n3A_2479 : vector<20x32x128xi1>, vector<20x32x128xi32>
    %and3A_2524 = arith.constant 256 : i32
    %and3A_2525 = vector.broadcast %and3A_2524 : i32 to vector<1x32x128xi32>
    %and3A_2526 = arith.andi %add3A, %and3A_2525 : vector<1x32x128xi32>
    %eq3A_2527 = arith.constant 0 : i32
    %eq3A_2528 = vector.broadcast %eq3A_2527 : i32 to vector<1x32x128xi32>
    %eq3A_2529 = arith.cmpi eq, %and3A_2526, %eq3A_2528 : vector<1x32x128xi32>
    %shift_right_arithmetic3A_2530 = arith.constant 11 : i32
    %shift_right_arithmetic3A_2531 = vector.broadcast %shift_right_arithmetic3A_2530 : i32 to vector<1x32x128xi32>
    %shift_right_arithmetic3A_2532 = arith.shrsi %add3A, %shift_right_arithmetic3A_2531 : vector<1x32x128xi32>
    %and3A_2533 = arith.constant 1 : i32
    %and3A_2534 = vector.broadcast %and3A_2533 : i32 to vector<1x32x128xi32>
    %and3A_2535 = arith.andi %shift_right_arithmetic3A_2532, %and3A_2534 : vector<1x32x128xi32>
    %eq3A_2536 = arith.constant 0 : i32
    %eq3A_2537 = vector.broadcast %eq3A_2536 : i32 to vector<1x32x128xi32>
    %eq3A_2538 = arith.cmpi eq, %and3A_2535, %eq3A_2537 : vector<1x32x128xi32>
    %eq3A_2539 = arith.xori %eq3A_2529, %eq3A_2538 : vector<1x32x128xi1>
    %eq3A_2540 = arith.constant dense<true> : vector<1x32x128xi1>
    %eq3A_2541 = arith.xori %eq3A_2539, %eq3A_2540 : vector<1x32x128xi1>
    %roll3A_2542 = arith.constant 120 : i32
    %roll3A_2543 = tpu.dynamic_rotate %select_n3A_2522 by %roll3A_2542 dim 2 : vector<20x32x128xi32>, i32 -> vector<20x32x128xi32>
    %roll3A_2544 = arith.constant 8 : i32
    %roll3A_2545 = tpu.dynamic_rotate %select_n3A_2522 by %roll3A_2544 dim 2 : vector<20x32x128xi32>, i32 -> vector<20x32x128xi32>
    %broadcast_in_dim3A_2546 = vector.shape_cast %eq3A_2529 : vector<1x32x128xi1> to vector<1x32x128xi1>
    %broadcast_in_dim3A_2547 = vector.broadcast %broadcast_in_dim3A_2546 : vector<1x32x128xi1> to vector<20x32x128xi1>
    %select_n3A_2548 = arith.select %broadcast_in_dim3A_2547, %roll3A_2543, %roll3A_2545 : vector<20x32x128xi1>, vector<20x32x128xi32>
    %roll3A_2549 = arith.constant 120 : i32
    %roll3A_2550 = tpu.dynamic_rotate %select_n3A_2523 by %roll3A_2549 dim 2 : vector<20x32x128xi32>, i32 -> vector<20x32x128xi32>
    %roll3A_2551 = arith.constant 8 : i32
    %roll3A_2552 = tpu.dynamic_rotate %select_n3A_2523 by %roll3A_2551 dim 2 : vector<20x32x128xi32>, i32 -> vector<20x32x128xi32>
    %broadcast_in_dim3A_2553 = vector.shape_cast %eq3A_2529 : vector<1x32x128xi1> to vector<1x32x128xi1>
    %broadcast_in_dim3A_2554 = vector.broadcast %broadcast_in_dim3A_2553 : vector<1x32x128xi1> to vector<20x32x128xi1>
    %select_n3A_2555 = arith.select %broadcast_in_dim3A_2554, %roll3A_2550, %roll3A_2552 : vector<20x32x128xi1>, vector<20x32x128xi32>
    %gt3A_2556 = arith.cmpi sgt, %select_n3A_2548, %select_n3A_2522 : vector<20x32x128xi32>
    %eq3A_2557 = arith.cmpi eq, %select_n3A_2548, %select_n3A_2522 : vector<20x32x128xi32>
    %lt3A_2558 = arith.cmpi slt, %select_n3A_2555, %select_n3A_2523 : vector<20x32x128xi32>
    %and3A_2559 = arith.andi %eq3A_2557, %lt3A_2558 : vector<20x32x128xi1>
    %or3A_2560 = arith.ori %gt3A_2556, %and3A_2559 : vector<20x32x128xi1>
    %eq3A_2561 = vector.broadcast %eq3A_2541 : vector<1x32x128xi1> to vector<20x32x128xi1>
    %eq3A_2562 = vector.broadcast %eq3A_2561 : vector<20x32x128xi1> to vector<20x32x128xi1>
    %eq3A_2563 = arith.xori %or3A_2560, %eq3A_2562 : vector<20x32x128xi1>
    %eq3A_2564 = arith.constant dense<true> : vector<20x32x128xi1>
    %eq3A_2565 = arith.xori %eq3A_2563, %eq3A_2564 : vector<20x32x128xi1>
    %select_n3A_2566 = arith.select %eq3A_2565, %select_n3A_2548, %select_n3A_2522 : vector<20x32x128xi1>, vector<20x32x128xi32>
    %select_n3A_2567 = arith.select %eq3A_2565, %select_n3A_2555, %select_n3A_2523 : vector<20x32x128xi1>, vector<20x32x128xi32>
    %and3A_2568 = arith.constant 128 : i32
    %and3A_2569 = vector.broadcast %and3A_2568 : i32 to vector<1x32x128xi32>
    %and3A_2570 = arith.andi %add3A, %and3A_2569 : vector<1x32x128xi32>
    %eq3A_2571 = arith.constant 0 : i32
    %eq3A_2572 = vector.broadcast %eq3A_2571 : i32 to vector<1x32x128xi32>
    %eq3A_2573 = arith.cmpi eq, %and3A_2570, %eq3A_2572 : vector<1x32x128xi32>
    %shift_right_arithmetic3A_2574 = arith.constant 11 : i32
    %shift_right_arithmetic3A_2575 = vector.broadcast %shift_right_arithmetic3A_2574 : i32 to vector<1x32x128xi32>
    %shift_right_arithmetic3A_2576 = arith.shrsi %add3A, %shift_right_arithmetic3A_2575 : vector<1x32x128xi32>
    %and3A_2577 = arith.constant 1 : i32
    %and3A_2578 = vector.broadcast %and3A_2577 : i32 to vector<1x32x128xi32>
    %and3A_2579 = arith.andi %shift_right_arithmetic3A_2576, %and3A_2578 : vector<1x32x128xi32>
    %eq3A_2580 = arith.constant 0 : i32
    %eq3A_2581 = vector.broadcast %eq3A_2580 : i32 to vector<1x32x128xi32>
    %eq3A_2582 = arith.cmpi eq, %and3A_2579, %eq3A_2581 : vector<1x32x128xi32>
    %eq3A_2583 = arith.xori %eq3A_2573, %eq3A_2582 : vector<1x32x128xi1>
    %eq3A_2584 = arith.constant dense<true> : vector<1x32x128xi1>
    %eq3A_2585 = arith.xori %eq3A_2583, %eq3A_2584 : vector<1x32x128xi1>
    %roll3A_2586 = arith.constant 124 : i32
    %roll3A_2587 = tpu.dynamic_rotate %select_n3A_2566 by %roll3A_2586 dim 2 : vector<20x32x128xi32>, i32 -> vector<20x32x128xi32>
    %roll3A_2588 = arith.constant 4 : i32
    %roll3A_2589 = tpu.dynamic_rotate %select_n3A_2566 by %roll3A_2588 dim 2 : vector<20x32x128xi32>, i32 -> vector<20x32x128xi32>
    %broadcast_in_dim3A_2590 = vector.shape_cast %eq3A_2573 : vector<1x32x128xi1> to vector<1x32x128xi1>
    %broadcast_in_dim3A_2591 = vector.broadcast %broadcast_in_dim3A_2590 : vector<1x32x128xi1> to vector<20x32x128xi1>
    %select_n3A_2592 = arith.select %broadcast_in_dim3A_2591, %roll3A_2587, %roll3A_2589 : vector<20x32x128xi1>, vector<20x32x128xi32>
    %roll3A_2593 = arith.constant 124 : i32
    %roll3A_2594 = tpu.dynamic_rotate %select_n3A_2567 by %roll3A_2593 dim 2 : vector<20x32x128xi32>, i32 -> vector<20x32x128xi32>
    %roll3A_2595 = arith.constant 4 : i32
    %roll3A_2596 = tpu.dynamic_rotate %select_n3A_2567 by %roll3A_2595 dim 2 : vector<20x32x128xi32>, i32 -> vector<20x32x128xi32>
    %broadcast_in_dim3A_2597 = vector.shape_cast %eq3A_2573 : vector<1x32x128xi1> to vector<1x32x128xi1>
    %broadcast_in_dim3A_2598 = vector.broadcast %broadcast_in_dim3A_2597 : vector<1x32x128xi1> to vector<20x32x128xi1>
    %select_n3A_2599 = arith.select %broadcast_in_dim3A_2598, %roll3A_2594, %roll3A_2596 : vector<20x32x128xi1>, vector<20x32x128xi32>
    %gt3A_2600 = arith.cmpi sgt, %select_n3A_2592, %select_n3A_2566 : vector<20x32x128xi32>
    %eq3A_2601 = arith.cmpi eq, %select_n3A_2592, %select_n3A_2566 : vector<20x32x128xi32>
    %lt3A_2602 = arith.cmpi slt, %select_n3A_2599, %select_n3A_2567 : vector<20x32x128xi32>
    %and3A_2603 = arith.andi %eq3A_2601, %lt3A_2602 : vector<20x32x128xi1>
    %or3A_2604 = arith.ori %gt3A_2600, %and3A_2603 : vector<20x32x128xi1>
    %eq3A_2605 = vector.broadcast %eq3A_2585 : vector<1x32x128xi1> to vector<20x32x128xi1>
    %eq3A_2606 = vector.broadcast %eq3A_2605 : vector<20x32x128xi1> to vector<20x32x128xi1>
    %eq3A_2607 = arith.xori %or3A_2604, %eq3A_2606 : vector<20x32x128xi1>
    %eq3A_2608 = arith.constant dense<true> : vector<20x32x128xi1>
    %eq3A_2609 = arith.xori %eq3A_2607, %eq3A_2608 : vector<20x32x128xi1>
    %select_n3A_2610 = arith.select %eq3A_2609, %select_n3A_2592, %select_n3A_2566 : vector<20x32x128xi1>, vector<20x32x128xi32>
    %select_n3A_2611 = arith.select %eq3A_2609, %select_n3A_2599, %select_n3A_2567 : vector<20x32x128xi1>, vector<20x32x128xi32>
    %and3A_2612 = arith.constant 64 : i32
    %and3A_2613 = vector.broadcast %and3A_2612 : i32 to vector<1x32x128xi32>
    %and3A_2614 = arith.andi %add3A, %and3A_2613 : vector<1x32x128xi32>
    %eq3A_2615 = arith.constant 0 : i32
    %eq3A_2616 = vector.broadcast %eq3A_2615 : i32 to vector<1x32x128xi32>
    %eq3A_2617 = arith.cmpi eq, %and3A_2614, %eq3A_2616 : vector<1x32x128xi32>
    %shift_right_arithmetic3A_2618 = arith.constant 11 : i32
    %shift_right_arithmetic3A_2619 = vector.broadcast %shift_right_arithmetic3A_2618 : i32 to vector<1x32x128xi32>
    %shift_right_arithmetic3A_2620 = arith.shrsi %add3A, %shift_right_arithmetic3A_2619 : vector<1x32x128xi32>
    %and3A_2621 = arith.constant 1 : i32
    %and3A_2622 = vector.broadcast %and3A_2621 : i32 to vector<1x32x128xi32>
    %and3A_2623 = arith.andi %shift_right_arithmetic3A_2620, %and3A_2622 : vector<1x32x128xi32>
    %eq3A_2624 = arith.constant 0 : i32
    %eq3A_2625 = vector.broadcast %eq3A_2624 : i32 to vector<1x32x128xi32>
    %eq3A_2626 = arith.cmpi eq, %and3A_2623, %eq3A_2625 : vector<1x32x128xi32>
    %eq3A_2627 = arith.xori %eq3A_2617, %eq3A_2626 : vector<1x32x128xi1>
    %eq3A_2628 = arith.constant dense<true> : vector<1x32x128xi1>
    %eq3A_2629 = arith.xori %eq3A_2627, %eq3A_2628 : vector<1x32x128xi1>
    %roll3A_2630 = arith.constant 126 : i32
    %roll3A_2631 = tpu.dynamic_rotate %select_n3A_2610 by %roll3A_2630 dim 2 : vector<20x32x128xi32>, i32 -> vector<20x32x128xi32>
    %roll3A_2632 = arith.constant 2 : i32
    %roll3A_2633 = tpu.dynamic_rotate %select_n3A_2610 by %roll3A_2632 dim 2 : vector<20x32x128xi32>, i32 -> vector<20x32x128xi32>
    %broadcast_in_dim3A_2634 = vector.shape_cast %eq3A_2617 : vector<1x32x128xi1> to vector<1x32x128xi1>
    %broadcast_in_dim3A_2635 = vector.broadcast %broadcast_in_dim3A_2634 : vector<1x32x128xi1> to vector<20x32x128xi1>
    %select_n3A_2636 = arith.select %broadcast_in_dim3A_2635, %roll3A_2631, %roll3A_2633 : vector<20x32x128xi1>, vector<20x32x128xi32>
    %roll3A_2637 = arith.constant 126 : i32
    %roll3A_2638 = tpu.dynamic_rotate %select_n3A_2611 by %roll3A_2637 dim 2 : vector<20x32x128xi32>, i32 -> vector<20x32x128xi32>
    %roll3A_2639 = arith.constant 2 : i32
    %roll3A_2640 = tpu.dynamic_rotate %select_n3A_2611 by %roll3A_2639 dim 2 : vector<20x32x128xi32>, i32 -> vector<20x32x128xi32>
    %broadcast_in_dim3A_2641 = vector.shape_cast %eq3A_2617 : vector<1x32x128xi1> to vector<1x32x128xi1>
    %broadcast_in_dim3A_2642 = vector.broadcast %broadcast_in_dim3A_2641 : vector<1x32x128xi1> to vector<20x32x128xi1>
    %select_n3A_2643 = arith.select %broadcast_in_dim3A_2642, %roll3A_2638, %roll3A_2640 : vector<20x32x128xi1>, vector<20x32x128xi32>
    %gt3A_2644 = arith.cmpi sgt, %select_n3A_2636, %select_n3A_2610 : vector<20x32x128xi32>
    %eq3A_2645 = arith.cmpi eq, %select_n3A_2636, %select_n3A_2610 : vector<20x32x128xi32>
    %lt3A_2646 = arith.cmpi slt, %select_n3A_2643, %select_n3A_2611 : vector<20x32x128xi32>
    %and3A_2647 = arith.andi %eq3A_2645, %lt3A_2646 : vector<20x32x128xi1>
    %or3A_2648 = arith.ori %gt3A_2644, %and3A_2647 : vector<20x32x128xi1>
    %eq3A_2649 = vector.broadcast %eq3A_2629 : vector<1x32x128xi1> to vector<20x32x128xi1>
    %eq3A_2650 = vector.broadcast %eq3A_2649 : vector<20x32x128xi1> to vector<20x32x128xi1>
    %eq3A_2651 = arith.xori %or3A_2648, %eq3A_2650 : vector<20x32x128xi1>
    %eq3A_2652 = arith.constant dense<true> : vector<20x32x128xi1>
    %eq3A_2653 = arith.xori %eq3A_2651, %eq3A_2652 : vector<20x32x128xi1>
    %select_n3A_2654 = arith.select %eq3A_2653, %select_n3A_2636, %select_n3A_2610 : vector<20x32x128xi1>, vector<20x32x128xi32>
    %select_n3A_2655 = arith.select %eq3A_2653, %select_n3A_2643, %select_n3A_2611 : vector<20x32x128xi1>, vector<20x32x128xi32>
    %and3A_2656 = arith.constant 32 : i32
    %and3A_2657 = vector.broadcast %and3A_2656 : i32 to vector<1x32x128xi32>
    %and3A_2658 = arith.andi %add3A, %and3A_2657 : vector<1x32x128xi32>
    %eq3A_2659 = arith.constant 0 : i32
    %eq3A_2660 = vector.broadcast %eq3A_2659 : i32 to vector<1x32x128xi32>
    %eq3A_2661 = arith.cmpi eq, %and3A_2658, %eq3A_2660 : vector<1x32x128xi32>
    %shift_right_arithmetic3A_2662 = arith.constant 11 : i32
    %shift_right_arithmetic3A_2663 = vector.broadcast %shift_right_arithmetic3A_2662 : i32 to vector<1x32x128xi32>
    %shift_right_arithmetic3A_2664 = arith.shrsi %add3A, %shift_right_arithmetic3A_2663 : vector<1x32x128xi32>
    %and3A_2665 = arith.constant 1 : i32
    %and3A_2666 = vector.broadcast %and3A_2665 : i32 to vector<1x32x128xi32>
    %and3A_2667 = arith.andi %shift_right_arithmetic3A_2664, %and3A_2666 : vector<1x32x128xi32>
    %eq3A_2668 = arith.constant 0 : i32
    %eq3A_2669 = vector.broadcast %eq3A_2668 : i32 to vector<1x32x128xi32>
    %eq3A_2670 = arith.cmpi eq, %and3A_2667, %eq3A_2669 : vector<1x32x128xi32>
    %eq3A_2671 = arith.xori %eq3A_2661, %eq3A_2670 : vector<1x32x128xi1>
    %eq3A_2672 = arith.constant dense<true> : vector<1x32x128xi1>
    %eq3A_2673 = arith.xori %eq3A_2671, %eq3A_2672 : vector<1x32x128xi1>
    %roll3A_2674 = arith.constant 127 : i32
    %roll3A_2675 = tpu.dynamic_rotate %select_n3A_2654 by %roll3A_2674 dim 2 : vector<20x32x128xi32>, i32 -> vector<20x32x128xi32>
    %roll3A_2676 = arith.constant 1 : i32
    %roll3A_2677 = tpu.dynamic_rotate %select_n3A_2654 by %roll3A_2676 dim 2 : vector<20x32x128xi32>, i32 -> vector<20x32x128xi32>
    %broadcast_in_dim3A_2678 = vector.shape_cast %eq3A_2661 : vector<1x32x128xi1> to vector<1x32x128xi1>
    %broadcast_in_dim3A_2679 = vector.broadcast %broadcast_in_dim3A_2678 : vector<1x32x128xi1> to vector<20x32x128xi1>
    %select_n3A_2680 = arith.select %broadcast_in_dim3A_2679, %roll3A_2675, %roll3A_2677 : vector<20x32x128xi1>, vector<20x32x128xi32>
    %roll3A_2681 = arith.constant 127 : i32
    %roll3A_2682 = tpu.dynamic_rotate %select_n3A_2655 by %roll3A_2681 dim 2 : vector<20x32x128xi32>, i32 -> vector<20x32x128xi32>
    %roll3A_2683 = arith.constant 1 : i32
    %roll3A_2684 = tpu.dynamic_rotate %select_n3A_2655 by %roll3A_2683 dim 2 : vector<20x32x128xi32>, i32 -> vector<20x32x128xi32>
    %broadcast_in_dim3A_2685 = vector.shape_cast %eq3A_2661 : vector<1x32x128xi1> to vector<1x32x128xi1>
    %broadcast_in_dim3A_2686 = vector.broadcast %broadcast_in_dim3A_2685 : vector<1x32x128xi1> to vector<20x32x128xi1>
    %select_n3A_2687 = arith.select %broadcast_in_dim3A_2686, %roll3A_2682, %roll3A_2684 : vector<20x32x128xi1>, vector<20x32x128xi32>
    %gt3A_2688 = arith.cmpi sgt, %select_n3A_2680, %select_n3A_2654 : vector<20x32x128xi32>
    %eq3A_2689 = arith.cmpi eq, %select_n3A_2680, %select_n3A_2654 : vector<20x32x128xi32>
    %lt3A_2690 = arith.cmpi slt, %select_n3A_2687, %select_n3A_2655 : vector<20x32x128xi32>
    %and3A_2691 = arith.andi %eq3A_2689, %lt3A_2690 : vector<20x32x128xi1>
    %or3A_2692 = arith.ori %gt3A_2688, %and3A_2691 : vector<20x32x128xi1>
    %eq3A_2693 = vector.broadcast %eq3A_2673 : vector<1x32x128xi1> to vector<20x32x128xi1>
    %eq3A_2694 = vector.broadcast %eq3A_2693 : vector<20x32x128xi1> to vector<20x32x128xi1>
    %eq3A_2695 = arith.xori %or3A_2692, %eq3A_2694 : vector<20x32x128xi1>
    %eq3A_2696 = arith.constant dense<true> : vector<20x32x128xi1>
    %eq3A_2697 = arith.xori %eq3A_2695, %eq3A_2696 : vector<20x32x128xi1>
    %select_n3A_2698 = arith.select %eq3A_2697, %select_n3A_2680, %select_n3A_2654 : vector<20x32x128xi1>, vector<20x32x128xi32>
    %select_n3A_2699 = arith.select %eq3A_2697, %select_n3A_2687, %select_n3A_2655 : vector<20x32x128xi1>, vector<20x32x128xi32>
    %and3A_2700 = arith.constant 16 : i32
    %and3A_2701 = vector.broadcast %and3A_2700 : i32 to vector<1x32x128xi32>
    %and3A_2702 = arith.andi %add3A, %and3A_2701 : vector<1x32x128xi32>
    %eq3A_2703 = arith.constant 0 : i32
    %eq3A_2704 = vector.broadcast %eq3A_2703 : i32 to vector<1x32x128xi32>
    %eq3A_2705 = arith.cmpi eq, %and3A_2702, %eq3A_2704 : vector<1x32x128xi32>
    %shift_right_arithmetic3A_2706 = arith.constant 11 : i32
    %shift_right_arithmetic3A_2707 = vector.broadcast %shift_right_arithmetic3A_2706 : i32 to vector<1x32x128xi32>
    %shift_right_arithmetic3A_2708 = arith.shrsi %add3A, %shift_right_arithmetic3A_2707 : vector<1x32x128xi32>
    %and3A_2709 = arith.constant 1 : i32
    %and3A_2710 = vector.broadcast %and3A_2709 : i32 to vector<1x32x128xi32>
    %and3A_2711 = arith.andi %shift_right_arithmetic3A_2708, %and3A_2710 : vector<1x32x128xi32>
    %eq3A_2712 = arith.constant 0 : i32
    %eq3A_2713 = vector.broadcast %eq3A_2712 : i32 to vector<1x32x128xi32>
    %eq3A_2714 = arith.cmpi eq, %and3A_2711, %eq3A_2713 : vector<1x32x128xi32>
    %eq3A_2715 = arith.xori %eq3A_2705, %eq3A_2714 : vector<1x32x128xi1>
    %eq3A_2716 = arith.constant dense<true> : vector<1x32x128xi1>
    %eq3A_2717 = arith.xori %eq3A_2715, %eq3A_2716 : vector<1x32x128xi1>
    %roll3A_2718 = arith.constant 16 : i32
    %roll3A_2719 = tpu.dynamic_rotate %select_n3A_2698 by %roll3A_2718 dim 1 : vector<20x32x128xi32>, i32 -> vector<20x32x128xi32>
    %roll3A_2720 = arith.constant 16 : i32
    %roll3A_2721 = tpu.dynamic_rotate %select_n3A_2698 by %roll3A_2720 dim 1 : vector<20x32x128xi32>, i32 -> vector<20x32x128xi32>
    %broadcast_in_dim3A_2722 = vector.shape_cast %eq3A_2705 : vector<1x32x128xi1> to vector<1x32x128xi1>
    %broadcast_in_dim3A_2723 = vector.broadcast %broadcast_in_dim3A_2722 : vector<1x32x128xi1> to vector<20x32x128xi1>
    %select_n3A_2724 = arith.select %broadcast_in_dim3A_2723, %roll3A_2719, %roll3A_2721 : vector<20x32x128xi1>, vector<20x32x128xi32>
    %roll3A_2725 = arith.constant 16 : i32
    %roll3A_2726 = tpu.dynamic_rotate %select_n3A_2699 by %roll3A_2725 dim 1 : vector<20x32x128xi32>, i32 -> vector<20x32x128xi32>
    %roll3A_2727 = arith.constant 16 : i32
    %roll3A_2728 = tpu.dynamic_rotate %select_n3A_2699 by %roll3A_2727 dim 1 : vector<20x32x128xi32>, i32 -> vector<20x32x128xi32>
    %broadcast_in_dim3A_2729 = vector.shape_cast %eq3A_2705 : vector<1x32x128xi1> to vector<1x32x128xi1>
    %broadcast_in_dim3A_2730 = vector.broadcast %broadcast_in_dim3A_2729 : vector<1x32x128xi1> to vector<20x32x128xi1>
    %select_n3A_2731 = arith.select %broadcast_in_dim3A_2730, %roll3A_2726, %roll3A_2728 : vector<20x32x128xi1>, vector<20x32x128xi32>
    %gt3A_2732 = arith.cmpi sgt, %select_n3A_2724, %select_n3A_2698 : vector<20x32x128xi32>
    %eq3A_2733 = arith.cmpi eq, %select_n3A_2724, %select_n3A_2698 : vector<20x32x128xi32>
    %lt3A_2734 = arith.cmpi slt, %select_n3A_2731, %select_n3A_2699 : vector<20x32x128xi32>
    %and3A_2735 = arith.andi %eq3A_2733, %lt3A_2734 : vector<20x32x128xi1>
    %or3A_2736 = arith.ori %gt3A_2732, %and3A_2735 : vector<20x32x128xi1>
    %eq3A_2737 = vector.broadcast %eq3A_2717 : vector<1x32x128xi1> to vector<20x32x128xi1>
    %eq3A_2738 = vector.broadcast %eq3A_2737 : vector<20x32x128xi1> to vector<20x32x128xi1>
    %eq3A_2739 = arith.xori %or3A_2736, %eq3A_2738 : vector<20x32x128xi1>
    %eq3A_2740 = arith.constant dense<true> : vector<20x32x128xi1>
    %eq3A_2741 = arith.xori %eq3A_2739, %eq3A_2740 : vector<20x32x128xi1>
    %select_n3A_2742 = arith.select %eq3A_2741, %select_n3A_2724, %select_n3A_2698 : vector<20x32x128xi1>, vector<20x32x128xi32>
    %select_n3A_2743 = arith.select %eq3A_2741, %select_n3A_2731, %select_n3A_2699 : vector<20x32x128xi1>, vector<20x32x128xi32>
    %and3A_2744 = arith.constant 8 : i32
    %and3A_2745 = vector.broadcast %and3A_2744 : i32 to vector<1x32x128xi32>
    %and3A_2746 = arith.andi %add3A, %and3A_2745 : vector<1x32x128xi32>
    %eq3A_2747 = arith.constant 0 : i32
    %eq3A_2748 = vector.broadcast %eq3A_2747 : i32 to vector<1x32x128xi32>
    %eq3A_2749 = arith.cmpi eq, %and3A_2746, %eq3A_2748 : vector<1x32x128xi32>
    %shift_right_arithmetic3A_2750 = arith.constant 11 : i32
    %shift_right_arithmetic3A_2751 = vector.broadcast %shift_right_arithmetic3A_2750 : i32 to vector<1x32x128xi32>
    %shift_right_arithmetic3A_2752 = arith.shrsi %add3A, %shift_right_arithmetic3A_2751 : vector<1x32x128xi32>
    %and3A_2753 = arith.constant 1 : i32
    %and3A_2754 = vector.broadcast %and3A_2753 : i32 to vector<1x32x128xi32>
    %and3A_2755 = arith.andi %shift_right_arithmetic3A_2752, %and3A_2754 : vector<1x32x128xi32>
    %eq3A_2756 = arith.constant 0 : i32
    %eq3A_2757 = vector.broadcast %eq3A_2756 : i32 to vector<1x32x128xi32>
    %eq3A_2758 = arith.cmpi eq, %and3A_2755, %eq3A_2757 : vector<1x32x128xi32>
    %eq3A_2759 = arith.xori %eq3A_2749, %eq3A_2758 : vector<1x32x128xi1>
    %eq3A_2760 = arith.constant dense<true> : vector<1x32x128xi1>
    %eq3A_2761 = arith.xori %eq3A_2759, %eq3A_2760 : vector<1x32x128xi1>
    %roll3A_2762 = arith.constant 24 : i32
    %roll3A_2763 = tpu.dynamic_rotate %select_n3A_2742 by %roll3A_2762 dim 1 : vector<20x32x128xi32>, i32 -> vector<20x32x128xi32>
    %roll3A_2764 = arith.constant 8 : i32
    %roll3A_2765 = tpu.dynamic_rotate %select_n3A_2742 by %roll3A_2764 dim 1 : vector<20x32x128xi32>, i32 -> vector<20x32x128xi32>
    %broadcast_in_dim3A_2766 = vector.shape_cast %eq3A_2749 : vector<1x32x128xi1> to vector<1x32x128xi1>
    %broadcast_in_dim3A_2767 = vector.broadcast %broadcast_in_dim3A_2766 : vector<1x32x128xi1> to vector<20x32x128xi1>
    %select_n3A_2768 = arith.select %broadcast_in_dim3A_2767, %roll3A_2763, %roll3A_2765 : vector<20x32x128xi1>, vector<20x32x128xi32>
    %roll3A_2769 = arith.constant 24 : i32
    %roll3A_2770 = tpu.dynamic_rotate %select_n3A_2743 by %roll3A_2769 dim 1 : vector<20x32x128xi32>, i32 -> vector<20x32x128xi32>
    %roll3A_2771 = arith.constant 8 : i32
    %roll3A_2772 = tpu.dynamic_rotate %select_n3A_2743 by %roll3A_2771 dim 1 : vector<20x32x128xi32>, i32 -> vector<20x32x128xi32>
    %broadcast_in_dim3A_2773 = vector.shape_cast %eq3A_2749 : vector<1x32x128xi1> to vector<1x32x128xi1>
    %broadcast_in_dim3A_2774 = vector.broadcast %broadcast_in_dim3A_2773 : vector<1x32x128xi1> to vector<20x32x128xi1>
    %select_n3A_2775 = arith.select %broadcast_in_dim3A_2774, %roll3A_2770, %roll3A_2772 : vector<20x32x128xi1>, vector<20x32x128xi32>
    %gt3A_2776 = arith.cmpi sgt, %select_n3A_2768, %select_n3A_2742 : vector<20x32x128xi32>
    %eq3A_2777 = arith.cmpi eq, %select_n3A_2768, %select_n3A_2742 : vector<20x32x128xi32>
    %lt3A_2778 = arith.cmpi slt, %select_n3A_2775, %select_n3A_2743 : vector<20x32x128xi32>
    %and3A_2779 = arith.andi %eq3A_2777, %lt3A_2778 : vector<20x32x128xi1>
    %or3A_2780 = arith.ori %gt3A_2776, %and3A_2779 : vector<20x32x128xi1>
    %eq3A_2781 = vector.broadcast %eq3A_2761 : vector<1x32x128xi1> to vector<20x32x128xi1>
    %eq3A_2782 = vector.broadcast %eq3A_2781 : vector<20x32x128xi1> to vector<20x32x128xi1>
    %eq3A_2783 = arith.xori %or3A_2780, %eq3A_2782 : vector<20x32x128xi1>
    %eq3A_2784 = arith.constant dense<true> : vector<20x32x128xi1>
    %eq3A_2785 = arith.xori %eq3A_2783, %eq3A_2784 : vector<20x32x128xi1>
    %select_n3A_2786 = arith.select %eq3A_2785, %select_n3A_2768, %select_n3A_2742 : vector<20x32x128xi1>, vector<20x32x128xi32>
    %select_n3A_2787 = arith.select %eq3A_2785, %select_n3A_2775, %select_n3A_2743 : vector<20x32x128xi1>, vector<20x32x128xi32>
    %and3A_2788 = arith.constant 4 : i32
    %and3A_2789 = vector.broadcast %and3A_2788 : i32 to vector<1x32x128xi32>
    %and3A_2790 = arith.andi %add3A, %and3A_2789 : vector<1x32x128xi32>
    %eq3A_2791 = arith.constant 0 : i32
    %eq3A_2792 = vector.broadcast %eq3A_2791 : i32 to vector<1x32x128xi32>
    %eq3A_2793 = arith.cmpi eq, %and3A_2790, %eq3A_2792 : vector<1x32x128xi32>
    %shift_right_arithmetic3A_2794 = arith.constant 11 : i32
    %shift_right_arithmetic3A_2795 = vector.broadcast %shift_right_arithmetic3A_2794 : i32 to vector<1x32x128xi32>
    %shift_right_arithmetic3A_2796 = arith.shrsi %add3A, %shift_right_arithmetic3A_2795 : vector<1x32x128xi32>
    %and3A_2797 = arith.constant 1 : i32
    %and3A_2798 = vector.broadcast %and3A_2797 : i32 to vector<1x32x128xi32>
    %and3A_2799 = arith.andi %shift_right_arithmetic3A_2796, %and3A_2798 : vector<1x32x128xi32>
    %eq3A_2800 = arith.constant 0 : i32
    %eq3A_2801 = vector.broadcast %eq3A_2800 : i32 to vector<1x32x128xi32>
    %eq3A_2802 = arith.cmpi eq, %and3A_2799, %eq3A_2801 : vector<1x32x128xi32>
    %eq3A_2803 = arith.xori %eq3A_2793, %eq3A_2802 : vector<1x32x128xi1>
    %eq3A_2804 = arith.constant dense<true> : vector<1x32x128xi1>
    %eq3A_2805 = arith.xori %eq3A_2803, %eq3A_2804 : vector<1x32x128xi1>
    %roll3A_2806 = arith.constant 28 : i32
    %roll3A_2807 = tpu.dynamic_rotate %select_n3A_2786 by %roll3A_2806 dim 1 : vector<20x32x128xi32>, i32 -> vector<20x32x128xi32>
    %roll3A_2808 = arith.constant 4 : i32
    %roll3A_2809 = tpu.dynamic_rotate %select_n3A_2786 by %roll3A_2808 dim 1 : vector<20x32x128xi32>, i32 -> vector<20x32x128xi32>
    %broadcast_in_dim3A_2810 = vector.shape_cast %eq3A_2793 : vector<1x32x128xi1> to vector<1x32x128xi1>
    %broadcast_in_dim3A_2811 = vector.broadcast %broadcast_in_dim3A_2810 : vector<1x32x128xi1> to vector<20x32x128xi1>
    %select_n3A_2812 = arith.select %broadcast_in_dim3A_2811, %roll3A_2807, %roll3A_2809 : vector<20x32x128xi1>, vector<20x32x128xi32>
    %roll3A_2813 = arith.constant 28 : i32
    %roll3A_2814 = tpu.dynamic_rotate %select_n3A_2787 by %roll3A_2813 dim 1 : vector<20x32x128xi32>, i32 -> vector<20x32x128xi32>
    %roll3A_2815 = arith.constant 4 : i32
    %roll3A_2816 = tpu.dynamic_rotate %select_n3A_2787 by %roll3A_2815 dim 1 : vector<20x32x128xi32>, i32 -> vector<20x32x128xi32>
    %broadcast_in_dim3A_2817 = vector.shape_cast %eq3A_2793 : vector<1x32x128xi1> to vector<1x32x128xi1>
    %broadcast_in_dim3A_2818 = vector.broadcast %broadcast_in_dim3A_2817 : vector<1x32x128xi1> to vector<20x32x128xi1>
    %select_n3A_2819 = arith.select %broadcast_in_dim3A_2818, %roll3A_2814, %roll3A_2816 : vector<20x32x128xi1>, vector<20x32x128xi32>
    %gt3A_2820 = arith.cmpi sgt, %select_n3A_2812, %select_n3A_2786 : vector<20x32x128xi32>
    %eq3A_2821 = arith.cmpi eq, %select_n3A_2812, %select_n3A_2786 : vector<20x32x128xi32>
    %lt3A_2822 = arith.cmpi slt, %select_n3A_2819, %select_n3A_2787 : vector<20x32x128xi32>
    %and3A_2823 = arith.andi %eq3A_2821, %lt3A_2822 : vector<20x32x128xi1>
    %or3A_2824 = arith.ori %gt3A_2820, %and3A_2823 : vector<20x32x128xi1>
    %eq3A_2825 = vector.broadcast %eq3A_2805 : vector<1x32x128xi1> to vector<20x32x128xi1>
    %eq3A_2826 = vector.broadcast %eq3A_2825 : vector<20x32x128xi1> to vector<20x32x128xi1>
    %eq3A_2827 = arith.xori %or3A_2824, %eq3A_2826 : vector<20x32x128xi1>
    %eq3A_2828 = arith.constant dense<true> : vector<20x32x128xi1>
    %eq3A_2829 = arith.xori %eq3A_2827, %eq3A_2828 : vector<20x32x128xi1>
    %select_n3A_2830 = arith.select %eq3A_2829, %select_n3A_2812, %select_n3A_2786 : vector<20x32x128xi1>, vector<20x32x128xi32>
    %select_n3A_2831 = arith.select %eq3A_2829, %select_n3A_2819, %select_n3A_2787 : vector<20x32x128xi1>, vector<20x32x128xi32>
    %and3A_2832 = arith.constant 2 : i32
    %and3A_2833 = vector.broadcast %and3A_2832 : i32 to vector<1x32x128xi32>
    %and3A_2834 = arith.andi %add3A, %and3A_2833 : vector<1x32x128xi32>
    %eq3A_2835 = arith.constant 0 : i32
    %eq3A_2836 = vector.broadcast %eq3A_2835 : i32 to vector<1x32x128xi32>
    %eq3A_2837 = arith.cmpi eq, %and3A_2834, %eq3A_2836 : vector<1x32x128xi32>
    %shift_right_arithmetic3A_2838 = arith.constant 11 : i32
    %shift_right_arithmetic3A_2839 = vector.broadcast %shift_right_arithmetic3A_2838 : i32 to vector<1x32x128xi32>
    %shift_right_arithmetic3A_2840 = arith.shrsi %add3A, %shift_right_arithmetic3A_2839 : vector<1x32x128xi32>
    %and3A_2841 = arith.constant 1 : i32
    %and3A_2842 = vector.broadcast %and3A_2841 : i32 to vector<1x32x128xi32>
    %and3A_2843 = arith.andi %shift_right_arithmetic3A_2840, %and3A_2842 : vector<1x32x128xi32>
    %eq3A_2844 = arith.constant 0 : i32
    %eq3A_2845 = vector.broadcast %eq3A_2844 : i32 to vector<1x32x128xi32>
    %eq3A_2846 = arith.cmpi eq, %and3A_2843, %eq3A_2845 : vector<1x32x128xi32>
    %eq3A_2847 = arith.xori %eq3A_2837, %eq3A_2846 : vector<1x32x128xi1>
    %eq3A_2848 = arith.constant dense<true> : vector<1x32x128xi1>
    %eq3A_2849 = arith.xori %eq3A_2847, %eq3A_2848 : vector<1x32x128xi1>
    %roll3A_2850 = arith.constant 30 : i32
    %roll3A_2851 = tpu.dynamic_rotate %select_n3A_2830 by %roll3A_2850 dim 1 : vector<20x32x128xi32>, i32 -> vector<20x32x128xi32>
    %roll3A_2852 = arith.constant 2 : i32
    %roll3A_2853 = tpu.dynamic_rotate %select_n3A_2830 by %roll3A_2852 dim 1 : vector<20x32x128xi32>, i32 -> vector<20x32x128xi32>
    %broadcast_in_dim3A_2854 = vector.shape_cast %eq3A_2837 : vector<1x32x128xi1> to vector<1x32x128xi1>
    %broadcast_in_dim3A_2855 = vector.broadcast %broadcast_in_dim3A_2854 : vector<1x32x128xi1> to vector<20x32x128xi1>
    %select_n3A_2856 = arith.select %broadcast_in_dim3A_2855, %roll3A_2851, %roll3A_2853 : vector<20x32x128xi1>, vector<20x32x128xi32>
    %roll3A_2857 = arith.constant 30 : i32
    %roll3A_2858 = tpu.dynamic_rotate %select_n3A_2831 by %roll3A_2857 dim 1 : vector<20x32x128xi32>, i32 -> vector<20x32x128xi32>
    %roll3A_2859 = arith.constant 2 : i32
    %roll3A_2860 = tpu.dynamic_rotate %select_n3A_2831 by %roll3A_2859 dim 1 : vector<20x32x128xi32>, i32 -> vector<20x32x128xi32>
    %broadcast_in_dim3A_2861 = vector.shape_cast %eq3A_2837 : vector<1x32x128xi1> to vector<1x32x128xi1>
    %broadcast_in_dim3A_2862 = vector.broadcast %broadcast_in_dim3A_2861 : vector<1x32x128xi1> to vector<20x32x128xi1>
    %select_n3A_2863 = arith.select %broadcast_in_dim3A_2862, %roll3A_2858, %roll3A_2860 : vector<20x32x128xi1>, vector<20x32x128xi32>
    %gt3A_2864 = arith.cmpi sgt, %select_n3A_2856, %select_n3A_2830 : vector<20x32x128xi32>
    %eq3A_2865 = arith.cmpi eq, %select_n3A_2856, %select_n3A_2830 : vector<20x32x128xi32>
    %lt3A_2866 = arith.cmpi slt, %select_n3A_2863, %select_n3A_2831 : vector<20x32x128xi32>
    %and3A_2867 = arith.andi %eq3A_2865, %lt3A_2866 : vector<20x32x128xi1>
    %or3A_2868 = arith.ori %gt3A_2864, %and3A_2867 : vector<20x32x128xi1>
    %eq3A_2869 = vector.broadcast %eq3A_2849 : vector<1x32x128xi1> to vector<20x32x128xi1>
    %eq3A_2870 = vector.broadcast %eq3A_2869 : vector<20x32x128xi1> to vector<20x32x128xi1>
    %eq3A_2871 = arith.xori %or3A_2868, %eq3A_2870 : vector<20x32x128xi1>
    %eq3A_2872 = arith.constant dense<true> : vector<20x32x128xi1>
    %eq3A_2873 = arith.xori %eq3A_2871, %eq3A_2872 : vector<20x32x128xi1>
    %select_n3A_2874 = arith.select %eq3A_2873, %select_n3A_2856, %select_n3A_2830 : vector<20x32x128xi1>, vector<20x32x128xi32>
    %select_n3A_2875 = arith.select %eq3A_2873, %select_n3A_2863, %select_n3A_2831 : vector<20x32x128xi1>, vector<20x32x128xi32>
    %and3A_2876 = arith.constant 1 : i32
    %and3A_2877 = vector.broadcast %and3A_2876 : i32 to vector<1x32x128xi32>
    %and3A_2878 = arith.andi %add3A, %and3A_2877 : vector<1x32x128xi32>
    %eq3A_2879 = arith.constant 0 : i32
    %eq3A_2880 = vector.broadcast %eq3A_2879 : i32 to vector<1x32x128xi32>
    %eq3A_2881 = arith.cmpi eq, %and3A_2878, %eq3A_2880 : vector<1x32x128xi32>
    %shift_right_arithmetic3A_2882 = arith.constant 11 : i32
    %shift_right_arithmetic3A_2883 = vector.broadcast %shift_right_arithmetic3A_2882 : i32 to vector<1x32x128xi32>
    %shift_right_arithmetic3A_2884 = arith.shrsi %add3A, %shift_right_arithmetic3A_2883 : vector<1x32x128xi32>
    %and3A_2885 = arith.constant 1 : i32
    %and3A_2886 = vector.broadcast %and3A_2885 : i32 to vector<1x32x128xi32>
    %and3A_2887 = arith.andi %shift_right_arithmetic3A_2884, %and3A_2886 : vector<1x32x128xi32>
    %eq3A_2888 = arith.constant 0 : i32
    %eq3A_2889 = vector.broadcast %eq3A_2888 : i32 to vector<1x32x128xi32>
    %eq3A_2890 = arith.cmpi eq, %and3A_2887, %eq3A_2889 : vector<1x32x128xi32>
    %eq3A_2891 = arith.xori %eq3A_2881, %eq3A_2890 : vector<1x32x128xi1>
    %eq3A_2892 = arith.constant dense<true> : vector<1x32x128xi1>
    %eq3A_2893 = arith.xori %eq3A_2891, %eq3A_2892 : vector<1x32x128xi1>
    %roll3A_2894 = arith.constant 31 : i32
    %roll3A_2895 = tpu.dynamic_rotate %select_n3A_2874 by %roll3A_2894 dim 1 : vector<20x32x128xi32>, i32 -> vector<20x32x128xi32>
    %roll3A_2896 = arith.constant 1 : i32
    %roll3A_2897 = tpu.dynamic_rotate %select_n3A_2874 by %roll3A_2896 dim 1 : vector<20x32x128xi32>, i32 -> vector<20x32x128xi32>
    %broadcast_in_dim3A_2898 = vector.shape_cast %eq3A_2881 : vector<1x32x128xi1> to vector<1x32x128xi1>
    %broadcast_in_dim3A_2899 = vector.broadcast %broadcast_in_dim3A_2898 : vector<1x32x128xi1> to vector<20x32x128xi1>
    %select_n3A_2900 = arith.select %broadcast_in_dim3A_2899, %roll3A_2895, %roll3A_2897 : vector<20x32x128xi1>, vector<20x32x128xi32>
    %roll3A_2901 = arith.constant 31 : i32
    %roll3A_2902 = tpu.dynamic_rotate %select_n3A_2875 by %roll3A_2901 dim 1 : vector<20x32x128xi32>, i32 -> vector<20x32x128xi32>
    %roll3A_2903 = arith.constant 1 : i32
    %roll3A_2904 = tpu.dynamic_rotate %select_n3A_2875 by %roll3A_2903 dim 1 : vector<20x32x128xi32>, i32 -> vector<20x32x128xi32>
    %broadcast_in_dim3A_2905 = vector.shape_cast %eq3A_2881 : vector<1x32x128xi1> to vector<1x32x128xi1>
    %broadcast_in_dim3A_2906 = vector.broadcast %broadcast_in_dim3A_2905 : vector<1x32x128xi1> to vector<20x32x128xi1>
    %select_n3A_2907 = arith.select %broadcast_in_dim3A_2906, %roll3A_2902, %roll3A_2904 : vector<20x32x128xi1>, vector<20x32x128xi32>
    %gt3A_2908 = arith.cmpi sgt, %select_n3A_2900, %select_n3A_2874 : vector<20x32x128xi32>
    %eq3A_2909 = arith.cmpi eq, %select_n3A_2900, %select_n3A_2874 : vector<20x32x128xi32>
    %lt3A_2910 = arith.cmpi slt, %select_n3A_2907, %select_n3A_2875 : vector<20x32x128xi32>
    %and3A_2911 = arith.andi %eq3A_2909, %lt3A_2910 : vector<20x32x128xi1>
    %or3A_2912 = arith.ori %gt3A_2908, %and3A_2911 : vector<20x32x128xi1>
    %eq3A_2913 = vector.broadcast %eq3A_2893 : vector<1x32x128xi1> to vector<20x32x128xi1>
    %eq3A_2914 = vector.broadcast %eq3A_2913 : vector<20x32x128xi1> to vector<20x32x128xi1>
    %eq3A_2915 = arith.xori %or3A_2912, %eq3A_2914 : vector<20x32x128xi1>
    %eq3A_2916 = arith.constant dense<true> : vector<20x32x128xi1>
    %eq3A_2917 = arith.xori %eq3A_2915, %eq3A_2916 : vector<20x32x128xi1>
    %select_n3A_2918 = arith.select %eq3A_2917, %select_n3A_2900, %select_n3A_2874 : vector<20x32x128xi1>, vector<20x32x128xi32>
    %select_n3A_2919 = arith.select %eq3A_2917, %select_n3A_2907, %select_n3A_2875 : vector<20x32x128xi1>, vector<20x32x128xi32>
    %and3A_2920 = arith.constant 2048 : i32
    %and3A_2921 = vector.broadcast %and3A_2920 : i32 to vector<1x32x128xi32>
    %and3A_2922 = arith.andi %add3A, %and3A_2921 : vector<1x32x128xi32>
    %eq3A_2923 = arith.constant 0 : i32
    %eq3A_2924 = vector.broadcast %eq3A_2923 : i32 to vector<1x32x128xi32>
    %eq3A_2925 = arith.cmpi eq, %and3A_2922, %eq3A_2924 : vector<1x32x128xi32>
    %shift_right_arithmetic3A_2926 = arith.constant 12 : i32
    %shift_right_arithmetic3A_2927 = vector.broadcast %shift_right_arithmetic3A_2926 : i32 to vector<1x32x128xi32>
    %shift_right_arithmetic3A_2928 = arith.shrsi %add3A, %shift_right_arithmetic3A_2927 : vector<1x32x128xi32>
    %and3A_2929 = arith.constant 1 : i32
    %and3A_2930 = vector.broadcast %and3A_2929 : i32 to vector<1x32x128xi32>
    %and3A_2931 = arith.andi %shift_right_arithmetic3A_2928, %and3A_2930 : vector<1x32x128xi32>
    %eq3A_2932 = arith.constant 0 : i32
    %eq3A_2933 = vector.broadcast %eq3A_2932 : i32 to vector<1x32x128xi32>
    %eq3A_2934 = arith.cmpi eq, %and3A_2931, %eq3A_2933 : vector<1x32x128xi32>
    %eq3A_2935 = arith.xori %eq3A_2925, %eq3A_2934 : vector<1x32x128xi1>
    %eq3A_2936 = arith.constant dense<true> : vector<1x32x128xi1>
    %eq3A_2937 = arith.xori %eq3A_2935, %eq3A_2936 : vector<1x32x128xi1>
    %roll3A_2938 = arith.constant 64 : i32
    %roll3A_2939 = tpu.dynamic_rotate %select_n3A_2918 by %roll3A_2938 dim 2 : vector<20x32x128xi32>, i32 -> vector<20x32x128xi32>
    %roll3A_2940 = arith.constant 64 : i32
    %roll3A_2941 = tpu.dynamic_rotate %select_n3A_2918 by %roll3A_2940 dim 2 : vector<20x32x128xi32>, i32 -> vector<20x32x128xi32>
    %broadcast_in_dim3A_2942 = vector.shape_cast %eq3A_2925 : vector<1x32x128xi1> to vector<1x32x128xi1>
    %broadcast_in_dim3A_2943 = vector.broadcast %broadcast_in_dim3A_2942 : vector<1x32x128xi1> to vector<20x32x128xi1>
    %select_n3A_2944 = arith.select %broadcast_in_dim3A_2943, %roll3A_2939, %roll3A_2941 : vector<20x32x128xi1>, vector<20x32x128xi32>
    %roll3A_2945 = arith.constant 64 : i32
    %roll3A_2946 = tpu.dynamic_rotate %select_n3A_2919 by %roll3A_2945 dim 2 : vector<20x32x128xi32>, i32 -> vector<20x32x128xi32>
    %roll3A_2947 = arith.constant 64 : i32
    %roll3A_2948 = tpu.dynamic_rotate %select_n3A_2919 by %roll3A_2947 dim 2 : vector<20x32x128xi32>, i32 -> vector<20x32x128xi32>
    %broadcast_in_dim3A_2949 = vector.shape_cast %eq3A_2925 : vector<1x32x128xi1> to vector<1x32x128xi1>
    %broadcast_in_dim3A_2950 = vector.broadcast %broadcast_in_dim3A_2949 : vector<1x32x128xi1> to vector<20x32x128xi1>
    %select_n3A_2951 = arith.select %broadcast_in_dim3A_2950, %roll3A_2946, %roll3A_2948 : vector<20x32x128xi1>, vector<20x32x128xi32>
    %gt3A_2952 = arith.cmpi sgt, %select_n3A_2944, %select_n3A_2918 : vector<20x32x128xi32>
    %eq3A_2953 = arith.cmpi eq, %select_n3A_2944, %select_n3A_2918 : vector<20x32x128xi32>
    %lt3A_2954 = arith.cmpi slt, %select_n3A_2951, %select_n3A_2919 : vector<20x32x128xi32>
    %and3A_2955 = arith.andi %eq3A_2953, %lt3A_2954 : vector<20x32x128xi1>
    %or3A_2956 = arith.ori %gt3A_2952, %and3A_2955 : vector<20x32x128xi1>
    %eq3A_2957 = vector.broadcast %eq3A_2937 : vector<1x32x128xi1> to vector<20x32x128xi1>
    %eq3A_2958 = vector.broadcast %eq3A_2957 : vector<20x32x128xi1> to vector<20x32x128xi1>
    %eq3A_2959 = arith.xori %or3A_2956, %eq3A_2958 : vector<20x32x128xi1>
    %eq3A_2960 = arith.constant dense<true> : vector<20x32x128xi1>
    %eq3A_2961 = arith.xori %eq3A_2959, %eq3A_2960 : vector<20x32x128xi1>
    %select_n3A_2962 = arith.select %eq3A_2961, %select_n3A_2944, %select_n3A_2918 : vector<20x32x128xi1>, vector<20x32x128xi32>
    %select_n3A_2963 = arith.select %eq3A_2961, %select_n3A_2951, %select_n3A_2919 : vector<20x32x128xi1>, vector<20x32x128xi32>
    %and3A_2964 = arith.constant 1024 : i32
    %and3A_2965 = vector.broadcast %and3A_2964 : i32 to vector<1x32x128xi32>
    %and3A_2966 = arith.andi %add3A, %and3A_2965 : vector<1x32x128xi32>
    %eq3A_2967 = arith.constant 0 : i32
    %eq3A_2968 = vector.broadcast %eq3A_2967 : i32 to vector<1x32x128xi32>
    %eq3A_2969 = arith.cmpi eq, %and3A_2966, %eq3A_2968 : vector<1x32x128xi32>
    %shift_right_arithmetic3A_2970 = arith.constant 12 : i32
    %shift_right_arithmetic3A_2971 = vector.broadcast %shift_right_arithmetic3A_2970 : i32 to vector<1x32x128xi32>
    %shift_right_arithmetic3A_2972 = arith.shrsi %add3A, %shift_right_arithmetic3A_2971 : vector<1x32x128xi32>
    %and3A_2973 = arith.constant 1 : i32
    %and3A_2974 = vector.broadcast %and3A_2973 : i32 to vector<1x32x128xi32>
    %and3A_2975 = arith.andi %shift_right_arithmetic3A_2972, %and3A_2974 : vector<1x32x128xi32>
    %eq3A_2976 = arith.constant 0 : i32
    %eq3A_2977 = vector.broadcast %eq3A_2976 : i32 to vector<1x32x128xi32>
    %eq3A_2978 = arith.cmpi eq, %and3A_2975, %eq3A_2977 : vector<1x32x128xi32>
    %eq3A_2979 = arith.xori %eq3A_2969, %eq3A_2978 : vector<1x32x128xi1>
    %eq3A_2980 = arith.constant dense<true> : vector<1x32x128xi1>
    %eq3A_2981 = arith.xori %eq3A_2979, %eq3A_2980 : vector<1x32x128xi1>
    %roll3A_2982 = arith.constant 96 : i32
    %roll3A_2983 = tpu.dynamic_rotate %select_n3A_2962 by %roll3A_2982 dim 2 : vector<20x32x128xi32>, i32 -> vector<20x32x128xi32>
    %roll3A_2984 = arith.constant 32 : i32
    %roll3A_2985 = tpu.dynamic_rotate %select_n3A_2962 by %roll3A_2984 dim 2 : vector<20x32x128xi32>, i32 -> vector<20x32x128xi32>
    %broadcast_in_dim3A_2986 = vector.shape_cast %eq3A_2969 : vector<1x32x128xi1> to vector<1x32x128xi1>
    %broadcast_in_dim3A_2987 = vector.broadcast %broadcast_in_dim3A_2986 : vector<1x32x128xi1> to vector<20x32x128xi1>
    %select_n3A_2988 = arith.select %broadcast_in_dim3A_2987, %roll3A_2983, %roll3A_2985 : vector<20x32x128xi1>, vector<20x32x128xi32>
    %roll3A_2989 = arith.constant 96 : i32
    %roll3A_2990 = tpu.dynamic_rotate %select_n3A_2963 by %roll3A_2989 dim 2 : vector<20x32x128xi32>, i32 -> vector<20x32x128xi32>
    %roll3A_2991 = arith.constant 32 : i32
    %roll3A_2992 = tpu.dynamic_rotate %select_n3A_2963 by %roll3A_2991 dim 2 : vector<20x32x128xi32>, i32 -> vector<20x32x128xi32>
    %broadcast_in_dim3A_2993 = vector.shape_cast %eq3A_2969 : vector<1x32x128xi1> to vector<1x32x128xi1>
    %broadcast_in_dim3A_2994 = vector.broadcast %broadcast_in_dim3A_2993 : vector<1x32x128xi1> to vector<20x32x128xi1>
    %select_n3A_2995 = arith.select %broadcast_in_dim3A_2994, %roll3A_2990, %roll3A_2992 : vector<20x32x128xi1>, vector<20x32x128xi32>
    %gt3A_2996 = arith.cmpi sgt, %select_n3A_2988, %select_n3A_2962 : vector<20x32x128xi32>
    %eq3A_2997 = arith.cmpi eq, %select_n3A_2988, %select_n3A_2962 : vector<20x32x128xi32>
    %lt3A_2998 = arith.cmpi slt, %select_n3A_2995, %select_n3A_2963 : vector<20x32x128xi32>
    %and3A_2999 = arith.andi %eq3A_2997, %lt3A_2998 : vector<20x32x128xi1>
    %or3A_3000 = arith.ori %gt3A_2996, %and3A_2999 : vector<20x32x128xi1>
    %eq3A_3001 = vector.broadcast %eq3A_2981 : vector<1x32x128xi1> to vector<20x32x128xi1>
    %eq3A_3002 = vector.broadcast %eq3A_3001 : vector<20x32x128xi1> to vector<20x32x128xi1>
    %eq3A_3003 = arith.xori %or3A_3000, %eq3A_3002 : vector<20x32x128xi1>
    %eq3A_3004 = arith.constant dense<true> : vector<20x32x128xi1>
    %eq3A_3005 = arith.xori %eq3A_3003, %eq3A_3004 : vector<20x32x128xi1>
    %select_n3A_3006 = arith.select %eq3A_3005, %select_n3A_2988, %select_n3A_2962 : vector<20x32x128xi1>, vector<20x32x128xi32>
    %select_n3A_3007 = arith.select %eq3A_3005, %select_n3A_2995, %select_n3A_2963 : vector<20x32x128xi1>, vector<20x32x128xi32>
    %and3A_3008 = arith.constant 512 : i32
    %and3A_3009 = vector.broadcast %and3A_3008 : i32 to vector<1x32x128xi32>
    %and3A_3010 = arith.andi %add3A, %and3A_3009 : vector<1x32x128xi32>
    %eq3A_3011 = arith.constant 0 : i32
    %eq3A_3012 = vector.broadcast %eq3A_3011 : i32 to vector<1x32x128xi32>
    %eq3A_3013 = arith.cmpi eq, %and3A_3010, %eq3A_3012 : vector<1x32x128xi32>
    %shift_right_arithmetic3A_3014 = arith.constant 12 : i32
    %shift_right_arithmetic3A_3015 = vector.broadcast %shift_right_arithmetic3A_3014 : i32 to vector<1x32x128xi32>
    %shift_right_arithmetic3A_3016 = arith.shrsi %add3A, %shift_right_arithmetic3A_3015 : vector<1x32x128xi32>
    %and3A_3017 = arith.constant 1 : i32
    %and3A_3018 = vector.broadcast %and3A_3017 : i32 to vector<1x32x128xi32>
    %and3A_3019 = arith.andi %shift_right_arithmetic3A_3016, %and3A_3018 : vector<1x32x128xi32>
    %eq3A_3020 = arith.constant 0 : i32
    %eq3A_3021 = vector.broadcast %eq3A_3020 : i32 to vector<1x32x128xi32>
    %eq3A_3022 = arith.cmpi eq, %and3A_3019, %eq3A_3021 : vector<1x32x128xi32>
    %eq3A_3023 = arith.xori %eq3A_3013, %eq3A_3022 : vector<1x32x128xi1>
    %eq3A_3024 = arith.constant dense<true> : vector<1x32x128xi1>
    %eq3A_3025 = arith.xori %eq3A_3023, %eq3A_3024 : vector<1x32x128xi1>
    %roll3A_3026 = arith.constant 112 : i32
    %roll3A_3027 = tpu.dynamic_rotate %select_n3A_3006 by %roll3A_3026 dim 2 : vector<20x32x128xi32>, i32 -> vector<20x32x128xi32>
    %roll3A_3028 = arith.constant 16 : i32
    %roll3A_3029 = tpu.dynamic_rotate %select_n3A_3006 by %roll3A_3028 dim 2 : vector<20x32x128xi32>, i32 -> vector<20x32x128xi32>
    %broadcast_in_dim3A_3030 = vector.shape_cast %eq3A_3013 : vector<1x32x128xi1> to vector<1x32x128xi1>
    %broadcast_in_dim3A_3031 = vector.broadcast %broadcast_in_dim3A_3030 : vector<1x32x128xi1> to vector<20x32x128xi1>
    %select_n3A_3032 = arith.select %broadcast_in_dim3A_3031, %roll3A_3027, %roll3A_3029 : vector<20x32x128xi1>, vector<20x32x128xi32>
    %roll3A_3033 = arith.constant 112 : i32
    %roll3A_3034 = tpu.dynamic_rotate %select_n3A_3007 by %roll3A_3033 dim 2 : vector<20x32x128xi32>, i32 -> vector<20x32x128xi32>
    %roll3A_3035 = arith.constant 16 : i32
    %roll3A_3036 = tpu.dynamic_rotate %select_n3A_3007 by %roll3A_3035 dim 2 : vector<20x32x128xi32>, i32 -> vector<20x32x128xi32>
    %broadcast_in_dim3A_3037 = vector.shape_cast %eq3A_3013 : vector<1x32x128xi1> to vector<1x32x128xi1>
    %broadcast_in_dim3A_3038 = vector.broadcast %broadcast_in_dim3A_3037 : vector<1x32x128xi1> to vector<20x32x128xi1>
    %select_n3A_3039 = arith.select %broadcast_in_dim3A_3038, %roll3A_3034, %roll3A_3036 : vector<20x32x128xi1>, vector<20x32x128xi32>
    %gt3A_3040 = arith.cmpi sgt, %select_n3A_3032, %select_n3A_3006 : vector<20x32x128xi32>
    %eq3A_3041 = arith.cmpi eq, %select_n3A_3032, %select_n3A_3006 : vector<20x32x128xi32>
    %lt3A_3042 = arith.cmpi slt, %select_n3A_3039, %select_n3A_3007 : vector<20x32x128xi32>
    %and3A_3043 = arith.andi %eq3A_3041, %lt3A_3042 : vector<20x32x128xi1>
    %or3A_3044 = arith.ori %gt3A_3040, %and3A_3043 : vector<20x32x128xi1>
    %eq3A_3045 = vector.broadcast %eq3A_3025 : vector<1x32x128xi1> to vector<20x32x128xi1>
    %eq3A_3046 = vector.broadcast %eq3A_3045 : vector<20x32x128xi1> to vector<20x32x128xi1>
    %eq3A_3047 = arith.xori %or3A_3044, %eq3A_3046 : vector<20x32x128xi1>
    %eq3A_3048 = arith.constant dense<true> : vector<20x32x128xi1>
    %eq3A_3049 = arith.xori %eq3A_3047, %eq3A_3048 : vector<20x32x128xi1>
    %select_n3A_3050 = arith.select %eq3A_3049, %select_n3A_3032, %select_n3A_3006 : vector<20x32x128xi1>, vector<20x32x128xi32>
    %select_n3A_3051 = arith.select %eq3A_3049, %select_n3A_3039, %select_n3A_3007 : vector<20x32x128xi1>, vector<20x32x128xi32>
    %and3A_3052 = arith.constant 256 : i32
    %and3A_3053 = vector.broadcast %and3A_3052 : i32 to vector<1x32x128xi32>
    %and3A_3054 = arith.andi %add3A, %and3A_3053 : vector<1x32x128xi32>
    %eq3A_3055 = arith.constant 0 : i32
    %eq3A_3056 = vector.broadcast %eq3A_3055 : i32 to vector<1x32x128xi32>
    %eq3A_3057 = arith.cmpi eq, %and3A_3054, %eq3A_3056 : vector<1x32x128xi32>
    %shift_right_arithmetic3A_3058 = arith.constant 12 : i32
    %shift_right_arithmetic3A_3059 = vector.broadcast %shift_right_arithmetic3A_3058 : i32 to vector<1x32x128xi32>
    %shift_right_arithmetic3A_3060 = arith.shrsi %add3A, %shift_right_arithmetic3A_3059 : vector<1x32x128xi32>
    %and3A_3061 = arith.constant 1 : i32
    %and3A_3062 = vector.broadcast %and3A_3061 : i32 to vector<1x32x128xi32>
    %and3A_3063 = arith.andi %shift_right_arithmetic3A_3060, %and3A_3062 : vector<1x32x128xi32>
    %eq3A_3064 = arith.constant 0 : i32
    %eq3A_3065 = vector.broadcast %eq3A_3064 : i32 to vector<1x32x128xi32>
    %eq3A_3066 = arith.cmpi eq, %and3A_3063, %eq3A_3065 : vector<1x32x128xi32>
    %eq3A_3067 = arith.xori %eq3A_3057, %eq3A_3066 : vector<1x32x128xi1>
    %eq3A_3068 = arith.constant dense<true> : vector<1x32x128xi1>
    %eq3A_3069 = arith.xori %eq3A_3067, %eq3A_3068 : vector<1x32x128xi1>
    %roll3A_3070 = arith.constant 120 : i32
    %roll3A_3071 = tpu.dynamic_rotate %select_n3A_3050 by %roll3A_3070 dim 2 : vector<20x32x128xi32>, i32 -> vector<20x32x128xi32>
    %roll3A_3072 = arith.constant 8 : i32
    %roll3A_3073 = tpu.dynamic_rotate %select_n3A_3050 by %roll3A_3072 dim 2 : vector<20x32x128xi32>, i32 -> vector<20x32x128xi32>
    %broadcast_in_dim3A_3074 = vector.shape_cast %eq3A_3057 : vector<1x32x128xi1> to vector<1x32x128xi1>
    %broadcast_in_dim3A_3075 = vector.broadcast %broadcast_in_dim3A_3074 : vector<1x32x128xi1> to vector<20x32x128xi1>
    %select_n3A_3076 = arith.select %broadcast_in_dim3A_3075, %roll3A_3071, %roll3A_3073 : vector<20x32x128xi1>, vector<20x32x128xi32>
    %roll3A_3077 = arith.constant 120 : i32
    %roll3A_3078 = tpu.dynamic_rotate %select_n3A_3051 by %roll3A_3077 dim 2 : vector<20x32x128xi32>, i32 -> vector<20x32x128xi32>
    %roll3A_3079 = arith.constant 8 : i32
    %roll3A_3080 = tpu.dynamic_rotate %select_n3A_3051 by %roll3A_3079 dim 2 : vector<20x32x128xi32>, i32 -> vector<20x32x128xi32>
    %broadcast_in_dim3A_3081 = vector.shape_cast %eq3A_3057 : vector<1x32x128xi1> to vector<1x32x128xi1>
    %broadcast_in_dim3A_3082 = vector.broadcast %broadcast_in_dim3A_3081 : vector<1x32x128xi1> to vector<20x32x128xi1>
    %select_n3A_3083 = arith.select %broadcast_in_dim3A_3082, %roll3A_3078, %roll3A_3080 : vector<20x32x128xi1>, vector<20x32x128xi32>
    %gt3A_3084 = arith.cmpi sgt, %select_n3A_3076, %select_n3A_3050 : vector<20x32x128xi32>
    %eq3A_3085 = arith.cmpi eq, %select_n3A_3076, %select_n3A_3050 : vector<20x32x128xi32>
    %lt3A_3086 = arith.cmpi slt, %select_n3A_3083, %select_n3A_3051 : vector<20x32x128xi32>
    %and3A_3087 = arith.andi %eq3A_3085, %lt3A_3086 : vector<20x32x128xi1>
    %or3A_3088 = arith.ori %gt3A_3084, %and3A_3087 : vector<20x32x128xi1>
    %eq3A_3089 = vector.broadcast %eq3A_3069 : vector<1x32x128xi1> to vector<20x32x128xi1>
    %eq3A_3090 = vector.broadcast %eq3A_3089 : vector<20x32x128xi1> to vector<20x32x128xi1>
    %eq3A_3091 = arith.xori %or3A_3088, %eq3A_3090 : vector<20x32x128xi1>
    %eq3A_3092 = arith.constant dense<true> : vector<20x32x128xi1>
    %eq3A_3093 = arith.xori %eq3A_3091, %eq3A_3092 : vector<20x32x128xi1>
    %select_n3A_3094 = arith.select %eq3A_3093, %select_n3A_3076, %select_n3A_3050 : vector<20x32x128xi1>, vector<20x32x128xi32>
    %select_n3A_3095 = arith.select %eq3A_3093, %select_n3A_3083, %select_n3A_3051 : vector<20x32x128xi1>, vector<20x32x128xi32>
    %and3A_3096 = arith.constant 128 : i32
    %and3A_3097 = vector.broadcast %and3A_3096 : i32 to vector<1x32x128xi32>
    %and3A_3098 = arith.andi %add3A, %and3A_3097 : vector<1x32x128xi32>
    %eq3A_3099 = arith.constant 0 : i32
    %eq3A_3100 = vector.broadcast %eq3A_3099 : i32 to vector<1x32x128xi32>
    %eq3A_3101 = arith.cmpi eq, %and3A_3098, %eq3A_3100 : vector<1x32x128xi32>
    %shift_right_arithmetic3A_3102 = arith.constant 12 : i32
    %shift_right_arithmetic3A_3103 = vector.broadcast %shift_right_arithmetic3A_3102 : i32 to vector<1x32x128xi32>
    %shift_right_arithmetic3A_3104 = arith.shrsi %add3A, %shift_right_arithmetic3A_3103 : vector<1x32x128xi32>
    %and3A_3105 = arith.constant 1 : i32
    %and3A_3106 = vector.broadcast %and3A_3105 : i32 to vector<1x32x128xi32>
    %and3A_3107 = arith.andi %shift_right_arithmetic3A_3104, %and3A_3106 : vector<1x32x128xi32>
    %eq3A_3108 = arith.constant 0 : i32
    %eq3A_3109 = vector.broadcast %eq3A_3108 : i32 to vector<1x32x128xi32>
    %eq3A_3110 = arith.cmpi eq, %and3A_3107, %eq3A_3109 : vector<1x32x128xi32>
    %eq3A_3111 = arith.xori %eq3A_3101, %eq3A_3110 : vector<1x32x128xi1>
    %eq3A_3112 = arith.constant dense<true> : vector<1x32x128xi1>
    %eq3A_3113 = arith.xori %eq3A_3111, %eq3A_3112 : vector<1x32x128xi1>
    %roll3A_3114 = arith.constant 124 : i32
    %roll3A_3115 = tpu.dynamic_rotate %select_n3A_3094 by %roll3A_3114 dim 2 : vector<20x32x128xi32>, i32 -> vector<20x32x128xi32>
    %roll3A_3116 = arith.constant 4 : i32
    %roll3A_3117 = tpu.dynamic_rotate %select_n3A_3094 by %roll3A_3116 dim 2 : vector<20x32x128xi32>, i32 -> vector<20x32x128xi32>
    %broadcast_in_dim3A_3118 = vector.shape_cast %eq3A_3101 : vector<1x32x128xi1> to vector<1x32x128xi1>
    %broadcast_in_dim3A_3119 = vector.broadcast %broadcast_in_dim3A_3118 : vector<1x32x128xi1> to vector<20x32x128xi1>
    %select_n3A_3120 = arith.select %broadcast_in_dim3A_3119, %roll3A_3115, %roll3A_3117 : vector<20x32x128xi1>, vector<20x32x128xi32>
    %roll3A_3121 = arith.constant 124 : i32
    %roll3A_3122 = tpu.dynamic_rotate %select_n3A_3095 by %roll3A_3121 dim 2 : vector<20x32x128xi32>, i32 -> vector<20x32x128xi32>
    %roll3A_3123 = arith.constant 4 : i32
    %roll3A_3124 = tpu.dynamic_rotate %select_n3A_3095 by %roll3A_3123 dim 2 : vector<20x32x128xi32>, i32 -> vector<20x32x128xi32>
    %broadcast_in_dim3A_3125 = vector.shape_cast %eq3A_3101 : vector<1x32x128xi1> to vector<1x32x128xi1>
    %broadcast_in_dim3A_3126 = vector.broadcast %broadcast_in_dim3A_3125 : vector<1x32x128xi1> to vector<20x32x128xi1>
    %select_n3A_3127 = arith.select %broadcast_in_dim3A_3126, %roll3A_3122, %roll3A_3124 : vector<20x32x128xi1>, vector<20x32x128xi32>
    %gt3A_3128 = arith.cmpi sgt, %select_n3A_3120, %select_n3A_3094 : vector<20x32x128xi32>
    %eq3A_3129 = arith.cmpi eq, %select_n3A_3120, %select_n3A_3094 : vector<20x32x128xi32>
    %lt3A_3130 = arith.cmpi slt, %select_n3A_3127, %select_n3A_3095 : vector<20x32x128xi32>
    %and3A_3131 = arith.andi %eq3A_3129, %lt3A_3130 : vector<20x32x128xi1>
    %or3A_3132 = arith.ori %gt3A_3128, %and3A_3131 : vector<20x32x128xi1>
    %eq3A_3133 = vector.broadcast %eq3A_3113 : vector<1x32x128xi1> to vector<20x32x128xi1>
    %eq3A_3134 = vector.broadcast %eq3A_3133 : vector<20x32x128xi1> to vector<20x32x128xi1>
    %eq3A_3135 = arith.xori %or3A_3132, %eq3A_3134 : vector<20x32x128xi1>
    %eq3A_3136 = arith.constant dense<true> : vector<20x32x128xi1>
    %eq3A_3137 = arith.xori %eq3A_3135, %eq3A_3136 : vector<20x32x128xi1>
    %select_n3A_3138 = arith.select %eq3A_3137, %select_n3A_3120, %select_n3A_3094 : vector<20x32x128xi1>, vector<20x32x128xi32>
    %select_n3A_3139 = arith.select %eq3A_3137, %select_n3A_3127, %select_n3A_3095 : vector<20x32x128xi1>, vector<20x32x128xi32>
    %and3A_3140 = arith.constant 64 : i32
    %and3A_3141 = vector.broadcast %and3A_3140 : i32 to vector<1x32x128xi32>
    %and3A_3142 = arith.andi %add3A, %and3A_3141 : vector<1x32x128xi32>
    %eq3A_3143 = arith.constant 0 : i32
    %eq3A_3144 = vector.broadcast %eq3A_3143 : i32 to vector<1x32x128xi32>
    %eq3A_3145 = arith.cmpi eq, %and3A_3142, %eq3A_3144 : vector<1x32x128xi32>
    %shift_right_arithmetic3A_3146 = arith.constant 12 : i32
    %shift_right_arithmetic3A_3147 = vector.broadcast %shift_right_arithmetic3A_3146 : i32 to vector<1x32x128xi32>
    %shift_right_arithmetic3A_3148 = arith.shrsi %add3A, %shift_right_arithmetic3A_3147 : vector<1x32x128xi32>
    %and3A_3149 = arith.constant 1 : i32
    %and3A_3150 = vector.broadcast %and3A_3149 : i32 to vector<1x32x128xi32>
    %and3A_3151 = arith.andi %shift_right_arithmetic3A_3148, %and3A_3150 : vector<1x32x128xi32>
    %eq3A_3152 = arith.constant 0 : i32
    %eq3A_3153 = vector.broadcast %eq3A_3152 : i32 to vector<1x32x128xi32>
    %eq3A_3154 = arith.cmpi eq, %and3A_3151, %eq3A_3153 : vector<1x32x128xi32>
    %eq3A_3155 = arith.xori %eq3A_3145, %eq3A_3154 : vector<1x32x128xi1>
    %eq3A_3156 = arith.constant dense<true> : vector<1x32x128xi1>
    %eq3A_3157 = arith.xori %eq3A_3155, %eq3A_3156 : vector<1x32x128xi1>
    %roll3A_3158 = arith.constant 126 : i32
    %roll3A_3159 = tpu.dynamic_rotate %select_n3A_3138 by %roll3A_3158 dim 2 : vector<20x32x128xi32>, i32 -> vector<20x32x128xi32>
    %roll3A_3160 = arith.constant 2 : i32
    %roll3A_3161 = tpu.dynamic_rotate %select_n3A_3138 by %roll3A_3160 dim 2 : vector<20x32x128xi32>, i32 -> vector<20x32x128xi32>
    %broadcast_in_dim3A_3162 = vector.shape_cast %eq3A_3145 : vector<1x32x128xi1> to vector<1x32x128xi1>
    %broadcast_in_dim3A_3163 = vector.broadcast %broadcast_in_dim3A_3162 : vector<1x32x128xi1> to vector<20x32x128xi1>
    %select_n3A_3164 = arith.select %broadcast_in_dim3A_3163, %roll3A_3159, %roll3A_3161 : vector<20x32x128xi1>, vector<20x32x128xi32>
    %roll3A_3165 = arith.constant 126 : i32
    %roll3A_3166 = tpu.dynamic_rotate %select_n3A_3139 by %roll3A_3165 dim 2 : vector<20x32x128xi32>, i32 -> vector<20x32x128xi32>
    %roll3A_3167 = arith.constant 2 : i32
    %roll3A_3168 = tpu.dynamic_rotate %select_n3A_3139 by %roll3A_3167 dim 2 : vector<20x32x128xi32>, i32 -> vector<20x32x128xi32>
    %broadcast_in_dim3A_3169 = vector.shape_cast %eq3A_3145 : vector<1x32x128xi1> to vector<1x32x128xi1>
    %broadcast_in_dim3A_3170 = vector.broadcast %broadcast_in_dim3A_3169 : vector<1x32x128xi1> to vector<20x32x128xi1>
    %select_n3A_3171 = arith.select %broadcast_in_dim3A_3170, %roll3A_3166, %roll3A_3168 : vector<20x32x128xi1>, vector<20x32x128xi32>
    %gt3A_3172 = arith.cmpi sgt, %select_n3A_3164, %select_n3A_3138 : vector<20x32x128xi32>
    %eq3A_3173 = arith.cmpi eq, %select_n3A_3164, %select_n3A_3138 : vector<20x32x128xi32>
    %lt3A_3174 = arith.cmpi slt, %select_n3A_3171, %select_n3A_3139 : vector<20x32x128xi32>
    %and3A_3175 = arith.andi %eq3A_3173, %lt3A_3174 : vector<20x32x128xi1>
    %or3A_3176 = arith.ori %gt3A_3172, %and3A_3175 : vector<20x32x128xi1>
    %eq3A_3177 = vector.broadcast %eq3A_3157 : vector<1x32x128xi1> to vector<20x32x128xi1>
    %eq3A_3178 = vector.broadcast %eq3A_3177 : vector<20x32x128xi1> to vector<20x32x128xi1>
    %eq3A_3179 = arith.xori %or3A_3176, %eq3A_3178 : vector<20x32x128xi1>
    %eq3A_3180 = arith.constant dense<true> : vector<20x32x128xi1>
    %eq3A_3181 = arith.xori %eq3A_3179, %eq3A_3180 : vector<20x32x128xi1>
    %select_n3A_3182 = arith.select %eq3A_3181, %select_n3A_3164, %select_n3A_3138 : vector<20x32x128xi1>, vector<20x32x128xi32>
    %select_n3A_3183 = arith.select %eq3A_3181, %select_n3A_3171, %select_n3A_3139 : vector<20x32x128xi1>, vector<20x32x128xi32>
    %and3A_3184 = arith.constant 32 : i32
    %and3A_3185 = vector.broadcast %and3A_3184 : i32 to vector<1x32x128xi32>
    %and3A_3186 = arith.andi %add3A, %and3A_3185 : vector<1x32x128xi32>
    %eq3A_3187 = arith.constant 0 : i32
    %eq3A_3188 = vector.broadcast %eq3A_3187 : i32 to vector<1x32x128xi32>
    %eq3A_3189 = arith.cmpi eq, %and3A_3186, %eq3A_3188 : vector<1x32x128xi32>
    %shift_right_arithmetic3A_3190 = arith.constant 12 : i32
    %shift_right_arithmetic3A_3191 = vector.broadcast %shift_right_arithmetic3A_3190 : i32 to vector<1x32x128xi32>
    %shift_right_arithmetic3A_3192 = arith.shrsi %add3A, %shift_right_arithmetic3A_3191 : vector<1x32x128xi32>
    %and3A_3193 = arith.constant 1 : i32
    %and3A_3194 = vector.broadcast %and3A_3193 : i32 to vector<1x32x128xi32>
    %and3A_3195 = arith.andi %shift_right_arithmetic3A_3192, %and3A_3194 : vector<1x32x128xi32>
    %eq3A_3196 = arith.constant 0 : i32
    %eq3A_3197 = vector.broadcast %eq3A_3196 : i32 to vector<1x32x128xi32>
    %eq3A_3198 = arith.cmpi eq, %and3A_3195, %eq3A_3197 : vector<1x32x128xi32>
    %eq3A_3199 = arith.xori %eq3A_3189, %eq3A_3198 : vector<1x32x128xi1>
    %eq3A_3200 = arith.constant dense<true> : vector<1x32x128xi1>
    %eq3A_3201 = arith.xori %eq3A_3199, %eq3A_3200 : vector<1x32x128xi1>
    %roll3A_3202 = arith.constant 127 : i32
    %roll3A_3203 = tpu.dynamic_rotate %select_n3A_3182 by %roll3A_3202 dim 2 : vector<20x32x128xi32>, i32 -> vector<20x32x128xi32>
    %roll3A_3204 = arith.constant 1 : i32
    %roll3A_3205 = tpu.dynamic_rotate %select_n3A_3182 by %roll3A_3204 dim 2 : vector<20x32x128xi32>, i32 -> vector<20x32x128xi32>
    %broadcast_in_dim3A_3206 = vector.shape_cast %eq3A_3189 : vector<1x32x128xi1> to vector<1x32x128xi1>
    %broadcast_in_dim3A_3207 = vector.broadcast %broadcast_in_dim3A_3206 : vector<1x32x128xi1> to vector<20x32x128xi1>
    %select_n3A_3208 = arith.select %broadcast_in_dim3A_3207, %roll3A_3203, %roll3A_3205 : vector<20x32x128xi1>, vector<20x32x128xi32>
    %roll3A_3209 = arith.constant 127 : i32
    %roll3A_3210 = tpu.dynamic_rotate %select_n3A_3183 by %roll3A_3209 dim 2 : vector<20x32x128xi32>, i32 -> vector<20x32x128xi32>
    %roll3A_3211 = arith.constant 1 : i32
    %roll3A_3212 = tpu.dynamic_rotate %select_n3A_3183 by %roll3A_3211 dim 2 : vector<20x32x128xi32>, i32 -> vector<20x32x128xi32>
    %broadcast_in_dim3A_3213 = vector.shape_cast %eq3A_3189 : vector<1x32x128xi1> to vector<1x32x128xi1>
    %broadcast_in_dim3A_3214 = vector.broadcast %broadcast_in_dim3A_3213 : vector<1x32x128xi1> to vector<20x32x128xi1>
    %select_n3A_3215 = arith.select %broadcast_in_dim3A_3214, %roll3A_3210, %roll3A_3212 : vector<20x32x128xi1>, vector<20x32x128xi32>
    %gt3A_3216 = arith.cmpi sgt, %select_n3A_3208, %select_n3A_3182 : vector<20x32x128xi32>
    %eq3A_3217 = arith.cmpi eq, %select_n3A_3208, %select_n3A_3182 : vector<20x32x128xi32>
    %lt3A_3218 = arith.cmpi slt, %select_n3A_3215, %select_n3A_3183 : vector<20x32x128xi32>
    %and3A_3219 = arith.andi %eq3A_3217, %lt3A_3218 : vector<20x32x128xi1>
    %or3A_3220 = arith.ori %gt3A_3216, %and3A_3219 : vector<20x32x128xi1>
    %eq3A_3221 = vector.broadcast %eq3A_3201 : vector<1x32x128xi1> to vector<20x32x128xi1>
    %eq3A_3222 = vector.broadcast %eq3A_3221 : vector<20x32x128xi1> to vector<20x32x128xi1>
    %eq3A_3223 = arith.xori %or3A_3220, %eq3A_3222 : vector<20x32x128xi1>
    %eq3A_3224 = arith.constant dense<true> : vector<20x32x128xi1>
    %eq3A_3225 = arith.xori %eq3A_3223, %eq3A_3224 : vector<20x32x128xi1>
    %select_n3A_3226 = arith.select %eq3A_3225, %select_n3A_3208, %select_n3A_3182 : vector<20x32x128xi1>, vector<20x32x128xi32>
    %select_n3A_3227 = arith.select %eq3A_3225, %select_n3A_3215, %select_n3A_3183 : vector<20x32x128xi1>, vector<20x32x128xi32>
    %and3A_3228 = arith.constant 16 : i32
    %and3A_3229 = vector.broadcast %and3A_3228 : i32 to vector<1x32x128xi32>
    %and3A_3230 = arith.andi %add3A, %and3A_3229 : vector<1x32x128xi32>
    %eq3A_3231 = arith.constant 0 : i32
    %eq3A_3232 = vector.broadcast %eq3A_3231 : i32 to vector<1x32x128xi32>
    %eq3A_3233 = arith.cmpi eq, %and3A_3230, %eq3A_3232 : vector<1x32x128xi32>
    %shift_right_arithmetic3A_3234 = arith.constant 12 : i32
    %shift_right_arithmetic3A_3235 = vector.broadcast %shift_right_arithmetic3A_3234 : i32 to vector<1x32x128xi32>
    %shift_right_arithmetic3A_3236 = arith.shrsi %add3A, %shift_right_arithmetic3A_3235 : vector<1x32x128xi32>
    %and3A_3237 = arith.constant 1 : i32
    %and3A_3238 = vector.broadcast %and3A_3237 : i32 to vector<1x32x128xi32>
    %and3A_3239 = arith.andi %shift_right_arithmetic3A_3236, %and3A_3238 : vector<1x32x128xi32>
    %eq3A_3240 = arith.constant 0 : i32
    %eq3A_3241 = vector.broadcast %eq3A_3240 : i32 to vector<1x32x128xi32>
    %eq3A_3242 = arith.cmpi eq, %and3A_3239, %eq3A_3241 : vector<1x32x128xi32>
    %eq3A_3243 = arith.xori %eq3A_3233, %eq3A_3242 : vector<1x32x128xi1>
    %eq3A_3244 = arith.constant dense<true> : vector<1x32x128xi1>
    %eq3A_3245 = arith.xori %eq3A_3243, %eq3A_3244 : vector<1x32x128xi1>
    %roll3A_3246 = arith.constant 16 : i32
    %roll3A_3247 = tpu.dynamic_rotate %select_n3A_3226 by %roll3A_3246 dim 1 : vector<20x32x128xi32>, i32 -> vector<20x32x128xi32>
    %roll3A_3248 = arith.constant 16 : i32
    %roll3A_3249 = tpu.dynamic_rotate %select_n3A_3226 by %roll3A_3248 dim 1 : vector<20x32x128xi32>, i32 -> vector<20x32x128xi32>
    %broadcast_in_dim3A_3250 = vector.shape_cast %eq3A_3233 : vector<1x32x128xi1> to vector<1x32x128xi1>
    %broadcast_in_dim3A_3251 = vector.broadcast %broadcast_in_dim3A_3250 : vector<1x32x128xi1> to vector<20x32x128xi1>
    %select_n3A_3252 = arith.select %broadcast_in_dim3A_3251, %roll3A_3247, %roll3A_3249 : vector<20x32x128xi1>, vector<20x32x128xi32>
    %roll3A_3253 = arith.constant 16 : i32
    %roll3A_3254 = tpu.dynamic_rotate %select_n3A_3227 by %roll3A_3253 dim 1 : vector<20x32x128xi32>, i32 -> vector<20x32x128xi32>
    %roll3A_3255 = arith.constant 16 : i32
    %roll3A_3256 = tpu.dynamic_rotate %select_n3A_3227 by %roll3A_3255 dim 1 : vector<20x32x128xi32>, i32 -> vector<20x32x128xi32>
    %broadcast_in_dim3A_3257 = vector.shape_cast %eq3A_3233 : vector<1x32x128xi1> to vector<1x32x128xi1>
    %broadcast_in_dim3A_3258 = vector.broadcast %broadcast_in_dim3A_3257 : vector<1x32x128xi1> to vector<20x32x128xi1>
    %select_n3A_3259 = arith.select %broadcast_in_dim3A_3258, %roll3A_3254, %roll3A_3256 : vector<20x32x128xi1>, vector<20x32x128xi32>
    %gt3A_3260 = arith.cmpi sgt, %select_n3A_3252, %select_n3A_3226 : vector<20x32x128xi32>
    %eq3A_3261 = arith.cmpi eq, %select_n3A_3252, %select_n3A_3226 : vector<20x32x128xi32>
    %lt3A_3262 = arith.cmpi slt, %select_n3A_3259, %select_n3A_3227 : vector<20x32x128xi32>
    %and3A_3263 = arith.andi %eq3A_3261, %lt3A_3262 : vector<20x32x128xi1>
    %or3A_3264 = arith.ori %gt3A_3260, %and3A_3263 : vector<20x32x128xi1>
    %eq3A_3265 = vector.broadcast %eq3A_3245 : vector<1x32x128xi1> to vector<20x32x128xi1>
    %eq3A_3266 = vector.broadcast %eq3A_3265 : vector<20x32x128xi1> to vector<20x32x128xi1>
    %eq3A_3267 = arith.xori %or3A_3264, %eq3A_3266 : vector<20x32x128xi1>
    %eq3A_3268 = arith.constant dense<true> : vector<20x32x128xi1>
    %eq3A_3269 = arith.xori %eq3A_3267, %eq3A_3268 : vector<20x32x128xi1>
    %select_n3A_3270 = arith.select %eq3A_3269, %select_n3A_3252, %select_n3A_3226 : vector<20x32x128xi1>, vector<20x32x128xi32>
    %select_n3A_3271 = arith.select %eq3A_3269, %select_n3A_3259, %select_n3A_3227 : vector<20x32x128xi1>, vector<20x32x128xi32>
    %and3A_3272 = arith.constant 8 : i32
    %and3A_3273 = vector.broadcast %and3A_3272 : i32 to vector<1x32x128xi32>
    %and3A_3274 = arith.andi %add3A, %and3A_3273 : vector<1x32x128xi32>
    %eq3A_3275 = arith.constant 0 : i32
    %eq3A_3276 = vector.broadcast %eq3A_3275 : i32 to vector<1x32x128xi32>
    %eq3A_3277 = arith.cmpi eq, %and3A_3274, %eq3A_3276 : vector<1x32x128xi32>
    %shift_right_arithmetic3A_3278 = arith.constant 12 : i32
    %shift_right_arithmetic3A_3279 = vector.broadcast %shift_right_arithmetic3A_3278 : i32 to vector<1x32x128xi32>
    %shift_right_arithmetic3A_3280 = arith.shrsi %add3A, %shift_right_arithmetic3A_3279 : vector<1x32x128xi32>
    %and3A_3281 = arith.constant 1 : i32
    %and3A_3282 = vector.broadcast %and3A_3281 : i32 to vector<1x32x128xi32>
    %and3A_3283 = arith.andi %shift_right_arithmetic3A_3280, %and3A_3282 : vector<1x32x128xi32>
    %eq3A_3284 = arith.constant 0 : i32
    %eq3A_3285 = vector.broadcast %eq3A_3284 : i32 to vector<1x32x128xi32>
    %eq3A_3286 = arith.cmpi eq, %and3A_3283, %eq3A_3285 : vector<1x32x128xi32>
    %eq3A_3287 = arith.xori %eq3A_3277, %eq3A_3286 : vector<1x32x128xi1>
    %eq3A_3288 = arith.constant dense<true> : vector<1x32x128xi1>
    %eq3A_3289 = arith.xori %eq3A_3287, %eq3A_3288 : vector<1x32x128xi1>
    %roll3A_3290 = arith.constant 24 : i32
    %roll3A_3291 = tpu.dynamic_rotate %select_n3A_3270 by %roll3A_3290 dim 1 : vector<20x32x128xi32>, i32 -> vector<20x32x128xi32>
    %roll3A_3292 = arith.constant 8 : i32
    %roll3A_3293 = tpu.dynamic_rotate %select_n3A_3270 by %roll3A_3292 dim 1 : vector<20x32x128xi32>, i32 -> vector<20x32x128xi32>
    %broadcast_in_dim3A_3294 = vector.shape_cast %eq3A_3277 : vector<1x32x128xi1> to vector<1x32x128xi1>
    %broadcast_in_dim3A_3295 = vector.broadcast %broadcast_in_dim3A_3294 : vector<1x32x128xi1> to vector<20x32x128xi1>
    %select_n3A_3296 = arith.select %broadcast_in_dim3A_3295, %roll3A_3291, %roll3A_3293 : vector<20x32x128xi1>, vector<20x32x128xi32>
    %roll3A_3297 = arith.constant 24 : i32
    %roll3A_3298 = tpu.dynamic_rotate %select_n3A_3271 by %roll3A_3297 dim 1 : vector<20x32x128xi32>, i32 -> vector<20x32x128xi32>
    %roll3A_3299 = arith.constant 8 : i32
    %roll3A_3300 = tpu.dynamic_rotate %select_n3A_3271 by %roll3A_3299 dim 1 : vector<20x32x128xi32>, i32 -> vector<20x32x128xi32>
    %broadcast_in_dim3A_3301 = vector.shape_cast %eq3A_3277 : vector<1x32x128xi1> to vector<1x32x128xi1>
    %broadcast_in_dim3A_3302 = vector.broadcast %broadcast_in_dim3A_3301 : vector<1x32x128xi1> to vector<20x32x128xi1>
    %select_n3A_3303 = arith.select %broadcast_in_dim3A_3302, %roll3A_3298, %roll3A_3300 : vector<20x32x128xi1>, vector<20x32x128xi32>
    %gt3A_3304 = arith.cmpi sgt, %select_n3A_3296, %select_n3A_3270 : vector<20x32x128xi32>
    %eq3A_3305 = arith.cmpi eq, %select_n3A_3296, %select_n3A_3270 : vector<20x32x128xi32>
    %lt3A_3306 = arith.cmpi slt, %select_n3A_3303, %select_n3A_3271 : vector<20x32x128xi32>
    %and3A_3307 = arith.andi %eq3A_3305, %lt3A_3306 : vector<20x32x128xi1>
    %or3A_3308 = arith.ori %gt3A_3304, %and3A_3307 : vector<20x32x128xi1>
    %eq3A_3309 = vector.broadcast %eq3A_3289 : vector<1x32x128xi1> to vector<20x32x128xi1>
    %eq3A_3310 = vector.broadcast %eq3A_3309 : vector<20x32x128xi1> to vector<20x32x128xi1>
    %eq3A_3311 = arith.xori %or3A_3308, %eq3A_3310 : vector<20x32x128xi1>
    %eq3A_3312 = arith.constant dense<true> : vector<20x32x128xi1>
    %eq3A_3313 = arith.xori %eq3A_3311, %eq3A_3312 : vector<20x32x128xi1>
    %select_n3A_3314 = arith.select %eq3A_3313, %select_n3A_3296, %select_n3A_3270 : vector<20x32x128xi1>, vector<20x32x128xi32>
    %select_n3A_3315 = arith.select %eq3A_3313, %select_n3A_3303, %select_n3A_3271 : vector<20x32x128xi1>, vector<20x32x128xi32>
    %and3A_3316 = arith.constant 4 : i32
    %and3A_3317 = vector.broadcast %and3A_3316 : i32 to vector<1x32x128xi32>
    %and3A_3318 = arith.andi %add3A, %and3A_3317 : vector<1x32x128xi32>
    %eq3A_3319 = arith.constant 0 : i32
    %eq3A_3320 = vector.broadcast %eq3A_3319 : i32 to vector<1x32x128xi32>
    %eq3A_3321 = arith.cmpi eq, %and3A_3318, %eq3A_3320 : vector<1x32x128xi32>
    %shift_right_arithmetic3A_3322 = arith.constant 12 : i32
    %shift_right_arithmetic3A_3323 = vector.broadcast %shift_right_arithmetic3A_3322 : i32 to vector<1x32x128xi32>
    %shift_right_arithmetic3A_3324 = arith.shrsi %add3A, %shift_right_arithmetic3A_3323 : vector<1x32x128xi32>
    %and3A_3325 = arith.constant 1 : i32
    %and3A_3326 = vector.broadcast %and3A_3325 : i32 to vector<1x32x128xi32>
    %and3A_3327 = arith.andi %shift_right_arithmetic3A_3324, %and3A_3326 : vector<1x32x128xi32>
    %eq3A_3328 = arith.constant 0 : i32
    %eq3A_3329 = vector.broadcast %eq3A_3328 : i32 to vector<1x32x128xi32>
    %eq3A_3330 = arith.cmpi eq, %and3A_3327, %eq3A_3329 : vector<1x32x128xi32>
    %eq3A_3331 = arith.xori %eq3A_3321, %eq3A_3330 : vector<1x32x128xi1>
    %eq3A_3332 = arith.constant dense<true> : vector<1x32x128xi1>
    %eq3A_3333 = arith.xori %eq3A_3331, %eq3A_3332 : vector<1x32x128xi1>
    %roll3A_3334 = arith.constant 28 : i32
    %roll3A_3335 = tpu.dynamic_rotate %select_n3A_3314 by %roll3A_3334 dim 1 : vector<20x32x128xi32>, i32 -> vector<20x32x128xi32>
    %roll3A_3336 = arith.constant 4 : i32
    %roll3A_3337 = tpu.dynamic_rotate %select_n3A_3314 by %roll3A_3336 dim 1 : vector<20x32x128xi32>, i32 -> vector<20x32x128xi32>
    %broadcast_in_dim3A_3338 = vector.shape_cast %eq3A_3321 : vector<1x32x128xi1> to vector<1x32x128xi1>
    %broadcast_in_dim3A_3339 = vector.broadcast %broadcast_in_dim3A_3338 : vector<1x32x128xi1> to vector<20x32x128xi1>
    %select_n3A_3340 = arith.select %broadcast_in_dim3A_3339, %roll3A_3335, %roll3A_3337 : vector<20x32x128xi1>, vector<20x32x128xi32>
    %roll3A_3341 = arith.constant 28 : i32
    %roll3A_3342 = tpu.dynamic_rotate %select_n3A_3315 by %roll3A_3341 dim 1 : vector<20x32x128xi32>, i32 -> vector<20x32x128xi32>
    %roll3A_3343 = arith.constant 4 : i32
    %roll3A_3344 = tpu.dynamic_rotate %select_n3A_3315 by %roll3A_3343 dim 1 : vector<20x32x128xi32>, i32 -> vector<20x32x128xi32>
    %broadcast_in_dim3A_3345 = vector.shape_cast %eq3A_3321 : vector<1x32x128xi1> to vector<1x32x128xi1>
    %broadcast_in_dim3A_3346 = vector.broadcast %broadcast_in_dim3A_3345 : vector<1x32x128xi1> to vector<20x32x128xi1>
    %select_n3A_3347 = arith.select %broadcast_in_dim3A_3346, %roll3A_3342, %roll3A_3344 : vector<20x32x128xi1>, vector<20x32x128xi32>
    %gt3A_3348 = arith.cmpi sgt, %select_n3A_3340, %select_n3A_3314 : vector<20x32x128xi32>
    %eq3A_3349 = arith.cmpi eq, %select_n3A_3340, %select_n3A_3314 : vector<20x32x128xi32>
    %lt3A_3350 = arith.cmpi slt, %select_n3A_3347, %select_n3A_3315 : vector<20x32x128xi32>
    %and3A_3351 = arith.andi %eq3A_3349, %lt3A_3350 : vector<20x32x128xi1>
    %or3A_3352 = arith.ori %gt3A_3348, %and3A_3351 : vector<20x32x128xi1>
    %eq3A_3353 = vector.broadcast %eq3A_3333 : vector<1x32x128xi1> to vector<20x32x128xi1>
    %eq3A_3354 = vector.broadcast %eq3A_3353 : vector<20x32x128xi1> to vector<20x32x128xi1>
    %eq3A_3355 = arith.xori %or3A_3352, %eq3A_3354 : vector<20x32x128xi1>
    %eq3A_3356 = arith.constant dense<true> : vector<20x32x128xi1>
    %eq3A_3357 = arith.xori %eq3A_3355, %eq3A_3356 : vector<20x32x128xi1>
    %select_n3A_3358 = arith.select %eq3A_3357, %select_n3A_3340, %select_n3A_3314 : vector<20x32x128xi1>, vector<20x32x128xi32>
    %select_n3A_3359 = arith.select %eq3A_3357, %select_n3A_3347, %select_n3A_3315 : vector<20x32x128xi1>, vector<20x32x128xi32>
    %and3A_3360 = arith.constant 2 : i32
    %and3A_3361 = vector.broadcast %and3A_3360 : i32 to vector<1x32x128xi32>
    %and3A_3362 = arith.andi %add3A, %and3A_3361 : vector<1x32x128xi32>
    %eq3A_3363 = arith.constant 0 : i32
    %eq3A_3364 = vector.broadcast %eq3A_3363 : i32 to vector<1x32x128xi32>
    %eq3A_3365 = arith.cmpi eq, %and3A_3362, %eq3A_3364 : vector<1x32x128xi32>
    %shift_right_arithmetic3A_3366 = arith.constant 12 : i32
    %shift_right_arithmetic3A_3367 = vector.broadcast %shift_right_arithmetic3A_3366 : i32 to vector<1x32x128xi32>
    %shift_right_arithmetic3A_3368 = arith.shrsi %add3A, %shift_right_arithmetic3A_3367 : vector<1x32x128xi32>
    %and3A_3369 = arith.constant 1 : i32
    %and3A_3370 = vector.broadcast %and3A_3369 : i32 to vector<1x32x128xi32>
    %and3A_3371 = arith.andi %shift_right_arithmetic3A_3368, %and3A_3370 : vector<1x32x128xi32>
    %eq3A_3372 = arith.constant 0 : i32
    %eq3A_3373 = vector.broadcast %eq3A_3372 : i32 to vector<1x32x128xi32>
    %eq3A_3374 = arith.cmpi eq, %and3A_3371, %eq3A_3373 : vector<1x32x128xi32>
    %eq3A_3375 = arith.xori %eq3A_3365, %eq3A_3374 : vector<1x32x128xi1>
    %eq3A_3376 = arith.constant dense<true> : vector<1x32x128xi1>
    %eq3A_3377 = arith.xori %eq3A_3375, %eq3A_3376 : vector<1x32x128xi1>
    %roll3A_3378 = arith.constant 30 : i32
    %roll3A_3379 = tpu.dynamic_rotate %select_n3A_3358 by %roll3A_3378 dim 1 : vector<20x32x128xi32>, i32 -> vector<20x32x128xi32>
    %roll3A_3380 = arith.constant 2 : i32
    %roll3A_3381 = tpu.dynamic_rotate %select_n3A_3358 by %roll3A_3380 dim 1 : vector<20x32x128xi32>, i32 -> vector<20x32x128xi32>
    %broadcast_in_dim3A_3382 = vector.shape_cast %eq3A_3365 : vector<1x32x128xi1> to vector<1x32x128xi1>
    %broadcast_in_dim3A_3383 = vector.broadcast %broadcast_in_dim3A_3382 : vector<1x32x128xi1> to vector<20x32x128xi1>
    %select_n3A_3384 = arith.select %broadcast_in_dim3A_3383, %roll3A_3379, %roll3A_3381 : vector<20x32x128xi1>, vector<20x32x128xi32>
    %roll3A_3385 = arith.constant 30 : i32
    %roll3A_3386 = tpu.dynamic_rotate %select_n3A_3359 by %roll3A_3385 dim 1 : vector<20x32x128xi32>, i32 -> vector<20x32x128xi32>
    %roll3A_3387 = arith.constant 2 : i32
    %roll3A_3388 = tpu.dynamic_rotate %select_n3A_3359 by %roll3A_3387 dim 1 : vector<20x32x128xi32>, i32 -> vector<20x32x128xi32>
    %broadcast_in_dim3A_3389 = vector.shape_cast %eq3A_3365 : vector<1x32x128xi1> to vector<1x32x128xi1>
    %broadcast_in_dim3A_3390 = vector.broadcast %broadcast_in_dim3A_3389 : vector<1x32x128xi1> to vector<20x32x128xi1>
    %select_n3A_3391 = arith.select %broadcast_in_dim3A_3390, %roll3A_3386, %roll3A_3388 : vector<20x32x128xi1>, vector<20x32x128xi32>
    %gt3A_3392 = arith.cmpi sgt, %select_n3A_3384, %select_n3A_3358 : vector<20x32x128xi32>
    %eq3A_3393 = arith.cmpi eq, %select_n3A_3384, %select_n3A_3358 : vector<20x32x128xi32>
    %lt3A_3394 = arith.cmpi slt, %select_n3A_3391, %select_n3A_3359 : vector<20x32x128xi32>
    %and3A_3395 = arith.andi %eq3A_3393, %lt3A_3394 : vector<20x32x128xi1>
    %or3A_3396 = arith.ori %gt3A_3392, %and3A_3395 : vector<20x32x128xi1>
    %eq3A_3397 = vector.broadcast %eq3A_3377 : vector<1x32x128xi1> to vector<20x32x128xi1>
    %eq3A_3398 = vector.broadcast %eq3A_3397 : vector<20x32x128xi1> to vector<20x32x128xi1>
    %eq3A_3399 = arith.xori %or3A_3396, %eq3A_3398 : vector<20x32x128xi1>
    %eq3A_3400 = arith.constant dense<true> : vector<20x32x128xi1>
    %eq3A_3401 = arith.xori %eq3A_3399, %eq3A_3400 : vector<20x32x128xi1>
    %select_n3A_3402 = arith.select %eq3A_3401, %select_n3A_3384, %select_n3A_3358 : vector<20x32x128xi1>, vector<20x32x128xi32>
    %select_n3A_3403 = arith.select %eq3A_3401, %select_n3A_3391, %select_n3A_3359 : vector<20x32x128xi1>, vector<20x32x128xi32>
    %and3A_3404 = arith.constant 1 : i32
    %and3A_3405 = vector.broadcast %and3A_3404 : i32 to vector<1x32x128xi32>
    %and3A_3406 = arith.andi %add3A, %and3A_3405 : vector<1x32x128xi32>
    %eq3A_3407 = arith.constant 0 : i32
    %eq3A_3408 = vector.broadcast %eq3A_3407 : i32 to vector<1x32x128xi32>
    %eq3A_3409 = arith.cmpi eq, %and3A_3406, %eq3A_3408 : vector<1x32x128xi32>
    %shift_right_arithmetic3A_3410 = arith.constant 12 : i32
    %shift_right_arithmetic3A_3411 = vector.broadcast %shift_right_arithmetic3A_3410 : i32 to vector<1x32x128xi32>
    %shift_right_arithmetic3A_3412 = arith.shrsi %add3A, %shift_right_arithmetic3A_3411 : vector<1x32x128xi32>
    %and3A_3413 = arith.constant 1 : i32
    %and3A_3414 = vector.broadcast %and3A_3413 : i32 to vector<1x32x128xi32>
    %and3A_3415 = arith.andi %shift_right_arithmetic3A_3412, %and3A_3414 : vector<1x32x128xi32>
    %eq3A_3416 = arith.constant 0 : i32
    %eq3A_3417 = vector.broadcast %eq3A_3416 : i32 to vector<1x32x128xi32>
    %eq3A_3418 = arith.cmpi eq, %and3A_3415, %eq3A_3417 : vector<1x32x128xi32>
    %eq3A_3419 = arith.xori %eq3A_3409, %eq3A_3418 : vector<1x32x128xi1>
    %eq3A_3420 = arith.constant dense<true> : vector<1x32x128xi1>
    %eq3A_3421 = arith.xori %eq3A_3419, %eq3A_3420 : vector<1x32x128xi1>
    %roll3A_3422 = arith.constant 31 : i32
    %roll3A_3423 = tpu.dynamic_rotate %select_n3A_3402 by %roll3A_3422 dim 1 : vector<20x32x128xi32>, i32 -> vector<20x32x128xi32>
    %roll3A_3424 = arith.constant 1 : i32
    %roll3A_3425 = tpu.dynamic_rotate %select_n3A_3402 by %roll3A_3424 dim 1 : vector<20x32x128xi32>, i32 -> vector<20x32x128xi32>
    %broadcast_in_dim3A_3426 = vector.shape_cast %eq3A_3409 : vector<1x32x128xi1> to vector<1x32x128xi1>
    %broadcast_in_dim3A_3427 = vector.broadcast %broadcast_in_dim3A_3426 : vector<1x32x128xi1> to vector<20x32x128xi1>
    %select_n3A_3428 = arith.select %broadcast_in_dim3A_3427, %roll3A_3423, %roll3A_3425 : vector<20x32x128xi1>, vector<20x32x128xi32>
    %roll3A_3429 = arith.constant 31 : i32
    %roll3A_3430 = tpu.dynamic_rotate %select_n3A_3403 by %roll3A_3429 dim 1 : vector<20x32x128xi32>, i32 -> vector<20x32x128xi32>
    %roll3A_3431 = arith.constant 1 : i32
    %roll3A_3432 = tpu.dynamic_rotate %select_n3A_3403 by %roll3A_3431 dim 1 : vector<20x32x128xi32>, i32 -> vector<20x32x128xi32>
    %broadcast_in_dim3A_3433 = vector.shape_cast %eq3A_3409 : vector<1x32x128xi1> to vector<1x32x128xi1>
    %broadcast_in_dim3A_3434 = vector.broadcast %broadcast_in_dim3A_3433 : vector<1x32x128xi1> to vector<20x32x128xi1>
    %select_n3A_3435 = arith.select %broadcast_in_dim3A_3434, %roll3A_3430, %roll3A_3432 : vector<20x32x128xi1>, vector<20x32x128xi32>
    %gt3A_3436 = arith.cmpi sgt, %select_n3A_3428, %select_n3A_3402 : vector<20x32x128xi32>
    %eq3A_3437 = arith.cmpi eq, %select_n3A_3428, %select_n3A_3402 : vector<20x32x128xi32>
    %lt3A_3438 = arith.cmpi slt, %select_n3A_3435, %select_n3A_3403 : vector<20x32x128xi32>
    %and3A_3439 = arith.andi %eq3A_3437, %lt3A_3438 : vector<20x32x128xi1>
    %or3A_3440 = arith.ori %gt3A_3436, %and3A_3439 : vector<20x32x128xi1>
    %eq3A_3441 = vector.broadcast %eq3A_3421 : vector<1x32x128xi1> to vector<20x32x128xi1>
    %eq3A_3442 = vector.broadcast %eq3A_3441 : vector<20x32x128xi1> to vector<20x32x128xi1>
    %eq3A_3443 = arith.xori %or3A_3440, %eq3A_3442 : vector<20x32x128xi1>
    %eq3A_3444 = arith.constant dense<true> : vector<20x32x128xi1>
    %eq3A_3445 = arith.xori %eq3A_3443, %eq3A_3444 : vector<20x32x128xi1>
    %select_n3A_3446 = arith.select %eq3A_3445, %select_n3A_3428, %select_n3A_3402 : vector<20x32x128xi1>, vector<20x32x128xi32>
    %select_n3A_3447 = arith.select %eq3A_3445, %select_n3A_3435, %select_n3A_3403 : vector<20x32x128xi1>, vector<20x32x128xi32>
    %swap3A = arith.constant 0 : index
    %swap3A_3448 = arith.constant 0 : index
    %swap3A_3449 = arith.constant 0 : index
    %swap3A_3450 = vector.load %arg3[%swap3A, %swap3A_3448, %swap3A_3449] : memref<20x32x128xi32, #tpu.memory_space<vmem>>, vector<20x32x128xi32>
    tpu.vector_store %arg3[%swap3A, %swap3A_3448, %swap3A_3449], %select_n3A_3446 {strides = array<i32>} : memref<20x32x128xi32, #tpu.memory_space<vmem>>, vector<20x32x128xi32>,
    %swap3A_3451 = arith.constant 0 : index
    %swap3A_3452 = arith.constant 0 : index
    %swap3A_3453 = arith.constant 0 : index
    %swap3A_3454 = vector.load %arg4[%swap3A_3451, %swap3A_3452, %swap3A_3453] : memref<20x32x128xi32, #tpu.memory_space<vmem>>, vector<20x32x128xi32>
    tpu.vector_store %arg4[%swap3A_3451, %swap3A_3452, %swap3A_3453], %select_n3A_3447 {strides = array<i32>} : memref<20x32x128xi32, #tpu.memory_space<vmem>>, vector<20x32x128xi32>,
    return
  }
  func.func @transform_0(%arg0: i32) -> (i32, i32, i32) {
    %c0_i32 = arith.constant 0 : i32
    %c0_i32_0 = arith.constant 0 : i32
    %c0_i32_1 = arith.constant 0 : i32
    return %arg0, %c0_i32, %c0_i32_0 : i32, i32, i32
  }
  func.func @transform_1(%arg0: i32) -> (i32, i32, i32) {
    %c0_i32 = arith.constant 0 : i32
    %c0_i32_0 = arith.constant 0 : i32
    %c0_i32_1 = arith.constant 0 : i32
    return %arg0, %c0_i32, %c0_i32_0 : i32, i32, i32
  }
  func.func @transform_2(%arg0: i32) -> (i32, i32, i32) {
    %c0_i32 = arith.constant 0 : i32
    %c0_i32_0 = arith.constant 0 : i32
    %c0_i32_1 = arith.constant 0 : i32
    return %arg0, %c0_i32, %c0_i32_0 : i32, i32, i32
  }
  func.func @transform_3(%arg0: i32) -> (i32, i32, i32) {
    %c0_i32 = arith.constant 0 : i32
    %c0_i32_0 = arith.constant 0 : i32
    %c0_i32_1 = arith.constant 0 : i32
    return %arg0, %c0_i32, %c0_i32_0 : i32, i32, i32
  }
}

module attributes {stable_mosaic.version = 14 : i64} {
  func.func @_epilogue_kernel(%arg0: i32, %arg1: memref<40x32x128xf32, #tpu.memory_space<vmem>>, %arg2: memref<40x32x128xf32, #tpu.memory_space<vmem>>, %arg3: memref<40x32x128xf32, #tpu.memory_space<vmem>>, %arg4: memref<40x32x128xi32, #tpu.memory_space<vmem>>, %arg5: memref<40x1xf32, #tpu.memory_space<vmem>>, %arg6: memref<40x32x128xf32, #tpu.memory_space<vmem>>, %arg7: memref<40x1xf32, #tpu.memory_space<vmem>>, %arg8: memref<40x1xf32, #tpu.memory_space<vmem>>) attributes {dimension_semantics = [#tpu.dimension_semantics<arbitrary>], iteration_bounds = array<i64: 16>, scalar_prefetch = 0 : i64, scratch_operands = 0 : i64, tpu.core_type = #tpu.core_type<tc>, window_params = [{transform_indices = @transform_0, window_bounds = array<i64: 40, 32, 128>}, {transform_indices = @transform_1, window_bounds = array<i64: 40, 32, 128>}, {transform_indices = @transform_2, window_bounds = array<i64: 40, 32, 128>}, {transform_indices = @transform_3, window_bounds = array<i64: 40, 32, 128>}, {transform_indices = @transform_4, window_bounds = array<i64: 40, 1>}, {transform_indices = @transform_5, window_bounds = array<i64: 40, 32, 128>}, {transform_indices = @transform_6, window_bounds = array<i64: 40, 1>}, {transform_indices = @transform_7, window_bounds = array<i64: 40, 1>}]} {
    %iota3A = tpu.iota {dimensions = array<i32: 1>} : vector<1x32x128xi32>
    %iota3A_0 = tpu.iota {dimensions = array<i32: 2>} : vector<1x32x128xi32>
    %mul3A = arith.constant 32 : i32
    %mul3A_1 = vector.broadcast %mul3A : i32 to vector<1x32x128xi32>
    %mul3A_2 = arith.muli %iota3A_0, %mul3A_1 : vector<1x32x128xi32>
    %add3A = arith.addi %iota3A, %mul3A_2 : vector<1x32x128xi32>
    %get3A = arith.constant 0 : index
    %get3A_3 = arith.constant 0 : index
    %get3A_4 = arith.constant 0 : index
    %get3A_5 = vector.load %arg1[%get3A, %get3A_3, %get3A_4] : memref<40x32x128xf32, #tpu.memory_space<vmem>>, vector<40x32x128xf32>
    %get3A_6 = arith.constant 0 : index
    %get3A_7 = arith.constant 0 : index
    %get3A_8 = arith.constant 0 : index
    %get3A_9 = vector.load %arg2[%get3A_6, %get3A_7, %get3A_8] : memref<40x32x128xf32, #tpu.memory_space<vmem>>, vector<40x32x128xf32>
    %get3A_10 = arith.constant 0 : index
    %get3A_11 = arith.constant 0 : index
    %get3A_12 = arith.constant 0 : index
    %get3A_13 = vector.load %arg3[%get3A_10, %get3A_11, %get3A_12] : memref<40x32x128xf32, #tpu.memory_space<vmem>>, vector<40x32x128xf32>
    %get3A_14 = arith.constant 0 : index
    %get3A_15 = arith.constant 0 : index
    %get3A_16 = vector.load %arg5[%get3A_14, %get3A_15] : memref<40x1xf32, #tpu.memory_space<vmem>>, vector<40x1xf32>
    %reshape3A = vector.shape_cast %get3A_16 : vector<40x1xf32> to vector<40x1x1xf32>
    %sub3A = arith.constant 1.000000e+00 : f32
    %sub3A_17 = vector.broadcast %sub3A : f32 to vector<40x32x128xf32>
    %sub3A_18 = arith.subf %sub3A_17, %get3A_9 : vector<40x32x128xf32>
    %reduce_sum3A = arith.constant dense<0.000000e+00> : vector<40x32xf32>
    %reduce_sum3A_19 = vector.multi_reduction <add>, %sub3A_18, %reduce_sum3A [2] : vector<40x32x128xf32> to vector<40x32xf32>
    %reduce_sum3A_20 = arith.constant dense<0.000000e+00> : vector<40xf32>
    %reduce_sum3A_21 = vector.multi_reduction <add>, %reduce_sum3A_19, %reduce_sum3A_20 [1] : vector<40x32xf32> to vector<40xf32>
    %broadcast_in_dim3A = vector.shape_cast %reduce_sum3A_21 : vector<40xf32> to vector<40x1xf32>
    %mul3A_22 = arith.mulf %get3A_13, %sub3A_18 : vector<40x32x128xf32>
    %reduce_sum3A_23 = arith.constant dense<0.000000e+00> : vector<40x32xf32>
    %reduce_sum3A_24 = vector.multi_reduction <add>, %mul3A_22, %reduce_sum3A_23 [2] : vector<40x32x128xf32> to vector<40x32xf32>
    %reduce_sum3A_25 = arith.constant dense<0.000000e+00> : vector<40xf32>
    %reduce_sum3A_26 = vector.multi_reduction <add>, %reduce_sum3A_24, %reduce_sum3A_25 [1] : vector<40x32xf32> to vector<40xf32>
    %broadcast_in_dim3A_27 = vector.shape_cast %reduce_sum3A_26 : vector<40xf32> to vector<40x1xf32>
    %max3A = arith.constant 1.000000e+00 : f32
    %max3A_28 = vector.broadcast %max3A : f32 to vector<40x1xf32>
    %max3A_29 = arith.maximumf %broadcast_in_dim3A, %max3A_28 : vector<40x1xf32>
    %div3A = arith.divf %broadcast_in_dim3A_27, %max3A_29 : vector<40x1xf32>
    %ge3A = vector.broadcast %reshape3A : vector<40x1x1xf32> to vector<40x32x128xf32>
    %ge3A_30 = arith.cmpf oge, %get3A_13, %ge3A : vector<40x32x128xf32>
    %convert_element_type3A = arith.extui %ge3A_30 : vector<40x32x128xi1> to vector<40x32x128xi32>
    %reduce_sum3A_31 = arith.constant dense<0> : vector<40x32xi32>
    %reduce_sum3A_32 = vector.multi_reduction <add>, %convert_element_type3A, %reduce_sum3A_31 [2] : vector<40x32x128xi32> to vector<40x32xi32>
    %reduce_sum3A_33 = arith.constant dense<0> : vector<40xi32>
    %reduce_sum3A_34 = vector.multi_reduction <add>, %reduce_sum3A_32, %reduce_sum3A_33 [1] : vector<40x32xi32> to vector<40xi32>
    %broadcast_in_dim3A_35 = vector.shape_cast %reduce_sum3A_34 : vector<40xi32> to vector<40x1xi32>
    %sub3A_36 = arith.constant 1 : i32
    %sub3A_37 = vector.broadcast %sub3A_36 : i32 to vector<40x1xi32>
    %sub3A_38 = arith.subi %broadcast_in_dim3A_35, %sub3A_37 : vector<40x1xi32>
    %jit3A = arith.constant 0 : i32
    %jit3A_39 = arith.constant 4095 : i32
    %max3A_40 = vector.broadcast %jit3A : i32 to vector<40x1xi32>
    %max3A_41 = arith.maxsi %max3A_40, %sub3A_38 : vector<40x1xi32>
    %min3A = vector.broadcast %jit3A_39 : i32 to vector<40x1xi32>
    %min3A_42 = arith.minsi %min3A, %max3A_41 : vector<40x1xi32>
    %reshape3A_43 = vector.shape_cast %min3A_42 : vector<40x1xi32> to vector<40x1x1xi32>
    %eq3A = vector.broadcast %add3A : vector<1x32x128xi32> to vector<40x32x128xi32>
    %eq3A_44 = vector.broadcast %reshape3A_43 : vector<40x1x1xi32> to vector<40x32x128xi32>
    %eq3A_45 = arith.cmpi eq, %eq3A, %eq3A_44 : vector<40x32x128xi32>
    %get3A_46 = arith.constant 0 : index
    %get3A_47 = arith.constant 0 : index
    %get3A_48 = arith.constant 0 : index
    %get3A_49 = vector.load %arg4[%get3A_46, %get3A_47, %get3A_48] : memref<40x32x128xi32, #tpu.memory_space<vmem>>, vector<40x32x128xi32>
    %jit3A_50 = arith.constant 0 : i32
    %broadcast_in_dim3A_51 = vector.broadcast %jit3A_50 : i32 to vector<40x32x128xi32>
    %select_n3A = arith.select %eq3A_45, %get3A_49, %broadcast_in_dim3A_51 : vector<40x32x128xi1>, vector<40x32x128xi32>
    %reduce_sum3A_52 = arith.constant dense<0> : vector<40x32xi32>
    %reduce_sum3A_53 = vector.multi_reduction <add>, %select_n3A, %reduce_sum3A_52 [2] : vector<40x32x128xi32> to vector<40x32xi32>
    %reduce_sum3A_54 = arith.constant dense<0> : vector<40xi32>
    %reduce_sum3A_55 = vector.multi_reduction <add>, %reduce_sum3A_53, %reduce_sum3A_54 [1] : vector<40x32xi32> to vector<40xi32>
    %broadcast_in_dim3A_56 = vector.shape_cast %reduce_sum3A_55 : vector<40xi32> to vector<40x1xi32>
    %lt3A = arith.constant 0 : i32
    %lt3A_57 = vector.broadcast %lt3A : i32 to vector<40x1xi32>
    %lt3A_58 = arith.cmpi slt, %broadcast_in_dim3A_56, %lt3A_57 : vector<40x1xi32>
    %xor3A = arith.constant 2147483647 : i32
    %xor3A_59 = vector.broadcast %xor3A : i32 to vector<40x1xi32>
    %xor3A_60 = arith.xori %broadcast_in_dim3A_56, %xor3A_59 : vector<40x1xi32>
    %select_n3A_61 = arith.select %lt3A_58, %xor3A_60, %broadcast_in_dim3A_56 : vector<40x1xi1>, vector<40x1xi32>
    %bitcast_convert_type3A = tpu.bitcast %select_n3A_61 : vector<40x1xi32> -> vector<40x1xf32>
    %reshape3A_62 = vector.shape_cast %bitcast_convert_type3A : vector<40x1xf32> to vector<40x1x1xf32>
    %ge3A_63 = vector.broadcast %reshape3A_62 : vector<40x1x1xf32> to vector<40x32x128xf32>
    %ge3A_64 = arith.cmpf oge, %get3A_5, %ge3A_63 : vector<40x32x128xf32>
    %convert_element_type3A_65 = arith.extui %ge3A_64 : vector<40x32x128xi1> to vector<40x32x128xi32>
    %convert_element_type3A_66 = arith.sitofp %convert_element_type3A_65 : vector<40x32x128xi32> to vector<40x32x128xf32>
    %mul3A_67 = arith.mulf %get3A_9, %convert_element_type3A_66 : vector<40x32x128xf32>
    %swap3A = arith.constant 0 : index
    %swap3A_68 = arith.constant 0 : index
    %swap3A_69 = arith.constant 0 : index
    %swap3A_70 = vector.load %arg6[%swap3A, %swap3A_68, %swap3A_69] : memref<40x32x128xf32, #tpu.memory_space<vmem>>, vector<40x32x128xf32>
    tpu.vector_store %arg6[%swap3A, %swap3A_68, %swap3A_69], %mul3A_67 {strides = array<i32>} : memref<40x32x128xf32, #tpu.memory_space<vmem>>, vector<40x32x128xf32>,
    %get3A_71 = arith.constant 0 : index
    %get3A_72 = arith.constant 0 : index
    %get3A_73 = vector.load %arg5[%get3A_71, %get3A_72] : memref<40x1xf32, #tpu.memory_space<vmem>>, vector<40x1xf32>
    %reshape3A_74 = vector.shape_cast %get3A_73 : vector<40x1xf32> to vector<2x20xf32>
    %reshape3A_75 = vector.shape_cast %div3A : vector<40x1xf32> to vector<2x20xf32>
    %reduce_max3A = arith.constant dense<0xFF800000> : vector<2xf32>
    %reduce_max3A_76 = vector.multi_reduction <maximumf>, %reshape3A_74, %reduce_max3A [1] : vector<2x20xf32> to vector<2xf32>
    %broadcast_in_dim3A_77 = vector.shape_cast %reduce_max3A_76 : vector<2xf32> to vector<2x1xf32>
    %sub3A_78 = vector.broadcast %broadcast_in_dim3A_77 : vector<2x1xf32> to vector<2x20xf32>
    %sub3A_79 = arith.subf %reshape3A_74, %sub3A_78 : vector<2x20xf32>
    %exp3A = math.exp %sub3A_79 : vector<2x20xf32>
    %reduce_sum3A_80 = arith.constant dense<0.000000e+00> : vector<2xf32>
    %reduce_sum3A_81 = vector.multi_reduction <add>, %exp3A, %reduce_sum3A_80 [1] : vector<2x20xf32> to vector<2xf32>
    %broadcast_in_dim3A_82 = vector.shape_cast %reduce_sum3A_81 : vector<2xf32> to vector<2x1xf32>
    %div3A_83 = vector.broadcast %broadcast_in_dim3A_82 : vector<2x1xf32> to vector<2x20xf32>
    %div3A_84 = arith.divf %exp3A, %div3A_83 : vector<2x20xf32>
    %reshape3A_85 = vector.shape_cast %div3A_84 : vector<2x20xf32> to vector<40x1xf32>
    %swap3A_86 = arith.constant 0 : index
    %swap3A_87 = arith.constant 0 : index
    %swap3A_88 = vector.load %arg7[%swap3A_86, %swap3A_87] : memref<40x1xf32, #tpu.memory_space<vmem>>, vector<40x1xf32>
    tpu.vector_store %arg7[%swap3A_86, %swap3A_87], %reshape3A_85 {strides = array<i32>} : memref<40x1xf32, #tpu.memory_space<vmem>>, vector<40x1xf32>,
    %reduce_max3A_89 = arith.constant dense<0xFF800000> : vector<2xf32>
    %reduce_max3A_90 = vector.multi_reduction <maximumf>, %reshape3A_75, %reduce_max3A_89 [1] : vector<2x20xf32> to vector<2xf32>
    %broadcast_in_dim3A_91 = vector.shape_cast %reduce_max3A_90 : vector<2xf32> to vector<2x1xf32>
    %sub3A_92 = vector.broadcast %broadcast_in_dim3A_91 : vector<2x1xf32> to vector<2x20xf32>
    %sub3A_93 = arith.subf %reshape3A_75, %sub3A_92 : vector<2x20xf32>
    %exp3A_94 = math.exp %sub3A_93 : vector<2x20xf32>
    %reduce_sum3A_95 = arith.constant dense<0.000000e+00> : vector<2xf32>
    %reduce_sum3A_96 = vector.multi_reduction <add>, %exp3A_94, %reduce_sum3A_95 [1] : vector<2x20xf32> to vector<2xf32>
    %broadcast_in_dim3A_97 = vector.shape_cast %reduce_sum3A_96 : vector<2xf32> to vector<2x1xf32>
    %div3A_98 = vector.broadcast %broadcast_in_dim3A_97 : vector<2x1xf32> to vector<2x20xf32>
    %div3A_99 = arith.divf %exp3A_94, %div3A_98 : vector<2x20xf32>
    %reshape3A_100 = vector.shape_cast %div3A_99 : vector<2x20xf32> to vector<40x1xf32>
    %swap3A_101 = arith.constant 0 : index
    %swap3A_102 = arith.constant 0 : index
    %swap3A_103 = vector.load %arg8[%swap3A_101, %swap3A_102] : memref<40x1xf32, #tpu.memory_space<vmem>>, vector<40x1xf32>
    tpu.vector_store %arg8[%swap3A_101, %swap3A_102], %reshape3A_100 {strides = array<i32>} : memref<40x1xf32, #tpu.memory_space<vmem>>, vector<40x1xf32>,
    return
  }
  func.func @transform_0(%arg0: i32) -> (i32, i32, i32) {
    %c0_i32 = arith.constant 0 : i32
    %c0_i32_0 = arith.constant 0 : i32
    %c0_i32_1 = arith.constant 0 : i32
    return %arg0, %c0_i32, %c0_i32_0 : i32, i32, i32
  }
  func.func @transform_1(%arg0: i32) -> (i32, i32, i32) {
    %c0_i32 = arith.constant 0 : i32
    %c0_i32_0 = arith.constant 0 : i32
    %c0_i32_1 = arith.constant 0 : i32
    return %arg0, %c0_i32, %c0_i32_0 : i32, i32, i32
  }
  func.func @transform_2(%arg0: i32) -> (i32, i32, i32) {
    %c0_i32 = arith.constant 0 : i32
    %c0_i32_0 = arith.constant 0 : i32
    %c0_i32_1 = arith.constant 0 : i32
    return %arg0, %c0_i32, %c0_i32_0 : i32, i32, i32
  }
  func.func @transform_3(%arg0: i32) -> (i32, i32, i32) {
    %c0_i32 = arith.constant 0 : i32
    %c0_i32_0 = arith.constant 0 : i32
    %c0_i32_1 = arith.constant 0 : i32
    return %arg0, %c0_i32, %c0_i32_0 : i32, i32, i32
  }
  func.func @transform_4(%arg0: i32) -> (i32, i32) {
    %c0_i32 = arith.constant 0 : i32
    %c0_i32_0 = arith.constant 0 : i32
    return %arg0, %c0_i32 : i32, i32
  }
  func.func @transform_5(%arg0: i32) -> (i32, i32, i32) {
    %c0_i32 = arith.constant 0 : i32
    %c0_i32_0 = arith.constant 0 : i32
    %c0_i32_1 = arith.constant 0 : i32
    return %arg0, %c0_i32, %c0_i32_0 : i32, i32, i32
  }
  func.func @transform_6(%arg0: i32) -> (i32, i32) {
    %c0_i32 = arith.constant 0 : i32
    %c0_i32_0 = arith.constant 0 : i32
    return %arg0, %c0_i32 : i32, i32
  }
  func.func @transform_7(%arg0: i32) -> (i32, i32) {
    %c0_i32 = arith.constant 0 : i32
    %c0_i32_0 = arith.constant 0 : i32
    return %arg0, %c0_i32 : i32, i32
  }
}

</mosaic_0001>

<sc_bundles>
// kernel: kernel.5.cloned.1.call-start
scs
__scs_entry_jumppad:
0x0: {  	(pc) =	sbr.rel $0x88, $3  }
0x1: {  	(tag) =	ssettag $0x0;
	lr =	simm.s32 $0x1  }
0x2: {  	[smem:$0x3F9E] =	sst lr;
	_ =	strace $0xD0000000  }
0x3: {  	_ = 	snop  }
0x4: {  	_ = 	snop  }
0x5: {  	_ = 	snop  }
0x6: {  	_ = 	snop  }
0x7: {  	_ = 	snop  }
__scs_overlays_trampoline_lowered:
0x8: {  	[smem:$0x3FAD] =	sst s0  }
0x9: {  	[smem:$0x3FAE] =	sst s1  }
0xa: {  	[smem:$0x3FAF] =	sst s2  }
0xb: {  	[smem:$0x3FB0] =	sst s3  }
0xc: {  	[smem:$0x3FB1] =	sst s4  }
0xd: {  	[smem:$0x3FB2] =	sst s5  }
0xe: {  	[smem:$0x3FB3] =	sst s6  }
0xf: {  	[smem:$0x3FB4] =	sst s7  }
0x10: {  	[smem:$0x3FB5] =	sst s8  }
0x11: {  	[smem:$0x3FB6] =	sst s9;
	s0 =	simm.s32 @!p0 $0x0  }
0x12: {  	s1 =	sld [smem:$0x3F9C];
	s0 =	simm.s32 @p0 $0x1  }
0x13: {  	[smem:$0x3FB7] =	sst s0;
	s0 =	simm.s32 @!p1 $0x0  }
0x14: {  	s2 =	sld [smem:$0x3F9B];
	s0 =	simm.s32 @p1 $0x1  }
0x15: {  	[smem:$0x3FB8] =	sst s0;
	s0 =	simm.s32 @!p2 $0x0  }
0x16: {  	s3 =	sld [smem:$0x3FDB];
	s0 =	simm.s32 @p2 $0x1  }
0x17: {  	s4 =	simm.s32 $0x1BF5;
	[smem:$0x3FBA] =	sst s0  }
0x18: {  	s0 =	sld [smem:$0x3F9D];
	_ =	swait.ge [sflag:s4], $0x0  }
0x19: {  	s7 =	sld [smem:$0x3F9E]  }
0x1a: {  	s8 =	sadd.s32 $0xFFFFE003, lr  }
0x1b: {  	s9 =	sadd.s32 $0xFFFFFEF7, lr;
	s5 =	simm.s32 $0xFFFFFFFF;
	p2 =	slt.u32 s8, $0xFFFFF086  }
0x1c: {  	p1 =	slt.u32 s9, $0xF7A;
	s5 =	simm.s32 @!p2 $0x0  }
0x1d: {  	s5 =	simm.s32 @p1 $0x1;
	p0 =	seq.s32 s7, s2  }
0x1e: {  	s7 =	smul.u32 @!p0 $0xF7A, s2;
	p2 =	seq.s32 @!p0 s5, $0x0  }
0x1f: {  	s9 =	smul.u32 $0xF7A, s1;
	s8 =	simm.s32 @!p0 $0x1BF5;
	p2 =	por !p2, p0  }
0x20: {  	[sflag:s8] =	ssyncset.s32 @!p0 $0xFFFFF086;
	s6 =	sadd.s32 @!p0 s3, s7;
	s7 =	simm.s32 @!p0 $0x108  }
0x21: {  	s3 =	sadd.s32 s3, s9;
	s6 =	sadd.s32 @!p0 $0x88, s6;
	s7 =	simm.s32 @p2 $0x1082  }
0x22: {  	[simem:s7], [sflag:s8] =	dma.local @!p0 [hbm:s6], $0xF7A  }
0x23: {  	s9 =	sor.u32 $0xD0000000, s2;
	s6 =	simm.s32 $0x108;
	_ =	swait.ge @!p0 [sflag:s8], $0x0  }
0x24: {  	s3 =	sadd.s32 $0x88, s3;
	s6 =	simm.s32 @!p1 $0x1082;
	[sflag:s4] =	ssyncset.s32 $0xFFFFF086  }
0x25: {  	[simem:s6], [sflag:s4] =	dma.local [hbm:s3], $0xF7A  }
0x26: {  	[smem:$0x3F9E] =	sst s1;
	(tag) =	ssettag s2;
	_ =	strace s9  }
0x27: {  	s1 =	sld [smem:$0x3FAE]  }
0x28: {  	s2 =	sld [smem:$0x3FAF]  }
0x29: {  	s4 =	sld [smem:$0x3FB1]  }
0x2a: {  	p0 =	seq.s32 s5, $0x0;
	s5 =	sld [smem:$0x3FB2]  }
0x2b: {  	s6 =	sld [smem:$0x3FB3]  }
0x2c: {  	s7 =	sld [smem:$0x3FB4]  }
0x2d: {  	s3 =	simm.s32 $0x108;
	s8 =	sld [smem:$0x3FB5]  }
0x2e: {  	s3 =	simm.s32 @!p0 $0x1082;
	s9 =	sld [smem:$0x3FB6]  }
0x2f: {  	lr =	sadd.s32 s0, s3;
	s0 =	sld [smem:$0x3FAD]  }
0x30: {  	s3 =	sld [smem:$0x3FB0]  }
0x31: {  	[smem:$0x3FB9] =	sst s10  }
0x32: {  	s10 =	sld [smem:$0x3FB7];
	_ =	sdelay $0x3  }
0x33: {  	p0 =	seq.s32 s10, $0x1;
	s10 =	sld [smem:$0x3FB9];
	_ =	sdelay $0x3  }
0x34: {  	[smem:$0x3FB9] =	sst s10  }
0x35: {  	s10 =	sld [smem:$0x3FB8];
	_ =	sdelay $0x3  }
0x36: {  	p1 =	seq.s32 s10, $0x1;
	s10 =	sld [smem:$0x3FB9];
	_ =	sdelay $0x3  }
0x37: {  	[smem:$0x3FB9] =	sst s10  }
0x38: {  	s10 =	sld [smem:$0x3FBA]  }
0x39: {  	_ = 	snop;
	(pc) =	sbr.ind lr, $3  }
0x3a: {  	_ = 	snop  }
0x3b: {  	_ = 	snop  }
0x3c: {  	p2 =	seq.s32 s10, $0x1;
	s10 =	sld [smem:$0x3FB9]  }
0x3d: {  	_ =	shalt  }
0x3e: {  	_ =	shalt  }
0x3f: {  	_ =	shalt  }
0x40: {  	_ =	shalt  }
0x41: {  	_ =	shalt  }
0x42: {  	_ =	shalt  }
0x43: {  	_ =	shalt  }
0x44: {  	_ =	shalt  }
0x45: {  	_ =	shalt  }
0x46: {  	_ =	shalt  }
0x47: {  	_ =	shalt  }
0x48: {  	_ =	shalt  }
0x49: {  	_ =	shalt  }
0x4a: {  	_ =	shalt  }
0x4b: {  	_ =	shalt  }
0x4c: {  	_ =	shalt  }
0x4d: {  	_ =	shalt  }
0x4e: {  	_ =	shalt  }
0x4f: {  	_ =	shalt  }
0x50: {  	_ =	shalt  }
0x51: {  	_ =	shalt  }
0x52: {  	_ =	shalt  }
0x53: {  	_ =	shalt  }
0x54: {  	_ =	shalt  }
0x55: {  	_ =	shalt  }
0x56: {  	_ =	shalt  }
0x57: {  	_ =	shalt  }
0x58: {  	_ =	shalt  }
0x59: {  	_ =	shalt  }
0x5a: {  	_ =	shalt  }
0x5b: {  	_ =	shalt  }
0x5c: {  	_ =	shalt  }
0x5d: {  	_ =	shalt  }
0x5e: {  	_ =	shalt  }
0x5f: {  	_ =	shalt  }
0x60: {  	_ =	shalt  }
0x61: {  	_ =	shalt  }
0x62: {  	_ =	shalt  }
0x63: {  	_ =	shalt  }
0x64: {  	_ =	shalt  }
0x65: {  	_ =	shalt  }
0x66: {  	_ =	shalt  }
0x67: {  	_ =	shalt  }
0x68: {  	_ =	shalt  }
0x69: {  	_ =	shalt  }
0x6a: {  	_ =	shalt  }
0x6b: {  	_ =	shalt  }
0x6c: {  	_ =	shalt  }
0x6d: {  	_ =	shalt  }
0x6e: {  	_ =	shalt  }
0x6f: {  	_ =	shalt  }
0x70: {  	_ =	shalt  }
0x71: {  	_ =	shalt  }
0x72: {  	_ =	shalt  }
0x73: {  	_ =	shalt  }
0x74: {  	_ =	shalt  }
0x75: {  	_ =	shalt  }
0x76: {  	_ =	shalt  }
0x77: {  	_ =	shalt  }
0x78: {  	_ =	shalt  }
0x79: {  	_ =	shalt  }
0x7a: {  	_ =	shalt  }
0x7b: {  	_ =	shalt  }
0x7c: {  	_ =	shalt  }
0x7d: {  	_ =	shalt  }
0x7e: {  	_ =	shalt  }
0x7f: {  	_ =	shalt  }
0x80: {  	_ =	shalt  }
0x81: {  	_ =	shalt  }
0x82: {  	_ =	shalt  }
0x83: {  	_ =	shalt  }
0x84: {  	_ =	shalt  }
0x85: {  	_ =	shalt  }
0x86: {  	_ =	shalt  }
0x87: {  	_ =	shalt  }
.Lfunc_end0:
.L_simem_size_0:
called_computation_lowered:
.L_overlay_start_0:
0x88: {  	s2 =	sld [smem:$0x3FD9]  }
0x89: {  	s3 =	sld [smem:$0x3FFE];
	_ =	sdelay $0x1  }
0x8a: {  	s1 =	srdreg.scid  }
0x8b: {  	s0 =	sand.u32 $0x1, s1  }
0x8c: {  	s16 =	sshll.u32 s0, $0xA;
	s2 =	sadd.s32 s3, s2  }
0x8d: {  	s2 =	sadd.s32 s2, s16  }
0x8e: {  	[smem:$0x3FC5] =	sst s2  }
0x8f: {  	_ = 	snop  }
0x90: {  	(tm) =	ssettm $0x1  }
0x91: {  	s17 =	sld [smem:$0x3FFB];
	_ =	sdelay $0x3  }
0x92: {  	_ =	strace s17  }
0x93: {  	s2 =	sld [smem:$0x3FFC];
	_ =	sdelay $0x3  }
0x94: {  	_ =	strace s2  }
0x95: {  	s2 =	sld [smem:$0x3FFD];
	_ =	sdelay $0x3  }
0x96: {  	_ =	strace s2  }
0x97: {  	_ =	strace $0x8FFFFFFF  }
0x98: {  	s18 =	sld [smem:$0x3FDB];
	_ =	sdelay $0x1  }
0x99: {  	s19 =	simm.s32 $_scs_section_size  }
0x9a: {  	s4 =	simm.s32 $_size__tile_overlayer_lowered;
	s5 =	simm.s32 $_tile_overlayer_lowered  }
0x9b: {  	s22 =	simm.s32 $0x1BFF;
	s21 =	sshll.u32 s5, $0x1;
	s2 =	sadd.s32 s19, s18  }
0x9c: {  	s6 =	simm.s32 $0x0;
	s20 =	sshll.u32 s4, $0x1;
	s4 =	sadd.s32 s21, s2  }
0x9d: {  	[timem:s6], [sflag:s22] =	dma.local [hbm:s4], s20  }
0x9e: {  	_ =	swait.ge [sflag:s22], s20  }
0x9f: {  	s3 =	ssub.s32 $0x0, s20;
	[sflag:s22] =	ssyncset.done $0x0  }
0xa0: {  	[sflag:s22] =	ssyncadd.s32 s3;
	_ =	sdelay $0x1  }
0xa1: {  	s23 =	simm.s32 $0x1B8B  }
0xa2: {  	_ =	swait.ge [sflag:s23], $0x1  }
0xa3: {  	[sflag:s23] =	ssyncset.done $0x0  }
0xa4: {  	s25 =	simm.s32 $0x1B8E;
	s24 =	sld [smem:$0x3FFE];
	[sflag:s23] =	ssyncadd.s32 $0xFFFFFFFF  }
0xa5: {  	s26 =	simm.s32 $execute0_lowered;
	[smem:$0x3FD2] =	sst s25  }
0xa6: {  	s4 =	sshll.u32 s26, $0x1;
	_ =	strace $0x80000046;
	[dreg:$0x1] =	wrdreg $0xFFFFFFFF  }
0xa7: {  	s28 =	simm.s32 $_size_execute0_lowered;
	s2 =	sadd.s32 s2, s4;
	[dreg:$0x0] =	wrdreg $0x0  }
0xa8: {  	s4 =	sshll.u32 s28, $0x1;
	[dreg:$0x2] =	wrdreg s2  }
0xa9: {  	[dreg:$0x3] =	wrdreg s4  }
0xaa: {  	[dreg:$0x4] =	wrdreg $0xC0  }
0xab: {  	_ =	task [dreg:s6], $0x5FFFF  }
0xac: {  	[dreg:$0x1] =	wrdreg $0xFFFFFFFF  }
0xad: {  	[dreg:$0x0] =	wrdreg $0x60  }
0xae: {  	[dreg:$0x2] =	wrdreg s24  }
0xaf: {  	[dreg:$0x3] =	wrdreg $0x9  }
0xb0: {  	_ =	task.clear_ibuf [dreg:s6], $0x4FFFF;
	_ =	strace $0x90000046  }
0xb1: {  	s29 =	simm.s32 $0x9;
	_ =	strace $0x80000048  }
0xb2: {  	_ =	swait.ge [sflag:s29], $0x1  }
0xb3: {  	[sflag:s29] =	ssyncadd.s32 $0xFFFFFFFF  }
0xb4: {  	_ =	strace $0x90000048  }
0xb5: {  	_ =	sfence  }
0xb6: {  	s30 =	sld [smem:$0x0];
	_ =	sdelay $0x2  }
0xb7: {  	s31 =	sshll.u32 s1, $0xD;
	s1 =	sshrl.u32 s1, $0x2  }
0xb8: {  	s3 =	sand.u32 $0x4000, s31;
	s1 =	sadd.s32 s1, s30  }
0xb9: {  	s0 =	sor.u32 s3, s0;
	s1 =	sshll.u32 s1, $0x11  }
0xba: {  	s0 =	sor.u32 s1, s0  }
0xbb: {  	s0 =	sadd.s32 $0x8F2B, s0  }
0xbc: {  	[sflag:s0] =	ssyncadd.remote.s32 $0x1  }
0xbd: {  	_ =	sfence.sel $0xFFFF  }
0xbe: {  	[dreg:$0x0] =	wrdreg $0xFFFFFFFF;
	(pc) =	sbr.abs _section_cstart, $3  }
0xbf: {  	[dreg:$0x1] =	wrdreg $0xFFFFFFFF  }
0xc0: {  	_ =	task.clear_ibuf [dreg:s6], $0x2FFFF;
	_ =	strace $0x9FFFFFFF  }
0xc1: {  	(tm) =	ssettm $0x7FFFFFFF  }
tec
execute0_lowered:
.L_overlay_start_1:
0x0: {  	(tag) =	ssettag $0x1  }
0x1: {  	s5 =	rddreg [dreg:$0x0]  }
0x2: {  	s0 =	rddreg [dreg:$0x1]  }
0x3: {  	s2 =	simm.s32 $0x0;
	s3 =	srdreg.scid;
	s1 =	stileid.u32  }
0x4: {  	s10 =	simm.s32 $0x1;
	s11 =	simm.s32 $0x1000;
	s12 =	simm.s32 $0x2000  }
0x5: {  	[smem:$0x7FF] =	sst s2;
	s3 =	sand.u32 $0x1, s3;
	s4 =	sshll.u32 s1, $0x1  }
0x6: {  	s13 =	simm.s32 $0x0;
	_ =	strace $0x80000047;
	s6 =	sor.u32 s3, s4  }
0x7: {  	s7 =	ssub.s32 $0x2, s3;
	s3 =	sadd.s32 $0xA1800, s5;
	s8 =	sshll.u32 s6, $0x4  }
0x8: {  	s4 =	sadd.s32 $0xF1800, s5;
	s9 =	sshrl.u32 s7, $0x1;
	s8 =	sadd.s32 s8, s5  }
0x9: {  	v0 =	vlaneseq.u32;
	s7 =	ssub.s32 s7, s9;
	s5 =	smul.u32 $0x14, s6;
	s9 =	simm.s32 $0x400  }
0xa: {  	v0 =	vmul.u32 $0x20, v0;
	s6 =	sadd.s32 $0x141800, s8;
	s7 =	smax.u32 s7, $0x1;
	s8 =	simm.s32 $0x80  }
.LBB2_1:
0xb: {  	s14 =	simm.s32 $0x0  }
.LBB2_2:
0xc: {  	s15 =	sadd.s32 s5, s14  }
0xd: {  	s16 =	sshll.u32 s15, $0x9;
	s15 =	sshll.u32 s15, $0x4  }
0xe: {  	s16 =	sand.u32 $0xFFFF000, s16;
	s15 =	sand.u32 $0x70, s15  }
0xf: {  	s15 =	sor.u32 s15, s16  }
0x10: {  	s17 =	simm.s32 $0x0;
	s16 =	sadd.s32 s3, s15  }
0x11: {  	[tilespmem:s17], [sflag:$0x1] =	stream.strided.gather [hbm4b:s16+s8], $0x1000, s9, s8, $0x38;
	[tilespmem:$0x2080] =	vst v63  }
0x12: {  	_ =	swait.ge [sflag:s10], $0x1000  }
0x13: {  	s22 =	simm.s32 $0x10;
	s18 =	simm.s32 $0x30;
	[sflag:s10] =	ssyncset.done $0x0  }
0x14: {  	s21 =	sand.u32 $0x40, s17;
	s15 =	sadd.s32 s4, s15;
	[sflag:s10] =	ssyncadd.s32 $0xFFFFF000  }
0x15: {  	v1 =	vmov s21;
	[tilespmem:s11], [sflag:$0x1] =	stream.strided.gather [hbm4b:s15+s8], $0x1000, s9, s8, $0x38;
	[tilespmem:$0x2080] =	vst v63  }
0x16: {  	s23 =	simm.s32 $0x20;
	s18 =	sand.u32 $0x70, s18;
	v1 =	vshll.u32 v1, $0x5;
	s15 =	sand.u32 $0x50, s22  }
0x17: {  	s24 =	simm.s32 $0x0;
	v4 =	vmov s18;
	v1 =	vor.u32 v0, v1;
	s16 =	sand.u32 $0x60, s23;
	_ =	swait.ge [sflag:s10], $0x1000;
	v2 =	vmov s15  }
0x18: {  	v1 =	vadd.s32 s24, v1;
	v3 =	vmov s16;
	[sflag:s10] =	ssyncset.done $0x0;
	v2 =	vshll.u32 v2, $0x5  }
0x19: {  	s25 =	simm.s32 $0x20;
	v1 =	vcvt.s32.f32 v1;
	v3 =	vshll.u32 v3, $0x5;
	[sflag:s10] =	ssyncadd.s32 $0xFFFFF000;
	v2 =	vor.u32 v0, v2  }
0x1a: {  	s19 =	simm.s32 $0x70;
	v4 =	vshll.u32 v4, $0x5;
	v3 =	vor.u32 v0, v3;
	v5 =	vld [tilespmem:s25+$0xFFFFFFE0];
	v2 =	vadd.s32 s24, v2  }
0x1b: {  	s31 =	sand.u32 $0x70, s19;
	v1 =	vadd.f32 $2.000000000e+00, v1;
	v3 =	vadd.s32 s24, v3;
	v6 =	vcvt.s32.f32 v2  }
0x1c: {  	v11 =	vmov s31;
	v4 =	vor.u32 v0, v4;
	v3 =	vcvt.s32.f32 v3;
	v7 =	vld [tilespmem:s25+$0xFFFFFFF0]  }
0x1d: {  	s29 =	simm.s32 $0x60;
	(erf) = vrcp.f32 v1;
	v1 =	vadd.s32 s24, v4;
	v15 =	vld [tilespmem:s25+$0x0];
	v6 =	vadd.f32 $2.000000000e+00, v6  }
0x1e: {  	v11 =	vshll.u32 v11, $0x5;
	s17 =	sand.u32 $0x60, s29;
	v3 =	vadd.f32 $2.000000000e+00, v3;
	v1 =	vcvt.s32.f32 v1  }
0x1f: {  	s16 =	simm.s32 $0x40;
	v10 =	vmov s17;
	v4 =	vld [tilespmem:s25+$0x10];
	v8 =	vshra.s32 v5, $0x1;
	(erf) = vrcp.f32 v6  }
0x20: {  	s26 =	sand.u32 $0x40, s16;
	v10 =	vshll.u32 v10, $0x5;
	v1 =	vadd.f32 $2.000000000e+00, v1;
	(erf) = vrcp.f32 v3  }
0x21: {  	v9 =	vmov s26;
	v10 =	vor.u32 v0, v10;
	v6 =	vshra.s32 v7, $0x1  }
0x22: {  	s28 =	simm.s32 $0x50;
	v9 =	vshll.u32 v9, $0x5;
	s15 =	simm.s32 $0x60;
	v16 =	vshra.s32 v15, $0x1;
	(erf) = vrcp.f32 v1  }
0x23: {  	s30 =	sand.u32 $0x50, s28;
	v9 =	vor.u32 v0, v9;
	v2 =	vimm.f32 $0.0e+00;
	v12 =	vand.u32 $0x1, v5;
	v1 =	vld [tilespmem:s15+$0xFFFFFFE0]  }
0x24: {  	v5 =	vshra.s32 v4, $0x1;
	v15 =	vand.u32 $0x1, v15;
	v3 =	vmov s30;
	v8 =	vld.idx.msk [tilespmem:v8+s11+$0x0], $0xffff  }
0x25: {  	s18 =	simm.s32 $0x0;
	v14 =	vcvt.s32.f32 v12;
	v12 =	vor.u32 v0, v11;
	v3 =	vshll.u32 v3, $0x5  }
0x26: {  	v11 =	vadd.s32 s18, v9;
	v9 =	vpop (erf);
	v13 =	vor.u32 v0, v3;
	v3 =	vand.u32 $0x1, v7;
	v6 =	vld.idx.msk [tilespmem:v6+s11+$0x0], $0xffff  }
0x27: {  	s17 =	simm.s32 $0x2;
	v9 =	vmul.f32 v14, v9;
	v14 =	vcvt.s32.f32 v3;
	v3 =	vimm.f32 $0.0e+00;
	v7 =	vld.idx.msk [tilespmem:v16+s11+$0x0], $0xffff  }
.LBB2_3:
0x28: {  	p0 =	sne.s32 s17, $0x3F;
	v16 =	vshra.s32 v1, $0x1;
	v15 =	vcvt.s32.f32 v15;
	v4 =	vand.u32 $0x1, v4;
	v17 =	vpop (erf)  }
0x29: {  	v12 =	vadd.s32 s18, v12;
	v18 =	vmul.f32 v9, v8;
	v14 =	vmul.f32 v14, v17;
	v5 =	vld.idx.msk [tilespmem:v5+s11+$0x0], $0xffff;
	v17 =	vpop (erf)  }
0x2a: {  	v10 =	vadd.s32 s18, v10;
	v4 =	vcvt.s32.f32 v4;
	v15 =	vmul.f32 v15, v17  }
0x2b: {  	v2 =	vadd.f32 v9, v2;
	v3 =	vadd.f32 v18, v3;
	v6 =	vmul.f32 v14, v6;
	v8 =	vpop (erf)  }
0x2c: {  	v9 =	vcvt.s32.f32 v11;
	v11 =	vadd.s32 s18, v13;
	v4 =	vmul.f32 v4, v8  }
0x2d: {  	v2 =	vadd.f32 v14, v2;
	v3 =	vadd.f32 v6, v3;
	v6 =	vmul.f32 v15, v7  }
0x2e: {  	v10 =	vcvt.s32.f32 v10;
	v8 =	vcvt.s32.f32 v11;
	v7 =	vadd.f32 $2.000000000e+00, v9;
	v9 =	vld [tilespmem:s15+$0xFFFFFFF0]  }
0x2f: {  	v2 =	vadd.f32 v15, v2;
	v5 =	vmul.f32 v4, v5;
	v3 =	vadd.f32 v6, v3  }
0x30: {  	s16 =	sadd.s32 $0x40, s16;
	v6 =	vadd.f32 $2.000000000e+00, v8;
	v8 =	vadd.f32 $2.000000000e+00, v10;
	v15 =	vld [tilespmem:s15+$0x0];
	(erf) = vrcp.f32 v7  }
0x31: {  	s18 =	sand.u32 $0x40, s16;
	v2 =	vadd.f32 v4, v2;
	v7 =	vcvt.s32.f32 v12;
	v3 =	vadd.f32 v5, v3  }
0x32: {  	s19 =	sadd.s32 $0x20, s16;
	s20 =	sadd.s32 $0x30, s16;
	v5 =	vmov s18;
	s18 =	sadd.s32 $0x10, s16;
	v4 =	vld [tilespmem:s15+$0x10];
	(erf) = vrcp.f32 v6  }
0x33: {  	s19 =	sand.u32 $0x60, s19;
	s20 =	sand.u32 $0x70, s20;
	s18 =	sand.u32 $0x50, s18;
	v7 =	vadd.f32 $2.000000000e+00, v7;
	v6 =	vshra.s32 v9, $0x1;
	(erf) = vrcp.f32 v8  }
0x34: {  	v11 =	vmov s20;
	v10 =	vmov s19;
	s15 =	sadd.s32 $0x40, s15;
	v8 =	vmov s18  }
0x35: {  	v5 =	vshll.u32 v5, $0x5;
	v17 =	vld [tilespmem:s15+$0xFFFFFFE0];
	v18 =	vshra.s32 v15, $0x1;
	(erf) = vrcp.f32 v7  }
.Ltmp0:
0x36: {  	v11 =	vshll.u32 v11, $0x5;
	v10 =	vshll.u32 v10, $0x5;
	v7 =	vshll.u32 v8, $0x5;
	v8 =	vld.idx.msk [tilespmem:v16+s11+$0x0], $0xffff;
	(pc) =	sbr.rel @p0 .LBB2_3-.Ltmp0, $4  }
0x37: {  	v1 =	vand.u32 $0x1, v1;
	v13 =	vor.u32 v0, v5;
	v5 =	vshra.s32 v4, $0x1  }
0x38: {  	v12 =	vor.u32 v0, v11;
	v10 =	vor.u32 v0, v10;
	s18 =	sshrl.u32 s17, $0x1;
	v16 =	vcvt.s32.f32 v1;
	v6 =	vld.idx.msk [tilespmem:v6+s11+$0x0], $0xffff  }
0x39: {  	v11 =	vadd.s32 s18, v13;
	v13 =	vor.u32 v0, v7;
	v7 =	vand.u32 $0x1, v9;
	v9 =	vpop (erf)  }
0x3a: {  	s17 =	sadd.s32 $0x1, s17;
	v15 =	vand.u32 $0x1, v15;
	v14 =	vcvt.s32.f32 v7;
	v9 =	vmul.f32 v16, v9;
	v7 =	vld.idx.msk [tilespmem:v18+s11+$0x0], $0xffff;
	v1 =	vmovc v17  }
0x3b: {  	v11 =	vcvt.s32.f32 v11  }
0x3c: {  	v13 =	vadd.s32 s18, v13  }
0x3d: {  	v13 =	vcvt.s32.f32 v13;
	v11 =	vadd.f32 $2.000000000e+00, v11  }
0x3e: {  	v10 =	vadd.s32 s18, v10  }
0x3f: {  	v10 =	vcvt.s32.f32 v10;
	v13 =	vadd.f32 $2.000000000e+00, v13;
	(erf) = vrcp.f32 v11  }
0x40: {  	v45 =	vadd.s32 s18, v12  }
0x41: {  	v46 =	vpop (erf);
	v10 =	vadd.f32 $2.000000000e+00, v10;
	v11 =	vcvt.s32.f32 v45;
	(erf) = vrcp.f32 v13  }
0x42: {  	v47 =	vcvt.s32.f32 v15;
	v4 =	vand.u32 $0x1, v4;
	v12 =	vmul.f32 v14, v46  }
0x43: {  	v49 =	vld [tilespmem:s15+$0xFFFFFFF0];
	v48 =	vpop (erf);
	v2 =	vadd.f32 v9, v2;
	v11 =	vadd.f32 $2.000000000e+00, v11;
	(erf) = vrcp.f32 v10  }
0x44: {  	v4 =	vcvt.s32.f32 v4  }
0x45: {  	v51 =	vld [tilespmem:s15+$0x0];
	v50 =	vmul.f32 v47, v48;
	v2 =	vadd.f32 v12, v2;
	(erf) = vrcp.f32 v11  }
0x46: {  	v53 =	vand.u32 $0x1, v1;
	v52 =	vpop (erf)  }
0x47: {  	v54 =	vld [tilespmem:s15+$0x10];
	v14 =	vcvt.s32.f32 v53;
	v4 =	vmul.f32 v4, v52;
	v2 =	vadd.f32 v50, v2  }
0x48: {  	v1 =	vshra.s32 v1, $0x1;
	v8 =	vmul.f32 v9, v8;
	v16 =	vand.u32 $0x1, v49;
	v17 =	vpop (erf)  }
0x49: {  	v16 =	vcvt.s32.f32 v16;
	v2 =	vadd.f32 v4, v2;
	v14 =	vmul.f32 v14, v17  }
0x4a: {  	v3 =	vadd.f32 v8, v3;
	v55 =	vand.u32 $0x1, v51;
	v56 =	vshra.s32 v49, $0x1;
	v18 =	vpop (erf)  }
0x4b: {  	v17 =	vcvt.s32.f32 v55;
	v16 =	vmul.f32 v16, v18;
	v2 =	vadd.f32 v14, v2  }
0x4c: {  	v5 =	vld.idx.msk [tilespmem:v5+s11+$0x0], $0xffff;
	v6 =	vmul.f32 v12, v6;
	v57 =	vand.u32 $0x1, v54;
	v59 =	vshra.s32 v51, $0x1;
	v58 =	vpop (erf)  }
0x4d: {  	v15 =	vcvt.s32.f32 v57;
	v17 =	vmul.f32 v17, v58;
	v2 =	vadd.f32 v16, v2  }
0x4e: {  	v61 =	vmul.f32 v50, v7;
	v1 =	vld.idx.msk [tilespmem:v1+s11+$0x0], $0xffff;
	v3 =	vadd.f32 v6, v3;
	v60 =	vpop (erf)  }
0x4f: {  	v62 =	vshra.s32 v54, $0x1;
	v12 =	vmul.f32 v15, v60;
	v2 =	vadd.f32 v17, v2  }
0x50: {  	v9 =	vld.idx.msk [tilespmem:v56+s11+$0x0], $0xffff  }
0x51: {  	v3 =	vadd.f32 v61, v3;
	v4 =	vmul.f32 v4, v5;
	v2 =	vadd.f32 v12, v2  }
0x52: {  	v63 =	vld.idx.msk [tilespmem:v59+s11+$0x0], $0xffff  }
0x53: {  	v1 =	vmul.f32 v14, v1;
	(xrf2) =	vadd.scan.msk.f32 $0xffff, v2;
	v2 =	vadd.f32 v4, v3  }
0x54: {  	v3 =	vld.idx.msk [tilespmem:v62+s11+$0x0], $0xffff  }
0x55: {  	v1 =	vadd.f32 v1, v2;
	v2 =	vmul.f32 v16, v9;
	_ =	sdelay $0x1  }
0x56: {  	v1 =	vadd.f32 v2, v1;
	v2 =	vmul.f32 v17, v63;
	_ =	sdelay $0x1  }
0x57: {  	v1 =	vadd.f32 v2, v1;
	v2 =	vmul.f32 v12, v3;
	_ =	sdelay $0x2  }
0x58: {  	v1 =	vadd.f32 v2, v1  }
0x59: {  	v2, _, _ =	vpop (xrf2)  }
0x5a: {  	(xrf2) =	vadd.scan.msk.f32 $0xffff, v1;
	v1 =	vmax.f32 v2, $1.000000000e+00  }
0x5b: {  	v1 =	vbroadcast v1, $0xF;
	_ =	sdelay $0x1  }
0x5c: {  	(erf) = vrcp.f32 v1;
	_ =	sdelay $0x5  }
0x5d: {  	v2 =	vmov s14;
	s14 =	sadd.s32 $0x1, s14  }
0x5e: {  	p0 =	sne.s32 s14, $0x14;
	v1, _, _ =	vpop (xrf2)  }
.Ltmp1:
0x5f: {  	v1 =	vbroadcast v1, $0xF;
	(pc) =	sbr.rel @p0 .LBB2_2-.Ltmp1, $3  }
0x60: {  	v3 =	vpop (erf)  }
0x61: {  	v1 =	vmul.f32 v3, v1;
	_ =	sdelay $0x1  }
0x62: {  	[tilespmem:v2+s12+$0x0] =	vst.idx.msk $0x1, v1  }
0x63: {  	s13 =	sadd.s32 $0x1, s13  }
0x64: {  	p0 =	sne.s32 s13, s7  }
.Ltmp2:
0x65: {  	_ = 	snop;
	(pc) =	sbr.rel @p0 .LBB2_1-.Ltmp2, $4  }
0x66: {  	[hbm4b:s6+s2] =	stream.linear.scatter [tilespmem:s12], [sflag:$0x1], $0x80, $0x38;
	[tilespmem:$0x2080] =	vst v63  }
0x67: {  	_ =	swait.ge [sflag:s10], $0x80  }
0x68: {  	[sflag:s10] =	ssyncset.done $0x0  }
0x69: {  	[sflag:s10] =	ssyncadd.s32 $0xFFFFFF80  }
0x6a: {  	_ =	sfence.sel $0x180000  }
0x6b: {  	[bflag:$0x0] =	sbarrier.arrive $0xFFFF  }
0x6c: {  	p0 =	sne.s32 s1, $0x0;
	_ =	strace $0x90000047  }
0x6d: {  	s0 =	sadd.s32 @!p0 $0x100000, s0;
	[bflag:$0x2] =	sbarrier.arrive $0xFFFF  }
0x6e: {  	[sflag:s0] =	ssyncadd.tile.s32 @!p0 $0x1;
	_ =	shalt  }
.Lfunc_end2:
_tile_overlayer_lowered:
.L_overlay_start_2:
0x6f: {  	(tag) =	ssettag $0x2  }
0x70: {  	s0 =	rddreg [dreg:$0x0];
	s2 =	stileid.u32  }
0x71: {  	s1 =	rddreg [dreg:$0x1];
	p0 =	sne.s32 s2, $0x0  }
0x72: {  	s3 =	rddreg [dreg:$0x2];
	[bflag:$0x3] =	sbarrier.arrive $0xFFFF;
	s2 =	simm.s32 @!p0 $0x1C01  }
0x73: {  	[timem:s3], [sflag:s2] =	dma.local @!p0 [hbm:s0], s1  }
0x74: {  	s0 =	simm.s32 @!p0 $0x1  }
0x75: {  	_ =	swait.ge @!p0 [sflag:s0], s1  }
0x76: {  	s1 =	ssub.s32 @!p0 $0x0, s1;
	[sflag:s0] =	ssyncset.done @!p0 $0x0  }
0x77: {  	[sflag:s0] =	ssyncadd.s32 @!p0 s1  }
0x78: {  	[bflag:$0x3] =	sbarrier.arrive $0xFFFF  }
0x79: {  	_ =	shalt  }

</sc_bundles>
